<compile_context>
chip_gen: v7x
topology: tpu7x:2x2x1
jax: 0.10.2.dev20260603
libtpu: 0.0.44.dev20260713+nightly
codegen_flags: <defaults>
</compile_context>

<pallas_src>
import numpy as np
import jax
import jax.numpy as jnp
from jax import lax
from jax.experimental import pallas as pl
from jax.experimental.pallas import tpu as pltpu
from jax.experimental.pallas import tpu_sc as plsc

_EPS = 1e-6
_LIMIT_A = -0.1
_LIMIT_B = 1.1
_BETA = 2.0 / 3.0
_XN = (0.0 - _LIMIT_A) / (_LIMIT_B - _LIMIT_A)
_C = float(np.log(_XN / (1.0 - _XN))) * _BETA

_N = 8192
_L = 16
_NV = _N // _L
_NB = 256
_BIG = np.int32(0x7FFFFFFF)
_STRIDE = _NB + 1
_HWORDS = -(-(_STRIDE * _L) // 128) * 128


def _round_half_even(x):
    tr = x.astype(jnp.int32)
    frac = x - tr.astype(jnp.float32)
    bump = jnp.where(frac > 0.5, jnp.int32(1),
                     jnp.where(frac == 0.5, tr & 1, jnp.int32(0)))
    return tr + bump


def _pick_bucket(hist, kk):
    lane = lax.iota(jnp.int32, _L)
    z16 = jnp.zeros((_L,), jnp.int32)

    def body(g, carry):
        run_min, run_min2, cnt_carry = carry
        acc = z16
        for l in range(_L):
            sl = pl.ds(l * _STRIDE + g * _L, _L)
            acc = acc + hist[sl]
            hist[sl] = z16
        cum = plsc.cumsum(acc) + cnt_carry
        found = cum >= kk
        base = (g * _L + lane) << 14
        cand = jnp.where(found, base | (cum - acc), _BIG)
        cand2 = jnp.where(found, base | cum, _BIG)
        return (jnp.minimum(run_min, cand), jnp.minimum(run_min2, cand2),
                cnt_carry + jnp.sum(acc))

    run_min, run_min2, _ = lax.fori_loop(
        0, _NB // _L, body,
        (jnp.full((_L,), _BIG), jnp.full((_L,), _BIG), jnp.int32(0)))
    cm = jnp.min(run_min)
    below = cm & jnp.int32(0x3FFF)
    in_bucket = (jnp.min(run_min2) & jnp.int32(0x3FFF)) - below
    return cm >> 14, below, in_bucket


def _sc_body(x0_hbm, x1_hbm, x2_hbm, o0_hbm, o1_hbm, o2_hbm,
             xv, keys, hist, outv):
    wid = lax.axis_index("s") * 2 + lax.axis_index("c")
    lane = lax.iota(jnp.int32, _L)
    lane_base = lane * _STRIDE
    ones_i32 = jnp.ones((_L,), jnp.int32)
    z16_i32 = jnp.zeros((_L,), jnp.int32)
    ins = (x0_hbm, x1_hbm, x2_hbm)
    outs = (o0_hbm, o1_hbm, o2_hbm)

    @pl.when(wid < 3)
    def _():
        for w in range(3):
            @pl.when(wid == w)
            def _(w=w):
                pltpu.sync_copy(ins[w], xv)

        def zero_body(i, _):
            for u in range(8):
                hist[pl.ds((i * 8 + u) * _L, _L)] = z16_i32
            return 0

        lax.fori_loop(0, _HWORDS // (8 * _L), zero_body, 0)

        def pass_a(i, accs):
            vs = [xv[pl.ds((i * 8 + u) * _L, _L)] for u in range(8)]
            new, uks, poss = [], [], []
            for u in range(8):
                v = vs[u]
                e = jnp.exp(v - _C)
                s = 1.0 / (1.0 + e)
                s = jnp.clip(s, _EPS, 1.0 - _EPS)
                new.append(accs[u] + (1.0 - s))
                vc = jnp.where(v == 0.0, 0.0, v)
                bi = plsc.bitcast(vc, jnp.int32)
                flip = (bi >> 31) | jnp.int32(-0x80000000)
                uk = plsc.bitcast(bi ^ flip, jnp.uint32)
                uks.append(uk)
                poss.append(lane_base + (uk >> 24).astype(jnp.int32))
            for u in range(8):
                keys[pl.ds((i * 8 + u) * _L, _L)] = uks[u]
            for u in range(8):
                plsc.addupdate_scatter(hist, [poss[u]], ones_i32)
            return tuple(new)

        z16f = jnp.zeros((_L,), jnp.float32)
        accs = lax.fori_loop(0, _NV // 8, pass_a, (z16f,) * 8)
        total = jnp.sum(((accs[0] + accs[1]) + (accs[2] + accs[3]))
                        + ((accs[4] + accs[5]) + (accs[6] + accs[7])))
        k = _round_half_even(np.float32(_N) - total)

        bucket, below, _cnt = _pick_bucket(hist, k)
        count_lt = below
        prefix = bucket.astype(jnp.uint32)
        for lvl in range(1, 4):
            shift = jnp.uint32(24 - 8 * lvl)

            def scan_body(i, _, shift=shift, prefix=prefix):
                vs = [keys[pl.ds((i * 8 + u) * _L, _L)] for u in range(8)]
                poss, ms = [], []
                for u in range(8):
                    v = vs[u]
                    b = ((v >> shift) & jnp.uint32(0xFF)).astype(jnp.int32)
                    poss.append(lane_base + b)
                    ms.append((v >> (shift + jnp.uint32(8))) == prefix)
                for u in range(8):
                    plsc.addupdate_scatter(hist, [poss[u]], ones_i32,
                                           mask=ms[u])
                return 0

            lax.fori_loop(0, _NV // 8, scan_body, 0)
            bucket, below, cnt_eq = _pick_bucket(hist, k - count_lt)
            count_lt = count_lt + below
            prefix = (prefix << jnp.uint32(8)) | bucket.astype(jnp.uint32)
        t_key = prefix
        tie_budget = k - count_lt
        need_tie = cnt_eq > tie_budget
        tie_trips = jnp.where(need_tie, _NV // 8, 0)

        def tie_a(i, _):
            vs = [keys[pl.ds((i * 8 + u) * _L, _L)] for u in range(8)]
            poss, ms = [], []
            for u in range(8):
                idxv = lane + (i * 8 + u) * _L
                poss.append(lane_base + (idxv >> 5))
                ms.append(vs[u] == t_key)
            for u in range(8):
                plsc.addupdate_scatter(hist, [poss[u]], ones_i32, mask=ms[u])
            return 0

        lax.fori_loop(0, tie_trips, tie_a, 0)
        buck_a, below_a, _ca = _pick_bucket(hist, tie_budget)

        def tie_b(i, _):
            vs = [keys[pl.ds((i * 8 + u) * _L, _L)] for u in range(8)]
            poss, ms = [], []
            for u in range(8):
                idxv = lane + (i * 8 + u) * _L
                poss.append(lane_base + (idxv & 31))
                ms.append((vs[u] == t_key) & ((idxv >> 5) == buck_a))
            for u in range(8):
                plsc.addupdate_scatter(hist, [poss[u]], ones_i32, mask=ms[u])
            return 0

        lax.fori_loop(0, tie_trips, tie_b, 0)
        buck_b, _ub, _cb = _pick_bucket(hist, tie_budget - below_a)
        i_cut = jnp.where(need_tie, buck_a * 32 + buck_b, jnp.int32(_N))

        it_key = plsc.bitcast(
            jnp.full((_L,), t_key ^ jnp.uint32(0x80000000)), jnp.int32)

        def mask_body(i, _):
            vs = [keys[pl.ds((i * 4 + u) * _L, _L)] for u in range(4)]
            outs = []
            for u in range(4):
                v = vs[u]
                ik = plsc.bitcast(v ^ jnp.uint32(0x80000000), jnp.int32)
                eq = v == t_key
                idxv = lane + (i * 4 + u) * _L
                zero = (ik < it_key) | (eq & (idxv <= i_cut))
                outs.append(jnp.where(zero, 0.0, 1.0))
            for u in range(4):
                outv[pl.ds((i * 4 + u) * _L, _L)] = outs[u]
            return 0

        lax.fori_loop(0, _NV // 4, mask_body, 0)
        for w in range(3):
            @pl.when(wid == w)
            def _(w=w):
                pltpu.sync_copy(outv, outs[w])


@jax.jit
def _run_sc(x0, x1, x2):
    f = pl.kernel(
        _sc_body,
        out_type=(jax.ShapeDtypeStruct((_N,), jnp.float32),) * 3,
        mesh=plsc.VectorSubcoreMesh(core_axis_name="c", subcore_axis_name="s"),
        scratch_types=[
            pltpu.VMEM((_N,), jnp.float32),
            pltpu.VMEM((_N,), jnp.uint32),
            pltpu.VMEM((_HWORDS,), jnp.int32),
            pltpu.VMEM((_N,), jnp.float32),
        ],
        compiler_params=pltpu.CompilerParams(needs_layout_passes=False),
    )
    return f(x0, x1, x2)


def kernel(self_att_layer_loga, cross_att_layer_loga, ffn_layer_loga):
    return _run_sc(self_att_layer_loga, cross_att_layer_loga, ffn_layer_loga)

# --- scband reference (transcript-rebuilt; emitter-appended) ---
"""Pipeline reference for scband-l0-module-coarse-16990890623242 (READ-ONLY COPY).

The authoritative reference and input builder live on the scoring server;
editing this copy changes nothing except your own understanding.
"""

import jax, jax.numpy as jnp
import numpy as np

epsilon = 1e-6
limit_a = -0.1
limit_b = 1.1
beta = 2.0 / 3.0


def cdf_qz_zero(loga):
    # CDF of the stretched concrete distribution evaluated at 0
    xn = (0.0 - limit_a) / (limit_b - limit_a)
    s = jax.nn.sigmoid(float(np.log(xn / (1.0 - xn))) * beta - loga)
    return jnp.clip(s, epsilon, 1.0 - epsilon)


def deterministic_z(loga):
    # eval-mode mask: zero out the num_zeros entries with smallest loga via bottom-k
    size = loga.shape[0]
    expected_num_nonzeros = jnp.sum(1.0 - cdf_qz_zero(loga))
    expected_num_zeros = float(size) - expected_num_nonzeros
    num_zeros = jnp.round(expected_num_zeros).astype(jnp.int32)
    # smallest-k of loga == top-k of -loga; stable ascending argsort selects the
    # same indices (lower index preferred among ties)
    order = jnp.argsort(loga, stable=True)
    rank_mask = jnp.where(jnp.arange(size) < num_zeros, 0.0, 1.0).astype(loga.dtype)
    soft_mask = jnp.ones_like(loga).at[order].set(rank_mask)
    return soft_mask


def setup_inputs(seed: int = 0) -> dict:
    key = jax.random.key(seed)
    k1, k2, k3 = jax.random.split(key, 3)
    N = 8192
    return {
        "self_att_layer_loga": jax.random.normal(k1, (N,), dtype=jnp.float32),
        "cross_att_layer_loga": jax.random.normal(k2, (N,), dtype=jnp.float32),
        "ffn_layer_loga": jax.random.normal(k3, (N,), dtype=jnp.float32),
    }


def reference(self_att_layer_loga, cross_att_layer_loga, ffn_layer_loga):
    # forward(training=False): deterministic top-k-based hard masks per structural group
    self_att_layer_z = deterministic_z(self_att_layer_loga).reshape(self_att_layer_loga.shape[0])
    cross_att_layer_z = deterministic_z(cross_att_layer_loga).reshape(cross_att_layer_loga.shape[0])
    ffn_layer_z = deterministic_z(ffn_layer_loga).reshape(ffn_layer_loga.shape[0])
    return (self_att_layer_z, cross_att_layer_z, ffn_layer_z)

if __name__ == "__main__":
    import jax
    _d = setup_inputs()
    print(jax.jit(kernel)(*tuple(_d.values())))

</pallas_src>

<mosaic_0001>
#map = affine_map<(d0, d1) -> (0)>
module attributes {stable_mosaic.version = 14 : i64} {
  func.func @_sc_body(%arg0: i32, %arg1: i32, %arg2: memref<8192xf32, #tpu.memory_space<hbm>>, %arg3: memref<8192xf32, #tpu.memory_space<hbm>>, %arg4: memref<8192xf32, #tpu.memory_space<hbm>>, %arg5: memref<8192xf32, #tpu.memory_space<hbm>>, %arg6: memref<8192xf32, #tpu.memory_space<hbm>>, %arg7: memref<8192xf32, #tpu.memory_space<hbm>>, %arg8: memref<8192xf32, #tpu.memory_space<vmem>>, %arg9: memref<8192xi32, #tpu.memory_space<vmem>>, %arg10: memref<4224xi32, #tpu.memory_space<vmem>>, %arg11: memref<8192xf32, #tpu.memory_space<vmem>>) attributes {dimension_semantics = [#tpu.dimension_semantics<core_parallel>, #tpu.dimension_semantics<subcore_parallel>], iteration_bounds = array<i64: 2, 16>, scalar_prefetch = 0 : i64, scratch_operands = 4 : i64, tpu.core_type = #tpu.core_type<sc_vector_subcore>, window_params = [{transform_indices = #map}, {transform_indices = #map}, {transform_indices = #map}, {transform_indices = #map}, {transform_indices = #map}, {transform_indices = #map}]} {
    %mul3A = arith.constant 2 : i32
    %mul3A_0 = arith.muli %arg1, %mul3A : i32
    %add3A = arith.addi %mul3A_0, %arg0 : i32
    %iota3A = tpu.iota {dimensions = array<i32: 0>} : vector<16xi32>
    %mul3A_1 = arith.constant 257 : i32
    %mul3A_2 = vector.broadcast %mul3A_1 : i32 to vector<16xi32>
    %mul3A_3 = arith.muli %iota3A, %mul3A_2 : vector<16xi32>
    %broadcast_in_dim3A = arith.constant 1 : i32
    %broadcast_in_dim3A_4 = vector.broadcast %broadcast_in_dim3A : i32 to vector<16xi32>
    %broadcast_in_dim3A_5 = arith.constant 0 : i32
    %broadcast_in_dim3A_6 = vector.broadcast %broadcast_in_dim3A_5 : i32 to vector<16xi32>
    %lt3A = arith.constant 3 : i32
    %lt3A_7 = arith.cmpi slt, %add3A, %lt3A : i32
    %convert_element_type3A = arith.extui %lt3A_7 : i1 to i32
    %cond3A = arith.constant 0 : i32
    %cond3A_8 = arith.cmpi ne, %convert_element_type3A, %cond3A : i32
    scf.if %cond3A_8 {
      %eq3A = arith.constant 0 : i32
      %eq3A_9 = arith.cmpi eq, %add3A, %eq3A : i32
      %convert_element_type3A_10 = arith.extui %eq3A_9 : i1 to i32
      %cond3A_11 = arith.constant 0 : i32
      %cond3A_12 = arith.cmpi ne, %convert_element_type3A_10, %cond3A_11 : i32
      scf.if %cond3A_12 {
        "tpu.region"() ({
          %run_scoped3A = tpu.sem_alloc : memref<!tpu.dma_semaphore, #tpu.memory_space<semaphore_mem>>
          tpu.enqueue_dma source(%arg2 : memref<8192xf32, #tpu.memory_space<hbm>>) target(%arg8 : memref<8192xf32, #tpu.memory_space<vmem>>) target_semaphore(%run_scoped3A : memref<!tpu.dma_semaphore, #tpu.memory_space<semaphore_mem>>)
          tpu.wait_dma2 semaphore(%run_scoped3A : memref<!tpu.dma_semaphore, #tpu.memory_space<semaphore_mem>>) src(%arg2 : memref<8192xf32, #tpu.memory_space<hbm>>) dst(%arg8 : memref<8192xf32, #tpu.memory_space<vmem>>)
          tpu.yield
        }) : () -> ()
      } else {
      }
      %eq3A_13 = arith.constant 1 : i32
      %eq3A_14 = arith.cmpi eq, %add3A, %eq3A_13 : i32
      %convert_element_type3A_15 = arith.extui %eq3A_14 : i1 to i32
      %cond3A_16 = arith.constant 0 : i32
      %cond3A_17 = arith.cmpi ne, %convert_element_type3A_15, %cond3A_16 : i32
      scf.if %cond3A_17 {
        "tpu.region"() ({
          %run_scoped3A = tpu.sem_alloc : memref<!tpu.dma_semaphore, #tpu.memory_space<semaphore_mem>>
          tpu.enqueue_dma source(%arg3 : memref<8192xf32, #tpu.memory_space<hbm>>) target(%arg8 : memref<8192xf32, #tpu.memory_space<vmem>>) target_semaphore(%run_scoped3A : memref<!tpu.dma_semaphore, #tpu.memory_space<semaphore_mem>>)
          tpu.wait_dma2 semaphore(%run_scoped3A : memref<!tpu.dma_semaphore, #tpu.memory_space<semaphore_mem>>) src(%arg3 : memref<8192xf32, #tpu.memory_space<hbm>>) dst(%arg8 : memref<8192xf32, #tpu.memory_space<vmem>>)
          tpu.yield
        }) : () -> ()
      } else {
      }
      %eq3A_18 = arith.constant 2 : i32
      %eq3A_19 = arith.cmpi eq, %add3A, %eq3A_18 : i32
      %convert_element_type3A_20 = arith.extui %eq3A_19 : i1 to i32
      %cond3A_21 = arith.constant 0 : i32
      %cond3A_22 = arith.cmpi ne, %convert_element_type3A_20, %cond3A_21 : i32
      scf.if %cond3A_22 {
        "tpu.region"() ({
          %run_scoped3A = tpu.sem_alloc : memref<!tpu.dma_semaphore, #tpu.memory_space<semaphore_mem>>
          tpu.enqueue_dma source(%arg4 : memref<8192xf32, #tpu.memory_space<hbm>>) target(%arg8 : memref<8192xf32, #tpu.memory_space<vmem>>) target_semaphore(%run_scoped3A : memref<!tpu.dma_semaphore, #tpu.memory_space<semaphore_mem>>)
          tpu.wait_dma2 semaphore(%run_scoped3A : memref<!tpu.dma_semaphore, #tpu.memory_space<semaphore_mem>>) src(%arg4 : memref<8192xf32, #tpu.memory_space<hbm>>) dst(%arg8 : memref<8192xf32, #tpu.memory_space<vmem>>)
          tpu.yield
        }) : () -> ()
      } else {
      }
      %scan3A = arith.constant 0 : i32
      %scan3A_23 = arith.constant 0 : i32
      %scan3A_24 = arith.constant 33 : i32
      %scan3A_25 = arith.addi %scan3A_23, %scan3A_24 : i32
      %scan3A_26 = arith.constant 1 : i32
      %scan3A_27 = scf.for %scan3A_373 = %scan3A_23 to %scan3A_25 step %scan3A_26 iter_args(%scan3A_374 = %scan3A) -> (i32)  : i32 {
        %mul3A_375 = arith.constant 8 : i32
        %mul3A_376 = arith.muli %scan3A_373, %mul3A_375 : i32
        %add3A_377 = arith.constant 0 : i32
        %add3A_378 = arith.addi %mul3A_376, %add3A_377 : i32
        %mul3A_379 = arith.constant 16 : i32
        %mul3A_380 = arith.muli %add3A_378, %mul3A_379 : i32
        %swap3A = arith.index_cast %mul3A_380 : i32 to index
        %swap3A_381 = tpu.vector_load %arg10[%swap3A] {strides = array<i32>} : memref<4224xi32, #tpu.memory_space<vmem>>, vector<16xi32>,
        tpu.vector_store %arg10[%swap3A], %broadcast_in_dim3A_6 {strides = array<i32>} : memref<4224xi32, #tpu.memory_space<vmem>>, vector<16xi32>,
        %mul3A_382 = arith.constant 8 : i32
        %mul3A_383 = arith.muli %scan3A_373, %mul3A_382 : i32
        %add3A_384 = arith.constant 1 : i32
        %add3A_385 = arith.addi %mul3A_383, %add3A_384 : i32
        %mul3A_386 = arith.constant 16 : i32
        %mul3A_387 = arith.muli %add3A_385, %mul3A_386 : i32
        %swap3A_388 = arith.index_cast %mul3A_387 : i32 to index
        %swap3A_389 = tpu.vector_load %arg10[%swap3A_388] {strides = array<i32>} : memref<4224xi32, #tpu.memory_space<vmem>>, vector<16xi32>,
        tpu.vector_store %arg10[%swap3A_388], %broadcast_in_dim3A_6 {strides = array<i32>} : memref<4224xi32, #tpu.memory_space<vmem>>, vector<16xi32>,
        %mul3A_390 = arith.constant 8 : i32
        %mul3A_391 = arith.muli %scan3A_373, %mul3A_390 : i32
        %add3A_392 = arith.constant 2 : i32
        %add3A_393 = arith.addi %mul3A_391, %add3A_392 : i32
        %mul3A_394 = arith.constant 16 : i32
        %mul3A_395 = arith.muli %add3A_393, %mul3A_394 : i32
        %swap3A_396 = arith.index_cast %mul3A_395 : i32 to index
        %swap3A_397 = tpu.vector_load %arg10[%swap3A_396] {strides = array<i32>} : memref<4224xi32, #tpu.memory_space<vmem>>, vector<16xi32>,
        tpu.vector_store %arg10[%swap3A_396], %broadcast_in_dim3A_6 {strides = array<i32>} : memref<4224xi32, #tpu.memory_space<vmem>>, vector<16xi32>,
        %mul3A_398 = arith.constant 8 : i32
        %mul3A_399 = arith.muli %scan3A_373, %mul3A_398 : i32
        %add3A_400 = arith.constant 3 : i32
        %add3A_401 = arith.addi %mul3A_399, %add3A_400 : i32
        %mul3A_402 = arith.constant 16 : i32
        %mul3A_403 = arith.muli %add3A_401, %mul3A_402 : i32
        %swap3A_404 = arith.index_cast %mul3A_403 : i32 to index
        %swap3A_405 = tpu.vector_load %arg10[%swap3A_404] {strides = array<i32>} : memref<4224xi32, #tpu.memory_space<vmem>>, vector<16xi32>,
        tpu.vector_store %arg10[%swap3A_404], %broadcast_in_dim3A_6 {strides = array<i32>} : memref<4224xi32, #tpu.memory_space<vmem>>, vector<16xi32>,
        %mul3A_406 = arith.constant 8 : i32
        %mul3A_407 = arith.muli %scan3A_373, %mul3A_406 : i32
        %add3A_408 = arith.constant 4 : i32
        %add3A_409 = arith.addi %mul3A_407, %add3A_408 : i32
        %mul3A_410 = arith.constant 16 : i32
        %mul3A_411 = arith.muli %add3A_409, %mul3A_410 : i32
        %swap3A_412 = arith.index_cast %mul3A_411 : i32 to index
        %swap3A_413 = tpu.vector_load %arg10[%swap3A_412] {strides = array<i32>} : memref<4224xi32, #tpu.memory_space<vmem>>, vector<16xi32>,
        tpu.vector_store %arg10[%swap3A_412], %broadcast_in_dim3A_6 {strides = array<i32>} : memref<4224xi32, #tpu.memory_space<vmem>>, vector<16xi32>,
        %mul3A_414 = arith.constant 8 : i32
        %mul3A_415 = arith.muli %scan3A_373, %mul3A_414 : i32
        %add3A_416 = arith.constant 5 : i32
        %add3A_417 = arith.addi %mul3A_415, %add3A_416 : i32
        %mul3A_418 = arith.constant 16 : i32
        %mul3A_419 = arith.muli %add3A_417, %mul3A_418 : i32
        %swap3A_420 = arith.index_cast %mul3A_419 : i32 to index
        %swap3A_421 = tpu.vector_load %arg10[%swap3A_420] {strides = array<i32>} : memref<4224xi32, #tpu.memory_space<vmem>>, vector<16xi32>,
        tpu.vector_store %arg10[%swap3A_420], %broadcast_in_dim3A_6 {strides = array<i32>} : memref<4224xi32, #tpu.memory_space<vmem>>, vector<16xi32>,
        %mul3A_422 = arith.constant 8 : i32
        %mul3A_423 = arith.muli %scan3A_373, %mul3A_422 : i32
        %add3A_424 = arith.constant 6 : i32
        %add3A_425 = arith.addi %mul3A_423, %add3A_424 : i32
        %mul3A_426 = arith.constant 16 : i32
        %mul3A_427 = arith.muli %add3A_425, %mul3A_426 : i32
        %swap3A_428 = arith.index_cast %mul3A_427 : i32 to index
        %swap3A_429 = tpu.vector_load %arg10[%swap3A_428] {strides = array<i32>} : memref<4224xi32, #tpu.memory_space<vmem>>, vector<16xi32>,
        tpu.vector_store %arg10[%swap3A_428], %broadcast_in_dim3A_6 {strides = array<i32>} : memref<4224xi32, #tpu.memory_space<vmem>>, vector<16xi32>,
        %mul3A_430 = arith.constant 8 : i32
        %mul3A_431 = arith.muli %scan3A_373, %mul3A_430 : i32
        %add3A_432 = arith.constant 7 : i32
        %add3A_433 = arith.addi %mul3A_431, %add3A_432 : i32
        %mul3A_434 = arith.constant 16 : i32
        %mul3A_435 = arith.muli %add3A_433, %mul3A_434 : i32
        %swap3A_436 = arith.index_cast %mul3A_435 : i32 to index
        %swap3A_437 = tpu.vector_load %arg10[%swap3A_436] {strides = array<i32>} : memref<4224xi32, #tpu.memory_space<vmem>>, vector<16xi32>,
        tpu.vector_store %arg10[%swap3A_436], %broadcast_in_dim3A_6 {strides = array<i32>} : memref<4224xi32, #tpu.memory_space<vmem>>, vector<16xi32>,
        %scan3A_438 = arith.constant 0 : i32
        scf.yield %scan3A_438 : i32
      }
      %scan3A_28 = arith.constant 33 : i32
      %broadcast_in_dim3A_29 = arith.constant 0.000000e+00 : f32
      %broadcast_in_dim3A_30 = vector.broadcast %broadcast_in_dim3A_29 : f32 to vector<16xf32>
      %scan3A_31 = arith.constant 0 : i32
      %scan3A_32 = arith.constant 64 : i32
      %scan3A_33 = arith.addi %scan3A_31, %scan3A_32 : i32
      %scan3A_34 = arith.constant 1 : i32
      %scan3A_35:8 = scf.for %scan3A_373 = %scan3A_31 to %scan3A_33 step %scan3A_34 iter_args(%scan3A_374 = %broadcast_in_dim3A_30, %scan3A_375 = %broadcast_in_dim3A_30, %scan3A_376 = %broadcast_in_dim3A_30, %scan3A_377 = %broadcast_in_dim3A_30, %scan3A_378 = %broadcast_in_dim3A_30, %scan3A_379 = %broadcast_in_dim3A_30, %scan3A_380 = %broadcast_in_dim3A_30, %scan3A_381 = %broadcast_in_dim3A_30) -> (vector<16xf32>, vector<16xf32>, vector<16xf32>, vector<16xf32>, vector<16xf32>, vector<16xf32>, vector<16xf32>, vector<16xf32>)  : i32 {
        %mul3A_382 = arith.constant 8 : i32
        %mul3A_383 = arith.muli %scan3A_373, %mul3A_382 : i32
        %add3A_384 = arith.constant 0 : i32
        %add3A_385 = arith.addi %mul3A_383, %add3A_384 : i32
        %mul3A_386 = arith.constant 16 : i32
        %mul3A_387 = arith.muli %add3A_385, %mul3A_386 : i32
        %get3A = arith.index_cast %mul3A_387 : i32 to index
        %get3A_388 = tpu.vector_load %arg8[%get3A] {strides = array<i32>} : memref<8192xf32, #tpu.memory_space<vmem>>, vector<16xf32>,
        %mul3A_389 = arith.constant 8 : i32
        %mul3A_390 = arith.muli %scan3A_373, %mul3A_389 : i32
        %add3A_391 = arith.constant 1 : i32
        %add3A_392 = arith.addi %mul3A_390, %add3A_391 : i32
        %mul3A_393 = arith.constant 16 : i32
        %mul3A_394 = arith.muli %add3A_392, %mul3A_393 : i32
        %get3A_395 = arith.index_cast %mul3A_394 : i32 to index
        %get3A_396 = tpu.vector_load %arg8[%get3A_395] {strides = array<i32>} : memref<8192xf32, #tpu.memory_space<vmem>>, vector<16xf32>,
        %mul3A_397 = arith.constant 8 : i32
        %mul3A_398 = arith.muli %scan3A_373, %mul3A_397 : i32
        %add3A_399 = arith.constant 2 : i32
        %add3A_400 = arith.addi %mul3A_398, %add3A_399 : i32
        %mul3A_401 = arith.constant 16 : i32
        %mul3A_402 = arith.muli %add3A_400, %mul3A_401 : i32
        %get3A_403 = arith.index_cast %mul3A_402 : i32 to index
        %get3A_404 = tpu.vector_load %arg8[%get3A_403] {strides = array<i32>} : memref<8192xf32, #tpu.memory_space<vmem>>, vector<16xf32>,
        %mul3A_405 = arith.constant 8 : i32
        %mul3A_406 = arith.muli %scan3A_373, %mul3A_405 : i32
        %add3A_407 = arith.constant 3 : i32
        %add3A_408 = arith.addi %mul3A_406, %add3A_407 : i32
        %mul3A_409 = arith.constant 16 : i32
        %mul3A_410 = arith.muli %add3A_408, %mul3A_409 : i32
        %get3A_411 = arith.index_cast %mul3A_410 : i32 to index
        %get3A_412 = tpu.vector_load %arg8[%get3A_411] {strides = array<i32>} : memref<8192xf32, #tpu.memory_space<vmem>>, vector<16xf32>,
        %mul3A_413 = arith.constant 8 : i32
        %mul3A_414 = arith.muli %scan3A_373, %mul3A_413 : i32
        %add3A_415 = arith.constant 4 : i32
        %add3A_416 = arith.addi %mul3A_414, %add3A_415 : i32
        %mul3A_417 = arith.constant 16 : i32
        %mul3A_418 = arith.muli %add3A_416, %mul3A_417 : i32
        %get3A_419 = arith.index_cast %mul3A_418 : i32 to index
        %get3A_420 = tpu.vector_load %arg8[%get3A_419] {strides = array<i32>} : memref<8192xf32, #tpu.memory_space<vmem>>, vector<16xf32>,
        %mul3A_421 = arith.constant 8 : i32
        %mul3A_422 = arith.muli %scan3A_373, %mul3A_421 : i32
        %add3A_423 = arith.constant 5 : i32
        %add3A_424 = arith.addi %mul3A_422, %add3A_423 : i32
        %mul3A_425 = arith.constant 16 : i32
        %mul3A_426 = arith.muli %add3A_424, %mul3A_425 : i32
        %get3A_427 = arith.index_cast %mul3A_426 : i32 to index
        %get3A_428 = tpu.vector_load %arg8[%get3A_427] {strides = array<i32>} : memref<8192xf32, #tpu.memory_space<vmem>>, vector<16xf32>,
        %mul3A_429 = arith.constant 8 : i32
        %mul3A_430 = arith.muli %scan3A_373, %mul3A_429 : i32
        %add3A_431 = arith.constant 6 : i32
        %add3A_432 = arith.addi %mul3A_430, %add3A_431 : i32
        %mul3A_433 = arith.constant 16 : i32
        %mul3A_434 = arith.muli %add3A_432, %mul3A_433 : i32
        %get3A_435 = arith.index_cast %mul3A_434 : i32 to index
        %get3A_436 = tpu.vector_load %arg8[%get3A_435] {strides = array<i32>} : memref<8192xf32, #tpu.memory_space<vmem>>, vector<16xf32>,
        %mul3A_437 = arith.constant 8 : i32
        %mul3A_438 = arith.muli %scan3A_373, %mul3A_437 : i32
        %add3A_439 = arith.constant 7 : i32
        %add3A_440 = arith.addi %mul3A_438, %add3A_439 : i32
        %mul3A_441 = arith.constant 16 : i32
        %mul3A_442 = arith.muli %add3A_440, %mul3A_441 : i32
        %get3A_443 = arith.index_cast %mul3A_442 : i32 to index
        %get3A_444 = tpu.vector_load %arg8[%get3A_443] {strides = array<i32>} : memref<8192xf32, #tpu.memory_space<vmem>>, vector<16xf32>,
        %sub3A_445 = arith.constant -1.59859681 : f32
        %sub3A_446 = vector.broadcast %sub3A_445 : f32 to vector<16xf32>
        %sub3A_447 = arith.subf %get3A_388, %sub3A_446 : vector<16xf32>
        %exp3A = math.exp %sub3A_447 : vector<16xf32>
        %add3A_448 = arith.constant 1.000000e+00 : f32
        %add3A_449 = vector.broadcast %add3A_448 : f32 to vector<16xf32>
        %add3A_450 = arith.addf %add3A_449, %exp3A : vector<16xf32>
        %div3A = arith.constant 1.000000e+00 : f32
        %div3A_451 = vector.broadcast %div3A : f32 to vector<16xf32>
        %div3A_452 = arith.divf %div3A_451, %add3A_450 : vector<16xf32>
        %jit3A_453 = arith.constant 9.99999997E-7 : f32
        %jit3A_454 = arith.constant 0.999998986 : f32
        %max3A = vector.broadcast %jit3A_453 : f32 to vector<16xf32>
        %max3A_455 = arith.maximumf %max3A, %div3A_452 : vector<16xf32>
        %min3A = vector.broadcast %jit3A_454 : f32 to vector<16xf32>
        %min3A_456 = arith.minimumf %min3A, %max3A_455 : vector<16xf32>
        %sub3A_457 = arith.constant 1.000000e+00 : f32
        %sub3A_458 = vector.broadcast %sub3A_457 : f32 to vector<16xf32>
        %sub3A_459 = arith.subf %sub3A_458, %min3A_456 : vector<16xf32>
        %add3A_460 = arith.addf %scan3A_374, %sub3A_459 : vector<16xf32>
        %eq3A_461 = arith.constant 0.000000e+00 : f32
        %eq3A_462 = vector.broadcast %eq3A_461 : f32 to vector<16xf32>
        %eq3A_463 = arith.cmpf oeq, %get3A_388, %eq3A_462 : vector<16xf32>
        %jit3A_464 = arith.constant 0.000000e+00 : f32
        %broadcast_in_dim3A_465 = vector.broadcast %jit3A_464 : f32 to vector<16xf32>
        %select_n3A_466 = arith.select %eq3A_463, %broadcast_in_dim3A_465, %get3A_388 : vector<16xi1>, vector<16xf32>
        %bitcast3A_467 = vector.bitcast %select_n3A_466 : vector<16xf32> to vector<16xi32>
        %shift_right_arithmetic3A_468 = arith.constant 31 : i32
        %shift_right_arithmetic3A_469 = vector.broadcast %shift_right_arithmetic3A_468 : i32 to vector<16xi32>
        %shift_right_arithmetic3A_470 = arith.shrsi %bitcast3A_467, %shift_right_arithmetic3A_469 : vector<16xi32>
        %or3A_471 = arith.constant -2147483648 : i32
        %or3A_472 = vector.broadcast %or3A_471 : i32 to vector<16xi32>
        %or3A_473 = arith.ori %shift_right_arithmetic3A_470, %or3A_472 : vector<16xi32>
        %xor3A_474 = arith.xori %bitcast3A_467, %or3A_473 : vector<16xi32>
        %bitcast3A_475 = vector.bitcast %xor3A_474 : vector<16xi32> to vector<16xi32>
        %shift_right_logical3A = arith.constant 24 : i32
        %shift_right_logical3A_476 = vector.broadcast %shift_right_logical3A : i32 to vector<16xi32>
        %shift_right_logical3A_477 = arith.shrui %bitcast3A_475, %shift_right_logical3A_476 : vector<16xi32>
        %add3A_478 = arith.addi %mul3A_3, %shift_right_logical3A_477 : vector<16xi32>
        %sub3A_479 = arith.constant -1.59859681 : f32
        %sub3A_480 = vector.broadcast %sub3A_479 : f32 to vector<16xf32>
        %sub3A_481 = arith.subf %get3A_396, %sub3A_480 : vector<16xf32>
        %exp3A_482 = math.exp %sub3A_481 : vector<16xf32>
        %add3A_483 = arith.constant 1.000000e+00 : f32
        %add3A_484 = vector.broadcast %add3A_483 : f32 to vector<16xf32>
        %add3A_485 = arith.addf %add3A_484, %exp3A_482 : vector<16xf32>
        %div3A_486 = arith.constant 1.000000e+00 : f32
        %div3A_487 = vector.broadcast %div3A_486 : f32 to vector<16xf32>
        %div3A_488 = arith.divf %div3A_487, %add3A_485 : vector<16xf32>
        %jit3A_489 = arith.constant 9.99999997E-7 : f32
        %jit3A_490 = arith.constant 0.999998986 : f32
        %max3A_491 = vector.broadcast %jit3A_489 : f32 to vector<16xf32>
        %max3A_492 = arith.maximumf %max3A_491, %div3A_488 : vector<16xf32>
        %min3A_493 = vector.broadcast %jit3A_490 : f32 to vector<16xf32>
        %min3A_494 = arith.minimumf %min3A_493, %max3A_492 : vector<16xf32>
        %sub3A_495 = arith.constant 1.000000e+00 : f32
        %sub3A_496 = vector.broadcast %sub3A_495 : f32 to vector<16xf32>
        %sub3A_497 = arith.subf %sub3A_496, %min3A_494 : vector<16xf32>
        %add3A_498 = arith.addf %scan3A_375, %sub3A_497 : vector<16xf32>
        %eq3A_499 = arith.constant 0.000000e+00 : f32
        %eq3A_500 = vector.broadcast %eq3A_499 : f32 to vector<16xf32>
        %eq3A_501 = arith.cmpf oeq, %get3A_396, %eq3A_500 : vector<16xf32>
        %jit3A_502 = arith.constant 0.000000e+00 : f32
        %broadcast_in_dim3A_503 = vector.broadcast %jit3A_502 : f32 to vector<16xf32>
        %select_n3A_504 = arith.select %eq3A_501, %broadcast_in_dim3A_503, %get3A_396 : vector<16xi1>, vector<16xf32>
        %bitcast3A_505 = vector.bitcast %select_n3A_504 : vector<16xf32> to vector<16xi32>
        %shift_right_arithmetic3A_506 = arith.constant 31 : i32
        %shift_right_arithmetic3A_507 = vector.broadcast %shift_right_arithmetic3A_506 : i32 to vector<16xi32>
        %shift_right_arithmetic3A_508 = arith.shrsi %bitcast3A_505, %shift_right_arithmetic3A_507 : vector<16xi32>
        %or3A_509 = arith.constant -2147483648 : i32
        %or3A_510 = vector.broadcast %or3A_509 : i32 to vector<16xi32>
        %or3A_511 = arith.ori %shift_right_arithmetic3A_508, %or3A_510 : vector<16xi32>
        %xor3A_512 = arith.xori %bitcast3A_505, %or3A_511 : vector<16xi32>
        %bitcast3A_513 = vector.bitcast %xor3A_512 : vector<16xi32> to vector<16xi32>
        %shift_right_logical3A_514 = arith.constant 24 : i32
        %shift_right_logical3A_515 = vector.broadcast %shift_right_logical3A_514 : i32 to vector<16xi32>
        %shift_right_logical3A_516 = arith.shrui %bitcast3A_513, %shift_right_logical3A_515 : vector<16xi32>
        %add3A_517 = arith.addi %mul3A_3, %shift_right_logical3A_516 : vector<16xi32>
        %sub3A_518 = arith.constant -1.59859681 : f32
        %sub3A_519 = vector.broadcast %sub3A_518 : f32 to vector<16xf32>
        %sub3A_520 = arith.subf %get3A_404, %sub3A_519 : vector<16xf32>
        %exp3A_521 = math.exp %sub3A_520 : vector<16xf32>
        %add3A_522 = arith.constant 1.000000e+00 : f32
        %add3A_523 = vector.broadcast %add3A_522 : f32 to vector<16xf32>
        %add3A_524 = arith.addf %add3A_523, %exp3A_521 : vector<16xf32>
        %div3A_525 = arith.constant 1.000000e+00 : f32
        %div3A_526 = vector.broadcast %div3A_525 : f32 to vector<16xf32>
        %div3A_527 = arith.divf %div3A_526, %add3A_524 : vector<16xf32>
        %jit3A_528 = arith.constant 9.99999997E-7 : f32
        %jit3A_529 = arith.constant 0.999998986 : f32
        %max3A_530 = vector.broadcast %jit3A_528 : f32 to vector<16xf32>
        %max3A_531 = arith.maximumf %max3A_530, %div3A_527 : vector<16xf32>
        %min3A_532 = vector.broadcast %jit3A_529 : f32 to vector<16xf32>
        %min3A_533 = arith.minimumf %min3A_532, %max3A_531 : vector<16xf32>
        %sub3A_534 = arith.constant 1.000000e+00 : f32
        %sub3A_535 = vector.broadcast %sub3A_534 : f32 to vector<16xf32>
        %sub3A_536 = arith.subf %sub3A_535, %min3A_533 : vector<16xf32>
        %add3A_537 = arith.addf %scan3A_376, %sub3A_536 : vector<16xf32>
        %eq3A_538 = arith.constant 0.000000e+00 : f32
        %eq3A_539 = vector.broadcast %eq3A_538 : f32 to vector<16xf32>
        %eq3A_540 = arith.cmpf oeq, %get3A_404, %eq3A_539 : vector<16xf32>
        %jit3A_541 = arith.constant 0.000000e+00 : f32
        %broadcast_in_dim3A_542 = vector.broadcast %jit3A_541 : f32 to vector<16xf32>
        %select_n3A_543 = arith.select %eq3A_540, %broadcast_in_dim3A_542, %get3A_404 : vector<16xi1>, vector<16xf32>
        %bitcast3A_544 = vector.bitcast %select_n3A_543 : vector<16xf32> to vector<16xi32>
        %shift_right_arithmetic3A_545 = arith.constant 31 : i32
        %shift_right_arithmetic3A_546 = vector.broadcast %shift_right_arithmetic3A_545 : i32 to vector<16xi32>
        %shift_right_arithmetic3A_547 = arith.shrsi %bitcast3A_544, %shift_right_arithmetic3A_546 : vector<16xi32>
        %or3A_548 = arith.constant -2147483648 : i32
        %or3A_549 = vector.broadcast %or3A_548 : i32 to vector<16xi32>
        %or3A_550 = arith.ori %shift_right_arithmetic3A_547, %or3A_549 : vector<16xi32>
        %xor3A_551 = arith.xori %bitcast3A_544, %or3A_550 : vector<16xi32>
        %bitcast3A_552 = vector.bitcast %xor3A_551 : vector<16xi32> to vector<16xi32>
        %shift_right_logical3A_553 = arith.constant 24 : i32
        %shift_right_logical3A_554 = vector.broadcast %shift_right_logical3A_553 : i32 to vector<16xi32>
        %shift_right_logical3A_555 = arith.shrui %bitcast3A_552, %shift_right_logical3A_554 : vector<16xi32>
        %add3A_556 = arith.addi %mul3A_3, %shift_right_logical3A_555 : vector<16xi32>
        %sub3A_557 = arith.constant -1.59859681 : f32
        %sub3A_558 = vector.broadcast %sub3A_557 : f32 to vector<16xf32>
        %sub3A_559 = arith.subf %get3A_412, %sub3A_558 : vector<16xf32>
        %exp3A_560 = math.exp %sub3A_559 : vector<16xf32>
        %add3A_561 = arith.constant 1.000000e+00 : f32
        %add3A_562 = vector.broadcast %add3A_561 : f32 to vector<16xf32>
        %add3A_563 = arith.addf %add3A_562, %exp3A_560 : vector<16xf32>
        %div3A_564 = arith.constant 1.000000e+00 : f32
        %div3A_565 = vector.broadcast %div3A_564 : f32 to vector<16xf32>
        %div3A_566 = arith.divf %div3A_565, %add3A_563 : vector<16xf32>
        %jit3A_567 = arith.constant 9.99999997E-7 : f32
        %jit3A_568 = arith.constant 0.999998986 : f32
        %max3A_569 = vector.broadcast %jit3A_567 : f32 to vector<16xf32>
        %max3A_570 = arith.maximumf %max3A_569, %div3A_566 : vector<16xf32>
        %min3A_571 = vector.broadcast %jit3A_568 : f32 to vector<16xf32>
        %min3A_572 = arith.minimumf %min3A_571, %max3A_570 : vector<16xf32>
        %sub3A_573 = arith.constant 1.000000e+00 : f32
        %sub3A_574 = vector.broadcast %sub3A_573 : f32 to vector<16xf32>
        %sub3A_575 = arith.subf %sub3A_574, %min3A_572 : vector<16xf32>
        %add3A_576 = arith.addf %scan3A_377, %sub3A_575 : vector<16xf32>
        %eq3A_577 = arith.constant 0.000000e+00 : f32
        %eq3A_578 = vector.broadcast %eq3A_577 : f32 to vector<16xf32>
        %eq3A_579 = arith.cmpf oeq, %get3A_412, %eq3A_578 : vector<16xf32>
        %jit3A_580 = arith.constant 0.000000e+00 : f32
        %broadcast_in_dim3A_581 = vector.broadcast %jit3A_580 : f32 to vector<16xf32>
        %select_n3A_582 = arith.select %eq3A_579, %broadcast_in_dim3A_581, %get3A_412 : vector<16xi1>, vector<16xf32>
        %bitcast3A_583 = vector.bitcast %select_n3A_582 : vector<16xf32> to vector<16xi32>
        %shift_right_arithmetic3A_584 = arith.constant 31 : i32
        %shift_right_arithmetic3A_585 = vector.broadcast %shift_right_arithmetic3A_584 : i32 to vector<16xi32>
        %shift_right_arithmetic3A_586 = arith.shrsi %bitcast3A_583, %shift_right_arithmetic3A_585 : vector<16xi32>
        %or3A_587 = arith.constant -2147483648 : i32
        %or3A_588 = vector.broadcast %or3A_587 : i32 to vector<16xi32>
        %or3A_589 = arith.ori %shift_right_arithmetic3A_586, %or3A_588 : vector<16xi32>
        %xor3A_590 = arith.xori %bitcast3A_583, %or3A_589 : vector<16xi32>
        %bitcast3A_591 = vector.bitcast %xor3A_590 : vector<16xi32> to vector<16xi32>
        %shift_right_logical3A_592 = arith.constant 24 : i32
        %shift_right_logical3A_593 = vector.broadcast %shift_right_logical3A_592 : i32 to vector<16xi32>
        %shift_right_logical3A_594 = arith.shrui %bitcast3A_591, %shift_right_logical3A_593 : vector<16xi32>
        %add3A_595 = arith.addi %mul3A_3, %shift_right_logical3A_594 : vector<16xi32>
        %sub3A_596 = arith.constant -1.59859681 : f32
        %sub3A_597 = vector.broadcast %sub3A_596 : f32 to vector<16xf32>
        %sub3A_598 = arith.subf %get3A_420, %sub3A_597 : vector<16xf32>
        %exp3A_599 = math.exp %sub3A_598 : vector<16xf32>
        %add3A_600 = arith.constant 1.000000e+00 : f32
        %add3A_601 = vector.broadcast %add3A_600 : f32 to vector<16xf32>
        %add3A_602 = arith.addf %add3A_601, %exp3A_599 : vector<16xf32>
        %div3A_603 = arith.constant 1.000000e+00 : f32
        %div3A_604 = vector.broadcast %div3A_603 : f32 to vector<16xf32>
        %div3A_605 = arith.divf %div3A_604, %add3A_602 : vector<16xf32>
        %jit3A_606 = arith.constant 9.99999997E-7 : f32
        %jit3A_607 = arith.constant 0.999998986 : f32
        %max3A_608 = vector.broadcast %jit3A_606 : f32 to vector<16xf32>
        %max3A_609 = arith.maximumf %max3A_608, %div3A_605 : vector<16xf32>
        %min3A_610 = vector.broadcast %jit3A_607 : f32 to vector<16xf32>
        %min3A_611 = arith.minimumf %min3A_610, %max3A_609 : vector<16xf32>
        %sub3A_612 = arith.constant 1.000000e+00 : f32
        %sub3A_613 = vector.broadcast %sub3A_612 : f32 to vector<16xf32>
        %sub3A_614 = arith.subf %sub3A_613, %min3A_611 : vector<16xf32>
        %add3A_615 = arith.addf %scan3A_378, %sub3A_614 : vector<16xf32>
        %eq3A_616 = arith.constant 0.000000e+00 : f32
        %eq3A_617 = vector.broadcast %eq3A_616 : f32 to vector<16xf32>
        %eq3A_618 = arith.cmpf oeq, %get3A_420, %eq3A_617 : vector<16xf32>
        %jit3A_619 = arith.constant 0.000000e+00 : f32
        %broadcast_in_dim3A_620 = vector.broadcast %jit3A_619 : f32 to vector<16xf32>
        %select_n3A_621 = arith.select %eq3A_618, %broadcast_in_dim3A_620, %get3A_420 : vector<16xi1>, vector<16xf32>
        %bitcast3A_622 = vector.bitcast %select_n3A_621 : vector<16xf32> to vector<16xi32>
        %shift_right_arithmetic3A_623 = arith.constant 31 : i32
        %shift_right_arithmetic3A_624 = vector.broadcast %shift_right_arithmetic3A_623 : i32 to vector<16xi32>
        %shift_right_arithmetic3A_625 = arith.shrsi %bitcast3A_622, %shift_right_arithmetic3A_624 : vector<16xi32>
        %or3A_626 = arith.constant -2147483648 : i32
        %or3A_627 = vector.broadcast %or3A_626 : i32 to vector<16xi32>
        %or3A_628 = arith.ori %shift_right_arithmetic3A_625, %or3A_627 : vector<16xi32>
        %xor3A_629 = arith.xori %bitcast3A_622, %or3A_628 : vector<16xi32>
        %bitcast3A_630 = vector.bitcast %xor3A_629 : vector<16xi32> to vector<16xi32>
        %shift_right_logical3A_631 = arith.constant 24 : i32
        %shift_right_logical3A_632 = vector.broadcast %shift_right_logical3A_631 : i32 to vector<16xi32>
        %shift_right_logical3A_633 = arith.shrui %bitcast3A_630, %shift_right_logical3A_632 : vector<16xi32>
        %add3A_634 = arith.addi %mul3A_3, %shift_right_logical3A_633 : vector<16xi32>
        %sub3A_635 = arith.constant -1.59859681 : f32
        %sub3A_636 = vector.broadcast %sub3A_635 : f32 to vector<16xf32>
        %sub3A_637 = arith.subf %get3A_428, %sub3A_636 : vector<16xf32>
        %exp3A_638 = math.exp %sub3A_637 : vector<16xf32>
        %add3A_639 = arith.constant 1.000000e+00 : f32
        %add3A_640 = vector.broadcast %add3A_639 : f32 to vector<16xf32>
        %add3A_641 = arith.addf %add3A_640, %exp3A_638 : vector<16xf32>
        %div3A_642 = arith.constant 1.000000e+00 : f32
        %div3A_643 = vector.broadcast %div3A_642 : f32 to vector<16xf32>
        %div3A_644 = arith.divf %div3A_643, %add3A_641 : vector<16xf32>
        %jit3A_645 = arith.constant 9.99999997E-7 : f32
        %jit3A_646 = arith.constant 0.999998986 : f32
        %max3A_647 = vector.broadcast %jit3A_645 : f32 to vector<16xf32>
        %max3A_648 = arith.maximumf %max3A_647, %div3A_644 : vector<16xf32>
        %min3A_649 = vector.broadcast %jit3A_646 : f32 to vector<16xf32>
        %min3A_650 = arith.minimumf %min3A_649, %max3A_648 : vector<16xf32>
        %sub3A_651 = arith.constant 1.000000e+00 : f32
        %sub3A_652 = vector.broadcast %sub3A_651 : f32 to vector<16xf32>
        %sub3A_653 = arith.subf %sub3A_652, %min3A_650 : vector<16xf32>
        %add3A_654 = arith.addf %scan3A_379, %sub3A_653 : vector<16xf32>
        %eq3A_655 = arith.constant 0.000000e+00 : f32
        %eq3A_656 = vector.broadcast %eq3A_655 : f32 to vector<16xf32>
        %eq3A_657 = arith.cmpf oeq, %get3A_428, %eq3A_656 : vector<16xf32>
        %jit3A_658 = arith.constant 0.000000e+00 : f32
        %broadcast_in_dim3A_659 = vector.broadcast %jit3A_658 : f32 to vector<16xf32>
        %select_n3A_660 = arith.select %eq3A_657, %broadcast_in_dim3A_659, %get3A_428 : vector<16xi1>, vector<16xf32>
        %bitcast3A_661 = vector.bitcast %select_n3A_660 : vector<16xf32> to vector<16xi32>
        %shift_right_arithmetic3A_662 = arith.constant 31 : i32
        %shift_right_arithmetic3A_663 = vector.broadcast %shift_right_arithmetic3A_662 : i32 to vector<16xi32>
        %shift_right_arithmetic3A_664 = arith.shrsi %bitcast3A_661, %shift_right_arithmetic3A_663 : vector<16xi32>
        %or3A_665 = arith.constant -2147483648 : i32
        %or3A_666 = vector.broadcast %or3A_665 : i32 to vector<16xi32>
        %or3A_667 = arith.ori %shift_right_arithmetic3A_664, %or3A_666 : vector<16xi32>
        %xor3A_668 = arith.xori %bitcast3A_661, %or3A_667 : vector<16xi32>
        %bitcast3A_669 = vector.bitcast %xor3A_668 : vector<16xi32> to vector<16xi32>
        %shift_right_logical3A_670 = arith.constant 24 : i32
        %shift_right_logical3A_671 = vector.broadcast %shift_right_logical3A_670 : i32 to vector<16xi32>
        %shift_right_logical3A_672 = arith.shrui %bitcast3A_669, %shift_right_logical3A_671 : vector<16xi32>
        %add3A_673 = arith.addi %mul3A_3, %shift_right_logical3A_672 : vector<16xi32>
        %sub3A_674 = arith.constant -1.59859681 : f32
        %sub3A_675 = vector.broadcast %sub3A_674 : f32 to vector<16xf32>
        %sub3A_676 = arith.subf %get3A_436, %sub3A_675 : vector<16xf32>
        %exp3A_677 = math.exp %sub3A_676 : vector<16xf32>
        %add3A_678 = arith.constant 1.000000e+00 : f32
        %add3A_679 = vector.broadcast %add3A_678 : f32 to vector<16xf32>
        %add3A_680 = arith.addf %add3A_679, %exp3A_677 : vector<16xf32>
        %div3A_681 = arith.constant 1.000000e+00 : f32
        %div3A_682 = vector.broadcast %div3A_681 : f32 to vector<16xf32>
        %div3A_683 = arith.divf %div3A_682, %add3A_680 : vector<16xf32>
        %jit3A_684 = arith.constant 9.99999997E-7 : f32
        %jit3A_685 = arith.constant 0.999998986 : f32
        %max3A_686 = vector.broadcast %jit3A_684 : f32 to vector<16xf32>
        %max3A_687 = arith.maximumf %max3A_686, %div3A_683 : vector<16xf32>
        %min3A_688 = vector.broadcast %jit3A_685 : f32 to vector<16xf32>
        %min3A_689 = arith.minimumf %min3A_688, %max3A_687 : vector<16xf32>
        %sub3A_690 = arith.constant 1.000000e+00 : f32
        %sub3A_691 = vector.broadcast %sub3A_690 : f32 to vector<16xf32>
        %sub3A_692 = arith.subf %sub3A_691, %min3A_689 : vector<16xf32>
        %add3A_693 = arith.addf %scan3A_380, %sub3A_692 : vector<16xf32>
        %eq3A_694 = arith.constant 0.000000e+00 : f32
        %eq3A_695 = vector.broadcast %eq3A_694 : f32 to vector<16xf32>
        %eq3A_696 = arith.cmpf oeq, %get3A_436, %eq3A_695 : vector<16xf32>
        %jit3A_697 = arith.constant 0.000000e+00 : f32
        %broadcast_in_dim3A_698 = vector.broadcast %jit3A_697 : f32 to vector<16xf32>
        %select_n3A_699 = arith.select %eq3A_696, %broadcast_in_dim3A_698, %get3A_436 : vector<16xi1>, vector<16xf32>
        %bitcast3A_700 = vector.bitcast %select_n3A_699 : vector<16xf32> to vector<16xi32>
        %shift_right_arithmetic3A_701 = arith.constant 31 : i32
        %shift_right_arithmetic3A_702 = vector.broadcast %shift_right_arithmetic3A_701 : i32 to vector<16xi32>
        %shift_right_arithmetic3A_703 = arith.shrsi %bitcast3A_700, %shift_right_arithmetic3A_702 : vector<16xi32>
        %or3A_704 = arith.constant -2147483648 : i32
        %or3A_705 = vector.broadcast %or3A_704 : i32 to vector<16xi32>
        %or3A_706 = arith.ori %shift_right_arithmetic3A_703, %or3A_705 : vector<16xi32>
        %xor3A_707 = arith.xori %bitcast3A_700, %or3A_706 : vector<16xi32>
        %bitcast3A_708 = vector.bitcast %xor3A_707 : vector<16xi32> to vector<16xi32>
        %shift_right_logical3A_709 = arith.constant 24 : i32
        %shift_right_logical3A_710 = vector.broadcast %shift_right_logical3A_709 : i32 to vector<16xi32>
        %shift_right_logical3A_711 = arith.shrui %bitcast3A_708, %shift_right_logical3A_710 : vector<16xi32>
        %add3A_712 = arith.addi %mul3A_3, %shift_right_logical3A_711 : vector<16xi32>
        %sub3A_713 = arith.constant -1.59859681 : f32
        %sub3A_714 = vector.broadcast %sub3A_713 : f32 to vector<16xf32>
        %sub3A_715 = arith.subf %get3A_444, %sub3A_714 : vector<16xf32>
        %exp3A_716 = math.exp %sub3A_715 : vector<16xf32>
        %add3A_717 = arith.constant 1.000000e+00 : f32
        %add3A_718 = vector.broadcast %add3A_717 : f32 to vector<16xf32>
        %add3A_719 = arith.addf %add3A_718, %exp3A_716 : vector<16xf32>
        %div3A_720 = arith.constant 1.000000e+00 : f32
        %div3A_721 = vector.broadcast %div3A_720 : f32 to vector<16xf32>
        %div3A_722 = arith.divf %div3A_721, %add3A_719 : vector<16xf32>
        %jit3A_723 = arith.constant 9.99999997E-7 : f32
        %jit3A_724 = arith.constant 0.999998986 : f32
        %max3A_725 = vector.broadcast %jit3A_723 : f32 to vector<16xf32>
        %max3A_726 = arith.maximumf %max3A_725, %div3A_722 : vector<16xf32>
        %min3A_727 = vector.broadcast %jit3A_724 : f32 to vector<16xf32>
        %min3A_728 = arith.minimumf %min3A_727, %max3A_726 : vector<16xf32>
        %sub3A_729 = arith.constant 1.000000e+00 : f32
        %sub3A_730 = vector.broadcast %sub3A_729 : f32 to vector<16xf32>
        %sub3A_731 = arith.subf %sub3A_730, %min3A_728 : vector<16xf32>
        %add3A_732 = arith.addf %scan3A_381, %sub3A_731 : vector<16xf32>
        %eq3A_733 = arith.constant 0.000000e+00 : f32
        %eq3A_734 = vector.broadcast %eq3A_733 : f32 to vector<16xf32>
        %eq3A_735 = arith.cmpf oeq, %get3A_444, %eq3A_734 : vector<16xf32>
        %jit3A_736 = arith.constant 0.000000e+00 : f32
        %broadcast_in_dim3A_737 = vector.broadcast %jit3A_736 : f32 to vector<16xf32>
        %select_n3A_738 = arith.select %eq3A_735, %broadcast_in_dim3A_737, %get3A_444 : vector<16xi1>, vector<16xf32>
        %bitcast3A_739 = vector.bitcast %select_n3A_738 : vector<16xf32> to vector<16xi32>
        %shift_right_arithmetic3A_740 = arith.constant 31 : i32
        %shift_right_arithmetic3A_741 = vector.broadcast %shift_right_arithmetic3A_740 : i32 to vector<16xi32>
        %shift_right_arithmetic3A_742 = arith.shrsi %bitcast3A_739, %shift_right_arithmetic3A_741 : vector<16xi32>
        %or3A_743 = arith.constant -2147483648 : i32
        %or3A_744 = vector.broadcast %or3A_743 : i32 to vector<16xi32>
        %or3A_745 = arith.ori %shift_right_arithmetic3A_742, %or3A_744 : vector<16xi32>
        %xor3A_746 = arith.xori %bitcast3A_739, %or3A_745 : vector<16xi32>
        %bitcast3A_747 = vector.bitcast %xor3A_746 : vector<16xi32> to vector<16xi32>
        %shift_right_logical3A_748 = arith.constant 24 : i32
        %shift_right_logical3A_749 = vector.broadcast %shift_right_logical3A_748 : i32 to vector<16xi32>
        %shift_right_logical3A_750 = arith.shrui %bitcast3A_747, %shift_right_logical3A_749 : vector<16xi32>
        %add3A_751 = arith.addi %mul3A_3, %shift_right_logical3A_750 : vector<16xi32>
        %mul3A_752 = arith.constant 8 : i32
        %mul3A_753 = arith.muli %scan3A_373, %mul3A_752 : i32
        %add3A_754 = arith.constant 0 : i32
        %add3A_755 = arith.addi %mul3A_753, %add3A_754 : i32
        %mul3A_756 = arith.constant 16 : i32
        %mul3A_757 = arith.muli %add3A_755, %mul3A_756 : i32
        %swap3A = arith.index_cast %mul3A_757 : i32 to index
        %swap3A_758 = tpu.vector_load %arg9[%swap3A] {strides = array<i32>} : memref<8192xi32, #tpu.memory_space<vmem>>, vector<16xi32>,
        tpu.vector_store %arg9[%swap3A], %bitcast3A_475 {strides = array<i32>} : memref<8192xi32, #tpu.memory_space<vmem>>, vector<16xi32>,
        %mul3A_759 = arith.constant 8 : i32
        %mul3A_760 = arith.muli %scan3A_373, %mul3A_759 : i32
        %add3A_761 = arith.constant 1 : i32
        %add3A_762 = arith.addi %mul3A_760, %add3A_761 : i32
        %mul3A_763 = arith.constant 16 : i32
        %mul3A_764 = arith.muli %add3A_762, %mul3A_763 : i32
        %swap3A_765 = arith.index_cast %mul3A_764 : i32 to index
        %swap3A_766 = tpu.vector_load %arg9[%swap3A_765] {strides = array<i32>} : memref<8192xi32, #tpu.memory_space<vmem>>, vector<16xi32>,
        tpu.vector_store %arg9[%swap3A_765], %bitcast3A_513 {strides = array<i32>} : memref<8192xi32, #tpu.memory_space<vmem>>, vector<16xi32>,
        %mul3A_767 = arith.constant 8 : i32
        %mul3A_768 = arith.muli %scan3A_373, %mul3A_767 : i32
        %add3A_769 = arith.constant 2 : i32
        %add3A_770 = arith.addi %mul3A_768, %add3A_769 : i32
        %mul3A_771 = arith.constant 16 : i32
        %mul3A_772 = arith.muli %add3A_770, %mul3A_771 : i32
        %swap3A_773 = arith.index_cast %mul3A_772 : i32 to index
        %swap3A_774 = tpu.vector_load %arg9[%swap3A_773] {strides = array<i32>} : memref<8192xi32, #tpu.memory_space<vmem>>, vector<16xi32>,
        tpu.vector_store %arg9[%swap3A_773], %bitcast3A_552 {strides = array<i32>} : memref<8192xi32, #tpu.memory_space<vmem>>, vector<16xi32>,
        %mul3A_775 = arith.constant 8 : i32
        %mul3A_776 = arith.muli %scan3A_373, %mul3A_775 : i32
        %add3A_777 = arith.constant 3 : i32
        %add3A_778 = arith.addi %mul3A_776, %add3A_777 : i32
        %mul3A_779 = arith.constant 16 : i32
        %mul3A_780 = arith.muli %add3A_778, %mul3A_779 : i32
        %swap3A_781 = arith.index_cast %mul3A_780 : i32 to index
        %swap3A_782 = tpu.vector_load %arg9[%swap3A_781] {strides = array<i32>} : memref<8192xi32, #tpu.memory_space<vmem>>, vector<16xi32>,
        tpu.vector_store %arg9[%swap3A_781], %bitcast3A_591 {strides = array<i32>} : memref<8192xi32, #tpu.memory_space<vmem>>, vector<16xi32>,
        %mul3A_783 = arith.constant 8 : i32
        %mul3A_784 = arith.muli %scan3A_373, %mul3A_783 : i32
        %add3A_785 = arith.constant 4 : i32
        %add3A_786 = arith.addi %mul3A_784, %add3A_785 : i32
        %mul3A_787 = arith.constant 16 : i32
        %mul3A_788 = arith.muli %add3A_786, %mul3A_787 : i32
        %swap3A_789 = arith.index_cast %mul3A_788 : i32 to index
        %swap3A_790 = tpu.vector_load %arg9[%swap3A_789] {strides = array<i32>} : memref<8192xi32, #tpu.memory_space<vmem>>, vector<16xi32>,
        tpu.vector_store %arg9[%swap3A_789], %bitcast3A_630 {strides = array<i32>} : memref<8192xi32, #tpu.memory_space<vmem>>, vector<16xi32>,
        %mul3A_791 = arith.constant 8 : i32
        %mul3A_792 = arith.muli %scan3A_373, %mul3A_791 : i32
        %add3A_793 = arith.constant 5 : i32
        %add3A_794 = arith.addi %mul3A_792, %add3A_793 : i32
        %mul3A_795 = arith.constant 16 : i32
        %mul3A_796 = arith.muli %add3A_794, %mul3A_795 : i32
        %swap3A_797 = arith.index_cast %mul3A_796 : i32 to index
        %swap3A_798 = tpu.vector_load %arg9[%swap3A_797] {strides = array<i32>} : memref<8192xi32, #tpu.memory_space<vmem>>, vector<16xi32>,
        tpu.vector_store %arg9[%swap3A_797], %bitcast3A_669 {strides = array<i32>} : memref<8192xi32, #tpu.memory_space<vmem>>, vector<16xi32>,
        %mul3A_799 = arith.constant 8 : i32
        %mul3A_800 = arith.muli %scan3A_373, %mul3A_799 : i32
        %add3A_801 = arith.constant 6 : i32
        %add3A_802 = arith.addi %mul3A_800, %add3A_801 : i32
        %mul3A_803 = arith.constant 16 : i32
        %mul3A_804 = arith.muli %add3A_802, %mul3A_803 : i32
        %swap3A_805 = arith.index_cast %mul3A_804 : i32 to index
        %swap3A_806 = tpu.vector_load %arg9[%swap3A_805] {strides = array<i32>} : memref<8192xi32, #tpu.memory_space<vmem>>, vector<16xi32>,
        tpu.vector_store %arg9[%swap3A_805], %bitcast3A_708 {strides = array<i32>} : memref<8192xi32, #tpu.memory_space<vmem>>, vector<16xi32>,
        %mul3A_807 = arith.constant 8 : i32
        %mul3A_808 = arith.muli %scan3A_373, %mul3A_807 : i32
        %add3A_809 = arith.constant 7 : i32
        %add3A_810 = arith.addi %mul3A_808, %add3A_809 : i32
        %mul3A_811 = arith.constant 16 : i32
        %mul3A_812 = arith.muli %add3A_810, %mul3A_811 : i32
        %swap3A_813 = arith.index_cast %mul3A_812 : i32 to index
        %swap3A_814 = tpu.vector_load %arg9[%swap3A_813] {strides = array<i32>} : memref<8192xi32, #tpu.memory_space<vmem>>, vector<16xi32>,
        tpu.vector_store %arg9[%swap3A_813], %bitcast3A_747 {strides = array<i32>} : memref<8192xi32, #tpu.memory_space<vmem>>, vector<16xi32>,
        tpu.vector_store_idx %arg10[%add3A_478], %broadcast_in_dim3A_4 {add = true} : memref<4224xi32, #tpu.memory_space<vmem>>[vector<16xi32>], vector<16xi32>,
        tpu.vector_store_idx %arg10[%add3A_517], %broadcast_in_dim3A_4 {add = true} : memref<4224xi32, #tpu.memory_space<vmem>>[vector<16xi32>], vector<16xi32>,
        tpu.vector_store_idx %arg10[%add3A_556], %broadcast_in_dim3A_4 {add = true} : memref<4224xi32, #tpu.memory_space<vmem>>[vector<16xi32>], vector<16xi32>,
        tpu.vector_store_idx %arg10[%add3A_595], %broadcast_in_dim3A_4 {add = true} : memref<4224xi32, #tpu.memory_space<vmem>>[vector<16xi32>], vector<16xi32>,
        tpu.vector_store_idx %arg10[%add3A_634], %broadcast_in_dim3A_4 {add = true} : memref<4224xi32, #tpu.memory_space<vmem>>[vector<16xi32>], vector<16xi32>,
        tpu.vector_store_idx %arg10[%add3A_673], %broadcast_in_dim3A_4 {add = true} : memref<4224xi32, #tpu.memory_space<vmem>>[vector<16xi32>], vector<16xi32>,
        tpu.vector_store_idx %arg10[%add3A_712], %broadcast_in_dim3A_4 {add = true} : memref<4224xi32, #tpu.memory_space<vmem>>[vector<16xi32>], vector<16xi32>,
        tpu.vector_store_idx %arg10[%add3A_751], %broadcast_in_dim3A_4 {add = true} : memref<4224xi32, #tpu.memory_space<vmem>>[vector<16xi32>], vector<16xi32>,
        scf.yield %add3A_460, %add3A_498, %add3A_537, %add3A_576, %add3A_615, %add3A_654, %add3A_693, %add3A_732 : vector<16xf32>, vector<16xf32>, vector<16xf32>, vector<16xf32>, vector<16xf32>, vector<16xf32>, vector<16xf32>, vector<16xf32>
      }
      %scan3A_36 = arith.constant 64 : i32
      %add3A_37 = arith.addf %scan3A_35#0, %scan3A_35#1 : vector<16xf32>
      %add3A_38 = arith.addf %scan3A_35#2, %scan3A_35#3 : vector<16xf32>
      %add3A_39 = arith.addf %add3A_37, %add3A_38 : vector<16xf32>
      %add3A_40 = arith.addf %scan3A_35#4, %scan3A_35#5 : vector<16xf32>
      %add3A_41 = arith.addf %scan3A_35#6, %scan3A_35#7 : vector<16xf32>
      %add3A_42 = arith.addf %add3A_40, %add3A_41 : vector<16xf32>
      %add3A_43 = arith.addf %add3A_39, %add3A_42 : vector<16xf32>
      %reduce_sum3A = arith.constant true
      %reduce_sum3A_44 = vector.broadcast %reduce_sum3A : i1 to vector<16xi1>
      %reduce_sum3A_45 = tpu.scan <sum>, %add3A_43 masked %reduce_sum3A_44 : vector<16xf32>, vector<16xi1> -> vector<16xf32>
      %reduce_sum3A_46 = vector.extract %reduce_sum3A_45[15] : f32 from vector<16xf32>
      %sub3A = arith.constant 8.192000e+03 : f32
      %sub3A_47 = arith.subf %sub3A, %reduce_sum3A_46 : f32
      %convert_element_type3A_48 = arith.fptosi %sub3A_47 : f32 to i32
      %convert_element_type3A_49 = arith.sitofp %convert_element_type3A_48 : i32 to f32
      %sub3A_50 = arith.subf %sub3A_47, %convert_element_type3A_49 : f32
      %gt3A = arith.constant 5.000000e-01 : f32
      %gt3A_51 = arith.cmpf ogt, %sub3A_50, %gt3A : f32
      %eq3A_52 = arith.constant 5.000000e-01 : f32
      %eq3A_53 = arith.cmpf oeq, %sub3A_50, %eq3A_52 : f32
      %and3A = arith.constant 1 : i32
      %and3A_54 = arith.andi %convert_element_type3A_48, %and3A : i32
      %jit3A = arith.constant 0 : i32
      %select_n3A = arith.select %eq3A_53, %and3A_54, %jit3A : i32
      %jit3A_55 = arith.constant 1 : i32
      %select_n3A_56 = arith.select %gt3A_51, %jit3A_55, %select_n3A : i32
      %add3A_57 = arith.addi %convert_element_type3A_48, %select_n3A_56 : i32
      %iota3A_58 = tpu.iota {dimensions = array<i32: 0>} : vector<16xi32>
      %broadcast_in_dim3A_59 = arith.constant 0 : i32
      %broadcast_in_dim3A_60 = vector.broadcast %broadcast_in_dim3A_59 : i32 to vector<16xi32>
      %broadcast_in_dim3A_61 = arith.constant 2147483647 : i32
      %broadcast_in_dim3A_62 = vector.broadcast %broadcast_in_dim3A_61 : i32 to vector<16xi32>
      %broadcast_in_dim3A_63 = arith.constant 2147483647 : i32
      %broadcast_in_dim3A_64 = vector.broadcast %broadcast_in_dim3A_63 : i32 to vector<16xi32>
      %scan3A_65 = arith.constant 0 : i32
      %scan3A_66 = arith.constant 0 : i32
      %scan3A_67 = arith.constant 16 : i32
      %scan3A_68 = arith.addi %scan3A_66, %scan3A_67 : i32
      %scan3A_69 = arith.constant 1 : i32
      %scan3A_70:3 = scf.for %scan3A_373 = %scan3A_66 to %scan3A_68 step %scan3A_69 iter_args(%scan3A_374 = %broadcast_in_dim3A_62, %scan3A_375 = %broadcast_in_dim3A_64, %scan3A_376 = %scan3A_65) -> (vector<16xi32>, vector<16xi32>, i32)  : i32 {
        %mul3A_377 = arith.constant 16 : i32
        %mul3A_378 = arith.muli %scan3A_373, %mul3A_377 : i32
        %add3A_379 = arith.constant 0 : i32
        %add3A_380 = arith.addi %add3A_379, %mul3A_378 : i32
        %get3A = arith.index_cast %add3A_380 : i32 to index
        %get3A_381 = tpu.vector_load %arg10[%get3A] {strides = array<i32>} : memref<4224xi32, #tpu.memory_space<vmem>>, vector<16xi32>,
        %add3A_382 = arith.addi %broadcast_in_dim3A_60, %get3A_381 : vector<16xi32>
        %swap3A = arith.index_cast %add3A_380 : i32 to index
        %swap3A_383 = tpu.vector_load %arg10[%swap3A] {strides = array<i32>} : memref<4224xi32, #tpu.memory_space<vmem>>, vector<16xi32>,
        tpu.vector_store %arg10[%swap3A], %broadcast_in_dim3A_60 {strides = array<i32>} : memref<4224xi32, #tpu.memory_space<vmem>>, vector<16xi32>,
        %mul3A_384 = arith.constant 16 : i32
        %mul3A_385 = arith.muli %scan3A_373, %mul3A_384 : i32
        %add3A_386 = arith.constant 257 : i32
        %add3A_387 = arith.addi %add3A_386, %mul3A_385 : i32
        %get3A_388 = arith.index_cast %add3A_387 : i32 to index
        %get3A_389 = tpu.vector_load %arg10[%get3A_388] {strides = array<i32>} : memref<4224xi32, #tpu.memory_space<vmem>>, vector<16xi32>,
        %add3A_390 = arith.addi %add3A_382, %get3A_389 : vector<16xi32>
        %swap3A_391 = arith.index_cast %add3A_387 : i32 to index
        %swap3A_392 = tpu.vector_load %arg10[%swap3A_391] {strides = array<i32>} : memref<4224xi32, #tpu.memory_space<vmem>>, vector<16xi32>,
        tpu.vector_store %arg10[%swap3A_391], %broadcast_in_dim3A_60 {strides = array<i32>} : memref<4224xi32, #tpu.memory_space<vmem>>, vector<16xi32>,
        %mul3A_393 = arith.constant 16 : i32
        %mul3A_394 = arith.muli %scan3A_373, %mul3A_393 : i32
        %add3A_395 = arith.constant 514 : i32
        %add3A_396 = arith.addi %add3A_395, %mul3A_394 : i32
        %get3A_397 = arith.index_cast %add3A_396 : i32 to index
        %get3A_398 = tpu.vector_load %arg10[%get3A_397] {strides = array<i32>} : memref<4224xi32, #tpu.memory_space<vmem>>, vector<16xi32>,
        %add3A_399 = arith.addi %add3A_390, %get3A_398 : vector<16xi32>
        %swap3A_400 = arith.index_cast %add3A_396 : i32 to index
        %swap3A_401 = tpu.vector_load %arg10[%swap3A_400] {strides = array<i32>} : memref<4224xi32, #tpu.memory_space<vmem>>, vector<16xi32>,
        tpu.vector_store %arg10[%swap3A_400], %broadcast_in_dim3A_60 {strides = array<i32>} : memref<4224xi32, #tpu.memory_space<vmem>>, vector<16xi32>,
        %mul3A_402 = arith.constant 16 : i32
        %mul3A_403 = arith.muli %scan3A_373, %mul3A_402 : i32
        %add3A_404 = arith.constant 771 : i32
        %add3A_405 = arith.addi %add3A_404, %mul3A_403 : i32
        %get3A_406 = arith.index_cast %add3A_405 : i32 to index
        %get3A_407 = tpu.vector_load %arg10[%get3A_406] {strides = array<i32>} : memref<4224xi32, #tpu.memory_space<vmem>>, vector<16xi32>,
        %add3A_408 = arith.addi %add3A_399, %get3A_407 : vector<16xi32>
        %swap3A_409 = arith.index_cast %add3A_405 : i32 to index
        %swap3A_410 = tpu.vector_load %arg10[%swap3A_409] {strides = array<i32>} : memref<4224xi32, #tpu.memory_space<vmem>>, vector<16xi32>,
        tpu.vector_store %arg10[%swap3A_409], %broadcast_in_dim3A_60 {strides = array<i32>} : memref<4224xi32, #tpu.memory_space<vmem>>, vector<16xi32>,
        %mul3A_411 = arith.constant 16 : i32
        %mul3A_412 = arith.muli %scan3A_373, %mul3A_411 : i32
        %add3A_413 = arith.constant 1028 : i32
        %add3A_414 = arith.addi %add3A_413, %mul3A_412 : i32
        %get3A_415 = arith.index_cast %add3A_414 : i32 to index
        %get3A_416 = tpu.vector_load %arg10[%get3A_415] {strides = array<i32>} : memref<4224xi32, #tpu.memory_space<vmem>>, vector<16xi32>,
        %add3A_417 = arith.addi %add3A_408, %get3A_416 : vector<16xi32>
        %swap3A_418 = arith.index_cast %add3A_414 : i32 to index
        %swap3A_419 = tpu.vector_load %arg10[%swap3A_418] {strides = array<i32>} : memref<4224xi32, #tpu.memory_space<vmem>>, vector<16xi32>,
        tpu.vector_store %arg10[%swap3A_418], %broadcast_in_dim3A_60 {strides = array<i32>} : memref<4224xi32, #tpu.memory_space<vmem>>, vector<16xi32>,
        %mul3A_420 = arith.constant 16 : i32
        %mul3A_421 = arith.muli %scan3A_373, %mul3A_420 : i32
        %add3A_422 = arith.constant 1285 : i32
        %add3A_423 = arith.addi %add3A_422, %mul3A_421 : i32
        %get3A_424 = arith.index_cast %add3A_423 : i32 to index
        %get3A_425 = tpu.vector_load %arg10[%get3A_424] {strides = array<i32>} : memref<4224xi32, #tpu.memory_space<vmem>>, vector<16xi32>,
        %add3A_426 = arith.addi %add3A_417, %get3A_425 : vector<16xi32>
        %swap3A_427 = arith.index_cast %add3A_423 : i32 to index
        %swap3A_428 = tpu.vector_load %arg10[%swap3A_427] {strides = array<i32>} : memref<4224xi32, #tpu.memory_space<vmem>>, vector<16xi32>,
        tpu.vector_store %arg10[%swap3A_427], %broadcast_in_dim3A_60 {strides = array<i32>} : memref<4224xi32, #tpu.memory_space<vmem>>, vector<16xi32>,
        %mul3A_429 = arith.constant 16 : i32
        %mul3A_430 = arith.muli %scan3A_373, %mul3A_429 : i32
        %add3A_431 = arith.constant 1542 : i32
        %add3A_432 = arith.addi %add3A_431, %mul3A_430 : i32
        %get3A_433 = arith.index_cast %add3A_432 : i32 to index
        %get3A_434 = tpu.vector_load %arg10[%get3A_433] {strides = array<i32>} : memref<4224xi32, #tpu.memory_space<vmem>>, vector<16xi32>,
        %add3A_435 = arith.addi %add3A_426, %get3A_434 : vector<16xi32>
        %swap3A_436 = arith.index_cast %add3A_432 : i32 to index
        %swap3A_437 = tpu.vector_load %arg10[%swap3A_436] {strides = array<i32>} : memref<4224xi32, #tpu.memory_space<vmem>>, vector<16xi32>,
        tpu.vector_store %arg10[%swap3A_436], %broadcast_in_dim3A_60 {strides = array<i32>} : memref<4224xi32, #tpu.memory_space<vmem>>, vector<16xi32>,
        %mul3A_438 = arith.constant 16 : i32
        %mul3A_439 = arith.muli %scan3A_373, %mul3A_438 : i32
        %add3A_440 = arith.constant 1799 : i32
        %add3A_441 = arith.addi %add3A_440, %mul3A_439 : i32
        %get3A_442 = arith.index_cast %add3A_441 : i32 to index
        %get3A_443 = tpu.vector_load %arg10[%get3A_442] {strides = array<i32>} : memref<4224xi32, #tpu.memory_space<vmem>>, vector<16xi32>,
        %add3A_444 = arith.addi %add3A_435, %get3A_443 : vector<16xi32>
        %swap3A_445 = arith.index_cast %add3A_441 : i32 to index
        %swap3A_446 = tpu.vector_load %arg10[%swap3A_445] {strides = array<i32>} : memref<4224xi32, #tpu.memory_space<vmem>>, vector<16xi32>,
        tpu.vector_store %arg10[%swap3A_445], %broadcast_in_dim3A_60 {strides = array<i32>} : memref<4224xi32, #tpu.memory_space<vmem>>, vector<16xi32>,
        %mul3A_447 = arith.constant 16 : i32
        %mul3A_448 = arith.muli %scan3A_373, %mul3A_447 : i32
        %add3A_449 = arith.constant 2056 : i32
        %add3A_450 = arith.addi %add3A_449, %mul3A_448 : i32
        %get3A_451 = arith.index_cast %add3A_450 : i32 to index
        %get3A_452 = tpu.vector_load %arg10[%get3A_451] {strides = array<i32>} : memref<4224xi32, #tpu.memory_space<vmem>>, vector<16xi32>,
        %add3A_453 = arith.addi %add3A_444, %get3A_452 : vector<16xi32>
        %swap3A_454 = arith.index_cast %add3A_450 : i32 to index
        %swap3A_455 = tpu.vector_load %arg10[%swap3A_454] {strides = array<i32>} : memref<4224xi32, #tpu.memory_space<vmem>>, vector<16xi32>,
        tpu.vector_store %arg10[%swap3A_454], %broadcast_in_dim3A_60 {strides = array<i32>} : memref<4224xi32, #tpu.memory_space<vmem>>, vector<16xi32>,
        %mul3A_456 = arith.constant 16 : i32
        %mul3A_457 = arith.muli %scan3A_373, %mul3A_456 : i32
        %add3A_458 = arith.constant 2313 : i32
        %add3A_459 = arith.addi %add3A_458, %mul3A_457 : i32
        %get3A_460 = arith.index_cast %add3A_459 : i32 to index
        %get3A_461 = tpu.vector_load %arg10[%get3A_460] {strides = array<i32>} : memref<4224xi32, #tpu.memory_space<vmem>>, vector<16xi32>,
        %add3A_462 = arith.addi %add3A_453, %get3A_461 : vector<16xi32>
        %swap3A_463 = arith.index_cast %add3A_459 : i32 to index
        %swap3A_464 = tpu.vector_load %arg10[%swap3A_463] {strides = array<i32>} : memref<4224xi32, #tpu.memory_space<vmem>>, vector<16xi32>,
        tpu.vector_store %arg10[%swap3A_463], %broadcast_in_dim3A_60 {strides = array<i32>} : memref<4224xi32, #tpu.memory_space<vmem>>, vector<16xi32>,
        %mul3A_465 = arith.constant 16 : i32
        %mul3A_466 = arith.muli %scan3A_373, %mul3A_465 : i32
        %add3A_467 = arith.constant 2570 : i32
        %add3A_468 = arith.addi %add3A_467, %mul3A_466 : i32
        %get3A_469 = arith.index_cast %add3A_468 : i32 to index
        %get3A_470 = tpu.vector_load %arg10[%get3A_469] {strides = array<i32>} : memref<4224xi32, #tpu.memory_space<vmem>>, vector<16xi32>,
        %add3A_471 = arith.addi %add3A_462, %get3A_470 : vector<16xi32>
        %swap3A_472 = arith.index_cast %add3A_468 : i32 to index
        %swap3A_473 = tpu.vector_load %arg10[%swap3A_472] {strides = array<i32>} : memref<4224xi32, #tpu.memory_space<vmem>>, vector<16xi32>,
        tpu.vector_store %arg10[%swap3A_472], %broadcast_in_dim3A_60 {strides = array<i32>} : memref<4224xi32, #tpu.memory_space<vmem>>, vector<16xi32>,
        %mul3A_474 = arith.constant 16 : i32
        %mul3A_475 = arith.muli %scan3A_373, %mul3A_474 : i32
        %add3A_476 = arith.constant 2827 : i32
        %add3A_477 = arith.addi %add3A_476, %mul3A_475 : i32
        %get3A_478 = arith.index_cast %add3A_477 : i32 to index
        %get3A_479 = tpu.vector_load %arg10[%get3A_478] {strides = array<i32>} : memref<4224xi32, #tpu.memory_space<vmem>>, vector<16xi32>,
        %add3A_480 = arith.addi %add3A_471, %get3A_479 : vector<16xi32>
        %swap3A_481 = arith.index_cast %add3A_477 : i32 to index
        %swap3A_482 = tpu.vector_load %arg10[%swap3A_481] {strides = array<i32>} : memref<4224xi32, #tpu.memory_space<vmem>>, vector<16xi32>,
        tpu.vector_store %arg10[%swap3A_481], %broadcast_in_dim3A_60 {strides = array<i32>} : memref<4224xi32, #tpu.memory_space<vmem>>, vector<16xi32>,
        %mul3A_483 = arith.constant 16 : i32
        %mul3A_484 = arith.muli %scan3A_373, %mul3A_483 : i32
        %add3A_485 = arith.constant 3084 : i32
        %add3A_486 = arith.addi %add3A_485, %mul3A_484 : i32
        %get3A_487 = arith.index_cast %add3A_486 : i32 to index
        %get3A_488 = tpu.vector_load %arg10[%get3A_487] {strides = array<i32>} : memref<4224xi32, #tpu.memory_space<vmem>>, vector<16xi32>,
        %add3A_489 = arith.addi %add3A_480, %get3A_488 : vector<16xi32>
        %swap3A_490 = arith.index_cast %add3A_486 : i32 to index
        %swap3A_491 = tpu.vector_load %arg10[%swap3A_490] {strides = array<i32>} : memref<4224xi32, #tpu.memory_space<vmem>>, vector<16xi32>,
        tpu.vector_store %arg10[%swap3A_490], %broadcast_in_dim3A_60 {strides = array<i32>} : memref<4224xi32, #tpu.memory_space<vmem>>, vector<16xi32>,
        %mul3A_492 = arith.constant 16 : i32
        %mul3A_493 = arith.muli %scan3A_373, %mul3A_492 : i32
        %add3A_494 = arith.constant 3341 : i32
        %add3A_495 = arith.addi %add3A_494, %mul3A_493 : i32
        %get3A_496 = arith.index_cast %add3A_495 : i32 to index
        %get3A_497 = tpu.vector_load %arg10[%get3A_496] {strides = array<i32>} : memref<4224xi32, #tpu.memory_space<vmem>>, vector<16xi32>,
        %add3A_498 = arith.addi %add3A_489, %get3A_497 : vector<16xi32>
        %swap3A_499 = arith.index_cast %add3A_495 : i32 to index
        %swap3A_500 = tpu.vector_load %arg10[%swap3A_499] {strides = array<i32>} : memref<4224xi32, #tpu.memory_space<vmem>>, vector<16xi32>,
        tpu.vector_store %arg10[%swap3A_499], %broadcast_in_dim3A_60 {strides = array<i32>} : memref<4224xi32, #tpu.memory_space<vmem>>, vector<16xi32>,
        %mul3A_501 = arith.constant 16 : i32
        %mul3A_502 = arith.muli %scan3A_373, %mul3A_501 : i32
        %add3A_503 = arith.constant 3598 : i32
        %add3A_504 = arith.addi %add3A_503, %mul3A_502 : i32
        %get3A_505 = arith.index_cast %add3A_504 : i32 to index
        %get3A_506 = tpu.vector_load %arg10[%get3A_505] {strides = array<i32>} : memref<4224xi32, #tpu.memory_space<vmem>>, vector<16xi32>,
        %add3A_507 = arith.addi %add3A_498, %get3A_506 : vector<16xi32>
        %swap3A_508 = arith.index_cast %add3A_504 : i32 to index
        %swap3A_509 = tpu.vector_load %arg10[%swap3A_508] {strides = array<i32>} : memref<4224xi32, #tpu.memory_space<vmem>>, vector<16xi32>,
        tpu.vector_store %arg10[%swap3A_508], %broadcast_in_dim3A_60 {strides = array<i32>} : memref<4224xi32, #tpu.memory_space<vmem>>, vector<16xi32>,
        %mul3A_510 = arith.constant 16 : i32
        %mul3A_511 = arith.muli %scan3A_373, %mul3A_510 : i32
        %add3A_512 = arith.constant 3855 : i32
        %add3A_513 = arith.addi %add3A_512, %mul3A_511 : i32
        %get3A_514 = arith.index_cast %add3A_513 : i32 to index
        %get3A_515 = tpu.vector_load %arg10[%get3A_514] {strides = array<i32>} : memref<4224xi32, #tpu.memory_space<vmem>>, vector<16xi32>,
        %add3A_516 = arith.addi %add3A_507, %get3A_515 : vector<16xi32>
        %swap3A_517 = arith.index_cast %add3A_513 : i32 to index
        %swap3A_518 = tpu.vector_load %arg10[%swap3A_517] {strides = array<i32>} : memref<4224xi32, #tpu.memory_space<vmem>>, vector<16xi32>,
        tpu.vector_store %arg10[%swap3A_517], %broadcast_in_dim3A_60 {strides = array<i32>} : memref<4224xi32, #tpu.memory_space<vmem>>, vector<16xi32>,
        %broadcast_in_dim3A_519 = arith.constant true
        %broadcast_in_dim3A_520 = vector.broadcast %broadcast_in_dim3A_519 : i1 to vector<16xi1>
        %masked_cumsum3A = tpu.scan <sum>, %add3A_516 masked %broadcast_in_dim3A_520 : vector<16xi32>, vector<16xi1> -> vector<16xi32>
        %add3A_521 = vector.broadcast %scan3A_376 : i32 to vector<16xi32>
        %add3A_522 = arith.addi %masked_cumsum3A, %add3A_521 : vector<16xi32>
        %ge3A = vector.broadcast %add3A_57 : i32 to vector<16xi32>
        %ge3A_523 = arith.cmpi sge, %add3A_522, %ge3A : vector<16xi32>
        %mul3A_524 = arith.constant 16 : i32
        %mul3A_525 = arith.muli %scan3A_373, %mul3A_524 : i32
        %add3A_526 = vector.broadcast %mul3A_525 : i32 to vector<16xi32>
        %add3A_527 = arith.addi %add3A_526, %iota3A_58 : vector<16xi32>
        %shift_left3A_528 = arith.constant 14 : i32
        %shift_left3A_529 = vector.broadcast %shift_left3A_528 : i32 to vector<16xi32>
        %shift_left3A_530 = arith.shli %add3A_527, %shift_left3A_529 : vector<16xi32>
        %sub3A_531 = arith.subi %add3A_522, %add3A_516 : vector<16xi32>
        %or3A_532 = arith.ori %shift_left3A_530, %sub3A_531 : vector<16xi32>
        %jit3A_533 = arith.constant 2147483647 : i32
        %broadcast_in_dim3A_534 = vector.broadcast %jit3A_533 : i32 to vector<16xi32>
        %select_n3A_535 = arith.select %ge3A_523, %or3A_532, %broadcast_in_dim3A_534 : vector<16xi1>, vector<16xi32>
        %or3A_536 = arith.ori %shift_left3A_530, %add3A_522 : vector<16xi32>
        %jit3A_537 = arith.constant 2147483647 : i32
        %broadcast_in_dim3A_538 = vector.broadcast %jit3A_537 : i32 to vector<16xi32>
        %select_n3A_539 = arith.select %ge3A_523, %or3A_536, %broadcast_in_dim3A_538 : vector<16xi1>, vector<16xi32>
        %min3A = arith.minsi %scan3A_374, %select_n3A_535 : vector<16xi32>
        %min3A_540 = arith.minsi %scan3A_375, %select_n3A_539 : vector<16xi32>
        %reduce_sum3A_541 = arith.constant true
        %reduce_sum3A_542 = vector.broadcast %reduce_sum3A_541 : i1 to vector<16xi1>
        %reduce_sum3A_543 = tpu.scan <sum>, %add3A_516 masked %reduce_sum3A_542 : vector<16xi32>, vector<16xi1> -> vector<16xi32>
        %reduce_sum3A_544 = vector.extract %reduce_sum3A_543[15] : i32 from vector<16xi32>
        %add3A_545 = arith.addi %scan3A_376, %reduce_sum3A_544 : i32
        scf.yield %min3A, %min3A_540, %add3A_545 : vector<16xi32>, vector<16xi32>, i32
      }
      %scan3A_71 = arith.constant 16 : i32
      %reduce_min3A = arith.constant true
      %reduce_min3A_72 = vector.broadcast %reduce_min3A : i1 to vector<16xi1>
      %reduce_min3A_73 = arith.constant -2147483648 : i32
      %reduce_min3A_74 = vector.broadcast %reduce_min3A_73 : i32 to vector<16xi32>
      %reduce_min3A_75 = arith.xori %scan3A_70#0, %reduce_min3A_74 : vector<16xi32>
      %reduce_min3A_76 = tpu.scan <min>, %reduce_min3A_75 masked %reduce_min3A_72 : vector<16xi32>, vector<16xi1> -> vector<16xi32>
      %reduce_min3A_77 = arith.xori %reduce_min3A_76, %reduce_min3A_74 : vector<16xi32>
      %reduce_min3A_78 = vector.extract %reduce_min3A_77[15] : i32 from vector<16xi32>
      %and3A_79 = arith.constant 16383 : i32
      %and3A_80 = arith.andi %reduce_min3A_78, %and3A_79 : i32
      %reduce_min3A_81 = arith.constant true
      %reduce_min3A_82 = vector.broadcast %reduce_min3A_81 : i1 to vector<16xi1>
      %reduce_min3A_83 = arith.constant -2147483648 : i32
      %reduce_min3A_84 = vector.broadcast %reduce_min3A_83 : i32 to vector<16xi32>
      %reduce_min3A_85 = arith.xori %scan3A_70#1, %reduce_min3A_84 : vector<16xi32>
      %reduce_min3A_86 = tpu.scan <min>, %reduce_min3A_85 masked %reduce_min3A_82 : vector<16xi32>, vector<16xi1> -> vector<16xi32>
      %reduce_min3A_87 = arith.xori %reduce_min3A_86, %reduce_min3A_84 : vector<16xi32>
      %reduce_min3A_88 = vector.extract %reduce_min3A_87[15] : i32 from vector<16xi32>
      %and3A_89 = arith.constant 16383 : i32
      %and3A_90 = arith.andi %reduce_min3A_88, %and3A_89 : i32
      %sub3A_91 = arith.subi %and3A_90, %and3A_80 : i32
      %shift_right_arithmetic3A = arith.constant 14 : i32
      %shift_right_arithmetic3A_92 = arith.shrsi %reduce_min3A_78, %shift_right_arithmetic3A : i32
      %scan3A_93 = arith.constant 16 : i32
      %scan3A_94 = arith.constant 0 : i32
      %scan3A_95 = arith.constant 0 : i32
      %scan3A_96 = arith.constant 64 : i32
      %scan3A_97 = arith.addi %scan3A_95, %scan3A_96 : i32
      %scan3A_98 = arith.constant 1 : i32
      %scan3A_99 = scf.for %scan3A_373 = %scan3A_95 to %scan3A_97 step %scan3A_98 iter_args(%scan3A_374 = %scan3A_94) -> (i32)  : i32 {
        %mul3A_375 = arith.constant 8 : i32
        %mul3A_376 = arith.muli %scan3A_373, %mul3A_375 : i32
        %add3A_377 = arith.constant 0 : i32
        %add3A_378 = arith.addi %mul3A_376, %add3A_377 : i32
        %mul3A_379 = arith.constant 16 : i32
        %mul3A_380 = arith.muli %add3A_378, %mul3A_379 : i32
        %get3A = arith.index_cast %mul3A_380 : i32 to index
        %get3A_381 = tpu.vector_load %arg9[%get3A] {strides = array<i32>} : memref<8192xi32, #tpu.memory_space<vmem>>, vector<16xi32>,
        %mul3A_382 = arith.constant 8 : i32
        %mul3A_383 = arith.muli %scan3A_373, %mul3A_382 : i32
        %add3A_384 = arith.constant 1 : i32
        %add3A_385 = arith.addi %mul3A_383, %add3A_384 : i32
        %mul3A_386 = arith.constant 16 : i32
        %mul3A_387 = arith.muli %add3A_385, %mul3A_386 : i32
        %get3A_388 = arith.index_cast %mul3A_387 : i32 to index
        %get3A_389 = tpu.vector_load %arg9[%get3A_388] {strides = array<i32>} : memref<8192xi32, #tpu.memory_space<vmem>>, vector<16xi32>,
        %mul3A_390 = arith.constant 8 : i32
        %mul3A_391 = arith.muli %scan3A_373, %mul3A_390 : i32
        %add3A_392 = arith.constant 2 : i32
        %add3A_393 = arith.addi %mul3A_391, %add3A_392 : i32
        %mul3A_394 = arith.constant 16 : i32
        %mul3A_395 = arith.muli %add3A_393, %mul3A_394 : i32
        %get3A_396 = arith.index_cast %mul3A_395 : i32 to index
        %get3A_397 = tpu.vector_load %arg9[%get3A_396] {strides = array<i32>} : memref<8192xi32, #tpu.memory_space<vmem>>, vector<16xi32>,
        %mul3A_398 = arith.constant 8 : i32
        %mul3A_399 = arith.muli %scan3A_373, %mul3A_398 : i32
        %add3A_400 = arith.constant 3 : i32
        %add3A_401 = arith.addi %mul3A_399, %add3A_400 : i32
        %mul3A_402 = arith.constant 16 : i32
        %mul3A_403 = arith.muli %add3A_401, %mul3A_402 : i32
        %get3A_404 = arith.index_cast %mul3A_403 : i32 to index
        %get3A_405 = tpu.vector_load %arg9[%get3A_404] {strides = array<i32>} : memref<8192xi32, #tpu.memory_space<vmem>>, vector<16xi32>,
        %mul3A_406 = arith.constant 8 : i32
        %mul3A_407 = arith.muli %scan3A_373, %mul3A_406 : i32
        %add3A_408 = arith.constant 4 : i32
        %add3A_409 = arith.addi %mul3A_407, %add3A_408 : i32
        %mul3A_410 = arith.constant 16 : i32
        %mul3A_411 = arith.muli %add3A_409, %mul3A_410 : i32
        %get3A_412 = arith.index_cast %mul3A_411 : i32 to index
        %get3A_413 = tpu.vector_load %arg9[%get3A_412] {strides = array<i32>} : memref<8192xi32, #tpu.memory_space<vmem>>, vector<16xi32>,
        %mul3A_414 = arith.constant 8 : i32
        %mul3A_415 = arith.muli %scan3A_373, %mul3A_414 : i32
        %add3A_416 = arith.constant 5 : i32
        %add3A_417 = arith.addi %mul3A_415, %add3A_416 : i32
        %mul3A_418 = arith.constant 16 : i32
        %mul3A_419 = arith.muli %add3A_417, %mul3A_418 : i32
        %get3A_420 = arith.index_cast %mul3A_419 : i32 to index
        %get3A_421 = tpu.vector_load %arg9[%get3A_420] {strides = array<i32>} : memref<8192xi32, #tpu.memory_space<vmem>>, vector<16xi32>,
        %mul3A_422 = arith.constant 8 : i32
        %mul3A_423 = arith.muli %scan3A_373, %mul3A_422 : i32
        %add3A_424 = arith.constant 6 : i32
        %add3A_425 = arith.addi %mul3A_423, %add3A_424 : i32
        %mul3A_426 = arith.constant 16 : i32
        %mul3A_427 = arith.muli %add3A_425, %mul3A_426 : i32
        %get3A_428 = arith.index_cast %mul3A_427 : i32 to index
        %get3A_429 = tpu.vector_load %arg9[%get3A_428] {strides = array<i32>} : memref<8192xi32, #tpu.memory_space<vmem>>, vector<16xi32>,
        %mul3A_430 = arith.constant 8 : i32
        %mul3A_431 = arith.muli %scan3A_373, %mul3A_430 : i32
        %add3A_432 = arith.constant 7 : i32
        %add3A_433 = arith.addi %mul3A_431, %add3A_432 : i32
        %mul3A_434 = arith.constant 16 : i32
        %mul3A_435 = arith.muli %add3A_433, %mul3A_434 : i32
        %get3A_436 = arith.index_cast %mul3A_435 : i32 to index
        %get3A_437 = tpu.vector_load %arg9[%get3A_436] {strides = array<i32>} : memref<8192xi32, #tpu.memory_space<vmem>>, vector<16xi32>,
        %shift_right_logical3A = vector.broadcast %scan3A_93 : i32 to vector<16xi32>
        %shift_right_logical3A_438 = arith.shrui %get3A_381, %shift_right_logical3A : vector<16xi32>
        %and3A_439 = arith.constant 255 : i32
        %and3A_440 = vector.broadcast %and3A_439 : i32 to vector<16xi32>
        %and3A_441 = arith.andi %shift_right_logical3A_438, %and3A_440 : vector<16xi32>
        %add3A_442 = arith.addi %mul3A_3, %and3A_441 : vector<16xi32>
        %add3A_443 = arith.constant 8 : i32
        %add3A_444 = arith.addi %scan3A_93, %add3A_443 : i32
        %shift_right_logical3A_445 = vector.broadcast %add3A_444 : i32 to vector<16xi32>
        %shift_right_logical3A_446 = arith.shrui %get3A_381, %shift_right_logical3A_445 : vector<16xi32>
        %eq3A_447 = vector.broadcast %shift_right_arithmetic3A_92 : i32 to vector<16xi32>
        %eq3A_448 = arith.cmpi eq, %shift_right_logical3A_446, %eq3A_447 : vector<16xi32>
        %shift_right_logical3A_449 = vector.broadcast %scan3A_93 : i32 to vector<16xi32>
        %shift_right_logical3A_450 = arith.shrui %get3A_389, %shift_right_logical3A_449 : vector<16xi32>
        %and3A_451 = arith.constant 255 : i32
        %and3A_452 = vector.broadcast %and3A_451 : i32 to vector<16xi32>
        %and3A_453 = arith.andi %shift_right_logical3A_450, %and3A_452 : vector<16xi32>
        %add3A_454 = arith.addi %mul3A_3, %and3A_453 : vector<16xi32>
        %add3A_455 = arith.constant 8 : i32
        %add3A_456 = arith.addi %scan3A_93, %add3A_455 : i32
        %shift_right_logical3A_457 = vector.broadcast %add3A_456 : i32 to vector<16xi32>
        %shift_right_logical3A_458 = arith.shrui %get3A_389, %shift_right_logical3A_457 : vector<16xi32>
        %eq3A_459 = vector.broadcast %shift_right_arithmetic3A_92 : i32 to vector<16xi32>
        %eq3A_460 = arith.cmpi eq, %shift_right_logical3A_458, %eq3A_459 : vector<16xi32>
        %shift_right_logical3A_461 = vector.broadcast %scan3A_93 : i32 to vector<16xi32>
        %shift_right_logical3A_462 = arith.shrui %get3A_397, %shift_right_logical3A_461 : vector<16xi32>
        %and3A_463 = arith.constant 255 : i32
        %and3A_464 = vector.broadcast %and3A_463 : i32 to vector<16xi32>
        %and3A_465 = arith.andi %shift_right_logical3A_462, %and3A_464 : vector<16xi32>
        %add3A_466 = arith.addi %mul3A_3, %and3A_465 : vector<16xi32>
        %add3A_467 = arith.constant 8 : i32
        %add3A_468 = arith.addi %scan3A_93, %add3A_467 : i32
        %shift_right_logical3A_469 = vector.broadcast %add3A_468 : i32 to vector<16xi32>
        %shift_right_logical3A_470 = arith.shrui %get3A_397, %shift_right_logical3A_469 : vector<16xi32>
        %eq3A_471 = vector.broadcast %shift_right_arithmetic3A_92 : i32 to vector<16xi32>
        %eq3A_472 = arith.cmpi eq, %shift_right_logical3A_470, %eq3A_471 : vector<16xi32>
        %shift_right_logical3A_473 = vector.broadcast %scan3A_93 : i32 to vector<16xi32>
        %shift_right_logical3A_474 = arith.shrui %get3A_405, %shift_right_logical3A_473 : vector<16xi32>
        %and3A_475 = arith.constant 255 : i32
        %and3A_476 = vector.broadcast %and3A_475 : i32 to vector<16xi32>
        %and3A_477 = arith.andi %shift_right_logical3A_474, %and3A_476 : vector<16xi32>
        %add3A_478 = arith.addi %mul3A_3, %and3A_477 : vector<16xi32>
        %add3A_479 = arith.constant 8 : i32
        %add3A_480 = arith.addi %scan3A_93, %add3A_479 : i32
        %shift_right_logical3A_481 = vector.broadcast %add3A_480 : i32 to vector<16xi32>
        %shift_right_logical3A_482 = arith.shrui %get3A_405, %shift_right_logical3A_481 : vector<16xi32>
        %eq3A_483 = vector.broadcast %shift_right_arithmetic3A_92 : i32 to vector<16xi32>
        %eq3A_484 = arith.cmpi eq, %shift_right_logical3A_482, %eq3A_483 : vector<16xi32>
        %shift_right_logical3A_485 = vector.broadcast %scan3A_93 : i32 to vector<16xi32>
        %shift_right_logical3A_486 = arith.shrui %get3A_413, %shift_right_logical3A_485 : vector<16xi32>
        %and3A_487 = arith.constant 255 : i32
        %and3A_488 = vector.broadcast %and3A_487 : i32 to vector<16xi32>
        %and3A_489 = arith.andi %shift_right_logical3A_486, %and3A_488 : vector<16xi32>
        %add3A_490 = arith.addi %mul3A_3, %and3A_489 : vector<16xi32>
        %add3A_491 = arith.constant 8 : i32
        %add3A_492 = arith.addi %scan3A_93, %add3A_491 : i32
        %shift_right_logical3A_493 = vector.broadcast %add3A_492 : i32 to vector<16xi32>
        %shift_right_logical3A_494 = arith.shrui %get3A_413, %shift_right_logical3A_493 : vector<16xi32>
        %eq3A_495 = vector.broadcast %shift_right_arithmetic3A_92 : i32 to vector<16xi32>
        %eq3A_496 = arith.cmpi eq, %shift_right_logical3A_494, %eq3A_495 : vector<16xi32>
        %shift_right_logical3A_497 = vector.broadcast %scan3A_93 : i32 to vector<16xi32>
        %shift_right_logical3A_498 = arith.shrui %get3A_421, %shift_right_logical3A_497 : vector<16xi32>
        %and3A_499 = arith.constant 255 : i32
        %and3A_500 = vector.broadcast %and3A_499 : i32 to vector<16xi32>
        %and3A_501 = arith.andi %shift_right_logical3A_498, %and3A_500 : vector<16xi32>
        %add3A_502 = arith.addi %mul3A_3, %and3A_501 : vector<16xi32>
        %add3A_503 = arith.constant 8 : i32
        %add3A_504 = arith.addi %scan3A_93, %add3A_503 : i32
        %shift_right_logical3A_505 = vector.broadcast %add3A_504 : i32 to vector<16xi32>
        %shift_right_logical3A_506 = arith.shrui %get3A_421, %shift_right_logical3A_505 : vector<16xi32>
        %eq3A_507 = vector.broadcast %shift_right_arithmetic3A_92 : i32 to vector<16xi32>
        %eq3A_508 = arith.cmpi eq, %shift_right_logical3A_506, %eq3A_507 : vector<16xi32>
        %shift_right_logical3A_509 = vector.broadcast %scan3A_93 : i32 to vector<16xi32>
        %shift_right_logical3A_510 = arith.shrui %get3A_429, %shift_right_logical3A_509 : vector<16xi32>
        %and3A_511 = arith.constant 255 : i32
        %and3A_512 = vector.broadcast %and3A_511 : i32 to vector<16xi32>
        %and3A_513 = arith.andi %shift_right_logical3A_510, %and3A_512 : vector<16xi32>
        %add3A_514 = arith.addi %mul3A_3, %and3A_513 : vector<16xi32>
        %add3A_515 = arith.constant 8 : i32
        %add3A_516 = arith.addi %scan3A_93, %add3A_515 : i32
        %shift_right_logical3A_517 = vector.broadcast %add3A_516 : i32 to vector<16xi32>
        %shift_right_logical3A_518 = arith.shrui %get3A_429, %shift_right_logical3A_517 : vector<16xi32>
        %eq3A_519 = vector.broadcast %shift_right_arithmetic3A_92 : i32 to vector<16xi32>
        %eq3A_520 = arith.cmpi eq, %shift_right_logical3A_518, %eq3A_519 : vector<16xi32>
        %shift_right_logical3A_521 = vector.broadcast %scan3A_93 : i32 to vector<16xi32>
        %shift_right_logical3A_522 = arith.shrui %get3A_437, %shift_right_logical3A_521 : vector<16xi32>
        %and3A_523 = arith.constant 255 : i32
        %and3A_524 = vector.broadcast %and3A_523 : i32 to vector<16xi32>
        %and3A_525 = arith.andi %shift_right_logical3A_522, %and3A_524 : vector<16xi32>
        %add3A_526 = arith.addi %mul3A_3, %and3A_525 : vector<16xi32>
        %add3A_527 = arith.constant 8 : i32
        %add3A_528 = arith.addi %scan3A_93, %add3A_527 : i32
        %shift_right_logical3A_529 = vector.broadcast %add3A_528 : i32 to vector<16xi32>
        %shift_right_logical3A_530 = arith.shrui %get3A_437, %shift_right_logical3A_529 : vector<16xi32>
        %eq3A_531 = vector.broadcast %shift_right_arithmetic3A_92 : i32 to vector<16xi32>
        %eq3A_532 = arith.cmpi eq, %shift_right_logical3A_530, %eq3A_531 : vector<16xi32>
        tpu.vector_store_idx %arg10[%add3A_442], %broadcast_in_dim3A_4 masked %eq3A_448 {add = true} : memref<4224xi32, #tpu.memory_space<vmem>>[vector<16xi32>], vector<16xi32>, vector<16xi1>
        tpu.vector_store_idx %arg10[%add3A_454], %broadcast_in_dim3A_4 masked %eq3A_460 {add = true} : memref<4224xi32, #tpu.memory_space<vmem>>[vector<16xi32>], vector<16xi32>, vector<16xi1>
        tpu.vector_store_idx %arg10[%add3A_466], %broadcast_in_dim3A_4 masked %eq3A_472 {add = true} : memref<4224xi32, #tpu.memory_space<vmem>>[vector<16xi32>], vector<16xi32>, vector<16xi1>
        tpu.vector_store_idx %arg10[%add3A_478], %broadcast_in_dim3A_4 masked %eq3A_484 {add = true} : memref<4224xi32, #tpu.memory_space<vmem>>[vector<16xi32>], vector<16xi32>, vector<16xi1>
        tpu.vector_store_idx %arg10[%add3A_490], %broadcast_in_dim3A_4 masked %eq3A_496 {add = true} : memref<4224xi32, #tpu.memory_space<vmem>>[vector<16xi32>], vector<16xi32>, vector<16xi1>
        tpu.vector_store_idx %arg10[%add3A_502], %broadcast_in_dim3A_4 masked %eq3A_508 {add = true} : memref<4224xi32, #tpu.memory_space<vmem>>[vector<16xi32>], vector<16xi32>, vector<16xi1>
        tpu.vector_store_idx %arg10[%add3A_514], %broadcast_in_dim3A_4 masked %eq3A_520 {add = true} : memref<4224xi32, #tpu.memory_space<vmem>>[vector<16xi32>], vector<16xi32>, vector<16xi1>
        tpu.vector_store_idx %arg10[%add3A_526], %broadcast_in_dim3A_4 masked %eq3A_532 {add = true} : memref<4224xi32, #tpu.memory_space<vmem>>[vector<16xi32>], vector<16xi32>, vector<16xi1>
        %scan3A_533 = arith.constant 0 : i32
        scf.yield %scan3A_533 : i32
      }
      %scan3A_100 = arith.constant 64 : i32
      %sub3A_101 = arith.subi %add3A_57, %and3A_80 : i32
      %iota3A_102 = tpu.iota {dimensions = array<i32: 0>} : vector<16xi32>
      %broadcast_in_dim3A_103 = arith.constant 0 : i32
      %broadcast_in_dim3A_104 = vector.broadcast %broadcast_in_dim3A_103 : i32 to vector<16xi32>
      %broadcast_in_dim3A_105 = arith.constant 2147483647 : i32
      %broadcast_in_dim3A_106 = vector.broadcast %broadcast_in_dim3A_105 : i32 to vector<16xi32>
      %broadcast_in_dim3A_107 = arith.constant 2147483647 : i32
      %broadcast_in_dim3A_108 = vector.broadcast %broadcast_in_dim3A_107 : i32 to vector<16xi32>
      %scan3A_109 = arith.constant 0 : i32
      %scan3A_110 = arith.constant 0 : i32
      %scan3A_111 = arith.constant 16 : i32
      %scan3A_112 = arith.addi %scan3A_110, %scan3A_111 : i32
      %scan3A_113 = arith.constant 1 : i32
      %scan3A_114:3 = scf.for %scan3A_373 = %scan3A_110 to %scan3A_112 step %scan3A_113 iter_args(%scan3A_374 = %broadcast_in_dim3A_106, %scan3A_375 = %broadcast_in_dim3A_108, %scan3A_376 = %scan3A_109) -> (vector<16xi32>, vector<16xi32>, i32)  : i32 {
        %mul3A_377 = arith.constant 16 : i32
        %mul3A_378 = arith.muli %scan3A_373, %mul3A_377 : i32
        %add3A_379 = arith.constant 0 : i32
        %add3A_380 = arith.addi %add3A_379, %mul3A_378 : i32
        %get3A = arith.index_cast %add3A_380 : i32 to index
        %get3A_381 = tpu.vector_load %arg10[%get3A] {strides = array<i32>} : memref<4224xi32, #tpu.memory_space<vmem>>, vector<16xi32>,
        %add3A_382 = arith.addi %broadcast_in_dim3A_104, %get3A_381 : vector<16xi32>
        %swap3A = arith.index_cast %add3A_380 : i32 to index
        %swap3A_383 = tpu.vector_load %arg10[%swap3A] {strides = array<i32>} : memref<4224xi32, #tpu.memory_space<vmem>>, vector<16xi32>,
        tpu.vector_store %arg10[%swap3A], %broadcast_in_dim3A_104 {strides = array<i32>} : memref<4224xi32, #tpu.memory_space<vmem>>, vector<16xi32>,
        %mul3A_384 = arith.constant 16 : i32
        %mul3A_385 = arith.muli %scan3A_373, %mul3A_384 : i32
        %add3A_386 = arith.constant 257 : i32
        %add3A_387 = arith.addi %add3A_386, %mul3A_385 : i32
        %get3A_388 = arith.index_cast %add3A_387 : i32 to index
        %get3A_389 = tpu.vector_load %arg10[%get3A_388] {strides = array<i32>} : memref<4224xi32, #tpu.memory_space<vmem>>, vector<16xi32>,
        %add3A_390 = arith.addi %add3A_382, %get3A_389 : vector<16xi32>
        %swap3A_391 = arith.index_cast %add3A_387 : i32 to index
        %swap3A_392 = tpu.vector_load %arg10[%swap3A_391] {strides = array<i32>} : memref<4224xi32, #tpu.memory_space<vmem>>, vector<16xi32>,
        tpu.vector_store %arg10[%swap3A_391], %broadcast_in_dim3A_104 {strides = array<i32>} : memref<4224xi32, #tpu.memory_space<vmem>>, vector<16xi32>,
        %mul3A_393 = arith.constant 16 : i32
        %mul3A_394 = arith.muli %scan3A_373, %mul3A_393 : i32
        %add3A_395 = arith.constant 514 : i32
        %add3A_396 = arith.addi %add3A_395, %mul3A_394 : i32
        %get3A_397 = arith.index_cast %add3A_396 : i32 to index
        %get3A_398 = tpu.vector_load %arg10[%get3A_397] {strides = array<i32>} : memref<4224xi32, #tpu.memory_space<vmem>>, vector<16xi32>,
        %add3A_399 = arith.addi %add3A_390, %get3A_398 : vector<16xi32>
        %swap3A_400 = arith.index_cast %add3A_396 : i32 to index
        %swap3A_401 = tpu.vector_load %arg10[%swap3A_400] {strides = array<i32>} : memref<4224xi32, #tpu.memory_space<vmem>>, vector<16xi32>,
        tpu.vector_store %arg10[%swap3A_400], %broadcast_in_dim3A_104 {strides = array<i32>} : memref<4224xi32, #tpu.memory_space<vmem>>, vector<16xi32>,
        %mul3A_402 = arith.constant 16 : i32
        %mul3A_403 = arith.muli %scan3A_373, %mul3A_402 : i32
        %add3A_404 = arith.constant 771 : i32
        %add3A_405 = arith.addi %add3A_404, %mul3A_403 : i32
        %get3A_406 = arith.index_cast %add3A_405 : i32 to index
        %get3A_407 = tpu.vector_load %arg10[%get3A_406] {strides = array<i32>} : memref<4224xi32, #tpu.memory_space<vmem>>, vector<16xi32>,
        %add3A_408 = arith.addi %add3A_399, %get3A_407 : vector<16xi32>
        %swap3A_409 = arith.index_cast %add3A_405 : i32 to index
        %swap3A_410 = tpu.vector_load %arg10[%swap3A_409] {strides = array<i32>} : memref<4224xi32, #tpu.memory_space<vmem>>, vector<16xi32>,
        tpu.vector_store %arg10[%swap3A_409], %broadcast_in_dim3A_104 {strides = array<i32>} : memref<4224xi32, #tpu.memory_space<vmem>>, vector<16xi32>,
        %mul3A_411 = arith.constant 16 : i32
        %mul3A_412 = arith.muli %scan3A_373, %mul3A_411 : i32
        %add3A_413 = arith.constant 1028 : i32
        %add3A_414 = arith.addi %add3A_413, %mul3A_412 : i32
        %get3A_415 = arith.index_cast %add3A_414 : i32 to index
        %get3A_416 = tpu.vector_load %arg10[%get3A_415] {strides = array<i32>} : memref<4224xi32, #tpu.memory_space<vmem>>, vector<16xi32>,
        %add3A_417 = arith.addi %add3A_408, %get3A_416 : vector<16xi32>
        %swap3A_418 = arith.index_cast %add3A_414 : i32 to index
        %swap3A_419 = tpu.vector_load %arg10[%swap3A_418] {strides = array<i32>} : memref<4224xi32, #tpu.memory_space<vmem>>, vector<16xi32>,
        tpu.vector_store %arg10[%swap3A_418], %broadcast_in_dim3A_104 {strides = array<i32>} : memref<4224xi32, #tpu.memory_space<vmem>>, vector<16xi32>,
        %mul3A_420 = arith.constant 16 : i32
        %mul3A_421 = arith.muli %scan3A_373, %mul3A_420 : i32
        %add3A_422 = arith.constant 1285 : i32
        %add3A_423 = arith.addi %add3A_422, %mul3A_421 : i32
        %get3A_424 = arith.index_cast %add3A_423 : i32 to index
        %get3A_425 = tpu.vector_load %arg10[%get3A_424] {strides = array<i32>} : memref<4224xi32, #tpu.memory_space<vmem>>, vector<16xi32>,
        %add3A_426 = arith.addi %add3A_417, %get3A_425 : vector<16xi32>
        %swap3A_427 = arith.index_cast %add3A_423 : i32 to index
        %swap3A_428 = tpu.vector_load %arg10[%swap3A_427] {strides = array<i32>} : memref<4224xi32, #tpu.memory_space<vmem>>, vector<16xi32>,
        tpu.vector_store %arg10[%swap3A_427], %broadcast_in_dim3A_104 {strides = array<i32>} : memref<4224xi32, #tpu.memory_space<vmem>>, vector<16xi32>,
        %mul3A_429 = arith.constant 16 : i32
        %mul3A_430 = arith.muli %scan3A_373, %mul3A_429 : i32
        %add3A_431 = arith.constant 1542 : i32
        %add3A_432 = arith.addi %add3A_431, %mul3A_430 : i32
        %get3A_433 = arith.index_cast %add3A_432 : i32 to index
        %get3A_434 = tpu.vector_load %arg10[%get3A_433] {strides = array<i32>} : memref<4224xi32, #tpu.memory_space<vmem>>, vector<16xi32>,
        %add3A_435 = arith.addi %add3A_426, %get3A_434 : vector<16xi32>
        %swap3A_436 = arith.index_cast %add3A_432 : i32 to index
        %swap3A_437 = tpu.vector_load %arg10[%swap3A_436] {strides = array<i32>} : memref<4224xi32, #tpu.memory_space<vmem>>, vector<16xi32>,
        tpu.vector_store %arg10[%swap3A_436], %broadcast_in_dim3A_104 {strides = array<i32>} : memref<4224xi32, #tpu.memory_space<vmem>>, vector<16xi32>,
        %mul3A_438 = arith.constant 16 : i32
        %mul3A_439 = arith.muli %scan3A_373, %mul3A_438 : i32
        %add3A_440 = arith.constant 1799 : i32
        %add3A_441 = arith.addi %add3A_440, %mul3A_439 : i32
        %get3A_442 = arith.index_cast %add3A_441 : i32 to index
        %get3A_443 = tpu.vector_load %arg10[%get3A_442] {strides = array<i32>} : memref<4224xi32, #tpu.memory_space<vmem>>, vector<16xi32>,
        %add3A_444 = arith.addi %add3A_435, %get3A_443 : vector<16xi32>
        %swap3A_445 = arith.index_cast %add3A_441 : i32 to index
        %swap3A_446 = tpu.vector_load %arg10[%swap3A_445] {strides = array<i32>} : memref<4224xi32, #tpu.memory_space<vmem>>, vector<16xi32>,
        tpu.vector_store %arg10[%swap3A_445], %broadcast_in_dim3A_104 {strides = array<i32>} : memref<4224xi32, #tpu.memory_space<vmem>>, vector<16xi32>,
        %mul3A_447 = arith.constant 16 : i32
        %mul3A_448 = arith.muli %scan3A_373, %mul3A_447 : i32
        %add3A_449 = arith.constant 2056 : i32
        %add3A_450 = arith.addi %add3A_449, %mul3A_448 : i32
        %get3A_451 = arith.index_cast %add3A_450 : i32 to index
        %get3A_452 = tpu.vector_load %arg10[%get3A_451] {strides = array<i32>} : memref<4224xi32, #tpu.memory_space<vmem>>, vector<16xi32>,
        %add3A_453 = arith.addi %add3A_444, %get3A_452 : vector<16xi32>
        %swap3A_454 = arith.index_cast %add3A_450 : i32 to index
        %swap3A_455 = tpu.vector_load %arg10[%swap3A_454] {strides = array<i32>} : memref<4224xi32, #tpu.memory_space<vmem>>, vector<16xi32>,
        tpu.vector_store %arg10[%swap3A_454], %broadcast_in_dim3A_104 {strides = array<i32>} : memref<4224xi32, #tpu.memory_space<vmem>>, vector<16xi32>,
        %mul3A_456 = arith.constant 16 : i32
        %mul3A_457 = arith.muli %scan3A_373, %mul3A_456 : i32
        %add3A_458 = arith.constant 2313 : i32
        %add3A_459 = arith.addi %add3A_458, %mul3A_457 : i32
        %get3A_460 = arith.index_cast %add3A_459 : i32 to index
        %get3A_461 = tpu.vector_load %arg10[%get3A_460] {strides = array<i32>} : memref<4224xi32, #tpu.memory_space<vmem>>, vector<16xi32>,
        %add3A_462 = arith.addi %add3A_453, %get3A_461 : vector<16xi32>
        %swap3A_463 = arith.index_cast %add3A_459 : i32 to index
        %swap3A_464 = tpu.vector_load %arg10[%swap3A_463] {strides = array<i32>} : memref<4224xi32, #tpu.memory_space<vmem>>, vector<16xi32>,
        tpu.vector_store %arg10[%swap3A_463], %broadcast_in_dim3A_104 {strides = array<i32>} : memref<4224xi32, #tpu.memory_space<vmem>>, vector<16xi32>,
        %mul3A_465 = arith.constant 16 : i32
        %mul3A_466 = arith.muli %scan3A_373, %mul3A_465 : i32
        %add3A_467 = arith.constant 2570 : i32
        %add3A_468 = arith.addi %add3A_467, %mul3A_466 : i32
        %get3A_469 = arith.index_cast %add3A_468 : i32 to index
        %get3A_470 = tpu.vector_load %arg10[%get3A_469] {strides = array<i32>} : memref<4224xi32, #tpu.memory_space<vmem>>, vector<16xi32>,
        %add3A_471 = arith.addi %add3A_462, %get3A_470 : vector<16xi32>
        %swap3A_472 = arith.index_cast %add3A_468 : i32 to index
        %swap3A_473 = tpu.vector_load %arg10[%swap3A_472] {strides = array<i32>} : memref<4224xi32, #tpu.memory_space<vmem>>, vector<16xi32>,
        tpu.vector_store %arg10[%swap3A_472], %broadcast_in_dim3A_104 {strides = array<i32>} : memref<4224xi32, #tpu.memory_space<vmem>>, vector<16xi32>,
        %mul3A_474 = arith.constant 16 : i32
        %mul3A_475 = arith.muli %scan3A_373, %mul3A_474 : i32
        %add3A_476 = arith.constant 2827 : i32
        %add3A_477 = arith.addi %add3A_476, %mul3A_475 : i32
        %get3A_478 = arith.index_cast %add3A_477 : i32 to index
        %get3A_479 = tpu.vector_load %arg10[%get3A_478] {strides = array<i32>} : memref<4224xi32, #tpu.memory_space<vmem>>, vector<16xi32>,
        %add3A_480 = arith.addi %add3A_471, %get3A_479 : vector<16xi32>
        %swap3A_481 = arith.index_cast %add3A_477 : i32 to index
        %swap3A_482 = tpu.vector_load %arg10[%swap3A_481] {strides = array<i32>} : memref<4224xi32, #tpu.memory_space<vmem>>, vector<16xi32>,
        tpu.vector_store %arg10[%swap3A_481], %broadcast_in_dim3A_104 {strides = array<i32>} : memref<4224xi32, #tpu.memory_space<vmem>>, vector<16xi32>,
        %mul3A_483 = arith.constant 16 : i32
        %mul3A_484 = arith.muli %scan3A_373, %mul3A_483 : i32
        %add3A_485 = arith.constant 3084 : i32
        %add3A_486 = arith.addi %add3A_485, %mul3A_484 : i32
        %get3A_487 = arith.index_cast %add3A_486 : i32 to index
        %get3A_488 = tpu.vector_load %arg10[%get3A_487] {strides = array<i32>} : memref<4224xi32, #tpu.memory_space<vmem>>, vector<16xi32>,
        %add3A_489 = arith.addi %add3A_480, %get3A_488 : vector<16xi32>
        %swap3A_490 = arith.index_cast %add3A_486 : i32 to index
        %swap3A_491 = tpu.vector_load %arg10[%swap3A_490] {strides = array<i32>} : memref<4224xi32, #tpu.memory_space<vmem>>, vector<16xi32>,
        tpu.vector_store %arg10[%swap3A_490], %broadcast_in_dim3A_104 {strides = array<i32>} : memref<4224xi32, #tpu.memory_space<vmem>>, vector<16xi32>,
        %mul3A_492 = arith.constant 16 : i32
        %mul3A_493 = arith.muli %scan3A_373, %mul3A_492 : i32
        %add3A_494 = arith.constant 3341 : i32
        %add3A_495 = arith.addi %add3A_494, %mul3A_493 : i32
        %get3A_496 = arith.index_cast %add3A_495 : i32 to index
        %get3A_497 = tpu.vector_load %arg10[%get3A_496] {strides = array<i32>} : memref<4224xi32, #tpu.memory_space<vmem>>, vector<16xi32>,
        %add3A_498 = arith.addi %add3A_489, %get3A_497 : vector<16xi32>
        %swap3A_499 = arith.index_cast %add3A_495 : i32 to index
        %swap3A_500 = tpu.vector_load %arg10[%swap3A_499] {strides = array<i32>} : memref<4224xi32, #tpu.memory_space<vmem>>, vector<16xi32>,
        tpu.vector_store %arg10[%swap3A_499], %broadcast_in_dim3A_104 {strides = array<i32>} : memref<4224xi32, #tpu.memory_space<vmem>>, vector<16xi32>,
        %mul3A_501 = arith.constant 16 : i32
        %mul3A_502 = arith.muli %scan3A_373, %mul3A_501 : i32
        %add3A_503 = arith.constant 3598 : i32
        %add3A_504 = arith.addi %add3A_503, %mul3A_502 : i32
        %get3A_505 = arith.index_cast %add3A_504 : i32 to index
        %get3A_506 = tpu.vector_load %arg10[%get3A_505] {strides = array<i32>} : memref<4224xi32, #tpu.memory_space<vmem>>, vector<16xi32>,
        %add3A_507 = arith.addi %add3A_498, %get3A_506 : vector<16xi32>
        %swap3A_508 = arith.index_cast %add3A_504 : i32 to index
        %swap3A_509 = tpu.vector_load %arg10[%swap3A_508] {strides = array<i32>} : memref<4224xi32, #tpu.memory_space<vmem>>, vector<16xi32>,
        tpu.vector_store %arg10[%swap3A_508], %broadcast_in_dim3A_104 {strides = array<i32>} : memref<4224xi32, #tpu.memory_space<vmem>>, vector<16xi32>,
        %mul3A_510 = arith.constant 16 : i32
        %mul3A_511 = arith.muli %scan3A_373, %mul3A_510 : i32
        %add3A_512 = arith.constant 3855 : i32
        %add3A_513 = arith.addi %add3A_512, %mul3A_511 : i32
        %get3A_514 = arith.index_cast %add3A_513 : i32 to index
        %get3A_515 = tpu.vector_load %arg10[%get3A_514] {strides = array<i32>} : memref<4224xi32, #tpu.memory_space<vmem>>, vector<16xi32>,
        %add3A_516 = arith.addi %add3A_507, %get3A_515 : vector<16xi32>
        %swap3A_517 = arith.index_cast %add3A_513 : i32 to index
        %swap3A_518 = tpu.vector_load %arg10[%swap3A_517] {strides = array<i32>} : memref<4224xi32, #tpu.memory_space<vmem>>, vector<16xi32>,
        tpu.vector_store %arg10[%swap3A_517], %broadcast_in_dim3A_104 {strides = array<i32>} : memref<4224xi32, #tpu.memory_space<vmem>>, vector<16xi32>,
        %broadcast_in_dim3A_519 = arith.constant true
        %broadcast_in_dim3A_520 = vector.broadcast %broadcast_in_dim3A_519 : i1 to vector<16xi1>
        %masked_cumsum3A = tpu.scan <sum>, %add3A_516 masked %broadcast_in_dim3A_520 : vector<16xi32>, vector<16xi1> -> vector<16xi32>
        %add3A_521 = vector.broadcast %scan3A_376 : i32 to vector<16xi32>
        %add3A_522 = arith.addi %masked_cumsum3A, %add3A_521 : vector<16xi32>
        %ge3A = vector.broadcast %sub3A_101 : i32 to vector<16xi32>
        %ge3A_523 = arith.cmpi sge, %add3A_522, %ge3A : vector<16xi32>
        %mul3A_524 = arith.constant 16 : i32
        %mul3A_525 = arith.muli %scan3A_373, %mul3A_524 : i32
        %add3A_526 = vector.broadcast %mul3A_525 : i32 to vector<16xi32>
        %add3A_527 = arith.addi %add3A_526, %iota3A_102 : vector<16xi32>
        %shift_left3A_528 = arith.constant 14 : i32
        %shift_left3A_529 = vector.broadcast %shift_left3A_528 : i32 to vector<16xi32>
        %shift_left3A_530 = arith.shli %add3A_527, %shift_left3A_529 : vector<16xi32>
        %sub3A_531 = arith.subi %add3A_522, %add3A_516 : vector<16xi32>
        %or3A_532 = arith.ori %shift_left3A_530, %sub3A_531 : vector<16xi32>
        %jit3A_533 = arith.constant 2147483647 : i32
        %broadcast_in_dim3A_534 = vector.broadcast %jit3A_533 : i32 to vector<16xi32>
        %select_n3A_535 = arith.select %ge3A_523, %or3A_532, %broadcast_in_dim3A_534 : vector<16xi1>, vector<16xi32>
        %or3A_536 = arith.ori %shift_left3A_530, %add3A_522 : vector<16xi32>
        %jit3A_537 = arith.constant 2147483647 : i32
        %broadcast_in_dim3A_538 = vector.broadcast %jit3A_537 : i32 to vector<16xi32>
        %select_n3A_539 = arith.select %ge3A_523, %or3A_536, %broadcast_in_dim3A_538 : vector<16xi1>, vector<16xi32>
        %min3A = arith.minsi %scan3A_374, %select_n3A_535 : vector<16xi32>
        %min3A_540 = arith.minsi %scan3A_375, %select_n3A_539 : vector<16xi32>
        %reduce_sum3A_541 = arith.constant true
        %reduce_sum3A_542 = vector.broadcast %reduce_sum3A_541 : i1 to vector<16xi1>
        %reduce_sum3A_543 = tpu.scan <sum>, %add3A_516 masked %reduce_sum3A_542 : vector<16xi32>, vector<16xi1> -> vector<16xi32>
        %reduce_sum3A_544 = vector.extract %reduce_sum3A_543[15] : i32 from vector<16xi32>
        %add3A_545 = arith.addi %scan3A_376, %reduce_sum3A_544 : i32
        scf.yield %min3A, %min3A_540, %add3A_545 : vector<16xi32>, vector<16xi32>, i32
      }
      %scan3A_115 = arith.constant 16 : i32
      %reduce_min3A_116 = arith.constant true
      %reduce_min3A_117 = vector.broadcast %reduce_min3A_116 : i1 to vector<16xi1>
      %reduce_min3A_118 = arith.constant -2147483648 : i32
      %reduce_min3A_119 = vector.broadcast %reduce_min3A_118 : i32 to vector<16xi32>
      %reduce_min3A_120 = arith.xori %scan3A_114#0, %reduce_min3A_119 : vector<16xi32>
      %reduce_min3A_121 = tpu.scan <min>, %reduce_min3A_120 masked %reduce_min3A_117 : vector<16xi32>, vector<16xi1> -> vector<16xi32>
      %reduce_min3A_122 = arith.xori %reduce_min3A_121, %reduce_min3A_119 : vector<16xi32>
      %reduce_min3A_123 = vector.extract %reduce_min3A_122[15] : i32 from vector<16xi32>
      %and3A_124 = arith.constant 16383 : i32
      %and3A_125 = arith.andi %reduce_min3A_123, %and3A_124 : i32
      %reduce_min3A_126 = arith.constant true
      %reduce_min3A_127 = vector.broadcast %reduce_min3A_126 : i1 to vector<16xi1>
      %reduce_min3A_128 = arith.constant -2147483648 : i32
      %reduce_min3A_129 = vector.broadcast %reduce_min3A_128 : i32 to vector<16xi32>
      %reduce_min3A_130 = arith.xori %scan3A_114#1, %reduce_min3A_129 : vector<16xi32>
      %reduce_min3A_131 = tpu.scan <min>, %reduce_min3A_130 masked %reduce_min3A_127 : vector<16xi32>, vector<16xi1> -> vector<16xi32>
      %reduce_min3A_132 = arith.xori %reduce_min3A_131, %reduce_min3A_129 : vector<16xi32>
      %reduce_min3A_133 = vector.extract %reduce_min3A_132[15] : i32 from vector<16xi32>
      %and3A_134 = arith.constant 16383 : i32
      %and3A_135 = arith.andi %reduce_min3A_133, %and3A_134 : i32
      %sub3A_136 = arith.subi %and3A_135, %and3A_125 : i32
      %shift_right_arithmetic3A_137 = arith.constant 14 : i32
      %shift_right_arithmetic3A_138 = arith.shrsi %reduce_min3A_123, %shift_right_arithmetic3A_137 : i32
      %add3A_139 = arith.addi %and3A_80, %and3A_125 : i32
      %shift_left3A = arith.constant 8 : i32
      %shift_left3A_140 = arith.shli %shift_right_arithmetic3A_92, %shift_left3A : i32
      %or3A = arith.ori %shift_left3A_140, %shift_right_arithmetic3A_138 : i32
      %scan3A_141 = arith.constant 8 : i32
      %scan3A_142 = arith.constant 0 : i32
      %scan3A_143 = arith.constant 0 : i32
      %scan3A_144 = arith.constant 64 : i32
      %scan3A_145 = arith.addi %scan3A_143, %scan3A_144 : i32
      %scan3A_146 = arith.constant 1 : i32
      %scan3A_147 = scf.for %scan3A_373 = %scan3A_143 to %scan3A_145 step %scan3A_146 iter_args(%scan3A_374 = %scan3A_142) -> (i32)  : i32 {
        %mul3A_375 = arith.constant 8 : i32
        %mul3A_376 = arith.muli %scan3A_373, %mul3A_375 : i32
        %add3A_377 = arith.constant 0 : i32
        %add3A_378 = arith.addi %mul3A_376, %add3A_377 : i32
        %mul3A_379 = arith.constant 16 : i32
        %mul3A_380 = arith.muli %add3A_378, %mul3A_379 : i32
        %get3A = arith.index_cast %mul3A_380 : i32 to index
        %get3A_381 = tpu.vector_load %arg9[%get3A] {strides = array<i32>} : memref<8192xi32, #tpu.memory_space<vmem>>, vector<16xi32>,
        %mul3A_382 = arith.constant 8 : i32
        %mul3A_383 = arith.muli %scan3A_373, %mul3A_382 : i32
        %add3A_384 = arith.constant 1 : i32
        %add3A_385 = arith.addi %mul3A_383, %add3A_384 : i32
        %mul3A_386 = arith.constant 16 : i32
        %mul3A_387 = arith.muli %add3A_385, %mul3A_386 : i32
        %get3A_388 = arith.index_cast %mul3A_387 : i32 to index
        %get3A_389 = tpu.vector_load %arg9[%get3A_388] {strides = array<i32>} : memref<8192xi32, #tpu.memory_space<vmem>>, vector<16xi32>,
        %mul3A_390 = arith.constant 8 : i32
        %mul3A_391 = arith.muli %scan3A_373, %mul3A_390 : i32
        %add3A_392 = arith.constant 2 : i32
        %add3A_393 = arith.addi %mul3A_391, %add3A_392 : i32
        %mul3A_394 = arith.constant 16 : i32
        %mul3A_395 = arith.muli %add3A_393, %mul3A_394 : i32
        %get3A_396 = arith.index_cast %mul3A_395 : i32 to index
        %get3A_397 = tpu.vector_load %arg9[%get3A_396] {strides = array<i32>} : memref<8192xi32, #tpu.memory_space<vmem>>, vector<16xi32>,
        %mul3A_398 = arith.constant 8 : i32
        %mul3A_399 = arith.muli %scan3A_373, %mul3A_398 : i32
        %add3A_400 = arith.constant 3 : i32
        %add3A_401 = arith.addi %mul3A_399, %add3A_400 : i32
        %mul3A_402 = arith.constant 16 : i32
        %mul3A_403 = arith.muli %add3A_401, %mul3A_402 : i32
        %get3A_404 = arith.index_cast %mul3A_403 : i32 to index
        %get3A_405 = tpu.vector_load %arg9[%get3A_404] {strides = array<i32>} : memref<8192xi32, #tpu.memory_space<vmem>>, vector<16xi32>,
        %mul3A_406 = arith.constant 8 : i32
        %mul3A_407 = arith.muli %scan3A_373, %mul3A_406 : i32
        %add3A_408 = arith.constant 4 : i32
        %add3A_409 = arith.addi %mul3A_407, %add3A_408 : i32
        %mul3A_410 = arith.constant 16 : i32
        %mul3A_411 = arith.muli %add3A_409, %mul3A_410 : i32
        %get3A_412 = arith.index_cast %mul3A_411 : i32 to index
        %get3A_413 = tpu.vector_load %arg9[%get3A_412] {strides = array<i32>} : memref<8192xi32, #tpu.memory_space<vmem>>, vector<16xi32>,
        %mul3A_414 = arith.constant 8 : i32
        %mul3A_415 = arith.muli %scan3A_373, %mul3A_414 : i32
        %add3A_416 = arith.constant 5 : i32
        %add3A_417 = arith.addi %mul3A_415, %add3A_416 : i32
        %mul3A_418 = arith.constant 16 : i32
        %mul3A_419 = arith.muli %add3A_417, %mul3A_418 : i32
        %get3A_420 = arith.index_cast %mul3A_419 : i32 to index
        %get3A_421 = tpu.vector_load %arg9[%get3A_420] {strides = array<i32>} : memref<8192xi32, #tpu.memory_space<vmem>>, vector<16xi32>,
        %mul3A_422 = arith.constant 8 : i32
        %mul3A_423 = arith.muli %scan3A_373, %mul3A_422 : i32
        %add3A_424 = arith.constant 6 : i32
        %add3A_425 = arith.addi %mul3A_423, %add3A_424 : i32
        %mul3A_426 = arith.constant 16 : i32
        %mul3A_427 = arith.muli %add3A_425, %mul3A_426 : i32
        %get3A_428 = arith.index_cast %mul3A_427 : i32 to index
        %get3A_429 = tpu.vector_load %arg9[%get3A_428] {strides = array<i32>} : memref<8192xi32, #tpu.memory_space<vmem>>, vector<16xi32>,
        %mul3A_430 = arith.constant 8 : i32
        %mul3A_431 = arith.muli %scan3A_373, %mul3A_430 : i32
        %add3A_432 = arith.constant 7 : i32
        %add3A_433 = arith.addi %mul3A_431, %add3A_432 : i32
        %mul3A_434 = arith.constant 16 : i32
        %mul3A_435 = arith.muli %add3A_433, %mul3A_434 : i32
        %get3A_436 = arith.index_cast %mul3A_435 : i32 to index
        %get3A_437 = tpu.vector_load %arg9[%get3A_436] {strides = array<i32>} : memref<8192xi32, #tpu.memory_space<vmem>>, vector<16xi32>,
        %shift_right_logical3A = vector.broadcast %scan3A_141 : i32 to vector<16xi32>
        %shift_right_logical3A_438 = arith.shrui %get3A_381, %shift_right_logical3A : vector<16xi32>
        %and3A_439 = arith.constant 255 : i32
        %and3A_440 = vector.broadcast %and3A_439 : i32 to vector<16xi32>
        %and3A_441 = arith.andi %shift_right_logical3A_438, %and3A_440 : vector<16xi32>
        %add3A_442 = arith.addi %mul3A_3, %and3A_441 : vector<16xi32>
        %add3A_443 = arith.constant 8 : i32
        %add3A_444 = arith.addi %scan3A_141, %add3A_443 : i32
        %shift_right_logical3A_445 = vector.broadcast %add3A_444 : i32 to vector<16xi32>
        %shift_right_logical3A_446 = arith.shrui %get3A_381, %shift_right_logical3A_445 : vector<16xi32>
        %eq3A_447 = vector.broadcast %or3A : i32 to vector<16xi32>
        %eq3A_448 = arith.cmpi eq, %shift_right_logical3A_446, %eq3A_447 : vector<16xi32>
        %shift_right_logical3A_449 = vector.broadcast %scan3A_141 : i32 to vector<16xi32>
        %shift_right_logical3A_450 = arith.shrui %get3A_389, %shift_right_logical3A_449 : vector<16xi32>
        %and3A_451 = arith.constant 255 : i32
        %and3A_452 = vector.broadcast %and3A_451 : i32 to vector<16xi32>
        %and3A_453 = arith.andi %shift_right_logical3A_450, %and3A_452 : vector<16xi32>
        %add3A_454 = arith.addi %mul3A_3, %and3A_453 : vector<16xi32>
        %add3A_455 = arith.constant 8 : i32
        %add3A_456 = arith.addi %scan3A_141, %add3A_455 : i32
        %shift_right_logical3A_457 = vector.broadcast %add3A_456 : i32 to vector<16xi32>
        %shift_right_logical3A_458 = arith.shrui %get3A_389, %shift_right_logical3A_457 : vector<16xi32>
        %eq3A_459 = vector.broadcast %or3A : i32 to vector<16xi32>
        %eq3A_460 = arith.cmpi eq, %shift_right_logical3A_458, %eq3A_459 : vector<16xi32>
        %shift_right_logical3A_461 = vector.broadcast %scan3A_141 : i32 to vector<16xi32>
        %shift_right_logical3A_462 = arith.shrui %get3A_397, %shift_right_logical3A_461 : vector<16xi32>
        %and3A_463 = arith.constant 255 : i32
        %and3A_464 = vector.broadcast %and3A_463 : i32 to vector<16xi32>
        %and3A_465 = arith.andi %shift_right_logical3A_462, %and3A_464 : vector<16xi32>
        %add3A_466 = arith.addi %mul3A_3, %and3A_465 : vector<16xi32>
        %add3A_467 = arith.constant 8 : i32
        %add3A_468 = arith.addi %scan3A_141, %add3A_467 : i32
        %shift_right_logical3A_469 = vector.broadcast %add3A_468 : i32 to vector<16xi32>
        %shift_right_logical3A_470 = arith.shrui %get3A_397, %shift_right_logical3A_469 : vector<16xi32>
        %eq3A_471 = vector.broadcast %or3A : i32 to vector<16xi32>
        %eq3A_472 = arith.cmpi eq, %shift_right_logical3A_470, %eq3A_471 : vector<16xi32>
        %shift_right_logical3A_473 = vector.broadcast %scan3A_141 : i32 to vector<16xi32>
        %shift_right_logical3A_474 = arith.shrui %get3A_405, %shift_right_logical3A_473 : vector<16xi32>
        %and3A_475 = arith.constant 255 : i32
        %and3A_476 = vector.broadcast %and3A_475 : i32 to vector<16xi32>
        %and3A_477 = arith.andi %shift_right_logical3A_474, %and3A_476 : vector<16xi32>
        %add3A_478 = arith.addi %mul3A_3, %and3A_477 : vector<16xi32>
        %add3A_479 = arith.constant 8 : i32
        %add3A_480 = arith.addi %scan3A_141, %add3A_479 : i32
        %shift_right_logical3A_481 = vector.broadcast %add3A_480 : i32 to vector<16xi32>
        %shift_right_logical3A_482 = arith.shrui %get3A_405, %shift_right_logical3A_481 : vector<16xi32>
        %eq3A_483 = vector.broadcast %or3A : i32 to vector<16xi32>
        %eq3A_484 = arith.cmpi eq, %shift_right_logical3A_482, %eq3A_483 : vector<16xi32>
        %shift_right_logical3A_485 = vector.broadcast %scan3A_141 : i32 to vector<16xi32>
        %shift_right_logical3A_486 = arith.shrui %get3A_413, %shift_right_logical3A_485 : vector<16xi32>
        %and3A_487 = arith.constant 255 : i32
        %and3A_488 = vector.broadcast %and3A_487 : i32 to vector<16xi32>
        %and3A_489 = arith.andi %shift_right_logical3A_486, %and3A_488 : vector<16xi32>
        %add3A_490 = arith.addi %mul3A_3, %and3A_489 : vector<16xi32>
        %add3A_491 = arith.constant 8 : i32
        %add3A_492 = arith.addi %scan3A_141, %add3A_491 : i32
        %shift_right_logical3A_493 = vector.broadcast %add3A_492 : i32 to vector<16xi32>
        %shift_right_logical3A_494 = arith.shrui %get3A_413, %shift_right_logical3A_493 : vector<16xi32>
        %eq3A_495 = vector.broadcast %or3A : i32 to vector<16xi32>
        %eq3A_496 = arith.cmpi eq, %shift_right_logical3A_494, %eq3A_495 : vector<16xi32>
        %shift_right_logical3A_497 = vector.broadcast %scan3A_141 : i32 to vector<16xi32>
        %shift_right_logical3A_498 = arith.shrui %get3A_421, %shift_right_logical3A_497 : vector<16xi32>
        %and3A_499 = arith.constant 255 : i32
        %and3A_500 = vector.broadcast %and3A_499 : i32 to vector<16xi32>
        %and3A_501 = arith.andi %shift_right_logical3A_498, %and3A_500 : vector<16xi32>
        %add3A_502 = arith.addi %mul3A_3, %and3A_501 : vector<16xi32>
        %add3A_503 = arith.constant 8 : i32
        %add3A_504 = arith.addi %scan3A_141, %add3A_503 : i32
        %shift_right_logical3A_505 = vector.broadcast %add3A_504 : i32 to vector<16xi32>
        %shift_right_logical3A_506 = arith.shrui %get3A_421, %shift_right_logical3A_505 : vector<16xi32>
        %eq3A_507 = vector.broadcast %or3A : i32 to vector<16xi32>
        %eq3A_508 = arith.cmpi eq, %shift_right_logical3A_506, %eq3A_507 : vector<16xi32>
        %shift_right_logical3A_509 = vector.broadcast %scan3A_141 : i32 to vector<16xi32>
        %shift_right_logical3A_510 = arith.shrui %get3A_429, %shift_right_logical3A_509 : vector<16xi32>
        %and3A_511 = arith.constant 255 : i32
        %and3A_512 = vector.broadcast %and3A_511 : i32 to vector<16xi32>
        %and3A_513 = arith.andi %shift_right_logical3A_510, %and3A_512 : vector<16xi32>
        %add3A_514 = arith.addi %mul3A_3, %and3A_513 : vector<16xi32>
        %add3A_515 = arith.constant 8 : i32
        %add3A_516 = arith.addi %scan3A_141, %add3A_515 : i32
        %shift_right_logical3A_517 = vector.broadcast %add3A_516 : i32 to vector<16xi32>
        %shift_right_logical3A_518 = arith.shrui %get3A_429, %shift_right_logical3A_517 : vector<16xi32>
        %eq3A_519 = vector.broadcast %or3A : i32 to vector<16xi32>
        %eq3A_520 = arith.cmpi eq, %shift_right_logical3A_518, %eq3A_519 : vector<16xi32>
        %shift_right_logical3A_521 = vector.broadcast %scan3A_141 : i32 to vector<16xi32>
        %shift_right_logical3A_522 = arith.shrui %get3A_437, %shift_right_logical3A_521 : vector<16xi32>
        %and3A_523 = arith.constant 255 : i32
        %and3A_524 = vector.broadcast %and3A_523 : i32 to vector<16xi32>
        %and3A_525 = arith.andi %shift_right_logical3A_522, %and3A_524 : vector<16xi32>
        %add3A_526 = arith.addi %mul3A_3, %and3A_525 : vector<16xi32>
        %add3A_527 = arith.constant 8 : i32
        %add3A_528 = arith.addi %scan3A_141, %add3A_527 : i32
        %shift_right_logical3A_529 = vector.broadcast %add3A_528 : i32 to vector<16xi32>
        %shift_right_logical3A_530 = arith.shrui %get3A_437, %shift_right_logical3A_529 : vector<16xi32>
        %eq3A_531 = vector.broadcast %or3A : i32 to vector<16xi32>
        %eq3A_532 = arith.cmpi eq, %shift_right_logical3A_530, %eq3A_531 : vector<16xi32>
        tpu.vector_store_idx %arg10[%add3A_442], %broadcast_in_dim3A_4 masked %eq3A_448 {add = true} : memref<4224xi32, #tpu.memory_space<vmem>>[vector<16xi32>], vector<16xi32>, vector<16xi1>
        tpu.vector_store_idx %arg10[%add3A_454], %broadcast_in_dim3A_4 masked %eq3A_460 {add = true} : memref<4224xi32, #tpu.memory_space<vmem>>[vector<16xi32>], vector<16xi32>, vector<16xi1>
        tpu.vector_store_idx %arg10[%add3A_466], %broadcast_in_dim3A_4 masked %eq3A_472 {add = true} : memref<4224xi32, #tpu.memory_space<vmem>>[vector<16xi32>], vector<16xi32>, vector<16xi1>
        tpu.vector_store_idx %arg10[%add3A_478], %broadcast_in_dim3A_4 masked %eq3A_484 {add = true} : memref<4224xi32, #tpu.memory_space<vmem>>[vector<16xi32>], vector<16xi32>, vector<16xi1>
        tpu.vector_store_idx %arg10[%add3A_490], %broadcast_in_dim3A_4 masked %eq3A_496 {add = true} : memref<4224xi32, #tpu.memory_space<vmem>>[vector<16xi32>], vector<16xi32>, vector<16xi1>
        tpu.vector_store_idx %arg10[%add3A_502], %broadcast_in_dim3A_4 masked %eq3A_508 {add = true} : memref<4224xi32, #tpu.memory_space<vmem>>[vector<16xi32>], vector<16xi32>, vector<16xi1>
        tpu.vector_store_idx %arg10[%add3A_514], %broadcast_in_dim3A_4 masked %eq3A_520 {add = true} : memref<4224xi32, #tpu.memory_space<vmem>>[vector<16xi32>], vector<16xi32>, vector<16xi1>
        tpu.vector_store_idx %arg10[%add3A_526], %broadcast_in_dim3A_4 masked %eq3A_532 {add = true} : memref<4224xi32, #tpu.memory_space<vmem>>[vector<16xi32>], vector<16xi32>, vector<16xi1>
        %scan3A_533 = arith.constant 0 : i32
        scf.yield %scan3A_533 : i32
      }
      %scan3A_148 = arith.constant 64 : i32
      %sub3A_149 = arith.subi %add3A_57, %add3A_139 : i32
      %iota3A_150 = tpu.iota {dimensions = array<i32: 0>} : vector<16xi32>
      %broadcast_in_dim3A_151 = arith.constant 0 : i32
      %broadcast_in_dim3A_152 = vector.broadcast %broadcast_in_dim3A_151 : i32 to vector<16xi32>
      %broadcast_in_dim3A_153 = arith.constant 2147483647 : i32
      %broadcast_in_dim3A_154 = vector.broadcast %broadcast_in_dim3A_153 : i32 to vector<16xi32>
      %broadcast_in_dim3A_155 = arith.constant 2147483647 : i32
      %broadcast_in_dim3A_156 = vector.broadcast %broadcast_in_dim3A_155 : i32 to vector<16xi32>
      %scan3A_157 = arith.constant 0 : i32
      %scan3A_158 = arith.constant 0 : i32
      %scan3A_159 = arith.constant 16 : i32
      %scan3A_160 = arith.addi %scan3A_158, %scan3A_159 : i32
      %scan3A_161 = arith.constant 1 : i32
      %scan3A_162:3 = scf.for %scan3A_373 = %scan3A_158 to %scan3A_160 step %scan3A_161 iter_args(%scan3A_374 = %broadcast_in_dim3A_154, %scan3A_375 = %broadcast_in_dim3A_156, %scan3A_376 = %scan3A_157) -> (vector<16xi32>, vector<16xi32>, i32)  : i32 {
        %mul3A_377 = arith.constant 16 : i32
        %mul3A_378 = arith.muli %scan3A_373, %mul3A_377 : i32
        %add3A_379 = arith.constant 0 : i32
        %add3A_380 = arith.addi %add3A_379, %mul3A_378 : i32
        %get3A = arith.index_cast %add3A_380 : i32 to index
        %get3A_381 = tpu.vector_load %arg10[%get3A] {strides = array<i32>} : memref<4224xi32, #tpu.memory_space<vmem>>, vector<16xi32>,
        %add3A_382 = arith.addi %broadcast_in_dim3A_152, %get3A_381 : vector<16xi32>
        %swap3A = arith.index_cast %add3A_380 : i32 to index
        %swap3A_383 = tpu.vector_load %arg10[%swap3A] {strides = array<i32>} : memref<4224xi32, #tpu.memory_space<vmem>>, vector<16xi32>,
        tpu.vector_store %arg10[%swap3A], %broadcast_in_dim3A_152 {strides = array<i32>} : memref<4224xi32, #tpu.memory_space<vmem>>, vector<16xi32>,
        %mul3A_384 = arith.constant 16 : i32
        %mul3A_385 = arith.muli %scan3A_373, %mul3A_384 : i32
        %add3A_386 = arith.constant 257 : i32
        %add3A_387 = arith.addi %add3A_386, %mul3A_385 : i32
        %get3A_388 = arith.index_cast %add3A_387 : i32 to index
        %get3A_389 = tpu.vector_load %arg10[%get3A_388] {strides = array<i32>} : memref<4224xi32, #tpu.memory_space<vmem>>, vector<16xi32>,
        %add3A_390 = arith.addi %add3A_382, %get3A_389 : vector<16xi32>
        %swap3A_391 = arith.index_cast %add3A_387 : i32 to index
        %swap3A_392 = tpu.vector_load %arg10[%swap3A_391] {strides = array<i32>} : memref<4224xi32, #tpu.memory_space<vmem>>, vector<16xi32>,
        tpu.vector_store %arg10[%swap3A_391], %broadcast_in_dim3A_152 {strides = array<i32>} : memref<4224xi32, #tpu.memory_space<vmem>>, vector<16xi32>,
        %mul3A_393 = arith.constant 16 : i32
        %mul3A_394 = arith.muli %scan3A_373, %mul3A_393 : i32
        %add3A_395 = arith.constant 514 : i32
        %add3A_396 = arith.addi %add3A_395, %mul3A_394 : i32
        %get3A_397 = arith.index_cast %add3A_396 : i32 to index
        %get3A_398 = tpu.vector_load %arg10[%get3A_397] {strides = array<i32>} : memref<4224xi32, #tpu.memory_space<vmem>>, vector<16xi32>,
        %add3A_399 = arith.addi %add3A_390, %get3A_398 : vector<16xi32>
        %swap3A_400 = arith.index_cast %add3A_396 : i32 to index
        %swap3A_401 = tpu.vector_load %arg10[%swap3A_400] {strides = array<i32>} : memref<4224xi32, #tpu.memory_space<vmem>>, vector<16xi32>,
        tpu.vector_store %arg10[%swap3A_400], %broadcast_in_dim3A_152 {strides = array<i32>} : memref<4224xi32, #tpu.memory_space<vmem>>, vector<16xi32>,
        %mul3A_402 = arith.constant 16 : i32
        %mul3A_403 = arith.muli %scan3A_373, %mul3A_402 : i32
        %add3A_404 = arith.constant 771 : i32
        %add3A_405 = arith.addi %add3A_404, %mul3A_403 : i32
        %get3A_406 = arith.index_cast %add3A_405 : i32 to index
        %get3A_407 = tpu.vector_load %arg10[%get3A_406] {strides = array<i32>} : memref<4224xi32, #tpu.memory_space<vmem>>, vector<16xi32>,
        %add3A_408 = arith.addi %add3A_399, %get3A_407 : vector<16xi32>
        %swap3A_409 = arith.index_cast %add3A_405 : i32 to index
        %swap3A_410 = tpu.vector_load %arg10[%swap3A_409] {strides = array<i32>} : memref<4224xi32, #tpu.memory_space<vmem>>, vector<16xi32>,
        tpu.vector_store %arg10[%swap3A_409], %broadcast_in_dim3A_152 {strides = array<i32>} : memref<4224xi32, #tpu.memory_space<vmem>>, vector<16xi32>,
        %mul3A_411 = arith.constant 16 : i32
        %mul3A_412 = arith.muli %scan3A_373, %mul3A_411 : i32
        %add3A_413 = arith.constant 1028 : i32
        %add3A_414 = arith.addi %add3A_413, %mul3A_412 : i32
        %get3A_415 = arith.index_cast %add3A_414 : i32 to index
        %get3A_416 = tpu.vector_load %arg10[%get3A_415] {strides = array<i32>} : memref<4224xi32, #tpu.memory_space<vmem>>, vector<16xi32>,
        %add3A_417 = arith.addi %add3A_408, %get3A_416 : vector<16xi32>
        %swap3A_418 = arith.index_cast %add3A_414 : i32 to index
        %swap3A_419 = tpu.vector_load %arg10[%swap3A_418] {strides = array<i32>} : memref<4224xi32, #tpu.memory_space<vmem>>, vector<16xi32>,
        tpu.vector_store %arg10[%swap3A_418], %broadcast_in_dim3A_152 {strides = array<i32>} : memref<4224xi32, #tpu.memory_space<vmem>>, vector<16xi32>,
        %mul3A_420 = arith.constant 16 : i32
        %mul3A_421 = arith.muli %scan3A_373, %mul3A_420 : i32
        %add3A_422 = arith.constant 1285 : i32
        %add3A_423 = arith.addi %add3A_422, %mul3A_421 : i32
        %get3A_424 = arith.index_cast %add3A_423 : i32 to index
        %get3A_425 = tpu.vector_load %arg10[%get3A_424] {strides = array<i32>} : memref<4224xi32, #tpu.memory_space<vmem>>, vector<16xi32>,
        %add3A_426 = arith.addi %add3A_417, %get3A_425 : vector<16xi32>
        %swap3A_427 = arith.index_cast %add3A_423 : i32 to index
        %swap3A_428 = tpu.vector_load %arg10[%swap3A_427] {strides = array<i32>} : memref<4224xi32, #tpu.memory_space<vmem>>, vector<16xi32>,
        tpu.vector_store %arg10[%swap3A_427], %broadcast_in_dim3A_152 {strides = array<i32>} : memref<4224xi32, #tpu.memory_space<vmem>>, vector<16xi32>,
        %mul3A_429 = arith.constant 16 : i32
        %mul3A_430 = arith.muli %scan3A_373, %mul3A_429 : i32
        %add3A_431 = arith.constant 1542 : i32
        %add3A_432 = arith.addi %add3A_431, %mul3A_430 : i32
        %get3A_433 = arith.index_cast %add3A_432 : i32 to index
        %get3A_434 = tpu.vector_load %arg10[%get3A_433] {strides = array<i32>} : memref<4224xi32, #tpu.memory_space<vmem>>, vector<16xi32>,
        %add3A_435 = arith.addi %add3A_426, %get3A_434 : vector<16xi32>
        %swap3A_436 = arith.index_cast %add3A_432 : i32 to index
        %swap3A_437 = tpu.vector_load %arg10[%swap3A_436] {strides = array<i32>} : memref<4224xi32, #tpu.memory_space<vmem>>, vector<16xi32>,
        tpu.vector_store %arg10[%swap3A_436], %broadcast_in_dim3A_152 {strides = array<i32>} : memref<4224xi32, #tpu.memory_space<vmem>>, vector<16xi32>,
        %mul3A_438 = arith.constant 16 : i32
        %mul3A_439 = arith.muli %scan3A_373, %mul3A_438 : i32
        %add3A_440 = arith.constant 1799 : i32
        %add3A_441 = arith.addi %add3A_440, %mul3A_439 : i32
        %get3A_442 = arith.index_cast %add3A_441 : i32 to index
        %get3A_443 = tpu.vector_load %arg10[%get3A_442] {strides = array<i32>} : memref<4224xi32, #tpu.memory_space<vmem>>, vector<16xi32>,
        %add3A_444 = arith.addi %add3A_435, %get3A_443 : vector<16xi32>
        %swap3A_445 = arith.index_cast %add3A_441 : i32 to index
        %swap3A_446 = tpu.vector_load %arg10[%swap3A_445] {strides = array<i32>} : memref<4224xi32, #tpu.memory_space<vmem>>, vector<16xi32>,
        tpu.vector_store %arg10[%swap3A_445], %broadcast_in_dim3A_152 {strides = array<i32>} : memref<4224xi32, #tpu.memory_space<vmem>>, vector<16xi32>,
        %mul3A_447 = arith.constant 16 : i32
        %mul3A_448 = arith.muli %scan3A_373, %mul3A_447 : i32
        %add3A_449 = arith.constant 2056 : i32
        %add3A_450 = arith.addi %add3A_449, %mul3A_448 : i32
        %get3A_451 = arith.index_cast %add3A_450 : i32 to index
        %get3A_452 = tpu.vector_load %arg10[%get3A_451] {strides = array<i32>} : memref<4224xi32, #tpu.memory_space<vmem>>, vector<16xi32>,
        %add3A_453 = arith.addi %add3A_444, %get3A_452 : vector<16xi32>
        %swap3A_454 = arith.index_cast %add3A_450 : i32 to index
        %swap3A_455 = tpu.vector_load %arg10[%swap3A_454] {strides = array<i32>} : memref<4224xi32, #tpu.memory_space<vmem>>, vector<16xi32>,
        tpu.vector_store %arg10[%swap3A_454], %broadcast_in_dim3A_152 {strides = array<i32>} : memref<4224xi32, #tpu.memory_space<vmem>>, vector<16xi32>,
        %mul3A_456 = arith.constant 16 : i32
        %mul3A_457 = arith.muli %scan3A_373, %mul3A_456 : i32
        %add3A_458 = arith.constant 2313 : i32
        %add3A_459 = arith.addi %add3A_458, %mul3A_457 : i32
        %get3A_460 = arith.index_cast %add3A_459 : i32 to index
        %get3A_461 = tpu.vector_load %arg10[%get3A_460] {strides = array<i32>} : memref<4224xi32, #tpu.memory_space<vmem>>, vector<16xi32>,
        %add3A_462 = arith.addi %add3A_453, %get3A_461 : vector<16xi32>
        %swap3A_463 = arith.index_cast %add3A_459 : i32 to index
        %swap3A_464 = tpu.vector_load %arg10[%swap3A_463] {strides = array<i32>} : memref<4224xi32, #tpu.memory_space<vmem>>, vector<16xi32>,
        tpu.vector_store %arg10[%swap3A_463], %broadcast_in_dim3A_152 {strides = array<i32>} : memref<4224xi32, #tpu.memory_space<vmem>>, vector<16xi32>,
        %mul3A_465 = arith.constant 16 : i32
        %mul3A_466 = arith.muli %scan3A_373, %mul3A_465 : i32
        %add3A_467 = arith.constant 2570 : i32
        %add3A_468 = arith.addi %add3A_467, %mul3A_466 : i32
        %get3A_469 = arith.index_cast %add3A_468 : i32 to index
        %get3A_470 = tpu.vector_load %arg10[%get3A_469] {strides = array<i32>} : memref<4224xi32, #tpu.memory_space<vmem>>, vector<16xi32>,
        %add3A_471 = arith.addi %add3A_462, %get3A_470 : vector<16xi32>
        %swap3A_472 = arith.index_cast %add3A_468 : i32 to index
        %swap3A_473 = tpu.vector_load %arg10[%swap3A_472] {strides = array<i32>} : memref<4224xi32, #tpu.memory_space<vmem>>, vector<16xi32>,
        tpu.vector_store %arg10[%swap3A_472], %broadcast_in_dim3A_152 {strides = array<i32>} : memref<4224xi32, #tpu.memory_space<vmem>>, vector<16xi32>,
        %mul3A_474 = arith.constant 16 : i32
        %mul3A_475 = arith.muli %scan3A_373, %mul3A_474 : i32
        %add3A_476 = arith.constant 2827 : i32
        %add3A_477 = arith.addi %add3A_476, %mul3A_475 : i32
        %get3A_478 = arith.index_cast %add3A_477 : i32 to index
        %get3A_479 = tpu.vector_load %arg10[%get3A_478] {strides = array<i32>} : memref<4224xi32, #tpu.memory_space<vmem>>, vector<16xi32>,
        %add3A_480 = arith.addi %add3A_471, %get3A_479 : vector<16xi32>
        %swap3A_481 = arith.index_cast %add3A_477 : i32 to index
        %swap3A_482 = tpu.vector_load %arg10[%swap3A_481] {strides = array<i32>} : memref<4224xi32, #tpu.memory_space<vmem>>, vector<16xi32>,
        tpu.vector_store %arg10[%swap3A_481], %broadcast_in_dim3A_152 {strides = array<i32>} : memref<4224xi32, #tpu.memory_space<vmem>>, vector<16xi32>,
        %mul3A_483 = arith.constant 16 : i32
        %mul3A_484 = arith.muli %scan3A_373, %mul3A_483 : i32
        %add3A_485 = arith.constant 3084 : i32
        %add3A_486 = arith.addi %add3A_485, %mul3A_484 : i32
        %get3A_487 = arith.index_cast %add3A_486 : i32 to index
        %get3A_488 = tpu.vector_load %arg10[%get3A_487] {strides = array<i32>} : memref<4224xi32, #tpu.memory_space<vmem>>, vector<16xi32>,
        %add3A_489 = arith.addi %add3A_480, %get3A_488 : vector<16xi32>
        %swap3A_490 = arith.index_cast %add3A_486 : i32 to index
        %swap3A_491 = tpu.vector_load %arg10[%swap3A_490] {strides = array<i32>} : memref<4224xi32, #tpu.memory_space<vmem>>, vector<16xi32>,
        tpu.vector_store %arg10[%swap3A_490], %broadcast_in_dim3A_152 {strides = array<i32>} : memref<4224xi32, #tpu.memory_space<vmem>>, vector<16xi32>,
        %mul3A_492 = arith.constant 16 : i32
        %mul3A_493 = arith.muli %scan3A_373, %mul3A_492 : i32
        %add3A_494 = arith.constant 3341 : i32
        %add3A_495 = arith.addi %add3A_494, %mul3A_493 : i32
        %get3A_496 = arith.index_cast %add3A_495 : i32 to index
        %get3A_497 = tpu.vector_load %arg10[%get3A_496] {strides = array<i32>} : memref<4224xi32, #tpu.memory_space<vmem>>, vector<16xi32>,
        %add3A_498 = arith.addi %add3A_489, %get3A_497 : vector<16xi32>
        %swap3A_499 = arith.index_cast %add3A_495 : i32 to index
        %swap3A_500 = tpu.vector_load %arg10[%swap3A_499] {strides = array<i32>} : memref<4224xi32, #tpu.memory_space<vmem>>, vector<16xi32>,
        tpu.vector_store %arg10[%swap3A_499], %broadcast_in_dim3A_152 {strides = array<i32>} : memref<4224xi32, #tpu.memory_space<vmem>>, vector<16xi32>,
        %mul3A_501 = arith.constant 16 : i32
        %mul3A_502 = arith.muli %scan3A_373, %mul3A_501 : i32
        %add3A_503 = arith.constant 3598 : i32
        %add3A_504 = arith.addi %add3A_503, %mul3A_502 : i32
        %get3A_505 = arith.index_cast %add3A_504 : i32 to index
        %get3A_506 = tpu.vector_load %arg10[%get3A_505] {strides = array<i32>} : memref<4224xi32, #tpu.memory_space<vmem>>, vector<16xi32>,
        %add3A_507 = arith.addi %add3A_498, %get3A_506 : vector<16xi32>
        %swap3A_508 = arith.index_cast %add3A_504 : i32 to index
        %swap3A_509 = tpu.vector_load %arg10[%swap3A_508] {strides = array<i32>} : memref<4224xi32, #tpu.memory_space<vmem>>, vector<16xi32>,
        tpu.vector_store %arg10[%swap3A_508], %broadcast_in_dim3A_152 {strides = array<i32>} : memref<4224xi32, #tpu.memory_space<vmem>>, vector<16xi32>,
        %mul3A_510 = arith.constant 16 : i32
        %mul3A_511 = arith.muli %scan3A_373, %mul3A_510 : i32
        %add3A_512 = arith.constant 3855 : i32
        %add3A_513 = arith.addi %add3A_512, %mul3A_511 : i32
        %get3A_514 = arith.index_cast %add3A_513 : i32 to index
        %get3A_515 = tpu.vector_load %arg10[%get3A_514] {strides = array<i32>} : memref<4224xi32, #tpu.memory_space<vmem>>, vector<16xi32>,
        %add3A_516 = arith.addi %add3A_507, %get3A_515 : vector<16xi32>
        %swap3A_517 = arith.index_cast %add3A_513 : i32 to index
        %swap3A_518 = tpu.vector_load %arg10[%swap3A_517] {strides = array<i32>} : memref<4224xi32, #tpu.memory_space<vmem>>, vector<16xi32>,
        tpu.vector_store %arg10[%swap3A_517], %broadcast_in_dim3A_152 {strides = array<i32>} : memref<4224xi32, #tpu.memory_space<vmem>>, vector<16xi32>,
        %broadcast_in_dim3A_519 = arith.constant true
        %broadcast_in_dim3A_520 = vector.broadcast %broadcast_in_dim3A_519 : i1 to vector<16xi1>
        %masked_cumsum3A = tpu.scan <sum>, %add3A_516 masked %broadcast_in_dim3A_520 : vector<16xi32>, vector<16xi1> -> vector<16xi32>
        %add3A_521 = vector.broadcast %scan3A_376 : i32 to vector<16xi32>
        %add3A_522 = arith.addi %masked_cumsum3A, %add3A_521 : vector<16xi32>
        %ge3A = vector.broadcast %sub3A_149 : i32 to vector<16xi32>
        %ge3A_523 = arith.cmpi sge, %add3A_522, %ge3A : vector<16xi32>
        %mul3A_524 = arith.constant 16 : i32
        %mul3A_525 = arith.muli %scan3A_373, %mul3A_524 : i32
        %add3A_526 = vector.broadcast %mul3A_525 : i32 to vector<16xi32>
        %add3A_527 = arith.addi %add3A_526, %iota3A_150 : vector<16xi32>
        %shift_left3A_528 = arith.constant 14 : i32
        %shift_left3A_529 = vector.broadcast %shift_left3A_528 : i32 to vector<16xi32>
        %shift_left3A_530 = arith.shli %add3A_527, %shift_left3A_529 : vector<16xi32>
        %sub3A_531 = arith.subi %add3A_522, %add3A_516 : vector<16xi32>
        %or3A_532 = arith.ori %shift_left3A_530, %sub3A_531 : vector<16xi32>
        %jit3A_533 = arith.constant 2147483647 : i32
        %broadcast_in_dim3A_534 = vector.broadcast %jit3A_533 : i32 to vector<16xi32>
        %select_n3A_535 = arith.select %ge3A_523, %or3A_532, %broadcast_in_dim3A_534 : vector<16xi1>, vector<16xi32>
        %or3A_536 = arith.ori %shift_left3A_530, %add3A_522 : vector<16xi32>
        %jit3A_537 = arith.constant 2147483647 : i32
        %broadcast_in_dim3A_538 = vector.broadcast %jit3A_537 : i32 to vector<16xi32>
        %select_n3A_539 = arith.select %ge3A_523, %or3A_536, %broadcast_in_dim3A_538 : vector<16xi1>, vector<16xi32>
        %min3A = arith.minsi %scan3A_374, %select_n3A_535 : vector<16xi32>
        %min3A_540 = arith.minsi %scan3A_375, %select_n3A_539 : vector<16xi32>
        %reduce_sum3A_541 = arith.constant true
        %reduce_sum3A_542 = vector.broadcast %reduce_sum3A_541 : i1 to vector<16xi1>
        %reduce_sum3A_543 = tpu.scan <sum>, %add3A_516 masked %reduce_sum3A_542 : vector<16xi32>, vector<16xi1> -> vector<16xi32>
        %reduce_sum3A_544 = vector.extract %reduce_sum3A_543[15] : i32 from vector<16xi32>
        %add3A_545 = arith.addi %scan3A_376, %reduce_sum3A_544 : i32
        scf.yield %min3A, %min3A_540, %add3A_545 : vector<16xi32>, vector<16xi32>, i32
      }
      %scan3A_163 = arith.constant 16 : i32
      %reduce_min3A_164 = arith.constant true
      %reduce_min3A_165 = vector.broadcast %reduce_min3A_164 : i1 to vector<16xi1>
      %reduce_min3A_166 = arith.constant -2147483648 : i32
      %reduce_min3A_167 = vector.broadcast %reduce_min3A_166 : i32 to vector<16xi32>
      %reduce_min3A_168 = arith.xori %scan3A_162#0, %reduce_min3A_167 : vector<16xi32>
      %reduce_min3A_169 = tpu.scan <min>, %reduce_min3A_168 masked %reduce_min3A_165 : vector<16xi32>, vector<16xi1> -> vector<16xi32>
      %reduce_min3A_170 = arith.xori %reduce_min3A_169, %reduce_min3A_167 : vector<16xi32>
      %reduce_min3A_171 = vector.extract %reduce_min3A_170[15] : i32 from vector<16xi32>
      %and3A_172 = arith.constant 16383 : i32
      %and3A_173 = arith.andi %reduce_min3A_171, %and3A_172 : i32
      %reduce_min3A_174 = arith.constant true
      %reduce_min3A_175 = vector.broadcast %reduce_min3A_174 : i1 to vector<16xi1>
      %reduce_min3A_176 = arith.constant -2147483648 : i32
      %reduce_min3A_177 = vector.broadcast %reduce_min3A_176 : i32 to vector<16xi32>
      %reduce_min3A_178 = arith.xori %scan3A_162#1, %reduce_min3A_177 : vector<16xi32>
      %reduce_min3A_179 = tpu.scan <min>, %reduce_min3A_178 masked %reduce_min3A_175 : vector<16xi32>, vector<16xi1> -> vector<16xi32>
      %reduce_min3A_180 = arith.xori %reduce_min3A_179, %reduce_min3A_177 : vector<16xi32>
      %reduce_min3A_181 = vector.extract %reduce_min3A_180[15] : i32 from vector<16xi32>
      %and3A_182 = arith.constant 16383 : i32
      %and3A_183 = arith.andi %reduce_min3A_181, %and3A_182 : i32
      %sub3A_184 = arith.subi %and3A_183, %and3A_173 : i32
      %shift_right_arithmetic3A_185 = arith.constant 14 : i32
      %shift_right_arithmetic3A_186 = arith.shrsi %reduce_min3A_171, %shift_right_arithmetic3A_185 : i32
      %add3A_187 = arith.addi %add3A_139, %and3A_173 : i32
      %shift_left3A_188 = arith.constant 8 : i32
      %shift_left3A_189 = arith.shli %or3A, %shift_left3A_188 : i32
      %or3A_190 = arith.ori %shift_left3A_189, %shift_right_arithmetic3A_186 : i32
      %scan3A_191 = arith.constant 0 : i32
      %scan3A_192 = arith.constant 0 : i32
      %scan3A_193 = arith.constant 0 : i32
      %scan3A_194 = arith.constant 64 : i32
      %scan3A_195 = arith.addi %scan3A_193, %scan3A_194 : i32
      %scan3A_196 = arith.constant 1 : i32
      %scan3A_197 = scf.for %scan3A_373 = %scan3A_193 to %scan3A_195 step %scan3A_196 iter_args(%scan3A_374 = %scan3A_192) -> (i32)  : i32 {
        %mul3A_375 = arith.constant 8 : i32
        %mul3A_376 = arith.muli %scan3A_373, %mul3A_375 : i32
        %add3A_377 = arith.constant 0 : i32
        %add3A_378 = arith.addi %mul3A_376, %add3A_377 : i32
        %mul3A_379 = arith.constant 16 : i32
        %mul3A_380 = arith.muli %add3A_378, %mul3A_379 : i32
        %get3A = arith.index_cast %mul3A_380 : i32 to index
        %get3A_381 = tpu.vector_load %arg9[%get3A] {strides = array<i32>} : memref<8192xi32, #tpu.memory_space<vmem>>, vector<16xi32>,
        %mul3A_382 = arith.constant 8 : i32
        %mul3A_383 = arith.muli %scan3A_373, %mul3A_382 : i32
        %add3A_384 = arith.constant 1 : i32
        %add3A_385 = arith.addi %mul3A_383, %add3A_384 : i32
        %mul3A_386 = arith.constant 16 : i32
        %mul3A_387 = arith.muli %add3A_385, %mul3A_386 : i32
        %get3A_388 = arith.index_cast %mul3A_387 : i32 to index
        %get3A_389 = tpu.vector_load %arg9[%get3A_388] {strides = array<i32>} : memref<8192xi32, #tpu.memory_space<vmem>>, vector<16xi32>,
        %mul3A_390 = arith.constant 8 : i32
        %mul3A_391 = arith.muli %scan3A_373, %mul3A_390 : i32
        %add3A_392 = arith.constant 2 : i32
        %add3A_393 = arith.addi %mul3A_391, %add3A_392 : i32
        %mul3A_394 = arith.constant 16 : i32
        %mul3A_395 = arith.muli %add3A_393, %mul3A_394 : i32
        %get3A_396 = arith.index_cast %mul3A_395 : i32 to index
        %get3A_397 = tpu.vector_load %arg9[%get3A_396] {strides = array<i32>} : memref<8192xi32, #tpu.memory_space<vmem>>, vector<16xi32>,
        %mul3A_398 = arith.constant 8 : i32
        %mul3A_399 = arith.muli %scan3A_373, %mul3A_398 : i32
        %add3A_400 = arith.constant 3 : i32
        %add3A_401 = arith.addi %mul3A_399, %add3A_400 : i32
        %mul3A_402 = arith.constant 16 : i32
        %mul3A_403 = arith.muli %add3A_401, %mul3A_402 : i32
        %get3A_404 = arith.index_cast %mul3A_403 : i32 to index
        %get3A_405 = tpu.vector_load %arg9[%get3A_404] {strides = array<i32>} : memref<8192xi32, #tpu.memory_space<vmem>>, vector<16xi32>,
        %mul3A_406 = arith.constant 8 : i32
        %mul3A_407 = arith.muli %scan3A_373, %mul3A_406 : i32
        %add3A_408 = arith.constant 4 : i32
        %add3A_409 = arith.addi %mul3A_407, %add3A_408 : i32
        %mul3A_410 = arith.constant 16 : i32
        %mul3A_411 = arith.muli %add3A_409, %mul3A_410 : i32
        %get3A_412 = arith.index_cast %mul3A_411 : i32 to index
        %get3A_413 = tpu.vector_load %arg9[%get3A_412] {strides = array<i32>} : memref<8192xi32, #tpu.memory_space<vmem>>, vector<16xi32>,
        %mul3A_414 = arith.constant 8 : i32
        %mul3A_415 = arith.muli %scan3A_373, %mul3A_414 : i32
        %add3A_416 = arith.constant 5 : i32
        %add3A_417 = arith.addi %mul3A_415, %add3A_416 : i32
        %mul3A_418 = arith.constant 16 : i32
        %mul3A_419 = arith.muli %add3A_417, %mul3A_418 : i32
        %get3A_420 = arith.index_cast %mul3A_419 : i32 to index
        %get3A_421 = tpu.vector_load %arg9[%get3A_420] {strides = array<i32>} : memref<8192xi32, #tpu.memory_space<vmem>>, vector<16xi32>,
        %mul3A_422 = arith.constant 8 : i32
        %mul3A_423 = arith.muli %scan3A_373, %mul3A_422 : i32
        %add3A_424 = arith.constant 6 : i32
        %add3A_425 = arith.addi %mul3A_423, %add3A_424 : i32
        %mul3A_426 = arith.constant 16 : i32
        %mul3A_427 = arith.muli %add3A_425, %mul3A_426 : i32
        %get3A_428 = arith.index_cast %mul3A_427 : i32 to index
        %get3A_429 = tpu.vector_load %arg9[%get3A_428] {strides = array<i32>} : memref<8192xi32, #tpu.memory_space<vmem>>, vector<16xi32>,
        %mul3A_430 = arith.constant 8 : i32
        %mul3A_431 = arith.muli %scan3A_373, %mul3A_430 : i32
        %add3A_432 = arith.constant 7 : i32
        %add3A_433 = arith.addi %mul3A_431, %add3A_432 : i32
        %mul3A_434 = arith.constant 16 : i32
        %mul3A_435 = arith.muli %add3A_433, %mul3A_434 : i32
        %get3A_436 = arith.index_cast %mul3A_435 : i32 to index
        %get3A_437 = tpu.vector_load %arg9[%get3A_436] {strides = array<i32>} : memref<8192xi32, #tpu.memory_space<vmem>>, vector<16xi32>,
        %shift_right_logical3A = vector.broadcast %scan3A_191 : i32 to vector<16xi32>
        %shift_right_logical3A_438 = arith.shrui %get3A_381, %shift_right_logical3A : vector<16xi32>
        %and3A_439 = arith.constant 255 : i32
        %and3A_440 = vector.broadcast %and3A_439 : i32 to vector<16xi32>
        %and3A_441 = arith.andi %shift_right_logical3A_438, %and3A_440 : vector<16xi32>
        %add3A_442 = arith.addi %mul3A_3, %and3A_441 : vector<16xi32>
        %add3A_443 = arith.constant 8 : i32
        %add3A_444 = arith.addi %scan3A_191, %add3A_443 : i32
        %shift_right_logical3A_445 = vector.broadcast %add3A_444 : i32 to vector<16xi32>
        %shift_right_logical3A_446 = arith.shrui %get3A_381, %shift_right_logical3A_445 : vector<16xi32>
        %eq3A_447 = vector.broadcast %or3A_190 : i32 to vector<16xi32>
        %eq3A_448 = arith.cmpi eq, %shift_right_logical3A_446, %eq3A_447 : vector<16xi32>
        %shift_right_logical3A_449 = vector.broadcast %scan3A_191 : i32 to vector<16xi32>
        %shift_right_logical3A_450 = arith.shrui %get3A_389, %shift_right_logical3A_449 : vector<16xi32>
        %and3A_451 = arith.constant 255 : i32
        %and3A_452 = vector.broadcast %and3A_451 : i32 to vector<16xi32>
        %and3A_453 = arith.andi %shift_right_logical3A_450, %and3A_452 : vector<16xi32>
        %add3A_454 = arith.addi %mul3A_3, %and3A_453 : vector<16xi32>
        %add3A_455 = arith.constant 8 : i32
        %add3A_456 = arith.addi %scan3A_191, %add3A_455 : i32
        %shift_right_logical3A_457 = vector.broadcast %add3A_456 : i32 to vector<16xi32>
        %shift_right_logical3A_458 = arith.shrui %get3A_389, %shift_right_logical3A_457 : vector<16xi32>
        %eq3A_459 = vector.broadcast %or3A_190 : i32 to vector<16xi32>
        %eq3A_460 = arith.cmpi eq, %shift_right_logical3A_458, %eq3A_459 : vector<16xi32>
        %shift_right_logical3A_461 = vector.broadcast %scan3A_191 : i32 to vector<16xi32>
        %shift_right_logical3A_462 = arith.shrui %get3A_397, %shift_right_logical3A_461 : vector<16xi32>
        %and3A_463 = arith.constant 255 : i32
        %and3A_464 = vector.broadcast %and3A_463 : i32 to vector<16xi32>
        %and3A_465 = arith.andi %shift_right_logical3A_462, %and3A_464 : vector<16xi32>
        %add3A_466 = arith.addi %mul3A_3, %and3A_465 : vector<16xi32>
        %add3A_467 = arith.constant 8 : i32
        %add3A_468 = arith.addi %scan3A_191, %add3A_467 : i32
        %shift_right_logical3A_469 = vector.broadcast %add3A_468 : i32 to vector<16xi32>
        %shift_right_logical3A_470 = arith.shrui %get3A_397, %shift_right_logical3A_469 : vector<16xi32>
        %eq3A_471 = vector.broadcast %or3A_190 : i32 to vector<16xi32>
        %eq3A_472 = arith.cmpi eq, %shift_right_logical3A_470, %eq3A_471 : vector<16xi32>
        %shift_right_logical3A_473 = vector.broadcast %scan3A_191 : i32 to vector<16xi32>
        %shift_right_logical3A_474 = arith.shrui %get3A_405, %shift_right_logical3A_473 : vector<16xi32>
        %and3A_475 = arith.constant 255 : i32
        %and3A_476 = vector.broadcast %and3A_475 : i32 to vector<16xi32>
        %and3A_477 = arith.andi %shift_right_logical3A_474, %and3A_476 : vector<16xi32>
        %add3A_478 = arith.addi %mul3A_3, %and3A_477 : vector<16xi32>
        %add3A_479 = arith.constant 8 : i32
        %add3A_480 = arith.addi %scan3A_191, %add3A_479 : i32
        %shift_right_logical3A_481 = vector.broadcast %add3A_480 : i32 to vector<16xi32>
        %shift_right_logical3A_482 = arith.shrui %get3A_405, %shift_right_logical3A_481 : vector<16xi32>
        %eq3A_483 = vector.broadcast %or3A_190 : i32 to vector<16xi32>
        %eq3A_484 = arith.cmpi eq, %shift_right_logical3A_482, %eq3A_483 : vector<16xi32>
        %shift_right_logical3A_485 = vector.broadcast %scan3A_191 : i32 to vector<16xi32>
        %shift_right_logical3A_486 = arith.shrui %get3A_413, %shift_right_logical3A_485 : vector<16xi32>
        %and3A_487 = arith.constant 255 : i32
        %and3A_488 = vector.broadcast %and3A_487 : i32 to vector<16xi32>
        %and3A_489 = arith.andi %shift_right_logical3A_486, %and3A_488 : vector<16xi32>
        %add3A_490 = arith.addi %mul3A_3, %and3A_489 : vector<16xi32>
        %add3A_491 = arith.constant 8 : i32
        %add3A_492 = arith.addi %scan3A_191, %add3A_491 : i32
        %shift_right_logical3A_493 = vector.broadcast %add3A_492 : i32 to vector<16xi32>
        %shift_right_logical3A_494 = arith.shrui %get3A_413, %shift_right_logical3A_493 : vector<16xi32>
        %eq3A_495 = vector.broadcast %or3A_190 : i32 to vector<16xi32>
        %eq3A_496 = arith.cmpi eq, %shift_right_logical3A_494, %eq3A_495 : vector<16xi32>
        %shift_right_logical3A_497 = vector.broadcast %scan3A_191 : i32 to vector<16xi32>
        %shift_right_logical3A_498 = arith.shrui %get3A_421, %shift_right_logical3A_497 : vector<16xi32>
        %and3A_499 = arith.constant 255 : i32
        %and3A_500 = vector.broadcast %and3A_499 : i32 to vector<16xi32>
        %and3A_501 = arith.andi %shift_right_logical3A_498, %and3A_500 : vector<16xi32>
        %add3A_502 = arith.addi %mul3A_3, %and3A_501 : vector<16xi32>
        %add3A_503 = arith.constant 8 : i32
        %add3A_504 = arith.addi %scan3A_191, %add3A_503 : i32
        %shift_right_logical3A_505 = vector.broadcast %add3A_504 : i32 to vector<16xi32>
        %shift_right_logical3A_506 = arith.shrui %get3A_421, %shift_right_logical3A_505 : vector<16xi32>
        %eq3A_507 = vector.broadcast %or3A_190 : i32 to vector<16xi32>
        %eq3A_508 = arith.cmpi eq, %shift_right_logical3A_506, %eq3A_507 : vector<16xi32>
        %shift_right_logical3A_509 = vector.broadcast %scan3A_191 : i32 to vector<16xi32>
        %shift_right_logical3A_510 = arith.shrui %get3A_429, %shift_right_logical3A_509 : vector<16xi32>
        %and3A_511 = arith.constant 255 : i32
        %and3A_512 = vector.broadcast %and3A_511 : i32 to vector<16xi32>
        %and3A_513 = arith.andi %shift_right_logical3A_510, %and3A_512 : vector<16xi32>
        %add3A_514 = arith.addi %mul3A_3, %and3A_513 : vector<16xi32>
        %add3A_515 = arith.constant 8 : i32
        %add3A_516 = arith.addi %scan3A_191, %add3A_515 : i32
        %shift_right_logical3A_517 = vector.broadcast %add3A_516 : i32 to vector<16xi32>
        %shift_right_logical3A_518 = arith.shrui %get3A_429, %shift_right_logical3A_517 : vector<16xi32>
        %eq3A_519 = vector.broadcast %or3A_190 : i32 to vector<16xi32>
        %eq3A_520 = arith.cmpi eq, %shift_right_logical3A_518, %eq3A_519 : vector<16xi32>
        %shift_right_logical3A_521 = vector.broadcast %scan3A_191 : i32 to vector<16xi32>
        %shift_right_logical3A_522 = arith.shrui %get3A_437, %shift_right_logical3A_521 : vector<16xi32>
        %and3A_523 = arith.constant 255 : i32
        %and3A_524 = vector.broadcast %and3A_523 : i32 to vector<16xi32>
        %and3A_525 = arith.andi %shift_right_logical3A_522, %and3A_524 : vector<16xi32>
        %add3A_526 = arith.addi %mul3A_3, %and3A_525 : vector<16xi32>
        %add3A_527 = arith.constant 8 : i32
        %add3A_528 = arith.addi %scan3A_191, %add3A_527 : i32
        %shift_right_logical3A_529 = vector.broadcast %add3A_528 : i32 to vector<16xi32>
        %shift_right_logical3A_530 = arith.shrui %get3A_437, %shift_right_logical3A_529 : vector<16xi32>
        %eq3A_531 = vector.broadcast %or3A_190 : i32 to vector<16xi32>
        %eq3A_532 = arith.cmpi eq, %shift_right_logical3A_530, %eq3A_531 : vector<16xi32>
        tpu.vector_store_idx %arg10[%add3A_442], %broadcast_in_dim3A_4 masked %eq3A_448 {add = true} : memref<4224xi32, #tpu.memory_space<vmem>>[vector<16xi32>], vector<16xi32>, vector<16xi1>
        tpu.vector_store_idx %arg10[%add3A_454], %broadcast_in_dim3A_4 masked %eq3A_460 {add = true} : memref<4224xi32, #tpu.memory_space<vmem>>[vector<16xi32>], vector<16xi32>, vector<16xi1>
        tpu.vector_store_idx %arg10[%add3A_466], %broadcast_in_dim3A_4 masked %eq3A_472 {add = true} : memref<4224xi32, #tpu.memory_space<vmem>>[vector<16xi32>], vector<16xi32>, vector<16xi1>
        tpu.vector_store_idx %arg10[%add3A_478], %broadcast_in_dim3A_4 masked %eq3A_484 {add = true} : memref<4224xi32, #tpu.memory_space<vmem>>[vector<16xi32>], vector<16xi32>, vector<16xi1>
        tpu.vector_store_idx %arg10[%add3A_490], %broadcast_in_dim3A_4 masked %eq3A_496 {add = true} : memref<4224xi32, #tpu.memory_space<vmem>>[vector<16xi32>], vector<16xi32>, vector<16xi1>
        tpu.vector_store_idx %arg10[%add3A_502], %broadcast_in_dim3A_4 masked %eq3A_508 {add = true} : memref<4224xi32, #tpu.memory_space<vmem>>[vector<16xi32>], vector<16xi32>, vector<16xi1>
        tpu.vector_store_idx %arg10[%add3A_514], %broadcast_in_dim3A_4 masked %eq3A_520 {add = true} : memref<4224xi32, #tpu.memory_space<vmem>>[vector<16xi32>], vector<16xi32>, vector<16xi1>
        tpu.vector_store_idx %arg10[%add3A_526], %broadcast_in_dim3A_4 masked %eq3A_532 {add = true} : memref<4224xi32, #tpu.memory_space<vmem>>[vector<16xi32>], vector<16xi32>, vector<16xi1>
        %scan3A_533 = arith.constant 0 : i32
        scf.yield %scan3A_533 : i32
      }
      %scan3A_198 = arith.constant 64 : i32
      %sub3A_199 = arith.subi %add3A_57, %add3A_187 : i32
      %iota3A_200 = tpu.iota {dimensions = array<i32: 0>} : vector<16xi32>
      %broadcast_in_dim3A_201 = arith.constant 0 : i32
      %broadcast_in_dim3A_202 = vector.broadcast %broadcast_in_dim3A_201 : i32 to vector<16xi32>
      %broadcast_in_dim3A_203 = arith.constant 2147483647 : i32
      %broadcast_in_dim3A_204 = vector.broadcast %broadcast_in_dim3A_203 : i32 to vector<16xi32>
      %broadcast_in_dim3A_205 = arith.constant 2147483647 : i32
      %broadcast_in_dim3A_206 = vector.broadcast %broadcast_in_dim3A_205 : i32 to vector<16xi32>
      %scan3A_207 = arith.constant 0 : i32
      %scan3A_208 = arith.constant 0 : i32
      %scan3A_209 = arith.constant 16 : i32
      %scan3A_210 = arith.addi %scan3A_208, %scan3A_209 : i32
      %scan3A_211 = arith.constant 1 : i32
      %scan3A_212:3 = scf.for %scan3A_373 = %scan3A_208 to %scan3A_210 step %scan3A_211 iter_args(%scan3A_374 = %broadcast_in_dim3A_204, %scan3A_375 = %broadcast_in_dim3A_206, %scan3A_376 = %scan3A_207) -> (vector<16xi32>, vector<16xi32>, i32)  : i32 {
        %mul3A_377 = arith.constant 16 : i32
        %mul3A_378 = arith.muli %scan3A_373, %mul3A_377 : i32
        %add3A_379 = arith.constant 0 : i32
        %add3A_380 = arith.addi %add3A_379, %mul3A_378 : i32
        %get3A = arith.index_cast %add3A_380 : i32 to index
        %get3A_381 = tpu.vector_load %arg10[%get3A] {strides = array<i32>} : memref<4224xi32, #tpu.memory_space<vmem>>, vector<16xi32>,
        %add3A_382 = arith.addi %broadcast_in_dim3A_202, %get3A_381 : vector<16xi32>
        %swap3A = arith.index_cast %add3A_380 : i32 to index
        %swap3A_383 = tpu.vector_load %arg10[%swap3A] {strides = array<i32>} : memref<4224xi32, #tpu.memory_space<vmem>>, vector<16xi32>,
        tpu.vector_store %arg10[%swap3A], %broadcast_in_dim3A_202 {strides = array<i32>} : memref<4224xi32, #tpu.memory_space<vmem>>, vector<16xi32>,
        %mul3A_384 = arith.constant 16 : i32
        %mul3A_385 = arith.muli %scan3A_373, %mul3A_384 : i32
        %add3A_386 = arith.constant 257 : i32
        %add3A_387 = arith.addi %add3A_386, %mul3A_385 : i32
        %get3A_388 = arith.index_cast %add3A_387 : i32 to index
        %get3A_389 = tpu.vector_load %arg10[%get3A_388] {strides = array<i32>} : memref<4224xi32, #tpu.memory_space<vmem>>, vector<16xi32>,
        %add3A_390 = arith.addi %add3A_382, %get3A_389 : vector<16xi32>
        %swap3A_391 = arith.index_cast %add3A_387 : i32 to index
        %swap3A_392 = tpu.vector_load %arg10[%swap3A_391] {strides = array<i32>} : memref<4224xi32, #tpu.memory_space<vmem>>, vector<16xi32>,
        tpu.vector_store %arg10[%swap3A_391], %broadcast_in_dim3A_202 {strides = array<i32>} : memref<4224xi32, #tpu.memory_space<vmem>>, vector<16xi32>,
        %mul3A_393 = arith.constant 16 : i32
        %mul3A_394 = arith.muli %scan3A_373, %mul3A_393 : i32
        %add3A_395 = arith.constant 514 : i32
        %add3A_396 = arith.addi %add3A_395, %mul3A_394 : i32
        %get3A_397 = arith.index_cast %add3A_396 : i32 to index
        %get3A_398 = tpu.vector_load %arg10[%get3A_397] {strides = array<i32>} : memref<4224xi32, #tpu.memory_space<vmem>>, vector<16xi32>,
        %add3A_399 = arith.addi %add3A_390, %get3A_398 : vector<16xi32>
        %swap3A_400 = arith.index_cast %add3A_396 : i32 to index
        %swap3A_401 = tpu.vector_load %arg10[%swap3A_400] {strides = array<i32>} : memref<4224xi32, #tpu.memory_space<vmem>>, vector<16xi32>,
        tpu.vector_store %arg10[%swap3A_400], %broadcast_in_dim3A_202 {strides = array<i32>} : memref<4224xi32, #tpu.memory_space<vmem>>, vector<16xi32>,
        %mul3A_402 = arith.constant 16 : i32
        %mul3A_403 = arith.muli %scan3A_373, %mul3A_402 : i32
        %add3A_404 = arith.constant 771 : i32
        %add3A_405 = arith.addi %add3A_404, %mul3A_403 : i32
        %get3A_406 = arith.index_cast %add3A_405 : i32 to index
        %get3A_407 = tpu.vector_load %arg10[%get3A_406] {strides = array<i32>} : memref<4224xi32, #tpu.memory_space<vmem>>, vector<16xi32>,
        %add3A_408 = arith.addi %add3A_399, %get3A_407 : vector<16xi32>
        %swap3A_409 = arith.index_cast %add3A_405 : i32 to index
        %swap3A_410 = tpu.vector_load %arg10[%swap3A_409] {strides = array<i32>} : memref<4224xi32, #tpu.memory_space<vmem>>, vector<16xi32>,
        tpu.vector_store %arg10[%swap3A_409], %broadcast_in_dim3A_202 {strides = array<i32>} : memref<4224xi32, #tpu.memory_space<vmem>>, vector<16xi32>,
        %mul3A_411 = arith.constant 16 : i32
        %mul3A_412 = arith.muli %scan3A_373, %mul3A_411 : i32
        %add3A_413 = arith.constant 1028 : i32
        %add3A_414 = arith.addi %add3A_413, %mul3A_412 : i32
        %get3A_415 = arith.index_cast %add3A_414 : i32 to index
        %get3A_416 = tpu.vector_load %arg10[%get3A_415] {strides = array<i32>} : memref<4224xi32, #tpu.memory_space<vmem>>, vector<16xi32>,
        %add3A_417 = arith.addi %add3A_408, %get3A_416 : vector<16xi32>
        %swap3A_418 = arith.index_cast %add3A_414 : i32 to index
        %swap3A_419 = tpu.vector_load %arg10[%swap3A_418] {strides = array<i32>} : memref<4224xi32, #tpu.memory_space<vmem>>, vector<16xi32>,
        tpu.vector_store %arg10[%swap3A_418], %broadcast_in_dim3A_202 {strides = array<i32>} : memref<4224xi32, #tpu.memory_space<vmem>>, vector<16xi32>,
        %mul3A_420 = arith.constant 16 : i32
        %mul3A_421 = arith.muli %scan3A_373, %mul3A_420 : i32
        %add3A_422 = arith.constant 1285 : i32
        %add3A_423 = arith.addi %add3A_422, %mul3A_421 : i32
        %get3A_424 = arith.index_cast %add3A_423 : i32 to index
        %get3A_425 = tpu.vector_load %arg10[%get3A_424] {strides = array<i32>} : memref<4224xi32, #tpu.memory_space<vmem>>, vector<16xi32>,
        %add3A_426 = arith.addi %add3A_417, %get3A_425 : vector<16xi32>
        %swap3A_427 = arith.index_cast %add3A_423 : i32 to index
        %swap3A_428 = tpu.vector_load %arg10[%swap3A_427] {strides = array<i32>} : memref<4224xi32, #tpu.memory_space<vmem>>, vector<16xi32>,
        tpu.vector_store %arg10[%swap3A_427], %broadcast_in_dim3A_202 {strides = array<i32>} : memref<4224xi32, #tpu.memory_space<vmem>>, vector<16xi32>,
        %mul3A_429 = arith.constant 16 : i32
        %mul3A_430 = arith.muli %scan3A_373, %mul3A_429 : i32
        %add3A_431 = arith.constant 1542 : i32
        %add3A_432 = arith.addi %add3A_431, %mul3A_430 : i32
        %get3A_433 = arith.index_cast %add3A_432 : i32 to index
        %get3A_434 = tpu.vector_load %arg10[%get3A_433] {strides = array<i32>} : memref<4224xi32, #tpu.memory_space<vmem>>, vector<16xi32>,
        %add3A_435 = arith.addi %add3A_426, %get3A_434 : vector<16xi32>
        %swap3A_436 = arith.index_cast %add3A_432 : i32 to index
        %swap3A_437 = tpu.vector_load %arg10[%swap3A_436] {strides = array<i32>} : memref<4224xi32, #tpu.memory_space<vmem>>, vector<16xi32>,
        tpu.vector_store %arg10[%swap3A_436], %broadcast_in_dim3A_202 {strides = array<i32>} : memref<4224xi32, #tpu.memory_space<vmem>>, vector<16xi32>,
        %mul3A_438 = arith.constant 16 : i32
        %mul3A_439 = arith.muli %scan3A_373, %mul3A_438 : i32
        %add3A_440 = arith.constant 1799 : i32
        %add3A_441 = arith.addi %add3A_440, %mul3A_439 : i32
        %get3A_442 = arith.index_cast %add3A_441 : i32 to index
        %get3A_443 = tpu.vector_load %arg10[%get3A_442] {strides = array<i32>} : memref<4224xi32, #tpu.memory_space<vmem>>, vector<16xi32>,
        %add3A_444 = arith.addi %add3A_435, %get3A_443 : vector<16xi32>
        %swap3A_445 = arith.index_cast %add3A_441 : i32 to index
        %swap3A_446 = tpu.vector_load %arg10[%swap3A_445] {strides = array<i32>} : memref<4224xi32, #tpu.memory_space<vmem>>, vector<16xi32>,
        tpu.vector_store %arg10[%swap3A_445], %broadcast_in_dim3A_202 {strides = array<i32>} : memref<4224xi32, #tpu.memory_space<vmem>>, vector<16xi32>,
        %mul3A_447 = arith.constant 16 : i32
        %mul3A_448 = arith.muli %scan3A_373, %mul3A_447 : i32
        %add3A_449 = arith.constant 2056 : i32
        %add3A_450 = arith.addi %add3A_449, %mul3A_448 : i32
        %get3A_451 = arith.index_cast %add3A_450 : i32 to index
        %get3A_452 = tpu.vector_load %arg10[%get3A_451] {strides = array<i32>} : memref<4224xi32, #tpu.memory_space<vmem>>, vector<16xi32>,
        %add3A_453 = arith.addi %add3A_444, %get3A_452 : vector<16xi32>
        %swap3A_454 = arith.index_cast %add3A_450 : i32 to index
        %swap3A_455 = tpu.vector_load %arg10[%swap3A_454] {strides = array<i32>} : memref<4224xi32, #tpu.memory_space<vmem>>, vector<16xi32>,
        tpu.vector_store %arg10[%swap3A_454], %broadcast_in_dim3A_202 {strides = array<i32>} : memref<4224xi32, #tpu.memory_space<vmem>>, vector<16xi32>,
        %mul3A_456 = arith.constant 16 : i32
        %mul3A_457 = arith.muli %scan3A_373, %mul3A_456 : i32
        %add3A_458 = arith.constant 2313 : i32
        %add3A_459 = arith.addi %add3A_458, %mul3A_457 : i32
        %get3A_460 = arith.index_cast %add3A_459 : i32 to index
        %get3A_461 = tpu.vector_load %arg10[%get3A_460] {strides = array<i32>} : memref<4224xi32, #tpu.memory_space<vmem>>, vector<16xi32>,
        %add3A_462 = arith.addi %add3A_453, %get3A_461 : vector<16xi32>
        %swap3A_463 = arith.index_cast %add3A_459 : i32 to index
        %swap3A_464 = tpu.vector_load %arg10[%swap3A_463] {strides = array<i32>} : memref<4224xi32, #tpu.memory_space<vmem>>, vector<16xi32>,
        tpu.vector_store %arg10[%swap3A_463], %broadcast_in_dim3A_202 {strides = array<i32>} : memref<4224xi32, #tpu.memory_space<vmem>>, vector<16xi32>,
        %mul3A_465 = arith.constant 16 : i32
        %mul3A_466 = arith.muli %scan3A_373, %mul3A_465 : i32
        %add3A_467 = arith.constant 2570 : i32
        %add3A_468 = arith.addi %add3A_467, %mul3A_466 : i32
        %get3A_469 = arith.index_cast %add3A_468 : i32 to index
        %get3A_470 = tpu.vector_load %arg10[%get3A_469] {strides = array<i32>} : memref<4224xi32, #tpu.memory_space<vmem>>, vector<16xi32>,
        %add3A_471 = arith.addi %add3A_462, %get3A_470 : vector<16xi32>
        %swap3A_472 = arith.index_cast %add3A_468 : i32 to index
        %swap3A_473 = tpu.vector_load %arg10[%swap3A_472] {strides = array<i32>} : memref<4224xi32, #tpu.memory_space<vmem>>, vector<16xi32>,
        tpu.vector_store %arg10[%swap3A_472], %broadcast_in_dim3A_202 {strides = array<i32>} : memref<4224xi32, #tpu.memory_space<vmem>>, vector<16xi32>,
        %mul3A_474 = arith.constant 16 : i32
        %mul3A_475 = arith.muli %scan3A_373, %mul3A_474 : i32
        %add3A_476 = arith.constant 2827 : i32
        %add3A_477 = arith.addi %add3A_476, %mul3A_475 : i32
        %get3A_478 = arith.index_cast %add3A_477 : i32 to index
        %get3A_479 = tpu.vector_load %arg10[%get3A_478] {strides = array<i32>} : memref<4224xi32, #tpu.memory_space<vmem>>, vector<16xi32>,
        %add3A_480 = arith.addi %add3A_471, %get3A_479 : vector<16xi32>
        %swap3A_481 = arith.index_cast %add3A_477 : i32 to index
        %swap3A_482 = tpu.vector_load %arg10[%swap3A_481] {strides = array<i32>} : memref<4224xi32, #tpu.memory_space<vmem>>, vector<16xi32>,
        tpu.vector_store %arg10[%swap3A_481], %broadcast_in_dim3A_202 {strides = array<i32>} : memref<4224xi32, #tpu.memory_space<vmem>>, vector<16xi32>,
        %mul3A_483 = arith.constant 16 : i32
        %mul3A_484 = arith.muli %scan3A_373, %mul3A_483 : i32
        %add3A_485 = arith.constant 3084 : i32
        %add3A_486 = arith.addi %add3A_485, %mul3A_484 : i32
        %get3A_487 = arith.index_cast %add3A_486 : i32 to index
        %get3A_488 = tpu.vector_load %arg10[%get3A_487] {strides = array<i32>} : memref<4224xi32, #tpu.memory_space<vmem>>, vector<16xi32>,
        %add3A_489 = arith.addi %add3A_480, %get3A_488 : vector<16xi32>
        %swap3A_490 = arith.index_cast %add3A_486 : i32 to index
        %swap3A_491 = tpu.vector_load %arg10[%swap3A_490] {strides = array<i32>} : memref<4224xi32, #tpu.memory_space<vmem>>, vector<16xi32>,
        tpu.vector_store %arg10[%swap3A_490], %broadcast_in_dim3A_202 {strides = array<i32>} : memref<4224xi32, #tpu.memory_space<vmem>>, vector<16xi32>,
        %mul3A_492 = arith.constant 16 : i32
        %mul3A_493 = arith.muli %scan3A_373, %mul3A_492 : i32
        %add3A_494 = arith.constant 3341 : i32
        %add3A_495 = arith.addi %add3A_494, %mul3A_493 : i32
        %get3A_496 = arith.index_cast %add3A_495 : i32 to index
        %get3A_497 = tpu.vector_load %arg10[%get3A_496] {strides = array<i32>} : memref<4224xi32, #tpu.memory_space<vmem>>, vector<16xi32>,
        %add3A_498 = arith.addi %add3A_489, %get3A_497 : vector<16xi32>
        %swap3A_499 = arith.index_cast %add3A_495 : i32 to index
        %swap3A_500 = tpu.vector_load %arg10[%swap3A_499] {strides = array<i32>} : memref<4224xi32, #tpu.memory_space<vmem>>, vector<16xi32>,
        tpu.vector_store %arg10[%swap3A_499], %broadcast_in_dim3A_202 {strides = array<i32>} : memref<4224xi32, #tpu.memory_space<vmem>>, vector<16xi32>,
        %mul3A_501 = arith.constant 16 : i32
        %mul3A_502 = arith.muli %scan3A_373, %mul3A_501 : i32
        %add3A_503 = arith.constant 3598 : i32
        %add3A_504 = arith.addi %add3A_503, %mul3A_502 : i32
        %get3A_505 = arith.index_cast %add3A_504 : i32 to index
        %get3A_506 = tpu.vector_load %arg10[%get3A_505] {strides = array<i32>} : memref<4224xi32, #tpu.memory_space<vmem>>, vector<16xi32>,
        %add3A_507 = arith.addi %add3A_498, %get3A_506 : vector<16xi32>
        %swap3A_508 = arith.index_cast %add3A_504 : i32 to index
        %swap3A_509 = tpu.vector_load %arg10[%swap3A_508] {strides = array<i32>} : memref<4224xi32, #tpu.memory_space<vmem>>, vector<16xi32>,
        tpu.vector_store %arg10[%swap3A_508], %broadcast_in_dim3A_202 {strides = array<i32>} : memref<4224xi32, #tpu.memory_space<vmem>>, vector<16xi32>,
        %mul3A_510 = arith.constant 16 : i32
        %mul3A_511 = arith.muli %scan3A_373, %mul3A_510 : i32
        %add3A_512 = arith.constant 3855 : i32
        %add3A_513 = arith.addi %add3A_512, %mul3A_511 : i32
        %get3A_514 = arith.index_cast %add3A_513 : i32 to index
        %get3A_515 = tpu.vector_load %arg10[%get3A_514] {strides = array<i32>} : memref<4224xi32, #tpu.memory_space<vmem>>, vector<16xi32>,
        %add3A_516 = arith.addi %add3A_507, %get3A_515 : vector<16xi32>
        %swap3A_517 = arith.index_cast %add3A_513 : i32 to index
        %swap3A_518 = tpu.vector_load %arg10[%swap3A_517] {strides = array<i32>} : memref<4224xi32, #tpu.memory_space<vmem>>, vector<16xi32>,
        tpu.vector_store %arg10[%swap3A_517], %broadcast_in_dim3A_202 {strides = array<i32>} : memref<4224xi32, #tpu.memory_space<vmem>>, vector<16xi32>,
        %broadcast_in_dim3A_519 = arith.constant true
        %broadcast_in_dim3A_520 = vector.broadcast %broadcast_in_dim3A_519 : i1 to vector<16xi1>
        %masked_cumsum3A = tpu.scan <sum>, %add3A_516 masked %broadcast_in_dim3A_520 : vector<16xi32>, vector<16xi1> -> vector<16xi32>
        %add3A_521 = vector.broadcast %scan3A_376 : i32 to vector<16xi32>
        %add3A_522 = arith.addi %masked_cumsum3A, %add3A_521 : vector<16xi32>
        %ge3A = vector.broadcast %sub3A_199 : i32 to vector<16xi32>
        %ge3A_523 = arith.cmpi sge, %add3A_522, %ge3A : vector<16xi32>
        %mul3A_524 = arith.constant 16 : i32
        %mul3A_525 = arith.muli %scan3A_373, %mul3A_524 : i32
        %add3A_526 = vector.broadcast %mul3A_525 : i32 to vector<16xi32>
        %add3A_527 = arith.addi %add3A_526, %iota3A_200 : vector<16xi32>
        %shift_left3A_528 = arith.constant 14 : i32
        %shift_left3A_529 = vector.broadcast %shift_left3A_528 : i32 to vector<16xi32>
        %shift_left3A_530 = arith.shli %add3A_527, %shift_left3A_529 : vector<16xi32>
        %sub3A_531 = arith.subi %add3A_522, %add3A_516 : vector<16xi32>
        %or3A_532 = arith.ori %shift_left3A_530, %sub3A_531 : vector<16xi32>
        %jit3A_533 = arith.constant 2147483647 : i32
        %broadcast_in_dim3A_534 = vector.broadcast %jit3A_533 : i32 to vector<16xi32>
        %select_n3A_535 = arith.select %ge3A_523, %or3A_532, %broadcast_in_dim3A_534 : vector<16xi1>, vector<16xi32>
        %or3A_536 = arith.ori %shift_left3A_530, %add3A_522 : vector<16xi32>
        %jit3A_537 = arith.constant 2147483647 : i32
        %broadcast_in_dim3A_538 = vector.broadcast %jit3A_537 : i32 to vector<16xi32>
        %select_n3A_539 = arith.select %ge3A_523, %or3A_536, %broadcast_in_dim3A_538 : vector<16xi1>, vector<16xi32>
        %min3A = arith.minsi %scan3A_374, %select_n3A_535 : vector<16xi32>
        %min3A_540 = arith.minsi %scan3A_375, %select_n3A_539 : vector<16xi32>
        %reduce_sum3A_541 = arith.constant true
        %reduce_sum3A_542 = vector.broadcast %reduce_sum3A_541 : i1 to vector<16xi1>
        %reduce_sum3A_543 = tpu.scan <sum>, %add3A_516 masked %reduce_sum3A_542 : vector<16xi32>, vector<16xi1> -> vector<16xi32>
        %reduce_sum3A_544 = vector.extract %reduce_sum3A_543[15] : i32 from vector<16xi32>
        %add3A_545 = arith.addi %scan3A_376, %reduce_sum3A_544 : i32
        scf.yield %min3A, %min3A_540, %add3A_545 : vector<16xi32>, vector<16xi32>, i32
      }
      %scan3A_213 = arith.constant 16 : i32
      %reduce_min3A_214 = arith.constant true
      %reduce_min3A_215 = vector.broadcast %reduce_min3A_214 : i1 to vector<16xi1>
      %reduce_min3A_216 = arith.constant -2147483648 : i32
      %reduce_min3A_217 = vector.broadcast %reduce_min3A_216 : i32 to vector<16xi32>
      %reduce_min3A_218 = arith.xori %scan3A_212#0, %reduce_min3A_217 : vector<16xi32>
      %reduce_min3A_219 = tpu.scan <min>, %reduce_min3A_218 masked %reduce_min3A_215 : vector<16xi32>, vector<16xi1> -> vector<16xi32>
      %reduce_min3A_220 = arith.xori %reduce_min3A_219, %reduce_min3A_217 : vector<16xi32>
      %reduce_min3A_221 = vector.extract %reduce_min3A_220[15] : i32 from vector<16xi32>
      %and3A_222 = arith.constant 16383 : i32
      %and3A_223 = arith.andi %reduce_min3A_221, %and3A_222 : i32
      %reduce_min3A_224 = arith.constant true
      %reduce_min3A_225 = vector.broadcast %reduce_min3A_224 : i1 to vector<16xi1>
      %reduce_min3A_226 = arith.constant -2147483648 : i32
      %reduce_min3A_227 = vector.broadcast %reduce_min3A_226 : i32 to vector<16xi32>
      %reduce_min3A_228 = arith.xori %scan3A_212#1, %reduce_min3A_227 : vector<16xi32>
      %reduce_min3A_229 = tpu.scan <min>, %reduce_min3A_228 masked %reduce_min3A_225 : vector<16xi32>, vector<16xi1> -> vector<16xi32>
      %reduce_min3A_230 = arith.xori %reduce_min3A_229, %reduce_min3A_227 : vector<16xi32>
      %reduce_min3A_231 = vector.extract %reduce_min3A_230[15] : i32 from vector<16xi32>
      %and3A_232 = arith.constant 16383 : i32
      %and3A_233 = arith.andi %reduce_min3A_231, %and3A_232 : i32
      %sub3A_234 = arith.subi %and3A_233, %and3A_223 : i32
      %shift_right_arithmetic3A_235 = arith.constant 14 : i32
      %shift_right_arithmetic3A_236 = arith.shrsi %reduce_min3A_221, %shift_right_arithmetic3A_235 : i32
      %add3A_237 = arith.addi %add3A_187, %and3A_223 : i32
      %shift_left3A_238 = arith.constant 8 : i32
      %shift_left3A_239 = arith.shli %or3A_190, %shift_left3A_238 : i32
      %or3A_240 = arith.ori %shift_left3A_239, %shift_right_arithmetic3A_236 : i32
      %sub3A_241 = arith.subi %add3A_57, %add3A_237 : i32
      %gt3A_242 = arith.cmpi sgt, %sub3A_234, %sub3A_241 : i32
      %jit3A_243 = arith.constant 64 : i32
      %jit3A_244 = arith.constant 0 : i32
      %select_n3A_245 = arith.select %gt3A_242, %jit3A_243, %jit3A_244 : i32
      %while3A = arith.constant 0 : i32
      %while3A_246 = arith.constant 0 : i32
      %while3A_247 = arith.subi %select_n3A_245, %while3A : i32
      %while3A_248 = arith.addi %while3A, %while3A_247 : i32
      %while3A_249 = arith.constant 1 : i32
      %while3A_250 = arith.divsi %while3A_247, %while3A_249 : i32
      %while3A_251 = arith.muli %while3A_250, %while3A_249 : i32
      %while3A_252 = arith.addi %while3A, %while3A_251 : i32
      %while3A_253 = arith.constant 1 : i32
      %while3A_254 = scf.for %while3A_373 = %while3A to %while3A_252 step %while3A_253 iter_args(%while3A_374 = %while3A_246) -> (i32)  : i32 {
        %mul3A_375 = arith.constant 8 : i32
        %mul3A_376 = arith.muli %while3A_373, %mul3A_375 : i32
        %add3A_377 = arith.constant 0 : i32
        %add3A_378 = arith.addi %mul3A_376, %add3A_377 : i32
        %mul3A_379 = arith.constant 16 : i32
        %mul3A_380 = arith.muli %add3A_378, %mul3A_379 : i32
        %get3A = arith.index_cast %mul3A_380 : i32 to index
        %get3A_381 = tpu.vector_load %arg9[%get3A] {strides = array<i32>} : memref<8192xi32, #tpu.memory_space<vmem>>, vector<16xi32>,
        %mul3A_382 = arith.constant 8 : i32
        %mul3A_383 = arith.muli %while3A_373, %mul3A_382 : i32
        %add3A_384 = arith.constant 1 : i32
        %add3A_385 = arith.addi %mul3A_383, %add3A_384 : i32
        %mul3A_386 = arith.constant 16 : i32
        %mul3A_387 = arith.muli %add3A_385, %mul3A_386 : i32
        %get3A_388 = arith.index_cast %mul3A_387 : i32 to index
        %get3A_389 = tpu.vector_load %arg9[%get3A_388] {strides = array<i32>} : memref<8192xi32, #tpu.memory_space<vmem>>, vector<16xi32>,
        %mul3A_390 = arith.constant 8 : i32
        %mul3A_391 = arith.muli %while3A_373, %mul3A_390 : i32
        %add3A_392 = arith.constant 2 : i32
        %add3A_393 = arith.addi %mul3A_391, %add3A_392 : i32
        %mul3A_394 = arith.constant 16 : i32
        %mul3A_395 = arith.muli %add3A_393, %mul3A_394 : i32
        %get3A_396 = arith.index_cast %mul3A_395 : i32 to index
        %get3A_397 = tpu.vector_load %arg9[%get3A_396] {strides = array<i32>} : memref<8192xi32, #tpu.memory_space<vmem>>, vector<16xi32>,
        %mul3A_398 = arith.constant 8 : i32
        %mul3A_399 = arith.muli %while3A_373, %mul3A_398 : i32
        %add3A_400 = arith.constant 3 : i32
        %add3A_401 = arith.addi %mul3A_399, %add3A_400 : i32
        %mul3A_402 = arith.constant 16 : i32
        %mul3A_403 = arith.muli %add3A_401, %mul3A_402 : i32
        %get3A_404 = arith.index_cast %mul3A_403 : i32 to index
        %get3A_405 = tpu.vector_load %arg9[%get3A_404] {strides = array<i32>} : memref<8192xi32, #tpu.memory_space<vmem>>, vector<16xi32>,
        %mul3A_406 = arith.constant 8 : i32
        %mul3A_407 = arith.muli %while3A_373, %mul3A_406 : i32
        %add3A_408 = arith.constant 4 : i32
        %add3A_409 = arith.addi %mul3A_407, %add3A_408 : i32
        %mul3A_410 = arith.constant 16 : i32
        %mul3A_411 = arith.muli %add3A_409, %mul3A_410 : i32
        %get3A_412 = arith.index_cast %mul3A_411 : i32 to index
        %get3A_413 = tpu.vector_load %arg9[%get3A_412] {strides = array<i32>} : memref<8192xi32, #tpu.memory_space<vmem>>, vector<16xi32>,
        %mul3A_414 = arith.constant 8 : i32
        %mul3A_415 = arith.muli %while3A_373, %mul3A_414 : i32
        %add3A_416 = arith.constant 5 : i32
        %add3A_417 = arith.addi %mul3A_415, %add3A_416 : i32
        %mul3A_418 = arith.constant 16 : i32
        %mul3A_419 = arith.muli %add3A_417, %mul3A_418 : i32
        %get3A_420 = arith.index_cast %mul3A_419 : i32 to index
        %get3A_421 = tpu.vector_load %arg9[%get3A_420] {strides = array<i32>} : memref<8192xi32, #tpu.memory_space<vmem>>, vector<16xi32>,
        %mul3A_422 = arith.constant 8 : i32
        %mul3A_423 = arith.muli %while3A_373, %mul3A_422 : i32
        %add3A_424 = arith.constant 6 : i32
        %add3A_425 = arith.addi %mul3A_423, %add3A_424 : i32
        %mul3A_426 = arith.constant 16 : i32
        %mul3A_427 = arith.muli %add3A_425, %mul3A_426 : i32
        %get3A_428 = arith.index_cast %mul3A_427 : i32 to index
        %get3A_429 = tpu.vector_load %arg9[%get3A_428] {strides = array<i32>} : memref<8192xi32, #tpu.memory_space<vmem>>, vector<16xi32>,
        %mul3A_430 = arith.constant 8 : i32
        %mul3A_431 = arith.muli %while3A_373, %mul3A_430 : i32
        %add3A_432 = arith.constant 7 : i32
        %add3A_433 = arith.addi %mul3A_431, %add3A_432 : i32
        %mul3A_434 = arith.constant 16 : i32
        %mul3A_435 = arith.muli %add3A_433, %mul3A_434 : i32
        %get3A_436 = arith.index_cast %mul3A_435 : i32 to index
        %get3A_437 = tpu.vector_load %arg9[%get3A_436] {strides = array<i32>} : memref<8192xi32, #tpu.memory_space<vmem>>, vector<16xi32>,
        %mul3A_438 = arith.constant 8 : i32
        %mul3A_439 = arith.muli %while3A_373, %mul3A_438 : i32
        %add3A_440 = arith.constant 0 : i32
        %add3A_441 = arith.addi %mul3A_439, %add3A_440 : i32
        %mul3A_442 = arith.constant 16 : i32
        %mul3A_443 = arith.muli %add3A_441, %mul3A_442 : i32
        %add3A_444 = vector.broadcast %mul3A_443 : i32 to vector<16xi32>
        %add3A_445 = arith.addi %iota3A, %add3A_444 : vector<16xi32>
        %shift_right_arithmetic3A_446 = arith.constant 5 : i32
        %shift_right_arithmetic3A_447 = vector.broadcast %shift_right_arithmetic3A_446 : i32 to vector<16xi32>
        %shift_right_arithmetic3A_448 = arith.shrsi %add3A_445, %shift_right_arithmetic3A_447 : vector<16xi32>
        %add3A_449 = arith.addi %mul3A_3, %shift_right_arithmetic3A_448 : vector<16xi32>
        %eq3A_450 = vector.broadcast %or3A_240 : i32 to vector<16xi32>
        %eq3A_451 = arith.cmpi eq, %get3A_381, %eq3A_450 : vector<16xi32>
        %mul3A_452 = arith.constant 8 : i32
        %mul3A_453 = arith.muli %while3A_373, %mul3A_452 : i32
        %add3A_454 = arith.constant 1 : i32
        %add3A_455 = arith.addi %mul3A_453, %add3A_454 : i32
        %mul3A_456 = arith.constant 16 : i32
        %mul3A_457 = arith.muli %add3A_455, %mul3A_456 : i32
        %add3A_458 = vector.broadcast %mul3A_457 : i32 to vector<16xi32>
        %add3A_459 = arith.addi %iota3A, %add3A_458 : vector<16xi32>
        %shift_right_arithmetic3A_460 = arith.constant 5 : i32
        %shift_right_arithmetic3A_461 = vector.broadcast %shift_right_arithmetic3A_460 : i32 to vector<16xi32>
        %shift_right_arithmetic3A_462 = arith.shrsi %add3A_459, %shift_right_arithmetic3A_461 : vector<16xi32>
        %add3A_463 = arith.addi %mul3A_3, %shift_right_arithmetic3A_462 : vector<16xi32>
        %eq3A_464 = vector.broadcast %or3A_240 : i32 to vector<16xi32>
        %eq3A_465 = arith.cmpi eq, %get3A_389, %eq3A_464 : vector<16xi32>
        %mul3A_466 = arith.constant 8 : i32
        %mul3A_467 = arith.muli %while3A_373, %mul3A_466 : i32
        %add3A_468 = arith.constant 2 : i32
        %add3A_469 = arith.addi %mul3A_467, %add3A_468 : i32
        %mul3A_470 = arith.constant 16 : i32
        %mul3A_471 = arith.muli %add3A_469, %mul3A_470 : i32
        %add3A_472 = vector.broadcast %mul3A_471 : i32 to vector<16xi32>
        %add3A_473 = arith.addi %iota3A, %add3A_472 : vector<16xi32>
        %shift_right_arithmetic3A_474 = arith.constant 5 : i32
        %shift_right_arithmetic3A_475 = vector.broadcast %shift_right_arithmetic3A_474 : i32 to vector<16xi32>
        %shift_right_arithmetic3A_476 = arith.shrsi %add3A_473, %shift_right_arithmetic3A_475 : vector<16xi32>
        %add3A_477 = arith.addi %mul3A_3, %shift_right_arithmetic3A_476 : vector<16xi32>
        %eq3A_478 = vector.broadcast %or3A_240 : i32 to vector<16xi32>
        %eq3A_479 = arith.cmpi eq, %get3A_397, %eq3A_478 : vector<16xi32>
        %mul3A_480 = arith.constant 8 : i32
        %mul3A_481 = arith.muli %while3A_373, %mul3A_480 : i32
        %add3A_482 = arith.constant 3 : i32
        %add3A_483 = arith.addi %mul3A_481, %add3A_482 : i32
        %mul3A_484 = arith.constant 16 : i32
        %mul3A_485 = arith.muli %add3A_483, %mul3A_484 : i32
        %add3A_486 = vector.broadcast %mul3A_485 : i32 to vector<16xi32>
        %add3A_487 = arith.addi %iota3A, %add3A_486 : vector<16xi32>
        %shift_right_arithmetic3A_488 = arith.constant 5 : i32
        %shift_right_arithmetic3A_489 = vector.broadcast %shift_right_arithmetic3A_488 : i32 to vector<16xi32>
        %shift_right_arithmetic3A_490 = arith.shrsi %add3A_487, %shift_right_arithmetic3A_489 : vector<16xi32>
        %add3A_491 = arith.addi %mul3A_3, %shift_right_arithmetic3A_490 : vector<16xi32>
        %eq3A_492 = vector.broadcast %or3A_240 : i32 to vector<16xi32>
        %eq3A_493 = arith.cmpi eq, %get3A_405, %eq3A_492 : vector<16xi32>
        %mul3A_494 = arith.constant 8 : i32
        %mul3A_495 = arith.muli %while3A_373, %mul3A_494 : i32
        %add3A_496 = arith.constant 4 : i32
        %add3A_497 = arith.addi %mul3A_495, %add3A_496 : i32
        %mul3A_498 = arith.constant 16 : i32
        %mul3A_499 = arith.muli %add3A_497, %mul3A_498 : i32
        %add3A_500 = vector.broadcast %mul3A_499 : i32 to vector<16xi32>
        %add3A_501 = arith.addi %iota3A, %add3A_500 : vector<16xi32>
        %shift_right_arithmetic3A_502 = arith.constant 5 : i32
        %shift_right_arithmetic3A_503 = vector.broadcast %shift_right_arithmetic3A_502 : i32 to vector<16xi32>
        %shift_right_arithmetic3A_504 = arith.shrsi %add3A_501, %shift_right_arithmetic3A_503 : vector<16xi32>
        %add3A_505 = arith.addi %mul3A_3, %shift_right_arithmetic3A_504 : vector<16xi32>
        %eq3A_506 = vector.broadcast %or3A_240 : i32 to vector<16xi32>
        %eq3A_507 = arith.cmpi eq, %get3A_413, %eq3A_506 : vector<16xi32>
        %mul3A_508 = arith.constant 8 : i32
        %mul3A_509 = arith.muli %while3A_373, %mul3A_508 : i32
        %add3A_510 = arith.constant 5 : i32
        %add3A_511 = arith.addi %mul3A_509, %add3A_510 : i32
        %mul3A_512 = arith.constant 16 : i32
        %mul3A_513 = arith.muli %add3A_511, %mul3A_512 : i32
        %add3A_514 = vector.broadcast %mul3A_513 : i32 to vector<16xi32>
        %add3A_515 = arith.addi %iota3A, %add3A_514 : vector<16xi32>
        %shift_right_arithmetic3A_516 = arith.constant 5 : i32
        %shift_right_arithmetic3A_517 = vector.broadcast %shift_right_arithmetic3A_516 : i32 to vector<16xi32>
        %shift_right_arithmetic3A_518 = arith.shrsi %add3A_515, %shift_right_arithmetic3A_517 : vector<16xi32>
        %add3A_519 = arith.addi %mul3A_3, %shift_right_arithmetic3A_518 : vector<16xi32>
        %eq3A_520 = vector.broadcast %or3A_240 : i32 to vector<16xi32>
        %eq3A_521 = arith.cmpi eq, %get3A_421, %eq3A_520 : vector<16xi32>
        %mul3A_522 = arith.constant 8 : i32
        %mul3A_523 = arith.muli %while3A_373, %mul3A_522 : i32
        %add3A_524 = arith.constant 6 : i32
        %add3A_525 = arith.addi %mul3A_523, %add3A_524 : i32
        %mul3A_526 = arith.constant 16 : i32
        %mul3A_527 = arith.muli %add3A_525, %mul3A_526 : i32
        %add3A_528 = vector.broadcast %mul3A_527 : i32 to vector<16xi32>
        %add3A_529 = arith.addi %iota3A, %add3A_528 : vector<16xi32>
        %shift_right_arithmetic3A_530 = arith.constant 5 : i32
        %shift_right_arithmetic3A_531 = vector.broadcast %shift_right_arithmetic3A_530 : i32 to vector<16xi32>
        %shift_right_arithmetic3A_532 = arith.shrsi %add3A_529, %shift_right_arithmetic3A_531 : vector<16xi32>
        %add3A_533 = arith.addi %mul3A_3, %shift_right_arithmetic3A_532 : vector<16xi32>
        %eq3A_534 = vector.broadcast %or3A_240 : i32 to vector<16xi32>
        %eq3A_535 = arith.cmpi eq, %get3A_429, %eq3A_534 : vector<16xi32>
        %mul3A_536 = arith.constant 8 : i32
        %mul3A_537 = arith.muli %while3A_373, %mul3A_536 : i32
        %add3A_538 = arith.constant 7 : i32
        %add3A_539 = arith.addi %mul3A_537, %add3A_538 : i32
        %mul3A_540 = arith.constant 16 : i32
        %mul3A_541 = arith.muli %add3A_539, %mul3A_540 : i32
        %add3A_542 = vector.broadcast %mul3A_541 : i32 to vector<16xi32>
        %add3A_543 = arith.addi %iota3A, %add3A_542 : vector<16xi32>
        %shift_right_arithmetic3A_544 = arith.constant 5 : i32
        %shift_right_arithmetic3A_545 = vector.broadcast %shift_right_arithmetic3A_544 : i32 to vector<16xi32>
        %shift_right_arithmetic3A_546 = arith.shrsi %add3A_543, %shift_right_arithmetic3A_545 : vector<16xi32>
        %add3A_547 = arith.addi %mul3A_3, %shift_right_arithmetic3A_546 : vector<16xi32>
        %eq3A_548 = vector.broadcast %or3A_240 : i32 to vector<16xi32>
        %eq3A_549 = arith.cmpi eq, %get3A_437, %eq3A_548 : vector<16xi32>
        tpu.vector_store_idx %arg10[%add3A_449], %broadcast_in_dim3A_4 masked %eq3A_451 {add = true} : memref<4224xi32, #tpu.memory_space<vmem>>[vector<16xi32>], vector<16xi32>, vector<16xi1>
        tpu.vector_store_idx %arg10[%add3A_463], %broadcast_in_dim3A_4 masked %eq3A_465 {add = true} : memref<4224xi32, #tpu.memory_space<vmem>>[vector<16xi32>], vector<16xi32>, vector<16xi1>
        tpu.vector_store_idx %arg10[%add3A_477], %broadcast_in_dim3A_4 masked %eq3A_479 {add = true} : memref<4224xi32, #tpu.memory_space<vmem>>[vector<16xi32>], vector<16xi32>, vector<16xi1>
        tpu.vector_store_idx %arg10[%add3A_491], %broadcast_in_dim3A_4 masked %eq3A_493 {add = true} : memref<4224xi32, #tpu.memory_space<vmem>>[vector<16xi32>], vector<16xi32>, vector<16xi1>
        tpu.vector_store_idx %arg10[%add3A_505], %broadcast_in_dim3A_4 masked %eq3A_507 {add = true} : memref<4224xi32, #tpu.memory_space<vmem>>[vector<16xi32>], vector<16xi32>, vector<16xi1>
        tpu.vector_store_idx %arg10[%add3A_519], %broadcast_in_dim3A_4 masked %eq3A_521 {add = true} : memref<4224xi32, #tpu.memory_space<vmem>>[vector<16xi32>], vector<16xi32>, vector<16xi1>
        tpu.vector_store_idx %arg10[%add3A_533], %broadcast_in_dim3A_4 masked %eq3A_535 {add = true} : memref<4224xi32, #tpu.memory_space<vmem>>[vector<16xi32>], vector<16xi32>, vector<16xi1>
        tpu.vector_store_idx %arg10[%add3A_547], %broadcast_in_dim3A_4 masked %eq3A_549 {add = true} : memref<4224xi32, #tpu.memory_space<vmem>>[vector<16xi32>], vector<16xi32>, vector<16xi1>
        %while3A_550 = arith.constant 0 : i32
        scf.yield %while3A_550 : i32
      }
      %while3A_255 = arith.constant 1 : i32
      %while3A_256 = scf.for %while3A_373 = %while3A_252 to %while3A_248 step %while3A_255 iter_args(%while3A_374 = %while3A_254) -> (i32)  : i32 {
        %mul3A_375 = arith.constant 8 : i32
        %mul3A_376 = arith.muli %while3A_373, %mul3A_375 : i32
        %add3A_377 = arith.constant 0 : i32
        %add3A_378 = arith.addi %mul3A_376, %add3A_377 : i32
        %mul3A_379 = arith.constant 16 : i32
        %mul3A_380 = arith.muli %add3A_378, %mul3A_379 : i32
        %get3A = arith.index_cast %mul3A_380 : i32 to index
        %get3A_381 = tpu.vector_load %arg9[%get3A] {strides = array<i32>} : memref<8192xi32, #tpu.memory_space<vmem>>, vector<16xi32>,
        %mul3A_382 = arith.constant 8 : i32
        %mul3A_383 = arith.muli %while3A_373, %mul3A_382 : i32
        %add3A_384 = arith.constant 1 : i32
        %add3A_385 = arith.addi %mul3A_383, %add3A_384 : i32
        %mul3A_386 = arith.constant 16 : i32
        %mul3A_387 = arith.muli %add3A_385, %mul3A_386 : i32
        %get3A_388 = arith.index_cast %mul3A_387 : i32 to index
        %get3A_389 = tpu.vector_load %arg9[%get3A_388] {strides = array<i32>} : memref<8192xi32, #tpu.memory_space<vmem>>, vector<16xi32>,
        %mul3A_390 = arith.constant 8 : i32
        %mul3A_391 = arith.muli %while3A_373, %mul3A_390 : i32
        %add3A_392 = arith.constant 2 : i32
        %add3A_393 = arith.addi %mul3A_391, %add3A_392 : i32
        %mul3A_394 = arith.constant 16 : i32
        %mul3A_395 = arith.muli %add3A_393, %mul3A_394 : i32
        %get3A_396 = arith.index_cast %mul3A_395 : i32 to index
        %get3A_397 = tpu.vector_load %arg9[%get3A_396] {strides = array<i32>} : memref<8192xi32, #tpu.memory_space<vmem>>, vector<16xi32>,
        %mul3A_398 = arith.constant 8 : i32
        %mul3A_399 = arith.muli %while3A_373, %mul3A_398 : i32
        %add3A_400 = arith.constant 3 : i32
        %add3A_401 = arith.addi %mul3A_399, %add3A_400 : i32
        %mul3A_402 = arith.constant 16 : i32
        %mul3A_403 = arith.muli %add3A_401, %mul3A_402 : i32
        %get3A_404 = arith.index_cast %mul3A_403 : i32 to index
        %get3A_405 = tpu.vector_load %arg9[%get3A_404] {strides = array<i32>} : memref<8192xi32, #tpu.memory_space<vmem>>, vector<16xi32>,
        %mul3A_406 = arith.constant 8 : i32
        %mul3A_407 = arith.muli %while3A_373, %mul3A_406 : i32
        %add3A_408 = arith.constant 4 : i32
        %add3A_409 = arith.addi %mul3A_407, %add3A_408 : i32
        %mul3A_410 = arith.constant 16 : i32
        %mul3A_411 = arith.muli %add3A_409, %mul3A_410 : i32
        %get3A_412 = arith.index_cast %mul3A_411 : i32 to index
        %get3A_413 = tpu.vector_load %arg9[%get3A_412] {strides = array<i32>} : memref<8192xi32, #tpu.memory_space<vmem>>, vector<16xi32>,
        %mul3A_414 = arith.constant 8 : i32
        %mul3A_415 = arith.muli %while3A_373, %mul3A_414 : i32
        %add3A_416 = arith.constant 5 : i32
        %add3A_417 = arith.addi %mul3A_415, %add3A_416 : i32
        %mul3A_418 = arith.constant 16 : i32
        %mul3A_419 = arith.muli %add3A_417, %mul3A_418 : i32
        %get3A_420 = arith.index_cast %mul3A_419 : i32 to index
        %get3A_421 = tpu.vector_load %arg9[%get3A_420] {strides = array<i32>} : memref<8192xi32, #tpu.memory_space<vmem>>, vector<16xi32>,
        %mul3A_422 = arith.constant 8 : i32
        %mul3A_423 = arith.muli %while3A_373, %mul3A_422 : i32
        %add3A_424 = arith.constant 6 : i32
        %add3A_425 = arith.addi %mul3A_423, %add3A_424 : i32
        %mul3A_426 = arith.constant 16 : i32
        %mul3A_427 = arith.muli %add3A_425, %mul3A_426 : i32
        %get3A_428 = arith.index_cast %mul3A_427 : i32 to index
        %get3A_429 = tpu.vector_load %arg9[%get3A_428] {strides = array<i32>} : memref<8192xi32, #tpu.memory_space<vmem>>, vector<16xi32>,
        %mul3A_430 = arith.constant 8 : i32
        %mul3A_431 = arith.muli %while3A_373, %mul3A_430 : i32
        %add3A_432 = arith.constant 7 : i32
        %add3A_433 = arith.addi %mul3A_431, %add3A_432 : i32
        %mul3A_434 = arith.constant 16 : i32
        %mul3A_435 = arith.muli %add3A_433, %mul3A_434 : i32
        %get3A_436 = arith.index_cast %mul3A_435 : i32 to index
        %get3A_437 = tpu.vector_load %arg9[%get3A_436] {strides = array<i32>} : memref<8192xi32, #tpu.memory_space<vmem>>, vector<16xi32>,
        %mul3A_438 = arith.constant 8 : i32
        %mul3A_439 = arith.muli %while3A_373, %mul3A_438 : i32
        %add3A_440 = arith.constant 0 : i32
        %add3A_441 = arith.addi %mul3A_439, %add3A_440 : i32
        %mul3A_442 = arith.constant 16 : i32
        %mul3A_443 = arith.muli %add3A_441, %mul3A_442 : i32
        %add3A_444 = vector.broadcast %mul3A_443 : i32 to vector<16xi32>
        %add3A_445 = arith.addi %iota3A, %add3A_444 : vector<16xi32>
        %shift_right_arithmetic3A_446 = arith.constant 5 : i32
        %shift_right_arithmetic3A_447 = vector.broadcast %shift_right_arithmetic3A_446 : i32 to vector<16xi32>
        %shift_right_arithmetic3A_448 = arith.shrsi %add3A_445, %shift_right_arithmetic3A_447 : vector<16xi32>
        %add3A_449 = arith.addi %mul3A_3, %shift_right_arithmetic3A_448 : vector<16xi32>
        %eq3A_450 = vector.broadcast %or3A_240 : i32 to vector<16xi32>
        %eq3A_451 = arith.cmpi eq, %get3A_381, %eq3A_450 : vector<16xi32>
        %mul3A_452 = arith.constant 8 : i32
        %mul3A_453 = arith.muli %while3A_373, %mul3A_452 : i32
        %add3A_454 = arith.constant 1 : i32
        %add3A_455 = arith.addi %mul3A_453, %add3A_454 : i32
        %mul3A_456 = arith.constant 16 : i32
        %mul3A_457 = arith.muli %add3A_455, %mul3A_456 : i32
        %add3A_458 = vector.broadcast %mul3A_457 : i32 to vector<16xi32>
        %add3A_459 = arith.addi %iota3A, %add3A_458 : vector<16xi32>
        %shift_right_arithmetic3A_460 = arith.constant 5 : i32
        %shift_right_arithmetic3A_461 = vector.broadcast %shift_right_arithmetic3A_460 : i32 to vector<16xi32>
        %shift_right_arithmetic3A_462 = arith.shrsi %add3A_459, %shift_right_arithmetic3A_461 : vector<16xi32>
        %add3A_463 = arith.addi %mul3A_3, %shift_right_arithmetic3A_462 : vector<16xi32>
        %eq3A_464 = vector.broadcast %or3A_240 : i32 to vector<16xi32>
        %eq3A_465 = arith.cmpi eq, %get3A_389, %eq3A_464 : vector<16xi32>
        %mul3A_466 = arith.constant 8 : i32
        %mul3A_467 = arith.muli %while3A_373, %mul3A_466 : i32
        %add3A_468 = arith.constant 2 : i32
        %add3A_469 = arith.addi %mul3A_467, %add3A_468 : i32
        %mul3A_470 = arith.constant 16 : i32
        %mul3A_471 = arith.muli %add3A_469, %mul3A_470 : i32
        %add3A_472 = vector.broadcast %mul3A_471 : i32 to vector<16xi32>
        %add3A_473 = arith.addi %iota3A, %add3A_472 : vector<16xi32>
        %shift_right_arithmetic3A_474 = arith.constant 5 : i32
        %shift_right_arithmetic3A_475 = vector.broadcast %shift_right_arithmetic3A_474 : i32 to vector<16xi32>
        %shift_right_arithmetic3A_476 = arith.shrsi %add3A_473, %shift_right_arithmetic3A_475 : vector<16xi32>
        %add3A_477 = arith.addi %mul3A_3, %shift_right_arithmetic3A_476 : vector<16xi32>
        %eq3A_478 = vector.broadcast %or3A_240 : i32 to vector<16xi32>
        %eq3A_479 = arith.cmpi eq, %get3A_397, %eq3A_478 : vector<16xi32>
        %mul3A_480 = arith.constant 8 : i32
        %mul3A_481 = arith.muli %while3A_373, %mul3A_480 : i32
        %add3A_482 = arith.constant 3 : i32
        %add3A_483 = arith.addi %mul3A_481, %add3A_482 : i32
        %mul3A_484 = arith.constant 16 : i32
        %mul3A_485 = arith.muli %add3A_483, %mul3A_484 : i32
        %add3A_486 = vector.broadcast %mul3A_485 : i32 to vector<16xi32>
        %add3A_487 = arith.addi %iota3A, %add3A_486 : vector<16xi32>
        %shift_right_arithmetic3A_488 = arith.constant 5 : i32
        %shift_right_arithmetic3A_489 = vector.broadcast %shift_right_arithmetic3A_488 : i32 to vector<16xi32>
        %shift_right_arithmetic3A_490 = arith.shrsi %add3A_487, %shift_right_arithmetic3A_489 : vector<16xi32>
        %add3A_491 = arith.addi %mul3A_3, %shift_right_arithmetic3A_490 : vector<16xi32>
        %eq3A_492 = vector.broadcast %or3A_240 : i32 to vector<16xi32>
        %eq3A_493 = arith.cmpi eq, %get3A_405, %eq3A_492 : vector<16xi32>
        %mul3A_494 = arith.constant 8 : i32
        %mul3A_495 = arith.muli %while3A_373, %mul3A_494 : i32
        %add3A_496 = arith.constant 4 : i32
        %add3A_497 = arith.addi %mul3A_495, %add3A_496 : i32
        %mul3A_498 = arith.constant 16 : i32
        %mul3A_499 = arith.muli %add3A_497, %mul3A_498 : i32
        %add3A_500 = vector.broadcast %mul3A_499 : i32 to vector<16xi32>
        %add3A_501 = arith.addi %iota3A, %add3A_500 : vector<16xi32>
        %shift_right_arithmetic3A_502 = arith.constant 5 : i32
        %shift_right_arithmetic3A_503 = vector.broadcast %shift_right_arithmetic3A_502 : i32 to vector<16xi32>
        %shift_right_arithmetic3A_504 = arith.shrsi %add3A_501, %shift_right_arithmetic3A_503 : vector<16xi32>
        %add3A_505 = arith.addi %mul3A_3, %shift_right_arithmetic3A_504 : vector<16xi32>
        %eq3A_506 = vector.broadcast %or3A_240 : i32 to vector<16xi32>
        %eq3A_507 = arith.cmpi eq, %get3A_413, %eq3A_506 : vector<16xi32>
        %mul3A_508 = arith.constant 8 : i32
        %mul3A_509 = arith.muli %while3A_373, %mul3A_508 : i32
        %add3A_510 = arith.constant 5 : i32
        %add3A_511 = arith.addi %mul3A_509, %add3A_510 : i32
        %mul3A_512 = arith.constant 16 : i32
        %mul3A_513 = arith.muli %add3A_511, %mul3A_512 : i32
        %add3A_514 = vector.broadcast %mul3A_513 : i32 to vector<16xi32>
        %add3A_515 = arith.addi %iota3A, %add3A_514 : vector<16xi32>
        %shift_right_arithmetic3A_516 = arith.constant 5 : i32
        %shift_right_arithmetic3A_517 = vector.broadcast %shift_right_arithmetic3A_516 : i32 to vector<16xi32>
        %shift_right_arithmetic3A_518 = arith.shrsi %add3A_515, %shift_right_arithmetic3A_517 : vector<16xi32>
        %add3A_519 = arith.addi %mul3A_3, %shift_right_arithmetic3A_518 : vector<16xi32>
        %eq3A_520 = vector.broadcast %or3A_240 : i32 to vector<16xi32>
        %eq3A_521 = arith.cmpi eq, %get3A_421, %eq3A_520 : vector<16xi32>
        %mul3A_522 = arith.constant 8 : i32
        %mul3A_523 = arith.muli %while3A_373, %mul3A_522 : i32
        %add3A_524 = arith.constant 6 : i32
        %add3A_525 = arith.addi %mul3A_523, %add3A_524 : i32
        %mul3A_526 = arith.constant 16 : i32
        %mul3A_527 = arith.muli %add3A_525, %mul3A_526 : i32
        %add3A_528 = vector.broadcast %mul3A_527 : i32 to vector<16xi32>
        %add3A_529 = arith.addi %iota3A, %add3A_528 : vector<16xi32>
        %shift_right_arithmetic3A_530 = arith.constant 5 : i32
        %shift_right_arithmetic3A_531 = vector.broadcast %shift_right_arithmetic3A_530 : i32 to vector<16xi32>
        %shift_right_arithmetic3A_532 = arith.shrsi %add3A_529, %shift_right_arithmetic3A_531 : vector<16xi32>
        %add3A_533 = arith.addi %mul3A_3, %shift_right_arithmetic3A_532 : vector<16xi32>
        %eq3A_534 = vector.broadcast %or3A_240 : i32 to vector<16xi32>
        %eq3A_535 = arith.cmpi eq, %get3A_429, %eq3A_534 : vector<16xi32>
        %mul3A_536 = arith.constant 8 : i32
        %mul3A_537 = arith.muli %while3A_373, %mul3A_536 : i32
        %add3A_538 = arith.constant 7 : i32
        %add3A_539 = arith.addi %mul3A_537, %add3A_538 : i32
        %mul3A_540 = arith.constant 16 : i32
        %mul3A_541 = arith.muli %add3A_539, %mul3A_540 : i32
        %add3A_542 = vector.broadcast %mul3A_541 : i32 to vector<16xi32>
        %add3A_543 = arith.addi %iota3A, %add3A_542 : vector<16xi32>
        %shift_right_arithmetic3A_544 = arith.constant 5 : i32
        %shift_right_arithmetic3A_545 = vector.broadcast %shift_right_arithmetic3A_544 : i32 to vector<16xi32>
        %shift_right_arithmetic3A_546 = arith.shrsi %add3A_543, %shift_right_arithmetic3A_545 : vector<16xi32>
        %add3A_547 = arith.addi %mul3A_3, %shift_right_arithmetic3A_546 : vector<16xi32>
        %eq3A_548 = vector.broadcast %or3A_240 : i32 to vector<16xi32>
        %eq3A_549 = arith.cmpi eq, %get3A_437, %eq3A_548 : vector<16xi32>
        tpu.vector_store_idx %arg10[%add3A_449], %broadcast_in_dim3A_4 masked %eq3A_451 {add = true} : memref<4224xi32, #tpu.memory_space<vmem>>[vector<16xi32>], vector<16xi32>, vector<16xi1>
        tpu.vector_store_idx %arg10[%add3A_463], %broadcast_in_dim3A_4 masked %eq3A_465 {add = true} : memref<4224xi32, #tpu.memory_space<vmem>>[vector<16xi32>], vector<16xi32>, vector<16xi1>
        tpu.vector_store_idx %arg10[%add3A_477], %broadcast_in_dim3A_4 masked %eq3A_479 {add = true} : memref<4224xi32, #tpu.memory_space<vmem>>[vector<16xi32>], vector<16xi32>, vector<16xi1>
        tpu.vector_store_idx %arg10[%add3A_491], %broadcast_in_dim3A_4 masked %eq3A_493 {add = true} : memref<4224xi32, #tpu.memory_space<vmem>>[vector<16xi32>], vector<16xi32>, vector<16xi1>
        tpu.vector_store_idx %arg10[%add3A_505], %broadcast_in_dim3A_4 masked %eq3A_507 {add = true} : memref<4224xi32, #tpu.memory_space<vmem>>[vector<16xi32>], vector<16xi32>, vector<16xi1>
        tpu.vector_store_idx %arg10[%add3A_519], %broadcast_in_dim3A_4 masked %eq3A_521 {add = true} : memref<4224xi32, #tpu.memory_space<vmem>>[vector<16xi32>], vector<16xi32>, vector<16xi1>
        tpu.vector_store_idx %arg10[%add3A_533], %broadcast_in_dim3A_4 masked %eq3A_535 {add = true} : memref<4224xi32, #tpu.memory_space<vmem>>[vector<16xi32>], vector<16xi32>, vector<16xi1>
        tpu.vector_store_idx %arg10[%add3A_547], %broadcast_in_dim3A_4 masked %eq3A_549 {add = true} : memref<4224xi32, #tpu.memory_space<vmem>>[vector<16xi32>], vector<16xi32>, vector<16xi1>
        %while3A_550 = arith.constant 0 : i32
        scf.yield %while3A_550 : i32
      }
      %iota3A_257 = tpu.iota {dimensions = array<i32: 0>} : vector<16xi32>
      %broadcast_in_dim3A_258 = arith.constant 0 : i32
      %broadcast_in_dim3A_259 = vector.broadcast %broadcast_in_dim3A_258 : i32 to vector<16xi32>
      %broadcast_in_dim3A_260 = arith.constant 2147483647 : i32
      %broadcast_in_dim3A_261 = vector.broadcast %broadcast_in_dim3A_260 : i32 to vector<16xi32>
      %broadcast_in_dim3A_262 = arith.constant 2147483647 : i32
      %broadcast_in_dim3A_263 = vector.broadcast %broadcast_in_dim3A_262 : i32 to vector<16xi32>
      %scan3A_264 = arith.constant 0 : i32
      %scan3A_265 = arith.constant 0 : i32
      %scan3A_266 = arith.constant 16 : i32
      %scan3A_267 = arith.addi %scan3A_265, %scan3A_266 : i32
      %scan3A_268 = arith.constant 1 : i32
      %scan3A_269:3 = scf.for %scan3A_373 = %scan3A_265 to %scan3A_267 step %scan3A_268 iter_args(%scan3A_374 = %broadcast_in_dim3A_261, %scan3A_375 = %broadcast_in_dim3A_263, %scan3A_376 = %scan3A_264) -> (vector<16xi32>, vector<16xi32>, i32)  : i32 {
        %mul3A_377 = arith.constant 16 : i32
        %mul3A_378 = arith.muli %scan3A_373, %mul3A_377 : i32
        %add3A_379 = arith.constant 0 : i32
        %add3A_380 = arith.addi %add3A_379, %mul3A_378 : i32
        %get3A = arith.index_cast %add3A_380 : i32 to index
        %get3A_381 = tpu.vector_load %arg10[%get3A] {strides = array<i32>} : memref<4224xi32, #tpu.memory_space<vmem>>, vector<16xi32>,
        %add3A_382 = arith.addi %broadcast_in_dim3A_259, %get3A_381 : vector<16xi32>
        %swap3A = arith.index_cast %add3A_380 : i32 to index
        %swap3A_383 = tpu.vector_load %arg10[%swap3A] {strides = array<i32>} : memref<4224xi32, #tpu.memory_space<vmem>>, vector<16xi32>,
        tpu.vector_store %arg10[%swap3A], %broadcast_in_dim3A_259 {strides = array<i32>} : memref<4224xi32, #tpu.memory_space<vmem>>, vector<16xi32>,
        %mul3A_384 = arith.constant 16 : i32
        %mul3A_385 = arith.muli %scan3A_373, %mul3A_384 : i32
        %add3A_386 = arith.constant 257 : i32
        %add3A_387 = arith.addi %add3A_386, %mul3A_385 : i32
        %get3A_388 = arith.index_cast %add3A_387 : i32 to index
        %get3A_389 = tpu.vector_load %arg10[%get3A_388] {strides = array<i32>} : memref<4224xi32, #tpu.memory_space<vmem>>, vector<16xi32>,
        %add3A_390 = arith.addi %add3A_382, %get3A_389 : vector<16xi32>
        %swap3A_391 = arith.index_cast %add3A_387 : i32 to index
        %swap3A_392 = tpu.vector_load %arg10[%swap3A_391] {strides = array<i32>} : memref<4224xi32, #tpu.memory_space<vmem>>, vector<16xi32>,
        tpu.vector_store %arg10[%swap3A_391], %broadcast_in_dim3A_259 {strides = array<i32>} : memref<4224xi32, #tpu.memory_space<vmem>>, vector<16xi32>,
        %mul3A_393 = arith.constant 16 : i32
        %mul3A_394 = arith.muli %scan3A_373, %mul3A_393 : i32
        %add3A_395 = arith.constant 514 : i32
        %add3A_396 = arith.addi %add3A_395, %mul3A_394 : i32
        %get3A_397 = arith.index_cast %add3A_396 : i32 to index
        %get3A_398 = tpu.vector_load %arg10[%get3A_397] {strides = array<i32>} : memref<4224xi32, #tpu.memory_space<vmem>>, vector<16xi32>,
        %add3A_399 = arith.addi %add3A_390, %get3A_398 : vector<16xi32>
        %swap3A_400 = arith.index_cast %add3A_396 : i32 to index
        %swap3A_401 = tpu.vector_load %arg10[%swap3A_400] {strides = array<i32>} : memref<4224xi32, #tpu.memory_space<vmem>>, vector<16xi32>,
        tpu.vector_store %arg10[%swap3A_400], %broadcast_in_dim3A_259 {strides = array<i32>} : memref<4224xi32, #tpu.memory_space<vmem>>, vector<16xi32>,
        %mul3A_402 = arith.constant 16 : i32
        %mul3A_403 = arith.muli %scan3A_373, %mul3A_402 : i32
        %add3A_404 = arith.constant 771 : i32
        %add3A_405 = arith.addi %add3A_404, %mul3A_403 : i32
        %get3A_406 = arith.index_cast %add3A_405 : i32 to index
        %get3A_407 = tpu.vector_load %arg10[%get3A_406] {strides = array<i32>} : memref<4224xi32, #tpu.memory_space<vmem>>, vector<16xi32>,
        %add3A_408 = arith.addi %add3A_399, %get3A_407 : vector<16xi32>
        %swap3A_409 = arith.index_cast %add3A_405 : i32 to index
        %swap3A_410 = tpu.vector_load %arg10[%swap3A_409] {strides = array<i32>} : memref<4224xi32, #tpu.memory_space<vmem>>, vector<16xi32>,
        tpu.vector_store %arg10[%swap3A_409], %broadcast_in_dim3A_259 {strides = array<i32>} : memref<4224xi32, #tpu.memory_space<vmem>>, vector<16xi32>,
        %mul3A_411 = arith.constant 16 : i32
        %mul3A_412 = arith.muli %scan3A_373, %mul3A_411 : i32
        %add3A_413 = arith.constant 1028 : i32
        %add3A_414 = arith.addi %add3A_413, %mul3A_412 : i32
        %get3A_415 = arith.index_cast %add3A_414 : i32 to index
        %get3A_416 = tpu.vector_load %arg10[%get3A_415] {strides = array<i32>} : memref<4224xi32, #tpu.memory_space<vmem>>, vector<16xi32>,
        %add3A_417 = arith.addi %add3A_408, %get3A_416 : vector<16xi32>
        %swap3A_418 = arith.index_cast %add3A_414 : i32 to index
        %swap3A_419 = tpu.vector_load %arg10[%swap3A_418] {strides = array<i32>} : memref<4224xi32, #tpu.memory_space<vmem>>, vector<16xi32>,
        tpu.vector_store %arg10[%swap3A_418], %broadcast_in_dim3A_259 {strides = array<i32>} : memref<4224xi32, #tpu.memory_space<vmem>>, vector<16xi32>,
        %mul3A_420 = arith.constant 16 : i32
        %mul3A_421 = arith.muli %scan3A_373, %mul3A_420 : i32
        %add3A_422 = arith.constant 1285 : i32
        %add3A_423 = arith.addi %add3A_422, %mul3A_421 : i32
        %get3A_424 = arith.index_cast %add3A_423 : i32 to index
        %get3A_425 = tpu.vector_load %arg10[%get3A_424] {strides = array<i32>} : memref<4224xi32, #tpu.memory_space<vmem>>, vector<16xi32>,
        %add3A_426 = arith.addi %add3A_417, %get3A_425 : vector<16xi32>
        %swap3A_427 = arith.index_cast %add3A_423 : i32 to index
        %swap3A_428 = tpu.vector_load %arg10[%swap3A_427] {strides = array<i32>} : memref<4224xi32, #tpu.memory_space<vmem>>, vector<16xi32>,
        tpu.vector_store %arg10[%swap3A_427], %broadcast_in_dim3A_259 {strides = array<i32>} : memref<4224xi32, #tpu.memory_space<vmem>>, vector<16xi32>,
        %mul3A_429 = arith.constant 16 : i32
        %mul3A_430 = arith.muli %scan3A_373, %mul3A_429 : i32
        %add3A_431 = arith.constant 1542 : i32
        %add3A_432 = arith.addi %add3A_431, %mul3A_430 : i32
        %get3A_433 = arith.index_cast %add3A_432 : i32 to index
        %get3A_434 = tpu.vector_load %arg10[%get3A_433] {strides = array<i32>} : memref<4224xi32, #tpu.memory_space<vmem>>, vector<16xi32>,
        %add3A_435 = arith.addi %add3A_426, %get3A_434 : vector<16xi32>
        %swap3A_436 = arith.index_cast %add3A_432 : i32 to index
        %swap3A_437 = tpu.vector_load %arg10[%swap3A_436] {strides = array<i32>} : memref<4224xi32, #tpu.memory_space<vmem>>, vector<16xi32>,
        tpu.vector_store %arg10[%swap3A_436], %broadcast_in_dim3A_259 {strides = array<i32>} : memref<4224xi32, #tpu.memory_space<vmem>>, vector<16xi32>,
        %mul3A_438 = arith.constant 16 : i32
        %mul3A_439 = arith.muli %scan3A_373, %mul3A_438 : i32
        %add3A_440 = arith.constant 1799 : i32
        %add3A_441 = arith.addi %add3A_440, %mul3A_439 : i32
        %get3A_442 = arith.index_cast %add3A_441 : i32 to index
        %get3A_443 = tpu.vector_load %arg10[%get3A_442] {strides = array<i32>} : memref<4224xi32, #tpu.memory_space<vmem>>, vector<16xi32>,
        %add3A_444 = arith.addi %add3A_435, %get3A_443 : vector<16xi32>
        %swap3A_445 = arith.index_cast %add3A_441 : i32 to index
        %swap3A_446 = tpu.vector_load %arg10[%swap3A_445] {strides = array<i32>} : memref<4224xi32, #tpu.memory_space<vmem>>, vector<16xi32>,
        tpu.vector_store %arg10[%swap3A_445], %broadcast_in_dim3A_259 {strides = array<i32>} : memref<4224xi32, #tpu.memory_space<vmem>>, vector<16xi32>,
        %mul3A_447 = arith.constant 16 : i32
        %mul3A_448 = arith.muli %scan3A_373, %mul3A_447 : i32
        %add3A_449 = arith.constant 2056 : i32
        %add3A_450 = arith.addi %add3A_449, %mul3A_448 : i32
        %get3A_451 = arith.index_cast %add3A_450 : i32 to index
        %get3A_452 = tpu.vector_load %arg10[%get3A_451] {strides = array<i32>} : memref<4224xi32, #tpu.memory_space<vmem>>, vector<16xi32>,
        %add3A_453 = arith.addi %add3A_444, %get3A_452 : vector<16xi32>
        %swap3A_454 = arith.index_cast %add3A_450 : i32 to index
        %swap3A_455 = tpu.vector_load %arg10[%swap3A_454] {strides = array<i32>} : memref<4224xi32, #tpu.memory_space<vmem>>, vector<16xi32>,
        tpu.vector_store %arg10[%swap3A_454], %broadcast_in_dim3A_259 {strides = array<i32>} : memref<4224xi32, #tpu.memory_space<vmem>>, vector<16xi32>,
        %mul3A_456 = arith.constant 16 : i32
        %mul3A_457 = arith.muli %scan3A_373, %mul3A_456 : i32
        %add3A_458 = arith.constant 2313 : i32
        %add3A_459 = arith.addi %add3A_458, %mul3A_457 : i32
        %get3A_460 = arith.index_cast %add3A_459 : i32 to index
        %get3A_461 = tpu.vector_load %arg10[%get3A_460] {strides = array<i32>} : memref<4224xi32, #tpu.memory_space<vmem>>, vector<16xi32>,
        %add3A_462 = arith.addi %add3A_453, %get3A_461 : vector<16xi32>
        %swap3A_463 = arith.index_cast %add3A_459 : i32 to index
        %swap3A_464 = tpu.vector_load %arg10[%swap3A_463] {strides = array<i32>} : memref<4224xi32, #tpu.memory_space<vmem>>, vector<16xi32>,
        tpu.vector_store %arg10[%swap3A_463], %broadcast_in_dim3A_259 {strides = array<i32>} : memref<4224xi32, #tpu.memory_space<vmem>>, vector<16xi32>,
        %mul3A_465 = arith.constant 16 : i32
        %mul3A_466 = arith.muli %scan3A_373, %mul3A_465 : i32
        %add3A_467 = arith.constant 2570 : i32
        %add3A_468 = arith.addi %add3A_467, %mul3A_466 : i32
        %get3A_469 = arith.index_cast %add3A_468 : i32 to index
        %get3A_470 = tpu.vector_load %arg10[%get3A_469] {strides = array<i32>} : memref<4224xi32, #tpu.memory_space<vmem>>, vector<16xi32>,
        %add3A_471 = arith.addi %add3A_462, %get3A_470 : vector<16xi32>
        %swap3A_472 = arith.index_cast %add3A_468 : i32 to index
        %swap3A_473 = tpu.vector_load %arg10[%swap3A_472] {strides = array<i32>} : memref<4224xi32, #tpu.memory_space<vmem>>, vector<16xi32>,
        tpu.vector_store %arg10[%swap3A_472], %broadcast_in_dim3A_259 {strides = array<i32>} : memref<4224xi32, #tpu.memory_space<vmem>>, vector<16xi32>,
        %mul3A_474 = arith.constant 16 : i32
        %mul3A_475 = arith.muli %scan3A_373, %mul3A_474 : i32
        %add3A_476 = arith.constant 2827 : i32
        %add3A_477 = arith.addi %add3A_476, %mul3A_475 : i32
        %get3A_478 = arith.index_cast %add3A_477 : i32 to index
        %get3A_479 = tpu.vector_load %arg10[%get3A_478] {strides = array<i32>} : memref<4224xi32, #tpu.memory_space<vmem>>, vector<16xi32>,
        %add3A_480 = arith.addi %add3A_471, %get3A_479 : vector<16xi32>
        %swap3A_481 = arith.index_cast %add3A_477 : i32 to index
        %swap3A_482 = tpu.vector_load %arg10[%swap3A_481] {strides = array<i32>} : memref<4224xi32, #tpu.memory_space<vmem>>, vector<16xi32>,
        tpu.vector_store %arg10[%swap3A_481], %broadcast_in_dim3A_259 {strides = array<i32>} : memref<4224xi32, #tpu.memory_space<vmem>>, vector<16xi32>,
        %mul3A_483 = arith.constant 16 : i32
        %mul3A_484 = arith.muli %scan3A_373, %mul3A_483 : i32
        %add3A_485 = arith.constant 3084 : i32
        %add3A_486 = arith.addi %add3A_485, %mul3A_484 : i32
        %get3A_487 = arith.index_cast %add3A_486 : i32 to index
        %get3A_488 = tpu.vector_load %arg10[%get3A_487] {strides = array<i32>} : memref<4224xi32, #tpu.memory_space<vmem>>, vector<16xi32>,
        %add3A_489 = arith.addi %add3A_480, %get3A_488 : vector<16xi32>
        %swap3A_490 = arith.index_cast %add3A_486 : i32 to index
        %swap3A_491 = tpu.vector_load %arg10[%swap3A_490] {strides = array<i32>} : memref<4224xi32, #tpu.memory_space<vmem>>, vector<16xi32>,
        tpu.vector_store %arg10[%swap3A_490], %broadcast_in_dim3A_259 {strides = array<i32>} : memref<4224xi32, #tpu.memory_space<vmem>>, vector<16xi32>,
        %mul3A_492 = arith.constant 16 : i32
        %mul3A_493 = arith.muli %scan3A_373, %mul3A_492 : i32
        %add3A_494 = arith.constant 3341 : i32
        %add3A_495 = arith.addi %add3A_494, %mul3A_493 : i32
        %get3A_496 = arith.index_cast %add3A_495 : i32 to index
        %get3A_497 = tpu.vector_load %arg10[%get3A_496] {strides = array<i32>} : memref<4224xi32, #tpu.memory_space<vmem>>, vector<16xi32>,
        %add3A_498 = arith.addi %add3A_489, %get3A_497 : vector<16xi32>
        %swap3A_499 = arith.index_cast %add3A_495 : i32 to index
        %swap3A_500 = tpu.vector_load %arg10[%swap3A_499] {strides = array<i32>} : memref<4224xi32, #tpu.memory_space<vmem>>, vector<16xi32>,
        tpu.vector_store %arg10[%swap3A_499], %broadcast_in_dim3A_259 {strides = array<i32>} : memref<4224xi32, #tpu.memory_space<vmem>>, vector<16xi32>,
        %mul3A_501 = arith.constant 16 : i32
        %mul3A_502 = arith.muli %scan3A_373, %mul3A_501 : i32
        %add3A_503 = arith.constant 3598 : i32
        %add3A_504 = arith.addi %add3A_503, %mul3A_502 : i32
        %get3A_505 = arith.index_cast %add3A_504 : i32 to index
        %get3A_506 = tpu.vector_load %arg10[%get3A_505] {strides = array<i32>} : memref<4224xi32, #tpu.memory_space<vmem>>, vector<16xi32>,
        %add3A_507 = arith.addi %add3A_498, %get3A_506 : vector<16xi32>
        %swap3A_508 = arith.index_cast %add3A_504 : i32 to index
        %swap3A_509 = tpu.vector_load %arg10[%swap3A_508] {strides = array<i32>} : memref<4224xi32, #tpu.memory_space<vmem>>, vector<16xi32>,
        tpu.vector_store %arg10[%swap3A_508], %broadcast_in_dim3A_259 {strides = array<i32>} : memref<4224xi32, #tpu.memory_space<vmem>>, vector<16xi32>,
        %mul3A_510 = arith.constant 16 : i32
        %mul3A_511 = arith.muli %scan3A_373, %mul3A_510 : i32
        %add3A_512 = arith.constant 3855 : i32
        %add3A_513 = arith.addi %add3A_512, %mul3A_511 : i32
        %get3A_514 = arith.index_cast %add3A_513 : i32 to index
        %get3A_515 = tpu.vector_load %arg10[%get3A_514] {strides = array<i32>} : memref<4224xi32, #tpu.memory_space<vmem>>, vector<16xi32>,
        %add3A_516 = arith.addi %add3A_507, %get3A_515 : vector<16xi32>
        %swap3A_517 = arith.index_cast %add3A_513 : i32 to index
        %swap3A_518 = tpu.vector_load %arg10[%swap3A_517] {strides = array<i32>} : memref<4224xi32, #tpu.memory_space<vmem>>, vector<16xi32>,
        tpu.vector_store %arg10[%swap3A_517], %broadcast_in_dim3A_259 {strides = array<i32>} : memref<4224xi32, #tpu.memory_space<vmem>>, vector<16xi32>,
        %broadcast_in_dim3A_519 = arith.constant true
        %broadcast_in_dim3A_520 = vector.broadcast %broadcast_in_dim3A_519 : i1 to vector<16xi1>
        %masked_cumsum3A = tpu.scan <sum>, %add3A_516 masked %broadcast_in_dim3A_520 : vector<16xi32>, vector<16xi1> -> vector<16xi32>
        %add3A_521 = vector.broadcast %scan3A_376 : i32 to vector<16xi32>
        %add3A_522 = arith.addi %masked_cumsum3A, %add3A_521 : vector<16xi32>
        %ge3A = vector.broadcast %sub3A_241 : i32 to vector<16xi32>
        %ge3A_523 = arith.cmpi sge, %add3A_522, %ge3A : vector<16xi32>
        %mul3A_524 = arith.constant 16 : i32
        %mul3A_525 = arith.muli %scan3A_373, %mul3A_524 : i32
        %add3A_526 = vector.broadcast %mul3A_525 : i32 to vector<16xi32>
        %add3A_527 = arith.addi %add3A_526, %iota3A_257 : vector<16xi32>
        %shift_left3A_528 = arith.constant 14 : i32
        %shift_left3A_529 = vector.broadcast %shift_left3A_528 : i32 to vector<16xi32>
        %shift_left3A_530 = arith.shli %add3A_527, %shift_left3A_529 : vector<16xi32>
        %sub3A_531 = arith.subi %add3A_522, %add3A_516 : vector<16xi32>
        %or3A_532 = arith.ori %shift_left3A_530, %sub3A_531 : vector<16xi32>
        %jit3A_533 = arith.constant 2147483647 : i32
        %broadcast_in_dim3A_534 = vector.broadcast %jit3A_533 : i32 to vector<16xi32>
        %select_n3A_535 = arith.select %ge3A_523, %or3A_532, %broadcast_in_dim3A_534 : vector<16xi1>, vector<16xi32>
        %or3A_536 = arith.ori %shift_left3A_530, %add3A_522 : vector<16xi32>
        %jit3A_537 = arith.constant 2147483647 : i32
        %broadcast_in_dim3A_538 = vector.broadcast %jit3A_537 : i32 to vector<16xi32>
        %select_n3A_539 = arith.select %ge3A_523, %or3A_536, %broadcast_in_dim3A_538 : vector<16xi1>, vector<16xi32>
        %min3A = arith.minsi %scan3A_374, %select_n3A_535 : vector<16xi32>
        %min3A_540 = arith.minsi %scan3A_375, %select_n3A_539 : vector<16xi32>
        %reduce_sum3A_541 = arith.constant true
        %reduce_sum3A_542 = vector.broadcast %reduce_sum3A_541 : i1 to vector<16xi1>
        %reduce_sum3A_543 = tpu.scan <sum>, %add3A_516 masked %reduce_sum3A_542 : vector<16xi32>, vector<16xi1> -> vector<16xi32>
        %reduce_sum3A_544 = vector.extract %reduce_sum3A_543[15] : i32 from vector<16xi32>
        %add3A_545 = arith.addi %scan3A_376, %reduce_sum3A_544 : i32
        scf.yield %min3A, %min3A_540, %add3A_545 : vector<16xi32>, vector<16xi32>, i32
      }
      %scan3A_270 = arith.constant 16 : i32
      %reduce_min3A_271 = arith.constant true
      %reduce_min3A_272 = vector.broadcast %reduce_min3A_271 : i1 to vector<16xi1>
      %reduce_min3A_273 = arith.constant -2147483648 : i32
      %reduce_min3A_274 = vector.broadcast %reduce_min3A_273 : i32 to vector<16xi32>
      %reduce_min3A_275 = arith.xori %scan3A_269#0, %reduce_min3A_274 : vector<16xi32>
      %reduce_min3A_276 = tpu.scan <min>, %reduce_min3A_275 masked %reduce_min3A_272 : vector<16xi32>, vector<16xi1> -> vector<16xi32>
      %reduce_min3A_277 = arith.xori %reduce_min3A_276, %reduce_min3A_274 : vector<16xi32>
      %reduce_min3A_278 = vector.extract %reduce_min3A_277[15] : i32 from vector<16xi32>
      %and3A_279 = arith.constant 16383 : i32
      %and3A_280 = arith.andi %reduce_min3A_278, %and3A_279 : i32
      %reduce_min3A_281 = arith.constant true
      %reduce_min3A_282 = vector.broadcast %reduce_min3A_281 : i1 to vector<16xi1>
      %reduce_min3A_283 = arith.constant -2147483648 : i32
      %reduce_min3A_284 = vector.broadcast %reduce_min3A_283 : i32 to vector<16xi32>
      %reduce_min3A_285 = arith.xori %scan3A_269#1, %reduce_min3A_284 : vector<16xi32>
      %reduce_min3A_286 = tpu.scan <min>, %reduce_min3A_285 masked %reduce_min3A_282 : vector<16xi32>, vector<16xi1> -> vector<16xi32>
      %reduce_min3A_287 = arith.xori %reduce_min3A_286, %reduce_min3A_284 : vector<16xi32>
      %reduce_min3A_288 = vector.extract %reduce_min3A_287[15] : i32 from vector<16xi32>
      %and3A_289 = arith.constant 16383 : i32
      %and3A_290 = arith.andi %reduce_min3A_288, %and3A_289 : i32
      %sub3A_291 = arith.subi %and3A_290, %and3A_280 : i32
      %shift_right_arithmetic3A_292 = arith.constant 14 : i32
      %shift_right_arithmetic3A_293 = arith.shrsi %reduce_min3A_278, %shift_right_arithmetic3A_292 : i32
      %while3A_294 = arith.constant 0 : i32
      %while3A_295 = arith.constant 0 : i32
      %while3A_296 = arith.subi %select_n3A_245, %while3A_294 : i32
      %while3A_297 = arith.addi %while3A_294, %while3A_296 : i32
      %while3A_298 = arith.constant 1 : i32
      %while3A_299 = arith.divsi %while3A_296, %while3A_298 : i32
      %while3A_300 = arith.muli %while3A_299, %while3A_298 : i32
      %while3A_301 = arith.addi %while3A_294, %while3A_300 : i32
      %while3A_302 = arith.constant 1 : i32
      %while3A_303 = scf.for %while3A_373 = %while3A_294 to %while3A_301 step %while3A_302 iter_args(%while3A_374 = %while3A_295) -> (i32)  : i32 {
        %mul3A_375 = arith.constant 8 : i32
        %mul3A_376 = arith.muli %while3A_373, %mul3A_375 : i32
        %add3A_377 = arith.constant 0 : i32
        %add3A_378 = arith.addi %mul3A_376, %add3A_377 : i32
        %mul3A_379 = arith.constant 16 : i32
        %mul3A_380 = arith.muli %add3A_378, %mul3A_379 : i32
        %get3A = arith.index_cast %mul3A_380 : i32 to index
        %get3A_381 = tpu.vector_load %arg9[%get3A] {strides = array<i32>} : memref<8192xi32, #tpu.memory_space<vmem>>, vector<16xi32>,
        %mul3A_382 = arith.constant 8 : i32
        %mul3A_383 = arith.muli %while3A_373, %mul3A_382 : i32
        %add3A_384 = arith.constant 1 : i32
        %add3A_385 = arith.addi %mul3A_383, %add3A_384 : i32
        %mul3A_386 = arith.constant 16 : i32
        %mul3A_387 = arith.muli %add3A_385, %mul3A_386 : i32
        %get3A_388 = arith.index_cast %mul3A_387 : i32 to index
        %get3A_389 = tpu.vector_load %arg9[%get3A_388] {strides = array<i32>} : memref<8192xi32, #tpu.memory_space<vmem>>, vector<16xi32>,
        %mul3A_390 = arith.constant 8 : i32
        %mul3A_391 = arith.muli %while3A_373, %mul3A_390 : i32
        %add3A_392 = arith.constant 2 : i32
        %add3A_393 = arith.addi %mul3A_391, %add3A_392 : i32
        %mul3A_394 = arith.constant 16 : i32
        %mul3A_395 = arith.muli %add3A_393, %mul3A_394 : i32
        %get3A_396 = arith.index_cast %mul3A_395 : i32 to index
        %get3A_397 = tpu.vector_load %arg9[%get3A_396] {strides = array<i32>} : memref<8192xi32, #tpu.memory_space<vmem>>, vector<16xi32>,
        %mul3A_398 = arith.constant 8 : i32
        %mul3A_399 = arith.muli %while3A_373, %mul3A_398 : i32
        %add3A_400 = arith.constant 3 : i32
        %add3A_401 = arith.addi %mul3A_399, %add3A_400 : i32
        %mul3A_402 = arith.constant 16 : i32
        %mul3A_403 = arith.muli %add3A_401, %mul3A_402 : i32
        %get3A_404 = arith.index_cast %mul3A_403 : i32 to index
        %get3A_405 = tpu.vector_load %arg9[%get3A_404] {strides = array<i32>} : memref<8192xi32, #tpu.memory_space<vmem>>, vector<16xi32>,
        %mul3A_406 = arith.constant 8 : i32
        %mul3A_407 = arith.muli %while3A_373, %mul3A_406 : i32
        %add3A_408 = arith.constant 4 : i32
        %add3A_409 = arith.addi %mul3A_407, %add3A_408 : i32
        %mul3A_410 = arith.constant 16 : i32
        %mul3A_411 = arith.muli %add3A_409, %mul3A_410 : i32
        %get3A_412 = arith.index_cast %mul3A_411 : i32 to index
        %get3A_413 = tpu.vector_load %arg9[%get3A_412] {strides = array<i32>} : memref<8192xi32, #tpu.memory_space<vmem>>, vector<16xi32>,
        %mul3A_414 = arith.constant 8 : i32
        %mul3A_415 = arith.muli %while3A_373, %mul3A_414 : i32
        %add3A_416 = arith.constant 5 : i32
        %add3A_417 = arith.addi %mul3A_415, %add3A_416 : i32
        %mul3A_418 = arith.constant 16 : i32
        %mul3A_419 = arith.muli %add3A_417, %mul3A_418 : i32
        %get3A_420 = arith.index_cast %mul3A_419 : i32 to index
        %get3A_421 = tpu.vector_load %arg9[%get3A_420] {strides = array<i32>} : memref<8192xi32, #tpu.memory_space<vmem>>, vector<16xi32>,
        %mul3A_422 = arith.constant 8 : i32
        %mul3A_423 = arith.muli %while3A_373, %mul3A_422 : i32
        %add3A_424 = arith.constant 6 : i32
        %add3A_425 = arith.addi %mul3A_423, %add3A_424 : i32
        %mul3A_426 = arith.constant 16 : i32
        %mul3A_427 = arith.muli %add3A_425, %mul3A_426 : i32
        %get3A_428 = arith.index_cast %mul3A_427 : i32 to index
        %get3A_429 = tpu.vector_load %arg9[%get3A_428] {strides = array<i32>} : memref<8192xi32, #tpu.memory_space<vmem>>, vector<16xi32>,
        %mul3A_430 = arith.constant 8 : i32
        %mul3A_431 = arith.muli %while3A_373, %mul3A_430 : i32
        %add3A_432 = arith.constant 7 : i32
        %add3A_433 = arith.addi %mul3A_431, %add3A_432 : i32
        %mul3A_434 = arith.constant 16 : i32
        %mul3A_435 = arith.muli %add3A_433, %mul3A_434 : i32
        %get3A_436 = arith.index_cast %mul3A_435 : i32 to index
        %get3A_437 = tpu.vector_load %arg9[%get3A_436] {strides = array<i32>} : memref<8192xi32, #tpu.memory_space<vmem>>, vector<16xi32>,
        %mul3A_438 = arith.constant 8 : i32
        %mul3A_439 = arith.muli %while3A_373, %mul3A_438 : i32
        %add3A_440 = arith.constant 0 : i32
        %add3A_441 = arith.addi %mul3A_439, %add3A_440 : i32
        %mul3A_442 = arith.constant 16 : i32
        %mul3A_443 = arith.muli %add3A_441, %mul3A_442 : i32
        %add3A_444 = vector.broadcast %mul3A_443 : i32 to vector<16xi32>
        %add3A_445 = arith.addi %iota3A, %add3A_444 : vector<16xi32>
        %and3A_446 = arith.constant 31 : i32
        %and3A_447 = vector.broadcast %and3A_446 : i32 to vector<16xi32>
        %and3A_448 = arith.andi %add3A_445, %and3A_447 : vector<16xi32>
        %add3A_449 = arith.addi %mul3A_3, %and3A_448 : vector<16xi32>
        %eq3A_450 = vector.broadcast %or3A_240 : i32 to vector<16xi32>
        %eq3A_451 = arith.cmpi eq, %get3A_381, %eq3A_450 : vector<16xi32>
        %shift_right_arithmetic3A_452 = arith.constant 5 : i32
        %shift_right_arithmetic3A_453 = vector.broadcast %shift_right_arithmetic3A_452 : i32 to vector<16xi32>
        %shift_right_arithmetic3A_454 = arith.shrsi %add3A_445, %shift_right_arithmetic3A_453 : vector<16xi32>
        %eq3A_455 = vector.broadcast %shift_right_arithmetic3A_293 : i32 to vector<16xi32>
        %eq3A_456 = arith.cmpi eq, %shift_right_arithmetic3A_454, %eq3A_455 : vector<16xi32>
        %and3A_457 = arith.andi %eq3A_451, %eq3A_456 : vector<16xi1>
        %mul3A_458 = arith.constant 8 : i32
        %mul3A_459 = arith.muli %while3A_373, %mul3A_458 : i32
        %add3A_460 = arith.constant 1 : i32
        %add3A_461 = arith.addi %mul3A_459, %add3A_460 : i32
        %mul3A_462 = arith.constant 16 : i32
        %mul3A_463 = arith.muli %add3A_461, %mul3A_462 : i32
        %add3A_464 = vector.broadcast %mul3A_463 : i32 to vector<16xi32>
        %add3A_465 = arith.addi %iota3A, %add3A_464 : vector<16xi32>
        %and3A_466 = arith.constant 31 : i32
        %and3A_467 = vector.broadcast %and3A_466 : i32 to vector<16xi32>
        %and3A_468 = arith.andi %add3A_465, %and3A_467 : vector<16xi32>
        %add3A_469 = arith.addi %mul3A_3, %and3A_468 : vector<16xi32>
        %eq3A_470 = vector.broadcast %or3A_240 : i32 to vector<16xi32>
        %eq3A_471 = arith.cmpi eq, %get3A_389, %eq3A_470 : vector<16xi32>
        %shift_right_arithmetic3A_472 = arith.constant 5 : i32
        %shift_right_arithmetic3A_473 = vector.broadcast %shift_right_arithmetic3A_472 : i32 to vector<16xi32>
        %shift_right_arithmetic3A_474 = arith.shrsi %add3A_465, %shift_right_arithmetic3A_473 : vector<16xi32>
        %eq3A_475 = vector.broadcast %shift_right_arithmetic3A_293 : i32 to vector<16xi32>
        %eq3A_476 = arith.cmpi eq, %shift_right_arithmetic3A_474, %eq3A_475 : vector<16xi32>
        %and3A_477 = arith.andi %eq3A_471, %eq3A_476 : vector<16xi1>
        %mul3A_478 = arith.constant 8 : i32
        %mul3A_479 = arith.muli %while3A_373, %mul3A_478 : i32
        %add3A_480 = arith.constant 2 : i32
        %add3A_481 = arith.addi %mul3A_479, %add3A_480 : i32
        %mul3A_482 = arith.constant 16 : i32
        %mul3A_483 = arith.muli %add3A_481, %mul3A_482 : i32
        %add3A_484 = vector.broadcast %mul3A_483 : i32 to vector<16xi32>
        %add3A_485 = arith.addi %iota3A, %add3A_484 : vector<16xi32>
        %and3A_486 = arith.constant 31 : i32
        %and3A_487 = vector.broadcast %and3A_486 : i32 to vector<16xi32>
        %and3A_488 = arith.andi %add3A_485, %and3A_487 : vector<16xi32>
        %add3A_489 = arith.addi %mul3A_3, %and3A_488 : vector<16xi32>
        %eq3A_490 = vector.broadcast %or3A_240 : i32 to vector<16xi32>
        %eq3A_491 = arith.cmpi eq, %get3A_397, %eq3A_490 : vector<16xi32>
        %shift_right_arithmetic3A_492 = arith.constant 5 : i32
        %shift_right_arithmetic3A_493 = vector.broadcast %shift_right_arithmetic3A_492 : i32 to vector<16xi32>
        %shift_right_arithmetic3A_494 = arith.shrsi %add3A_485, %shift_right_arithmetic3A_493 : vector<16xi32>
        %eq3A_495 = vector.broadcast %shift_right_arithmetic3A_293 : i32 to vector<16xi32>
        %eq3A_496 = arith.cmpi eq, %shift_right_arithmetic3A_494, %eq3A_495 : vector<16xi32>
        %and3A_497 = arith.andi %eq3A_491, %eq3A_496 : vector<16xi1>
        %mul3A_498 = arith.constant 8 : i32
        %mul3A_499 = arith.muli %while3A_373, %mul3A_498 : i32
        %add3A_500 = arith.constant 3 : i32
        %add3A_501 = arith.addi %mul3A_499, %add3A_500 : i32
        %mul3A_502 = arith.constant 16 : i32
        %mul3A_503 = arith.muli %add3A_501, %mul3A_502 : i32
        %add3A_504 = vector.broadcast %mul3A_503 : i32 to vector<16xi32>
        %add3A_505 = arith.addi %iota3A, %add3A_504 : vector<16xi32>
        %and3A_506 = arith.constant 31 : i32
        %and3A_507 = vector.broadcast %and3A_506 : i32 to vector<16xi32>
        %and3A_508 = arith.andi %add3A_505, %and3A_507 : vector<16xi32>
        %add3A_509 = arith.addi %mul3A_3, %and3A_508 : vector<16xi32>
        %eq3A_510 = vector.broadcast %or3A_240 : i32 to vector<16xi32>
        %eq3A_511 = arith.cmpi eq, %get3A_405, %eq3A_510 : vector<16xi32>
        %shift_right_arithmetic3A_512 = arith.constant 5 : i32
        %shift_right_arithmetic3A_513 = vector.broadcast %shift_right_arithmetic3A_512 : i32 to vector<16xi32>
        %shift_right_arithmetic3A_514 = arith.shrsi %add3A_505, %shift_right_arithmetic3A_513 : vector<16xi32>
        %eq3A_515 = vector.broadcast %shift_right_arithmetic3A_293 : i32 to vector<16xi32>
        %eq3A_516 = arith.cmpi eq, %shift_right_arithmetic3A_514, %eq3A_515 : vector<16xi32>
        %and3A_517 = arith.andi %eq3A_511, %eq3A_516 : vector<16xi1>
        %mul3A_518 = arith.constant 8 : i32
        %mul3A_519 = arith.muli %while3A_373, %mul3A_518 : i32
        %add3A_520 = arith.constant 4 : i32
        %add3A_521 = arith.addi %mul3A_519, %add3A_520 : i32
        %mul3A_522 = arith.constant 16 : i32
        %mul3A_523 = arith.muli %add3A_521, %mul3A_522 : i32
        %add3A_524 = vector.broadcast %mul3A_523 : i32 to vector<16xi32>
        %add3A_525 = arith.addi %iota3A, %add3A_524 : vector<16xi32>
        %and3A_526 = arith.constant 31 : i32
        %and3A_527 = vector.broadcast %and3A_526 : i32 to vector<16xi32>
        %and3A_528 = arith.andi %add3A_525, %and3A_527 : vector<16xi32>
        %add3A_529 = arith.addi %mul3A_3, %and3A_528 : vector<16xi32>
        %eq3A_530 = vector.broadcast %or3A_240 : i32 to vector<16xi32>
        %eq3A_531 = arith.cmpi eq, %get3A_413, %eq3A_530 : vector<16xi32>
        %shift_right_arithmetic3A_532 = arith.constant 5 : i32
        %shift_right_arithmetic3A_533 = vector.broadcast %shift_right_arithmetic3A_532 : i32 to vector<16xi32>
        %shift_right_arithmetic3A_534 = arith.shrsi %add3A_525, %shift_right_arithmetic3A_533 : vector<16xi32>
        %eq3A_535 = vector.broadcast %shift_right_arithmetic3A_293 : i32 to vector<16xi32>
        %eq3A_536 = arith.cmpi eq, %shift_right_arithmetic3A_534, %eq3A_535 : vector<16xi32>
        %and3A_537 = arith.andi %eq3A_531, %eq3A_536 : vector<16xi1>
        %mul3A_538 = arith.constant 8 : i32
        %mul3A_539 = arith.muli %while3A_373, %mul3A_538 : i32
        %add3A_540 = arith.constant 5 : i32
        %add3A_541 = arith.addi %mul3A_539, %add3A_540 : i32
        %mul3A_542 = arith.constant 16 : i32
        %mul3A_543 = arith.muli %add3A_541, %mul3A_542 : i32
        %add3A_544 = vector.broadcast %mul3A_543 : i32 to vector<16xi32>
        %add3A_545 = arith.addi %iota3A, %add3A_544 : vector<16xi32>
        %and3A_546 = arith.constant 31 : i32
        %and3A_547 = vector.broadcast %and3A_546 : i32 to vector<16xi32>
        %and3A_548 = arith.andi %add3A_545, %and3A_547 : vector<16xi32>
        %add3A_549 = arith.addi %mul3A_3, %and3A_548 : vector<16xi32>
        %eq3A_550 = vector.broadcast %or3A_240 : i32 to vector<16xi32>
        %eq3A_551 = arith.cmpi eq, %get3A_421, %eq3A_550 : vector<16xi32>
        %shift_right_arithmetic3A_552 = arith.constant 5 : i32
        %shift_right_arithmetic3A_553 = vector.broadcast %shift_right_arithmetic3A_552 : i32 to vector<16xi32>
        %shift_right_arithmetic3A_554 = arith.shrsi %add3A_545, %shift_right_arithmetic3A_553 : vector<16xi32>
        %eq3A_555 = vector.broadcast %shift_right_arithmetic3A_293 : i32 to vector<16xi32>
        %eq3A_556 = arith.cmpi eq, %shift_right_arithmetic3A_554, %eq3A_555 : vector<16xi32>
        %and3A_557 = arith.andi %eq3A_551, %eq3A_556 : vector<16xi1>
        %mul3A_558 = arith.constant 8 : i32
        %mul3A_559 = arith.muli %while3A_373, %mul3A_558 : i32
        %add3A_560 = arith.constant 6 : i32
        %add3A_561 = arith.addi %mul3A_559, %add3A_560 : i32
        %mul3A_562 = arith.constant 16 : i32
        %mul3A_563 = arith.muli %add3A_561, %mul3A_562 : i32
        %add3A_564 = vector.broadcast %mul3A_563 : i32 to vector<16xi32>
        %add3A_565 = arith.addi %iota3A, %add3A_564 : vector<16xi32>
        %and3A_566 = arith.constant 31 : i32
        %and3A_567 = vector.broadcast %and3A_566 : i32 to vector<16xi32>
        %and3A_568 = arith.andi %add3A_565, %and3A_567 : vector<16xi32>
        %add3A_569 = arith.addi %mul3A_3, %and3A_568 : vector<16xi32>
        %eq3A_570 = vector.broadcast %or3A_240 : i32 to vector<16xi32>
        %eq3A_571 = arith.cmpi eq, %get3A_429, %eq3A_570 : vector<16xi32>
        %shift_right_arithmetic3A_572 = arith.constant 5 : i32
        %shift_right_arithmetic3A_573 = vector.broadcast %shift_right_arithmetic3A_572 : i32 to vector<16xi32>
        %shift_right_arithmetic3A_574 = arith.shrsi %add3A_565, %shift_right_arithmetic3A_573 : vector<16xi32>
        %eq3A_575 = vector.broadcast %shift_right_arithmetic3A_293 : i32 to vector<16xi32>
        %eq3A_576 = arith.cmpi eq, %shift_right_arithmetic3A_574, %eq3A_575 : vector<16xi32>
        %and3A_577 = arith.andi %eq3A_571, %eq3A_576 : vector<16xi1>
        %mul3A_578 = arith.constant 8 : i32
        %mul3A_579 = arith.muli %while3A_373, %mul3A_578 : i32
        %add3A_580 = arith.constant 7 : i32
        %add3A_581 = arith.addi %mul3A_579, %add3A_580 : i32
        %mul3A_582 = arith.constant 16 : i32
        %mul3A_583 = arith.muli %add3A_581, %mul3A_582 : i32
        %add3A_584 = vector.broadcast %mul3A_583 : i32 to vector<16xi32>
        %add3A_585 = arith.addi %iota3A, %add3A_584 : vector<16xi32>
        %and3A_586 = arith.constant 31 : i32
        %and3A_587 = vector.broadcast %and3A_586 : i32 to vector<16xi32>
        %and3A_588 = arith.andi %add3A_585, %and3A_587 : vector<16xi32>
        %add3A_589 = arith.addi %mul3A_3, %and3A_588 : vector<16xi32>
        %eq3A_590 = vector.broadcast %or3A_240 : i32 to vector<16xi32>
        %eq3A_591 = arith.cmpi eq, %get3A_437, %eq3A_590 : vector<16xi32>
        %shift_right_arithmetic3A_592 = arith.constant 5 : i32
        %shift_right_arithmetic3A_593 = vector.broadcast %shift_right_arithmetic3A_592 : i32 to vector<16xi32>
        %shift_right_arithmetic3A_594 = arith.shrsi %add3A_585, %shift_right_arithmetic3A_593 : vector<16xi32>
        %eq3A_595 = vector.broadcast %shift_right_arithmetic3A_293 : i32 to vector<16xi32>
        %eq3A_596 = arith.cmpi eq, %shift_right_arithmetic3A_594, %eq3A_595 : vector<16xi32>
        %and3A_597 = arith.andi %eq3A_591, %eq3A_596 : vector<16xi1>
        tpu.vector_store_idx %arg10[%add3A_449], %broadcast_in_dim3A_4 masked %and3A_457 {add = true} : memref<4224xi32, #tpu.memory_space<vmem>>[vector<16xi32>], vector<16xi32>, vector<16xi1>
        tpu.vector_store_idx %arg10[%add3A_469], %broadcast_in_dim3A_4 masked %and3A_477 {add = true} : memref<4224xi32, #tpu.memory_space<vmem>>[vector<16xi32>], vector<16xi32>, vector<16xi1>
        tpu.vector_store_idx %arg10[%add3A_489], %broadcast_in_dim3A_4 masked %and3A_497 {add = true} : memref<4224xi32, #tpu.memory_space<vmem>>[vector<16xi32>], vector<16xi32>, vector<16xi1>
        tpu.vector_store_idx %arg10[%add3A_509], %broadcast_in_dim3A_4 masked %and3A_517 {add = true} : memref<4224xi32, #tpu.memory_space<vmem>>[vector<16xi32>], vector<16xi32>, vector<16xi1>
        tpu.vector_store_idx %arg10[%add3A_529], %broadcast_in_dim3A_4 masked %and3A_537 {add = true} : memref<4224xi32, #tpu.memory_space<vmem>>[vector<16xi32>], vector<16xi32>, vector<16xi1>
        tpu.vector_store_idx %arg10[%add3A_549], %broadcast_in_dim3A_4 masked %and3A_557 {add = true} : memref<4224xi32, #tpu.memory_space<vmem>>[vector<16xi32>], vector<16xi32>, vector<16xi1>
        tpu.vector_store_idx %arg10[%add3A_569], %broadcast_in_dim3A_4 masked %and3A_577 {add = true} : memref<4224xi32, #tpu.memory_space<vmem>>[vector<16xi32>], vector<16xi32>, vector<16xi1>
        tpu.vector_store_idx %arg10[%add3A_589], %broadcast_in_dim3A_4 masked %and3A_597 {add = true} : memref<4224xi32, #tpu.memory_space<vmem>>[vector<16xi32>], vector<16xi32>, vector<16xi1>
        %while3A_598 = arith.constant 0 : i32
        scf.yield %while3A_598 : i32
      }
      %while3A_304 = arith.constant 1 : i32
      %while3A_305 = scf.for %while3A_373 = %while3A_301 to %while3A_297 step %while3A_304 iter_args(%while3A_374 = %while3A_303) -> (i32)  : i32 {
        %mul3A_375 = arith.constant 8 : i32
        %mul3A_376 = arith.muli %while3A_373, %mul3A_375 : i32
        %add3A_377 = arith.constant 0 : i32
        %add3A_378 = arith.addi %mul3A_376, %add3A_377 : i32
        %mul3A_379 = arith.constant 16 : i32
        %mul3A_380 = arith.muli %add3A_378, %mul3A_379 : i32
        %get3A = arith.index_cast %mul3A_380 : i32 to index
        %get3A_381 = tpu.vector_load %arg9[%get3A] {strides = array<i32>} : memref<8192xi32, #tpu.memory_space<vmem>>, vector<16xi32>,
        %mul3A_382 = arith.constant 8 : i32
        %mul3A_383 = arith.muli %while3A_373, %mul3A_382 : i32
        %add3A_384 = arith.constant 1 : i32
        %add3A_385 = arith.addi %mul3A_383, %add3A_384 : i32
        %mul3A_386 = arith.constant 16 : i32
        %mul3A_387 = arith.muli %add3A_385, %mul3A_386 : i32
        %get3A_388 = arith.index_cast %mul3A_387 : i32 to index
        %get3A_389 = tpu.vector_load %arg9[%get3A_388] {strides = array<i32>} : memref<8192xi32, #tpu.memory_space<vmem>>, vector<16xi32>,
        %mul3A_390 = arith.constant 8 : i32
        %mul3A_391 = arith.muli %while3A_373, %mul3A_390 : i32
        %add3A_392 = arith.constant 2 : i32
        %add3A_393 = arith.addi %mul3A_391, %add3A_392 : i32
        %mul3A_394 = arith.constant 16 : i32
        %mul3A_395 = arith.muli %add3A_393, %mul3A_394 : i32
        %get3A_396 = arith.index_cast %mul3A_395 : i32 to index
        %get3A_397 = tpu.vector_load %arg9[%get3A_396] {strides = array<i32>} : memref<8192xi32, #tpu.memory_space<vmem>>, vector<16xi32>,
        %mul3A_398 = arith.constant 8 : i32
        %mul3A_399 = arith.muli %while3A_373, %mul3A_398 : i32
        %add3A_400 = arith.constant 3 : i32
        %add3A_401 = arith.addi %mul3A_399, %add3A_400 : i32
        %mul3A_402 = arith.constant 16 : i32
        %mul3A_403 = arith.muli %add3A_401, %mul3A_402 : i32
        %get3A_404 = arith.index_cast %mul3A_403 : i32 to index
        %get3A_405 = tpu.vector_load %arg9[%get3A_404] {strides = array<i32>} : memref<8192xi32, #tpu.memory_space<vmem>>, vector<16xi32>,
        %mul3A_406 = arith.constant 8 : i32
        %mul3A_407 = arith.muli %while3A_373, %mul3A_406 : i32
        %add3A_408 = arith.constant 4 : i32
        %add3A_409 = arith.addi %mul3A_407, %add3A_408 : i32
        %mul3A_410 = arith.constant 16 : i32
        %mul3A_411 = arith.muli %add3A_409, %mul3A_410 : i32
        %get3A_412 = arith.index_cast %mul3A_411 : i32 to index
        %get3A_413 = tpu.vector_load %arg9[%get3A_412] {strides = array<i32>} : memref<8192xi32, #tpu.memory_space<vmem>>, vector<16xi32>,
        %mul3A_414 = arith.constant 8 : i32
        %mul3A_415 = arith.muli %while3A_373, %mul3A_414 : i32
        %add3A_416 = arith.constant 5 : i32
        %add3A_417 = arith.addi %mul3A_415, %add3A_416 : i32
        %mul3A_418 = arith.constant 16 : i32
        %mul3A_419 = arith.muli %add3A_417, %mul3A_418 : i32
        %get3A_420 = arith.index_cast %mul3A_419 : i32 to index
        %get3A_421 = tpu.vector_load %arg9[%get3A_420] {strides = array<i32>} : memref<8192xi32, #tpu.memory_space<vmem>>, vector<16xi32>,
        %mul3A_422 = arith.constant 8 : i32
        %mul3A_423 = arith.muli %while3A_373, %mul3A_422 : i32
        %add3A_424 = arith.constant 6 : i32
        %add3A_425 = arith.addi %mul3A_423, %add3A_424 : i32
        %mul3A_426 = arith.constant 16 : i32
        %mul3A_427 = arith.muli %add3A_425, %mul3A_426 : i32
        %get3A_428 = arith.index_cast %mul3A_427 : i32 to index
        %get3A_429 = tpu.vector_load %arg9[%get3A_428] {strides = array<i32>} : memref<8192xi32, #tpu.memory_space<vmem>>, vector<16xi32>,
        %mul3A_430 = arith.constant 8 : i32
        %mul3A_431 = arith.muli %while3A_373, %mul3A_430 : i32
        %add3A_432 = arith.constant 7 : i32
        %add3A_433 = arith.addi %mul3A_431, %add3A_432 : i32
        %mul3A_434 = arith.constant 16 : i32
        %mul3A_435 = arith.muli %add3A_433, %mul3A_434 : i32
        %get3A_436 = arith.index_cast %mul3A_435 : i32 to index
        %get3A_437 = tpu.vector_load %arg9[%get3A_436] {strides = array<i32>} : memref<8192xi32, #tpu.memory_space<vmem>>, vector<16xi32>,
        %mul3A_438 = arith.constant 8 : i32
        %mul3A_439 = arith.muli %while3A_373, %mul3A_438 : i32
        %add3A_440 = arith.constant 0 : i32
        %add3A_441 = arith.addi %mul3A_439, %add3A_440 : i32
        %mul3A_442 = arith.constant 16 : i32
        %mul3A_443 = arith.muli %add3A_441, %mul3A_442 : i32
        %add3A_444 = vector.broadcast %mul3A_443 : i32 to vector<16xi32>
        %add3A_445 = arith.addi %iota3A, %add3A_444 : vector<16xi32>
        %and3A_446 = arith.constant 31 : i32
        %and3A_447 = vector.broadcast %and3A_446 : i32 to vector<16xi32>
        %and3A_448 = arith.andi %add3A_445, %and3A_447 : vector<16xi32>
        %add3A_449 = arith.addi %mul3A_3, %and3A_448 : vector<16xi32>
        %eq3A_450 = vector.broadcast %or3A_240 : i32 to vector<16xi32>
        %eq3A_451 = arith.cmpi eq, %get3A_381, %eq3A_450 : vector<16xi32>
        %shift_right_arithmetic3A_452 = arith.constant 5 : i32
        %shift_right_arithmetic3A_453 = vector.broadcast %shift_right_arithmetic3A_452 : i32 to vector<16xi32>
        %shift_right_arithmetic3A_454 = arith.shrsi %add3A_445, %shift_right_arithmetic3A_453 : vector<16xi32>
        %eq3A_455 = vector.broadcast %shift_right_arithmetic3A_293 : i32 to vector<16xi32>
        %eq3A_456 = arith.cmpi eq, %shift_right_arithmetic3A_454, %eq3A_455 : vector<16xi32>
        %and3A_457 = arith.andi %eq3A_451, %eq3A_456 : vector<16xi1>
        %mul3A_458 = arith.constant 8 : i32
        %mul3A_459 = arith.muli %while3A_373, %mul3A_458 : i32
        %add3A_460 = arith.constant 1 : i32
        %add3A_461 = arith.addi %mul3A_459, %add3A_460 : i32
        %mul3A_462 = arith.constant 16 : i32
        %mul3A_463 = arith.muli %add3A_461, %mul3A_462 : i32
        %add3A_464 = vector.broadcast %mul3A_463 : i32 to vector<16xi32>
        %add3A_465 = arith.addi %iota3A, %add3A_464 : vector<16xi32>
        %and3A_466 = arith.constant 31 : i32
        %and3A_467 = vector.broadcast %and3A_466 : i32 to vector<16xi32>
        %and3A_468 = arith.andi %add3A_465, %and3A_467 : vector<16xi32>
        %add3A_469 = arith.addi %mul3A_3, %and3A_468 : vector<16xi32>
        %eq3A_470 = vector.broadcast %or3A_240 : i32 to vector<16xi32>
        %eq3A_471 = arith.cmpi eq, %get3A_389, %eq3A_470 : vector<16xi32>
        %shift_right_arithmetic3A_472 = arith.constant 5 : i32
        %shift_right_arithmetic3A_473 = vector.broadcast %shift_right_arithmetic3A_472 : i32 to vector<16xi32>
        %shift_right_arithmetic3A_474 = arith.shrsi %add3A_465, %shift_right_arithmetic3A_473 : vector<16xi32>
        %eq3A_475 = vector.broadcast %shift_right_arithmetic3A_293 : i32 to vector<16xi32>
        %eq3A_476 = arith.cmpi eq, %shift_right_arithmetic3A_474, %eq3A_475 : vector<16xi32>
        %and3A_477 = arith.andi %eq3A_471, %eq3A_476 : vector<16xi1>
        %mul3A_478 = arith.constant 8 : i32
        %mul3A_479 = arith.muli %while3A_373, %mul3A_478 : i32
        %add3A_480 = arith.constant 2 : i32
        %add3A_481 = arith.addi %mul3A_479, %add3A_480 : i32
        %mul3A_482 = arith.constant 16 : i32
        %mul3A_483 = arith.muli %add3A_481, %mul3A_482 : i32
        %add3A_484 = vector.broadcast %mul3A_483 : i32 to vector<16xi32>
        %add3A_485 = arith.addi %iota3A, %add3A_484 : vector<16xi32>
        %and3A_486 = arith.constant 31 : i32
        %and3A_487 = vector.broadcast %and3A_486 : i32 to vector<16xi32>
        %and3A_488 = arith.andi %add3A_485, %and3A_487 : vector<16xi32>
        %add3A_489 = arith.addi %mul3A_3, %and3A_488 : vector<16xi32>
        %eq3A_490 = vector.broadcast %or3A_240 : i32 to vector<16xi32>
        %eq3A_491 = arith.cmpi eq, %get3A_397, %eq3A_490 : vector<16xi32>
        %shift_right_arithmetic3A_492 = arith.constant 5 : i32
        %shift_right_arithmetic3A_493 = vector.broadcast %shift_right_arithmetic3A_492 : i32 to vector<16xi32>
        %shift_right_arithmetic3A_494 = arith.shrsi %add3A_485, %shift_right_arithmetic3A_493 : vector<16xi32>
        %eq3A_495 = vector.broadcast %shift_right_arithmetic3A_293 : i32 to vector<16xi32>
        %eq3A_496 = arith.cmpi eq, %shift_right_arithmetic3A_494, %eq3A_495 : vector<16xi32>
        %and3A_497 = arith.andi %eq3A_491, %eq3A_496 : vector<16xi1>
        %mul3A_498 = arith.constant 8 : i32
        %mul3A_499 = arith.muli %while3A_373, %mul3A_498 : i32
        %add3A_500 = arith.constant 3 : i32
        %add3A_501 = arith.addi %mul3A_499, %add3A_500 : i32
        %mul3A_502 = arith.constant 16 : i32
        %mul3A_503 = arith.muli %add3A_501, %mul3A_502 : i32
        %add3A_504 = vector.broadcast %mul3A_503 : i32 to vector<16xi32>
        %add3A_505 = arith.addi %iota3A, %add3A_504 : vector<16xi32>
        %and3A_506 = arith.constant 31 : i32
        %and3A_507 = vector.broadcast %and3A_506 : i32 to vector<16xi32>
        %and3A_508 = arith.andi %add3A_505, %and3A_507 : vector<16xi32>
        %add3A_509 = arith.addi %mul3A_3, %and3A_508 : vector<16xi32>
        %eq3A_510 = vector.broadcast %or3A_240 : i32 to vector<16xi32>
        %eq3A_511 = arith.cmpi eq, %get3A_405, %eq3A_510 : vector<16xi32>
        %shift_right_arithmetic3A_512 = arith.constant 5 : i32
        %shift_right_arithmetic3A_513 = vector.broadcast %shift_right_arithmetic3A_512 : i32 to vector<16xi32>
        %shift_right_arithmetic3A_514 = arith.shrsi %add3A_505, %shift_right_arithmetic3A_513 : vector<16xi32>
        %eq3A_515 = vector.broadcast %shift_right_arithmetic3A_293 : i32 to vector<16xi32>
        %eq3A_516 = arith.cmpi eq, %shift_right_arithmetic3A_514, %eq3A_515 : vector<16xi32>
        %and3A_517 = arith.andi %eq3A_511, %eq3A_516 : vector<16xi1>
        %mul3A_518 = arith.constant 8 : i32
        %mul3A_519 = arith.muli %while3A_373, %mul3A_518 : i32
        %add3A_520 = arith.constant 4 : i32
        %add3A_521 = arith.addi %mul3A_519, %add3A_520 : i32
        %mul3A_522 = arith.constant 16 : i32
        %mul3A_523 = arith.muli %add3A_521, %mul3A_522 : i32
        %add3A_524 = vector.broadcast %mul3A_523 : i32 to vector<16xi32>
        %add3A_525 = arith.addi %iota3A, %add3A_524 : vector<16xi32>
        %and3A_526 = arith.constant 31 : i32
        %and3A_527 = vector.broadcast %and3A_526 : i32 to vector<16xi32>
        %and3A_528 = arith.andi %add3A_525, %and3A_527 : vector<16xi32>
        %add3A_529 = arith.addi %mul3A_3, %and3A_528 : vector<16xi32>
        %eq3A_530 = vector.broadcast %or3A_240 : i32 to vector<16xi32>
        %eq3A_531 = arith.cmpi eq, %get3A_413, %eq3A_530 : vector<16xi32>
        %shift_right_arithmetic3A_532 = arith.constant 5 : i32
        %shift_right_arithmetic3A_533 = vector.broadcast %shift_right_arithmetic3A_532 : i32 to vector<16xi32>
        %shift_right_arithmetic3A_534 = arith.shrsi %add3A_525, %shift_right_arithmetic3A_533 : vector<16xi32>
        %eq3A_535 = vector.broadcast %shift_right_arithmetic3A_293 : i32 to vector<16xi32>
        %eq3A_536 = arith.cmpi eq, %shift_right_arithmetic3A_534, %eq3A_535 : vector<16xi32>
        %and3A_537 = arith.andi %eq3A_531, %eq3A_536 : vector<16xi1>
        %mul3A_538 = arith.constant 8 : i32
        %mul3A_539 = arith.muli %while3A_373, %mul3A_538 : i32
        %add3A_540 = arith.constant 5 : i32
        %add3A_541 = arith.addi %mul3A_539, %add3A_540 : i32
        %mul3A_542 = arith.constant 16 : i32
        %mul3A_543 = arith.muli %add3A_541, %mul3A_542 : i32
        %add3A_544 = vector.broadcast %mul3A_543 : i32 to vector<16xi32>
        %add3A_545 = arith.addi %iota3A, %add3A_544 : vector<16xi32>
        %and3A_546 = arith.constant 31 : i32
        %and3A_547 = vector.broadcast %and3A_546 : i32 to vector<16xi32>
        %and3A_548 = arith.andi %add3A_545, %and3A_547 : vector<16xi32>
        %add3A_549 = arith.addi %mul3A_3, %and3A_548 : vector<16xi32>
        %eq3A_550 = vector.broadcast %or3A_240 : i32 to vector<16xi32>
        %eq3A_551 = arith.cmpi eq, %get3A_421, %eq3A_550 : vector<16xi32>
        %shift_right_arithmetic3A_552 = arith.constant 5 : i32
        %shift_right_arithmetic3A_553 = vector.broadcast %shift_right_arithmetic3A_552 : i32 to vector<16xi32>
        %shift_right_arithmetic3A_554 = arith.shrsi %add3A_545, %shift_right_arithmetic3A_553 : vector<16xi32>
        %eq3A_555 = vector.broadcast %shift_right_arithmetic3A_293 : i32 to vector<16xi32>
        %eq3A_556 = arith.cmpi eq, %shift_right_arithmetic3A_554, %eq3A_555 : vector<16xi32>
        %and3A_557 = arith.andi %eq3A_551, %eq3A_556 : vector<16xi1>
        %mul3A_558 = arith.constant 8 : i32
        %mul3A_559 = arith.muli %while3A_373, %mul3A_558 : i32
        %add3A_560 = arith.constant 6 : i32
        %add3A_561 = arith.addi %mul3A_559, %add3A_560 : i32
        %mul3A_562 = arith.constant 16 : i32
        %mul3A_563 = arith.muli %add3A_561, %mul3A_562 : i32
        %add3A_564 = vector.broadcast %mul3A_563 : i32 to vector<16xi32>
        %add3A_565 = arith.addi %iota3A, %add3A_564 : vector<16xi32>
        %and3A_566 = arith.constant 31 : i32
        %and3A_567 = vector.broadcast %and3A_566 : i32 to vector<16xi32>
        %and3A_568 = arith.andi %add3A_565, %and3A_567 : vector<16xi32>
        %add3A_569 = arith.addi %mul3A_3, %and3A_568 : vector<16xi32>
        %eq3A_570 = vector.broadcast %or3A_240 : i32 to vector<16xi32>
        %eq3A_571 = arith.cmpi eq, %get3A_429, %eq3A_570 : vector<16xi32>
        %shift_right_arithmetic3A_572 = arith.constant 5 : i32
        %shift_right_arithmetic3A_573 = vector.broadcast %shift_right_arithmetic3A_572 : i32 to vector<16xi32>
        %shift_right_arithmetic3A_574 = arith.shrsi %add3A_565, %shift_right_arithmetic3A_573 : vector<16xi32>
        %eq3A_575 = vector.broadcast %shift_right_arithmetic3A_293 : i32 to vector<16xi32>
        %eq3A_576 = arith.cmpi eq, %shift_right_arithmetic3A_574, %eq3A_575 : vector<16xi32>
        %and3A_577 = arith.andi %eq3A_571, %eq3A_576 : vector<16xi1>
        %mul3A_578 = arith.constant 8 : i32
        %mul3A_579 = arith.muli %while3A_373, %mul3A_578 : i32
        %add3A_580 = arith.constant 7 : i32
        %add3A_581 = arith.addi %mul3A_579, %add3A_580 : i32
        %mul3A_582 = arith.constant 16 : i32
        %mul3A_583 = arith.muli %add3A_581, %mul3A_582 : i32
        %add3A_584 = vector.broadcast %mul3A_583 : i32 to vector<16xi32>
        %add3A_585 = arith.addi %iota3A, %add3A_584 : vector<16xi32>
        %and3A_586 = arith.constant 31 : i32
        %and3A_587 = vector.broadcast %and3A_586 : i32 to vector<16xi32>
        %and3A_588 = arith.andi %add3A_585, %and3A_587 : vector<16xi32>
        %add3A_589 = arith.addi %mul3A_3, %and3A_588 : vector<16xi32>
        %eq3A_590 = vector.broadcast %or3A_240 : i32 to vector<16xi32>
        %eq3A_591 = arith.cmpi eq, %get3A_437, %eq3A_590 : vector<16xi32>
        %shift_right_arithmetic3A_592 = arith.constant 5 : i32
        %shift_right_arithmetic3A_593 = vector.broadcast %shift_right_arithmetic3A_592 : i32 to vector<16xi32>
        %shift_right_arithmetic3A_594 = arith.shrsi %add3A_585, %shift_right_arithmetic3A_593 : vector<16xi32>
        %eq3A_595 = vector.broadcast %shift_right_arithmetic3A_293 : i32 to vector<16xi32>
        %eq3A_596 = arith.cmpi eq, %shift_right_arithmetic3A_594, %eq3A_595 : vector<16xi32>
        %and3A_597 = arith.andi %eq3A_591, %eq3A_596 : vector<16xi1>
        tpu.vector_store_idx %arg10[%add3A_449], %broadcast_in_dim3A_4 masked %and3A_457 {add = true} : memref<4224xi32, #tpu.memory_space<vmem>>[vector<16xi32>], vector<16xi32>, vector<16xi1>
        tpu.vector_store_idx %arg10[%add3A_469], %broadcast_in_dim3A_4 masked %and3A_477 {add = true} : memref<4224xi32, #tpu.memory_space<vmem>>[vector<16xi32>], vector<16xi32>, vector<16xi1>
        tpu.vector_store_idx %arg10[%add3A_489], %broadcast_in_dim3A_4 masked %and3A_497 {add = true} : memref<4224xi32, #tpu.memory_space<vmem>>[vector<16xi32>], vector<16xi32>, vector<16xi1>
        tpu.vector_store_idx %arg10[%add3A_509], %broadcast_in_dim3A_4 masked %and3A_517 {add = true} : memref<4224xi32, #tpu.memory_space<vmem>>[vector<16xi32>], vector<16xi32>, vector<16xi1>
        tpu.vector_store_idx %arg10[%add3A_529], %broadcast_in_dim3A_4 masked %and3A_537 {add = true} : memref<4224xi32, #tpu.memory_space<vmem>>[vector<16xi32>], vector<16xi32>, vector<16xi1>
        tpu.vector_store_idx %arg10[%add3A_549], %broadcast_in_dim3A_4 masked %and3A_557 {add = true} : memref<4224xi32, #tpu.memory_space<vmem>>[vector<16xi32>], vector<16xi32>, vector<16xi1>
        tpu.vector_store_idx %arg10[%add3A_569], %broadcast_in_dim3A_4 masked %and3A_577 {add = true} : memref<4224xi32, #tpu.memory_space<vmem>>[vector<16xi32>], vector<16xi32>, vector<16xi1>
        tpu.vector_store_idx %arg10[%add3A_589], %broadcast_in_dim3A_4 masked %and3A_597 {add = true} : memref<4224xi32, #tpu.memory_space<vmem>>[vector<16xi32>], vector<16xi32>, vector<16xi1>
        %while3A_598 = arith.constant 0 : i32
        scf.yield %while3A_598 : i32
      }
      %sub3A_306 = arith.subi %sub3A_241, %and3A_280 : i32
      %iota3A_307 = tpu.iota {dimensions = array<i32: 0>} : vector<16xi32>
      %broadcast_in_dim3A_308 = arith.constant 0 : i32
      %broadcast_in_dim3A_309 = vector.broadcast %broadcast_in_dim3A_308 : i32 to vector<16xi32>
      %broadcast_in_dim3A_310 = arith.constant 2147483647 : i32
      %broadcast_in_dim3A_311 = vector.broadcast %broadcast_in_dim3A_310 : i32 to vector<16xi32>
      %broadcast_in_dim3A_312 = arith.constant 2147483647 : i32
      %broadcast_in_dim3A_313 = vector.broadcast %broadcast_in_dim3A_312 : i32 to vector<16xi32>
      %scan3A_314 = arith.constant 0 : i32
      %scan3A_315 = arith.constant 0 : i32
      %scan3A_316 = arith.constant 16 : i32
      %scan3A_317 = arith.addi %scan3A_315, %scan3A_316 : i32
      %scan3A_318 = arith.constant 1 : i32
      %scan3A_319:3 = scf.for %scan3A_373 = %scan3A_315 to %scan3A_317 step %scan3A_318 iter_args(%scan3A_374 = %broadcast_in_dim3A_311, %scan3A_375 = %broadcast_in_dim3A_313, %scan3A_376 = %scan3A_314) -> (vector<16xi32>, vector<16xi32>, i32)  : i32 {
        %mul3A_377 = arith.constant 16 : i32
        %mul3A_378 = arith.muli %scan3A_373, %mul3A_377 : i32
        %add3A_379 = arith.constant 0 : i32
        %add3A_380 = arith.addi %add3A_379, %mul3A_378 : i32
        %get3A = arith.index_cast %add3A_380 : i32 to index
        %get3A_381 = tpu.vector_load %arg10[%get3A] {strides = array<i32>} : memref<4224xi32, #tpu.memory_space<vmem>>, vector<16xi32>,
        %add3A_382 = arith.addi %broadcast_in_dim3A_309, %get3A_381 : vector<16xi32>
        %swap3A = arith.index_cast %add3A_380 : i32 to index
        %swap3A_383 = tpu.vector_load %arg10[%swap3A] {strides = array<i32>} : memref<4224xi32, #tpu.memory_space<vmem>>, vector<16xi32>,
        tpu.vector_store %arg10[%swap3A], %broadcast_in_dim3A_309 {strides = array<i32>} : memref<4224xi32, #tpu.memory_space<vmem>>, vector<16xi32>,
        %mul3A_384 = arith.constant 16 : i32
        %mul3A_385 = arith.muli %scan3A_373, %mul3A_384 : i32
        %add3A_386 = arith.constant 257 : i32
        %add3A_387 = arith.addi %add3A_386, %mul3A_385 : i32
        %get3A_388 = arith.index_cast %add3A_387 : i32 to index
        %get3A_389 = tpu.vector_load %arg10[%get3A_388] {strides = array<i32>} : memref<4224xi32, #tpu.memory_space<vmem>>, vector<16xi32>,
        %add3A_390 = arith.addi %add3A_382, %get3A_389 : vector<16xi32>
        %swap3A_391 = arith.index_cast %add3A_387 : i32 to index
        %swap3A_392 = tpu.vector_load %arg10[%swap3A_391] {strides = array<i32>} : memref<4224xi32, #tpu.memory_space<vmem>>, vector<16xi32>,
        tpu.vector_store %arg10[%swap3A_391], %broadcast_in_dim3A_309 {strides = array<i32>} : memref<4224xi32, #tpu.memory_space<vmem>>, vector<16xi32>,
        %mul3A_393 = arith.constant 16 : i32
        %mul3A_394 = arith.muli %scan3A_373, %mul3A_393 : i32
        %add3A_395 = arith.constant 514 : i32
        %add3A_396 = arith.addi %add3A_395, %mul3A_394 : i32
        %get3A_397 = arith.index_cast %add3A_396 : i32 to index
        %get3A_398 = tpu.vector_load %arg10[%get3A_397] {strides = array<i32>} : memref<4224xi32, #tpu.memory_space<vmem>>, vector<16xi32>,
        %add3A_399 = arith.addi %add3A_390, %get3A_398 : vector<16xi32>
        %swap3A_400 = arith.index_cast %add3A_396 : i32 to index
        %swap3A_401 = tpu.vector_load %arg10[%swap3A_400] {strides = array<i32>} : memref<4224xi32, #tpu.memory_space<vmem>>, vector<16xi32>,
        tpu.vector_store %arg10[%swap3A_400], %broadcast_in_dim3A_309 {strides = array<i32>} : memref<4224xi32, #tpu.memory_space<vmem>>, vector<16xi32>,
        %mul3A_402 = arith.constant 16 : i32
        %mul3A_403 = arith.muli %scan3A_373, %mul3A_402 : i32
        %add3A_404 = arith.constant 771 : i32
        %add3A_405 = arith.addi %add3A_404, %mul3A_403 : i32
        %get3A_406 = arith.index_cast %add3A_405 : i32 to index
        %get3A_407 = tpu.vector_load %arg10[%get3A_406] {strides = array<i32>} : memref<4224xi32, #tpu.memory_space<vmem>>, vector<16xi32>,
        %add3A_408 = arith.addi %add3A_399, %get3A_407 : vector<16xi32>
        %swap3A_409 = arith.index_cast %add3A_405 : i32 to index
        %swap3A_410 = tpu.vector_load %arg10[%swap3A_409] {strides = array<i32>} : memref<4224xi32, #tpu.memory_space<vmem>>, vector<16xi32>,
        tpu.vector_store %arg10[%swap3A_409], %broadcast_in_dim3A_309 {strides = array<i32>} : memref<4224xi32, #tpu.memory_space<vmem>>, vector<16xi32>,
        %mul3A_411 = arith.constant 16 : i32
        %mul3A_412 = arith.muli %scan3A_373, %mul3A_411 : i32
        %add3A_413 = arith.constant 1028 : i32
        %add3A_414 = arith.addi %add3A_413, %mul3A_412 : i32
        %get3A_415 = arith.index_cast %add3A_414 : i32 to index
        %get3A_416 = tpu.vector_load %arg10[%get3A_415] {strides = array<i32>} : memref<4224xi32, #tpu.memory_space<vmem>>, vector<16xi32>,
        %add3A_417 = arith.addi %add3A_408, %get3A_416 : vector<16xi32>
        %swap3A_418 = arith.index_cast %add3A_414 : i32 to index
        %swap3A_419 = tpu.vector_load %arg10[%swap3A_418] {strides = array<i32>} : memref<4224xi32, #tpu.memory_space<vmem>>, vector<16xi32>,
        tpu.vector_store %arg10[%swap3A_418], %broadcast_in_dim3A_309 {strides = array<i32>} : memref<4224xi32, #tpu.memory_space<vmem>>, vector<16xi32>,
        %mul3A_420 = arith.constant 16 : i32
        %mul3A_421 = arith.muli %scan3A_373, %mul3A_420 : i32
        %add3A_422 = arith.constant 1285 : i32
        %add3A_423 = arith.addi %add3A_422, %mul3A_421 : i32
        %get3A_424 = arith.index_cast %add3A_423 : i32 to index
        %get3A_425 = tpu.vector_load %arg10[%get3A_424] {strides = array<i32>} : memref<4224xi32, #tpu.memory_space<vmem>>, vector<16xi32>,
        %add3A_426 = arith.addi %add3A_417, %get3A_425 : vector<16xi32>
        %swap3A_427 = arith.index_cast %add3A_423 : i32 to index
        %swap3A_428 = tpu.vector_load %arg10[%swap3A_427] {strides = array<i32>} : memref<4224xi32, #tpu.memory_space<vmem>>, vector<16xi32>,
        tpu.vector_store %arg10[%swap3A_427], %broadcast_in_dim3A_309 {strides = array<i32>} : memref<4224xi32, #tpu.memory_space<vmem>>, vector<16xi32>,
        %mul3A_429 = arith.constant 16 : i32
        %mul3A_430 = arith.muli %scan3A_373, %mul3A_429 : i32
        %add3A_431 = arith.constant 1542 : i32
        %add3A_432 = arith.addi %add3A_431, %mul3A_430 : i32
        %get3A_433 = arith.index_cast %add3A_432 : i32 to index
        %get3A_434 = tpu.vector_load %arg10[%get3A_433] {strides = array<i32>} : memref<4224xi32, #tpu.memory_space<vmem>>, vector<16xi32>,
        %add3A_435 = arith.addi %add3A_426, %get3A_434 : vector<16xi32>
        %swap3A_436 = arith.index_cast %add3A_432 : i32 to index
        %swap3A_437 = tpu.vector_load %arg10[%swap3A_436] {strides = array<i32>} : memref<4224xi32, #tpu.memory_space<vmem>>, vector<16xi32>,
        tpu.vector_store %arg10[%swap3A_436], %broadcast_in_dim3A_309 {strides = array<i32>} : memref<4224xi32, #tpu.memory_space<vmem>>, vector<16xi32>,
        %mul3A_438 = arith.constant 16 : i32
        %mul3A_439 = arith.muli %scan3A_373, %mul3A_438 : i32
        %add3A_440 = arith.constant 1799 : i32
        %add3A_441 = arith.addi %add3A_440, %mul3A_439 : i32
        %get3A_442 = arith.index_cast %add3A_441 : i32 to index
        %get3A_443 = tpu.vector_load %arg10[%get3A_442] {strides = array<i32>} : memref<4224xi32, #tpu.memory_space<vmem>>, vector<16xi32>,
        %add3A_444 = arith.addi %add3A_435, %get3A_443 : vector<16xi32>
        %swap3A_445 = arith.index_cast %add3A_441 : i32 to index
        %swap3A_446 = tpu.vector_load %arg10[%swap3A_445] {strides = array<i32>} : memref<4224xi32, #tpu.memory_space<vmem>>, vector<16xi32>,
        tpu.vector_store %arg10[%swap3A_445], %broadcast_in_dim3A_309 {strides = array<i32>} : memref<4224xi32, #tpu.memory_space<vmem>>, vector<16xi32>,
        %mul3A_447 = arith.constant 16 : i32
        %mul3A_448 = arith.muli %scan3A_373, %mul3A_447 : i32
        %add3A_449 = arith.constant 2056 : i32
        %add3A_450 = arith.addi %add3A_449, %mul3A_448 : i32
        %get3A_451 = arith.index_cast %add3A_450 : i32 to index
        %get3A_452 = tpu.vector_load %arg10[%get3A_451] {strides = array<i32>} : memref<4224xi32, #tpu.memory_space<vmem>>, vector<16xi32>,
        %add3A_453 = arith.addi %add3A_444, %get3A_452 : vector<16xi32>
        %swap3A_454 = arith.index_cast %add3A_450 : i32 to index
        %swap3A_455 = tpu.vector_load %arg10[%swap3A_454] {strides = array<i32>} : memref<4224xi32, #tpu.memory_space<vmem>>, vector<16xi32>,
        tpu.vector_store %arg10[%swap3A_454], %broadcast_in_dim3A_309 {strides = array<i32>} : memref<4224xi32, #tpu.memory_space<vmem>>, vector<16xi32>,
        %mul3A_456 = arith.constant 16 : i32
        %mul3A_457 = arith.muli %scan3A_373, %mul3A_456 : i32
        %add3A_458 = arith.constant 2313 : i32
        %add3A_459 = arith.addi %add3A_458, %mul3A_457 : i32
        %get3A_460 = arith.index_cast %add3A_459 : i32 to index
        %get3A_461 = tpu.vector_load %arg10[%get3A_460] {strides = array<i32>} : memref<4224xi32, #tpu.memory_space<vmem>>, vector<16xi32>,
        %add3A_462 = arith.addi %add3A_453, %get3A_461 : vector<16xi32>
        %swap3A_463 = arith.index_cast %add3A_459 : i32 to index
        %swap3A_464 = tpu.vector_load %arg10[%swap3A_463] {strides = array<i32>} : memref<4224xi32, #tpu.memory_space<vmem>>, vector<16xi32>,
        tpu.vector_store %arg10[%swap3A_463], %broadcast_in_dim3A_309 {strides = array<i32>} : memref<4224xi32, #tpu.memory_space<vmem>>, vector<16xi32>,
        %mul3A_465 = arith.constant 16 : i32
        %mul3A_466 = arith.muli %scan3A_373, %mul3A_465 : i32
        %add3A_467 = arith.constant 2570 : i32
        %add3A_468 = arith.addi %add3A_467, %mul3A_466 : i32
        %get3A_469 = arith.index_cast %add3A_468 : i32 to index
        %get3A_470 = tpu.vector_load %arg10[%get3A_469] {strides = array<i32>} : memref<4224xi32, #tpu.memory_space<vmem>>, vector<16xi32>,
        %add3A_471 = arith.addi %add3A_462, %get3A_470 : vector<16xi32>
        %swap3A_472 = arith.index_cast %add3A_468 : i32 to index
        %swap3A_473 = tpu.vector_load %arg10[%swap3A_472] {strides = array<i32>} : memref<4224xi32, #tpu.memory_space<vmem>>, vector<16xi32>,
        tpu.vector_store %arg10[%swap3A_472], %broadcast_in_dim3A_309 {strides = array<i32>} : memref<4224xi32, #tpu.memory_space<vmem>>, vector<16xi32>,
        %mul3A_474 = arith.constant 16 : i32
        %mul3A_475 = arith.muli %scan3A_373, %mul3A_474 : i32
        %add3A_476 = arith.constant 2827 : i32
        %add3A_477 = arith.addi %add3A_476, %mul3A_475 : i32
        %get3A_478 = arith.index_cast %add3A_477 : i32 to index
        %get3A_479 = tpu.vector_load %arg10[%get3A_478] {strides = array<i32>} : memref<4224xi32, #tpu.memory_space<vmem>>, vector<16xi32>,
        %add3A_480 = arith.addi %add3A_471, %get3A_479 : vector<16xi32>
        %swap3A_481 = arith.index_cast %add3A_477 : i32 to index
        %swap3A_482 = tpu.vector_load %arg10[%swap3A_481] {strides = array<i32>} : memref<4224xi32, #tpu.memory_space<vmem>>, vector<16xi32>,
        tpu.vector_store %arg10[%swap3A_481], %broadcast_in_dim3A_309 {strides = array<i32>} : memref<4224xi32, #tpu.memory_space<vmem>>, vector<16xi32>,
        %mul3A_483 = arith.constant 16 : i32
        %mul3A_484 = arith.muli %scan3A_373, %mul3A_483 : i32
        %add3A_485 = arith.constant 3084 : i32
        %add3A_486 = arith.addi %add3A_485, %mul3A_484 : i32
        %get3A_487 = arith.index_cast %add3A_486 : i32 to index
        %get3A_488 = tpu.vector_load %arg10[%get3A_487] {strides = array<i32>} : memref<4224xi32, #tpu.memory_space<vmem>>, vector<16xi32>,
        %add3A_489 = arith.addi %add3A_480, %get3A_488 : vector<16xi32>
        %swap3A_490 = arith.index_cast %add3A_486 : i32 to index
        %swap3A_491 = tpu.vector_load %arg10[%swap3A_490] {strides = array<i32>} : memref<4224xi32, #tpu.memory_space<vmem>>, vector<16xi32>,
        tpu.vector_store %arg10[%swap3A_490], %broadcast_in_dim3A_309 {strides = array<i32>} : memref<4224xi32, #tpu.memory_space<vmem>>, vector<16xi32>,
        %mul3A_492 = arith.constant 16 : i32
        %mul3A_493 = arith.muli %scan3A_373, %mul3A_492 : i32
        %add3A_494 = arith.constant 3341 : i32
        %add3A_495 = arith.addi %add3A_494, %mul3A_493 : i32
        %get3A_496 = arith.index_cast %add3A_495 : i32 to index
        %get3A_497 = tpu.vector_load %arg10[%get3A_496] {strides = array<i32>} : memref<4224xi32, #tpu.memory_space<vmem>>, vector<16xi32>,
        %add3A_498 = arith.addi %add3A_489, %get3A_497 : vector<16xi32>
        %swap3A_499 = arith.index_cast %add3A_495 : i32 to index
        %swap3A_500 = tpu.vector_load %arg10[%swap3A_499] {strides = array<i32>} : memref<4224xi32, #tpu.memory_space<vmem>>, vector<16xi32>,
        tpu.vector_store %arg10[%swap3A_499], %broadcast_in_dim3A_309 {strides = array<i32>} : memref<4224xi32, #tpu.memory_space<vmem>>, vector<16xi32>,
        %mul3A_501 = arith.constant 16 : i32
        %mul3A_502 = arith.muli %scan3A_373, %mul3A_501 : i32
        %add3A_503 = arith.constant 3598 : i32
        %add3A_504 = arith.addi %add3A_503, %mul3A_502 : i32
        %get3A_505 = arith.index_cast %add3A_504 : i32 to index
        %get3A_506 = tpu.vector_load %arg10[%get3A_505] {strides = array<i32>} : memref<4224xi32, #tpu.memory_space<vmem>>, vector<16xi32>,
        %add3A_507 = arith.addi %add3A_498, %get3A_506 : vector<16xi32>
        %swap3A_508 = arith.index_cast %add3A_504 : i32 to index
        %swap3A_509 = tpu.vector_load %arg10[%swap3A_508] {strides = array<i32>} : memref<4224xi32, #tpu.memory_space<vmem>>, vector<16xi32>,
        tpu.vector_store %arg10[%swap3A_508], %broadcast_in_dim3A_309 {strides = array<i32>} : memref<4224xi32, #tpu.memory_space<vmem>>, vector<16xi32>,
        %mul3A_510 = arith.constant 16 : i32
        %mul3A_511 = arith.muli %scan3A_373, %mul3A_510 : i32
        %add3A_512 = arith.constant 3855 : i32
        %add3A_513 = arith.addi %add3A_512, %mul3A_511 : i32
        %get3A_514 = arith.index_cast %add3A_513 : i32 to index
        %get3A_515 = tpu.vector_load %arg10[%get3A_514] {strides = array<i32>} : memref<4224xi32, #tpu.memory_space<vmem>>, vector<16xi32>,
        %add3A_516 = arith.addi %add3A_507, %get3A_515 : vector<16xi32>
        %swap3A_517 = arith.index_cast %add3A_513 : i32 to index
        %swap3A_518 = tpu.vector_load %arg10[%swap3A_517] {strides = array<i32>} : memref<4224xi32, #tpu.memory_space<vmem>>, vector<16xi32>,
        tpu.vector_store %arg10[%swap3A_517], %broadcast_in_dim3A_309 {strides = array<i32>} : memref<4224xi32, #tpu.memory_space<vmem>>, vector<16xi32>,
        %broadcast_in_dim3A_519 = arith.constant true
        %broadcast_in_dim3A_520 = vector.broadcast %broadcast_in_dim3A_519 : i1 to vector<16xi1>
        %masked_cumsum3A = tpu.scan <sum>, %add3A_516 masked %broadcast_in_dim3A_520 : vector<16xi32>, vector<16xi1> -> vector<16xi32>
        %add3A_521 = vector.broadcast %scan3A_376 : i32 to vector<16xi32>
        %add3A_522 = arith.addi %masked_cumsum3A, %add3A_521 : vector<16xi32>
        %ge3A = vector.broadcast %sub3A_306 : i32 to vector<16xi32>
        %ge3A_523 = arith.cmpi sge, %add3A_522, %ge3A : vector<16xi32>
        %mul3A_524 = arith.constant 16 : i32
        %mul3A_525 = arith.muli %scan3A_373, %mul3A_524 : i32
        %add3A_526 = vector.broadcast %mul3A_525 : i32 to vector<16xi32>
        %add3A_527 = arith.addi %add3A_526, %iota3A_307 : vector<16xi32>
        %shift_left3A_528 = arith.constant 14 : i32
        %shift_left3A_529 = vector.broadcast %shift_left3A_528 : i32 to vector<16xi32>
        %shift_left3A_530 = arith.shli %add3A_527, %shift_left3A_529 : vector<16xi32>
        %sub3A_531 = arith.subi %add3A_522, %add3A_516 : vector<16xi32>
        %or3A_532 = arith.ori %shift_left3A_530, %sub3A_531 : vector<16xi32>
        %jit3A_533 = arith.constant 2147483647 : i32
        %broadcast_in_dim3A_534 = vector.broadcast %jit3A_533 : i32 to vector<16xi32>
        %select_n3A_535 = arith.select %ge3A_523, %or3A_532, %broadcast_in_dim3A_534 : vector<16xi1>, vector<16xi32>
        %or3A_536 = arith.ori %shift_left3A_530, %add3A_522 : vector<16xi32>
        %jit3A_537 = arith.constant 2147483647 : i32
        %broadcast_in_dim3A_538 = vector.broadcast %jit3A_537 : i32 to vector<16xi32>
        %select_n3A_539 = arith.select %ge3A_523, %or3A_536, %broadcast_in_dim3A_538 : vector<16xi1>, vector<16xi32>
        %min3A = arith.minsi %scan3A_374, %select_n3A_535 : vector<16xi32>
        %min3A_540 = arith.minsi %scan3A_375, %select_n3A_539 : vector<16xi32>
        %reduce_sum3A_541 = arith.constant true
        %reduce_sum3A_542 = vector.broadcast %reduce_sum3A_541 : i1 to vector<16xi1>
        %reduce_sum3A_543 = tpu.scan <sum>, %add3A_516 masked %reduce_sum3A_542 : vector<16xi32>, vector<16xi1> -> vector<16xi32>
        %reduce_sum3A_544 = vector.extract %reduce_sum3A_543[15] : i32 from vector<16xi32>
        %add3A_545 = arith.addi %scan3A_376, %reduce_sum3A_544 : i32
        scf.yield %min3A, %min3A_540, %add3A_545 : vector<16xi32>, vector<16xi32>, i32
      }
      %scan3A_320 = arith.constant 16 : i32
      %reduce_min3A_321 = arith.constant true
      %reduce_min3A_322 = vector.broadcast %reduce_min3A_321 : i1 to vector<16xi1>
      %reduce_min3A_323 = arith.constant -2147483648 : i32
      %reduce_min3A_324 = vector.broadcast %reduce_min3A_323 : i32 to vector<16xi32>
      %reduce_min3A_325 = arith.xori %scan3A_319#0, %reduce_min3A_324 : vector<16xi32>
      %reduce_min3A_326 = tpu.scan <min>, %reduce_min3A_325 masked %reduce_min3A_322 : vector<16xi32>, vector<16xi1> -> vector<16xi32>
      %reduce_min3A_327 = arith.xori %reduce_min3A_326, %reduce_min3A_324 : vector<16xi32>
      %reduce_min3A_328 = vector.extract %reduce_min3A_327[15] : i32 from vector<16xi32>
      %and3A_329 = arith.constant 16383 : i32
      %and3A_330 = arith.andi %reduce_min3A_328, %and3A_329 : i32
      %reduce_min3A_331 = arith.constant true
      %reduce_min3A_332 = vector.broadcast %reduce_min3A_331 : i1 to vector<16xi1>
      %reduce_min3A_333 = arith.constant -2147483648 : i32
      %reduce_min3A_334 = vector.broadcast %reduce_min3A_333 : i32 to vector<16xi32>
      %reduce_min3A_335 = arith.xori %scan3A_319#1, %reduce_min3A_334 : vector<16xi32>
      %reduce_min3A_336 = tpu.scan <min>, %reduce_min3A_335 masked %reduce_min3A_332 : vector<16xi32>, vector<16xi1> -> vector<16xi32>
      %reduce_min3A_337 = arith.xori %reduce_min3A_336, %reduce_min3A_334 : vector<16xi32>
      %reduce_min3A_338 = vector.extract %reduce_min3A_337[15] : i32 from vector<16xi32>
      %and3A_339 = arith.constant 16383 : i32
      %and3A_340 = arith.andi %reduce_min3A_338, %and3A_339 : i32
      %sub3A_341 = arith.subi %and3A_340, %and3A_330 : i32
      %shift_right_arithmetic3A_342 = arith.constant 14 : i32
      %shift_right_arithmetic3A_343 = arith.shrsi %reduce_min3A_328, %shift_right_arithmetic3A_342 : i32
      %mul3A_344 = arith.constant 32 : i32
      %mul3A_345 = arith.muli %shift_right_arithmetic3A_293, %mul3A_344 : i32
      %add3A_346 = arith.addi %mul3A_345, %shift_right_arithmetic3A_343 : i32
      %jit3A_347 = arith.constant 8192 : i32
      %select_n3A_348 = arith.select %gt3A_242, %add3A_346, %jit3A_347 : i32
      %xor3A = arith.constant -2147483648 : i32
      %xor3A_349 = arith.xori %or3A_240, %xor3A : i32
      %broadcast_in_dim3A_350 = vector.broadcast %xor3A_349 : i32 to vector<16xi32>
      %bitcast3A = vector.bitcast %broadcast_in_dim3A_350 : vector<16xi32> to vector<16xi32>
      %scan3A_351 = arith.constant 0 : i32
      %scan3A_352 = arith.constant 0 : i32
      %scan3A_353 = arith.constant 128 : i32
      %scan3A_354 = arith.addi %scan3A_352, %scan3A_353 : i32
      %scan3A_355 = arith.constant 1 : i32
      %scan3A_356 = scf.for %scan3A_373 = %scan3A_352 to %scan3A_354 step %scan3A_355 iter_args(%scan3A_374 = %scan3A_351) -> (i32)  : i32 {
        %mul3A_375 = arith.constant 4 : i32
        %mul3A_376 = arith.muli %scan3A_373, %mul3A_375 : i32
        %add3A_377 = arith.constant 0 : i32
        %add3A_378 = arith.addi %mul3A_376, %add3A_377 : i32
        %mul3A_379 = arith.constant 16 : i32
        %mul3A_380 = arith.muli %add3A_378, %mul3A_379 : i32
        %get3A = arith.index_cast %mul3A_380 : i32 to index
        %get3A_381 = tpu.vector_load %arg9[%get3A] {strides = array<i32>} : memref<8192xi32, #tpu.memory_space<vmem>>, vector<16xi32>,
        %mul3A_382 = arith.constant 4 : i32
        %mul3A_383 = arith.muli %scan3A_373, %mul3A_382 : i32
        %add3A_384 = arith.constant 1 : i32
        %add3A_385 = arith.addi %mul3A_383, %add3A_384 : i32
        %mul3A_386 = arith.constant 16 : i32
        %mul3A_387 = arith.muli %add3A_385, %mul3A_386 : i32
        %get3A_388 = arith.index_cast %mul3A_387 : i32 to index
        %get3A_389 = tpu.vector_load %arg9[%get3A_388] {strides = array<i32>} : memref<8192xi32, #tpu.memory_space<vmem>>, vector<16xi32>,
        %mul3A_390 = arith.constant 4 : i32
        %mul3A_391 = arith.muli %scan3A_373, %mul3A_390 : i32
        %add3A_392 = arith.constant 2 : i32
        %add3A_393 = arith.addi %mul3A_391, %add3A_392 : i32
        %mul3A_394 = arith.constant 16 : i32
        %mul3A_395 = arith.muli %add3A_393, %mul3A_394 : i32
        %get3A_396 = arith.index_cast %mul3A_395 : i32 to index
        %get3A_397 = tpu.vector_load %arg9[%get3A_396] {strides = array<i32>} : memref<8192xi32, #tpu.memory_space<vmem>>, vector<16xi32>,
        %mul3A_398 = arith.constant 4 : i32
        %mul3A_399 = arith.muli %scan3A_373, %mul3A_398 : i32
        %add3A_400 = arith.constant 3 : i32
        %add3A_401 = arith.addi %mul3A_399, %add3A_400 : i32
        %mul3A_402 = arith.constant 16 : i32
        %mul3A_403 = arith.muli %add3A_401, %mul3A_402 : i32
        %get3A_404 = arith.index_cast %mul3A_403 : i32 to index
        %get3A_405 = tpu.vector_load %arg9[%get3A_404] {strides = array<i32>} : memref<8192xi32, #tpu.memory_space<vmem>>, vector<16xi32>,
        %xor3A_406 = arith.constant -2147483648 : i32
        %xor3A_407 = vector.broadcast %xor3A_406 : i32 to vector<16xi32>
        %xor3A_408 = arith.xori %get3A_381, %xor3A_407 : vector<16xi32>
        %bitcast3A_409 = vector.bitcast %xor3A_408 : vector<16xi32> to vector<16xi32>
        %eq3A_410 = vector.broadcast %or3A_240 : i32 to vector<16xi32>
        %eq3A_411 = arith.cmpi eq, %get3A_381, %eq3A_410 : vector<16xi32>
        %mul3A_412 = arith.constant 4 : i32
        %mul3A_413 = arith.muli %scan3A_373, %mul3A_412 : i32
        %add3A_414 = arith.constant 0 : i32
        %add3A_415 = arith.addi %mul3A_413, %add3A_414 : i32
        %mul3A_416 = arith.constant 16 : i32
        %mul3A_417 = arith.muli %add3A_415, %mul3A_416 : i32
        %add3A_418 = vector.broadcast %mul3A_417 : i32 to vector<16xi32>
        %add3A_419 = arith.addi %iota3A, %add3A_418 : vector<16xi32>
        %lt3A_420 = arith.cmpi slt, %bitcast3A_409, %bitcast3A : vector<16xi32>
        %le3A = vector.broadcast %select_n3A_348 : i32 to vector<16xi32>
        %le3A_421 = arith.cmpi sle, %add3A_419, %le3A : vector<16xi32>
        %and3A_422 = arith.andi %eq3A_411, %le3A_421 : vector<16xi1>
        %or3A_423 = arith.ori %lt3A_420, %and3A_422 : vector<16xi1>
        %jit3A_424 = arith.constant 0.000000e+00 : f32
        %jit3A_425 = arith.constant 1.000000e+00 : f32
        %broadcast_in_dim3A_426 = vector.broadcast %jit3A_424 : f32 to vector<16xf32>
        %broadcast_in_dim3A_427 = vector.broadcast %jit3A_425 : f32 to vector<16xf32>
        %select_n3A_428 = arith.select %or3A_423, %broadcast_in_dim3A_426, %broadcast_in_dim3A_427 : vector<16xi1>, vector<16xf32>
        %xor3A_429 = arith.constant -2147483648 : i32
        %xor3A_430 = vector.broadcast %xor3A_429 : i32 to vector<16xi32>
        %xor3A_431 = arith.xori %get3A_389, %xor3A_430 : vector<16xi32>
        %bitcast3A_432 = vector.bitcast %xor3A_431 : vector<16xi32> to vector<16xi32>
        %eq3A_433 = vector.broadcast %or3A_240 : i32 to vector<16xi32>
        %eq3A_434 = arith.cmpi eq, %get3A_389, %eq3A_433 : vector<16xi32>
        %mul3A_435 = arith.constant 4 : i32
        %mul3A_436 = arith.muli %scan3A_373, %mul3A_435 : i32
        %add3A_437 = arith.constant 1 : i32
        %add3A_438 = arith.addi %mul3A_436, %add3A_437 : i32
        %mul3A_439 = arith.constant 16 : i32
        %mul3A_440 = arith.muli %add3A_438, %mul3A_439 : i32
        %add3A_441 = vector.broadcast %mul3A_440 : i32 to vector<16xi32>
        %add3A_442 = arith.addi %iota3A, %add3A_441 : vector<16xi32>
        %lt3A_443 = arith.cmpi slt, %bitcast3A_432, %bitcast3A : vector<16xi32>
        %le3A_444 = vector.broadcast %select_n3A_348 : i32 to vector<16xi32>
        %le3A_445 = arith.cmpi sle, %add3A_442, %le3A_444 : vector<16xi32>
        %and3A_446 = arith.andi %eq3A_434, %le3A_445 : vector<16xi1>
        %or3A_447 = arith.ori %lt3A_443, %and3A_446 : vector<16xi1>
        %jit3A_448 = arith.constant 0.000000e+00 : f32
        %jit3A_449 = arith.constant 1.000000e+00 : f32
        %broadcast_in_dim3A_450 = vector.broadcast %jit3A_448 : f32 to vector<16xf32>
        %broadcast_in_dim3A_451 = vector.broadcast %jit3A_449 : f32 to vector<16xf32>
        %select_n3A_452 = arith.select %or3A_447, %broadcast_in_dim3A_450, %broadcast_in_dim3A_451 : vector<16xi1>, vector<16xf32>
        %xor3A_453 = arith.constant -2147483648 : i32
        %xor3A_454 = vector.broadcast %xor3A_453 : i32 to vector<16xi32>
        %xor3A_455 = arith.xori %get3A_397, %xor3A_454 : vector<16xi32>
        %bitcast3A_456 = vector.bitcast %xor3A_455 : vector<16xi32> to vector<16xi32>
        %eq3A_457 = vector.broadcast %or3A_240 : i32 to vector<16xi32>
        %eq3A_458 = arith.cmpi eq, %get3A_397, %eq3A_457 : vector<16xi32>
        %mul3A_459 = arith.constant 4 : i32
        %mul3A_460 = arith.muli %scan3A_373, %mul3A_459 : i32
        %add3A_461 = arith.constant 2 : i32
        %add3A_462 = arith.addi %mul3A_460, %add3A_461 : i32
        %mul3A_463 = arith.constant 16 : i32
        %mul3A_464 = arith.muli %add3A_462, %mul3A_463 : i32
        %add3A_465 = vector.broadcast %mul3A_464 : i32 to vector<16xi32>
        %add3A_466 = arith.addi %iota3A, %add3A_465 : vector<16xi32>
        %lt3A_467 = arith.cmpi slt, %bitcast3A_456, %bitcast3A : vector<16xi32>
        %le3A_468 = vector.broadcast %select_n3A_348 : i32 to vector<16xi32>
        %le3A_469 = arith.cmpi sle, %add3A_466, %le3A_468 : vector<16xi32>
        %and3A_470 = arith.andi %eq3A_458, %le3A_469 : vector<16xi1>
        %or3A_471 = arith.ori %lt3A_467, %and3A_470 : vector<16xi1>
        %jit3A_472 = arith.constant 0.000000e+00 : f32
        %jit3A_473 = arith.constant 1.000000e+00 : f32
        %broadcast_in_dim3A_474 = vector.broadcast %jit3A_472 : f32 to vector<16xf32>
        %broadcast_in_dim3A_475 = vector.broadcast %jit3A_473 : f32 to vector<16xf32>
        %select_n3A_476 = arith.select %or3A_471, %broadcast_in_dim3A_474, %broadcast_in_dim3A_475 : vector<16xi1>, vector<16xf32>
        %xor3A_477 = arith.constant -2147483648 : i32
        %xor3A_478 = vector.broadcast %xor3A_477 : i32 to vector<16xi32>
        %xor3A_479 = arith.xori %get3A_405, %xor3A_478 : vector<16xi32>
        %bitcast3A_480 = vector.bitcast %xor3A_479 : vector<16xi32> to vector<16xi32>
        %eq3A_481 = vector.broadcast %or3A_240 : i32 to vector<16xi32>
        %eq3A_482 = arith.cmpi eq, %get3A_405, %eq3A_481 : vector<16xi32>
        %mul3A_483 = arith.constant 4 : i32
        %mul3A_484 = arith.muli %scan3A_373, %mul3A_483 : i32
        %add3A_485 = arith.constant 3 : i32
        %add3A_486 = arith.addi %mul3A_484, %add3A_485 : i32
        %mul3A_487 = arith.constant 16 : i32
        %mul3A_488 = arith.muli %add3A_486, %mul3A_487 : i32
        %add3A_489 = vector.broadcast %mul3A_488 : i32 to vector<16xi32>
        %add3A_490 = arith.addi %iota3A, %add3A_489 : vector<16xi32>
        %lt3A_491 = arith.cmpi slt, %bitcast3A_480, %bitcast3A : vector<16xi32>
        %le3A_492 = vector.broadcast %select_n3A_348 : i32 to vector<16xi32>
        %le3A_493 = arith.cmpi sle, %add3A_490, %le3A_492 : vector<16xi32>
        %and3A_494 = arith.andi %eq3A_482, %le3A_493 : vector<16xi1>
        %or3A_495 = arith.ori %lt3A_491, %and3A_494 : vector<16xi1>
        %jit3A_496 = arith.constant 0.000000e+00 : f32
        %jit3A_497 = arith.constant 1.000000e+00 : f32
        %broadcast_in_dim3A_498 = vector.broadcast %jit3A_496 : f32 to vector<16xf32>
        %broadcast_in_dim3A_499 = vector.broadcast %jit3A_497 : f32 to vector<16xf32>
        %select_n3A_500 = arith.select %or3A_495, %broadcast_in_dim3A_498, %broadcast_in_dim3A_499 : vector<16xi1>, vector<16xf32>
        %mul3A_501 = arith.constant 4 : i32
        %mul3A_502 = arith.muli %scan3A_373, %mul3A_501 : i32
        %add3A_503 = arith.constant 0 : i32
        %add3A_504 = arith.addi %mul3A_502, %add3A_503 : i32
        %mul3A_505 = arith.constant 16 : i32
        %mul3A_506 = arith.muli %add3A_504, %mul3A_505 : i32
        %swap3A = arith.index_cast %mul3A_506 : i32 to index
        %swap3A_507 = tpu.vector_load %arg11[%swap3A] {strides = array<i32>} : memref<8192xf32, #tpu.memory_space<vmem>>, vector<16xf32>,
        tpu.vector_store %arg11[%swap3A], %select_n3A_428 {strides = array<i32>} : memref<8192xf32, #tpu.memory_space<vmem>>, vector<16xf32>,
        %mul3A_508 = arith.constant 4 : i32
        %mul3A_509 = arith.muli %scan3A_373, %mul3A_508 : i32
        %add3A_510 = arith.constant 1 : i32
        %add3A_511 = arith.addi %mul3A_509, %add3A_510 : i32
        %mul3A_512 = arith.constant 16 : i32
        %mul3A_513 = arith.muli %add3A_511, %mul3A_512 : i32
        %swap3A_514 = arith.index_cast %mul3A_513 : i32 to index
        %swap3A_515 = tpu.vector_load %arg11[%swap3A_514] {strides = array<i32>} : memref<8192xf32, #tpu.memory_space<vmem>>, vector<16xf32>,
        tpu.vector_store %arg11[%swap3A_514], %select_n3A_452 {strides = array<i32>} : memref<8192xf32, #tpu.memory_space<vmem>>, vector<16xf32>,
        %mul3A_516 = arith.constant 4 : i32
        %mul3A_517 = arith.muli %scan3A_373, %mul3A_516 : i32
        %add3A_518 = arith.constant 2 : i32
        %add3A_519 = arith.addi %mul3A_517, %add3A_518 : i32
        %mul3A_520 = arith.constant 16 : i32
        %mul3A_521 = arith.muli %add3A_519, %mul3A_520 : i32
        %swap3A_522 = arith.index_cast %mul3A_521 : i32 to index
        %swap3A_523 = tpu.vector_load %arg11[%swap3A_522] {strides = array<i32>} : memref<8192xf32, #tpu.memory_space<vmem>>, vector<16xf32>,
        tpu.vector_store %arg11[%swap3A_522], %select_n3A_476 {strides = array<i32>} : memref<8192xf32, #tpu.memory_space<vmem>>, vector<16xf32>,
        %mul3A_524 = arith.constant 4 : i32
        %mul3A_525 = arith.muli %scan3A_373, %mul3A_524 : i32
        %add3A_526 = arith.constant 3 : i32
        %add3A_527 = arith.addi %mul3A_525, %add3A_526 : i32
        %mul3A_528 = arith.constant 16 : i32
        %mul3A_529 = arith.muli %add3A_527, %mul3A_528 : i32
        %swap3A_530 = arith.index_cast %mul3A_529 : i32 to index
        %swap3A_531 = tpu.vector_load %arg11[%swap3A_530] {strides = array<i32>} : memref<8192xf32, #tpu.memory_space<vmem>>, vector<16xf32>,
        tpu.vector_store %arg11[%swap3A_530], %select_n3A_500 {strides = array<i32>} : memref<8192xf32, #tpu.memory_space<vmem>>, vector<16xf32>,
        %scan3A_532 = arith.constant 0 : i32
        scf.yield %scan3A_532 : i32
      }
      %scan3A_357 = arith.constant 128 : i32
      %eq3A_358 = arith.constant 0 : i32
      %eq3A_359 = arith.cmpi eq, %add3A, %eq3A_358 : i32
      %convert_element_type3A_360 = arith.extui %eq3A_359 : i1 to i32
      %cond3A_361 = arith.constant 0 : i32
      %cond3A_362 = arith.cmpi ne, %convert_element_type3A_360, %cond3A_361 : i32
      scf.if %cond3A_362 {
        "tpu.region"() ({
          %run_scoped3A = tpu.sem_alloc : memref<!tpu.dma_semaphore, #tpu.memory_space<semaphore_mem>>
          tpu.enqueue_dma source(%arg11 : memref<8192xf32, #tpu.memory_space<vmem>>) target(%arg5 : memref<8192xf32, #tpu.memory_space<hbm>>) target_semaphore(%run_scoped3A : memref<!tpu.dma_semaphore, #tpu.memory_space<semaphore_mem>>)
          tpu.wait_dma2 semaphore(%run_scoped3A : memref<!tpu.dma_semaphore, #tpu.memory_space<semaphore_mem>>) src(%arg11 : memref<8192xf32, #tpu.memory_space<vmem>>) dst(%arg5 : memref<8192xf32, #tpu.memory_space<hbm>>)
          tpu.yield
        }) : () -> ()
      } else {
      }
      %eq3A_363 = arith.constant 1 : i32
      %eq3A_364 = arith.cmpi eq, %add3A, %eq3A_363 : i32
      %convert_element_type3A_365 = arith.extui %eq3A_364 : i1 to i32
      %cond3A_366 = arith.constant 0 : i32
      %cond3A_367 = arith.cmpi ne, %convert_element_type3A_365, %cond3A_366 : i32
      scf.if %cond3A_367 {
        "tpu.region"() ({
          %run_scoped3A = tpu.sem_alloc : memref<!tpu.dma_semaphore, #tpu.memory_space<semaphore_mem>>
          tpu.enqueue_dma source(%arg11 : memref<8192xf32, #tpu.memory_space<vmem>>) target(%arg6 : memref<8192xf32, #tpu.memory_space<hbm>>) target_semaphore(%run_scoped3A : memref<!tpu.dma_semaphore, #tpu.memory_space<semaphore_mem>>)
          tpu.wait_dma2 semaphore(%run_scoped3A : memref<!tpu.dma_semaphore, #tpu.memory_space<semaphore_mem>>) src(%arg11 : memref<8192xf32, #tpu.memory_space<vmem>>) dst(%arg6 : memref<8192xf32, #tpu.memory_space<hbm>>)
          tpu.yield
        }) : () -> ()
      } else {
      }
      %eq3A_368 = arith.constant 2 : i32
      %eq3A_369 = arith.cmpi eq, %add3A, %eq3A_368 : i32
      %convert_element_type3A_370 = arith.extui %eq3A_369 : i1 to i32
      %cond3A_371 = arith.constant 0 : i32
      %cond3A_372 = arith.cmpi ne, %convert_element_type3A_370, %cond3A_371 : i32
      scf.if %cond3A_372 {
        "tpu.region"() ({
          %run_scoped3A = tpu.sem_alloc : memref<!tpu.dma_semaphore, #tpu.memory_space<semaphore_mem>>
          tpu.enqueue_dma source(%arg11 : memref<8192xf32, #tpu.memory_space<vmem>>) target(%arg7 : memref<8192xf32, #tpu.memory_space<hbm>>) target_semaphore(%run_scoped3A : memref<!tpu.dma_semaphore, #tpu.memory_space<semaphore_mem>>)
          tpu.wait_dma2 semaphore(%run_scoped3A : memref<!tpu.dma_semaphore, #tpu.memory_space<semaphore_mem>>) src(%arg11 : memref<8192xf32, #tpu.memory_space<vmem>>) dst(%arg7 : memref<8192xf32, #tpu.memory_space<hbm>>)
          tpu.yield
        }) : () -> ()
      } else {
      }
    } else {
    }
    return
  }
}

</mosaic_0001>

<sc_bundles>
// kernel: _run_sc.3.cloned.1.call-start
scs
__scs_entry_jumppad:
0x0: {  	(pc) =	sbr.rel $0x88, $3  }
0x1: {  	(tag) =	ssettag $0x0;
	lr =	simm.s32 $0x1  }
0x2: {  	[smem:$0x3F9E] =	sst lr;
	_ =	strace $0xD0000000  }
0x3: {  	_ = 	snop  }
0x4: {  	_ = 	snop  }
0x5: {  	_ = 	snop  }
0x6: {  	_ = 	snop  }
0x7: {  	_ = 	snop  }
__scs_overlays_trampoline_lowered:
0x8: {  	[smem:$0x3FAD] =	sst s0  }
0x9: {  	[smem:$0x3FAE] =	sst s1  }
0xa: {  	[smem:$0x3FAF] =	sst s2  }
0xb: {  	[smem:$0x3FB0] =	sst s3  }
0xc: {  	[smem:$0x3FB1] =	sst s4  }
0xd: {  	[smem:$0x3FB2] =	sst s5  }
0xe: {  	[smem:$0x3FB3] =	sst s6  }
0xf: {  	[smem:$0x3FB4] =	sst s7  }
0x10: {  	[smem:$0x3FB5] =	sst s8  }
0x11: {  	[smem:$0x3FB6] =	sst s9;
	s0 =	simm.s32 @!p0 $0x0  }
0x12: {  	s1 =	sld [smem:$0x3F9C];
	s0 =	simm.s32 @p0 $0x1  }
0x13: {  	[smem:$0x3FB7] =	sst s0;
	s0 =	simm.s32 @!p1 $0x0  }
0x14: {  	s2 =	sld [smem:$0x3F9B];
	s0 =	simm.s32 @p1 $0x1  }
0x15: {  	[smem:$0x3FB8] =	sst s0;
	s0 =	simm.s32 @!p2 $0x0  }
0x16: {  	s3 =	sld [smem:$0x3FDB];
	s0 =	simm.s32 @p2 $0x1  }
0x17: {  	s4 =	simm.s32 $0x1BF5;
	[smem:$0x3FBA] =	sst s0  }
0x18: {  	s0 =	sld [smem:$0x3F9D];
	_ =	swait.ge [sflag:s4], $0x0  }
0x19: {  	s7 =	sld [smem:$0x3F9E]  }
0x1a: {  	s8 =	sadd.s32 $0xFFFFE003, lr  }
0x1b: {  	s9 =	sadd.s32 $0xFFFFFEF7, lr;
	s5 =	simm.s32 $0xFFFFFFFF;
	p2 =	slt.u32 s8, $0xFFFFF086  }
0x1c: {  	p1 =	slt.u32 s9, $0xF7A;
	s5 =	simm.s32 @!p2 $0x0  }
0x1d: {  	s5 =	simm.s32 @p1 $0x1;
	p0 =	seq.s32 s7, s2  }
0x1e: {  	s7 =	smul.u32 @!p0 $0xF7A, s2;
	p2 =	seq.s32 @!p0 s5, $0x0  }
0x1f: {  	s9 =	smul.u32 $0xF7A, s1;
	s8 =	simm.s32 @!p0 $0x1BF5;
	p2 =	por !p2, p0  }
0x20: {  	[sflag:s8] =	ssyncset.s32 @!p0 $0xFFFFF086;
	s6 =	sadd.s32 @!p0 s3, s7;
	s7 =	simm.s32 @!p0 $0x108  }
0x21: {  	s3 =	sadd.s32 s3, s9;
	s6 =	sadd.s32 @!p0 $0x88, s6;
	s7 =	simm.s32 @p2 $0x1082  }
0x22: {  	[simem:s7], [sflag:s8] =	dma.local @!p0 [hbm:s6], $0xF7A  }
0x23: {  	s9 =	sor.u32 $0xD0000000, s2;
	s6 =	simm.s32 $0x108;
	_ =	swait.ge @!p0 [sflag:s8], $0x0  }
0x24: {  	s3 =	sadd.s32 $0x88, s3;
	s6 =	simm.s32 @!p1 $0x1082;
	[sflag:s4] =	ssyncset.s32 $0xFFFFF086  }
0x25: {  	[simem:s6], [sflag:s4] =	dma.local [hbm:s3], $0xF7A  }
0x26: {  	[smem:$0x3F9E] =	sst s1;
	(tag) =	ssettag s2;
	_ =	strace s9  }
0x27: {  	s1 =	sld [smem:$0x3FAE]  }
0x28: {  	s2 =	sld [smem:$0x3FAF]  }
0x29: {  	s4 =	sld [smem:$0x3FB1]  }
0x2a: {  	p0 =	seq.s32 s5, $0x0;
	s5 =	sld [smem:$0x3FB2]  }
0x2b: {  	s6 =	sld [smem:$0x3FB3]  }
0x2c: {  	s7 =	sld [smem:$0x3FB4]  }
0x2d: {  	s3 =	simm.s32 $0x108;
	s8 =	sld [smem:$0x3FB5]  }
0x2e: {  	s3 =	simm.s32 @!p0 $0x1082;
	s9 =	sld [smem:$0x3FB6]  }
0x2f: {  	lr =	sadd.s32 s0, s3;
	s0 =	sld [smem:$0x3FAD]  }
0x30: {  	s3 =	sld [smem:$0x3FB0]  }
0x31: {  	[smem:$0x3FB9] =	sst s10  }
0x32: {  	s10 =	sld [smem:$0x3FB7];
	_ =	sdelay $0x3  }
0x33: {  	p0 =	seq.s32 s10, $0x1;
	s10 =	sld [smem:$0x3FB9];
	_ =	sdelay $0x3  }
0x34: {  	[smem:$0x3FB9] =	sst s10  }
0x35: {  	s10 =	sld [smem:$0x3FB8];
	_ =	sdelay $0x3  }
0x36: {  	p1 =	seq.s32 s10, $0x1;
	s10 =	sld [smem:$0x3FB9];
	_ =	sdelay $0x3  }
0x37: {  	[smem:$0x3FB9] =	sst s10  }
0x38: {  	s10 =	sld [smem:$0x3FBA]  }
0x39: {  	_ = 	snop;
	(pc) =	sbr.ind lr, $3  }
0x3a: {  	_ = 	snop  }
0x3b: {  	_ = 	snop  }
0x3c: {  	p2 =	seq.s32 s10, $0x1;
	s10 =	sld [smem:$0x3FB9]  }
0x3d: {  	_ =	shalt  }
0x3e: {  	_ =	shalt  }
0x3f: {  	_ =	shalt  }
0x40: {  	_ =	shalt  }
0x41: {  	_ =	shalt  }
0x42: {  	_ =	shalt  }
0x43: {  	_ =	shalt  }
0x44: {  	_ =	shalt  }
0x45: {  	_ =	shalt  }
0x46: {  	_ =	shalt  }
0x47: {  	_ =	shalt  }
0x48: {  	_ =	shalt  }
0x49: {  	_ =	shalt  }
0x4a: {  	_ =	shalt  }
0x4b: {  	_ =	shalt  }
0x4c: {  	_ =	shalt  }
0x4d: {  	_ =	shalt  }
0x4e: {  	_ =	shalt  }
0x4f: {  	_ =	shalt  }
0x50: {  	_ =	shalt  }
0x51: {  	_ =	shalt  }
0x52: {  	_ =	shalt  }
0x53: {  	_ =	shalt  }
0x54: {  	_ =	shalt  }
0x55: {  	_ =	shalt  }
0x56: {  	_ =	shalt  }
0x57: {  	_ =	shalt  }
0x58: {  	_ =	shalt  }
0x59: {  	_ =	shalt  }
0x5a: {  	_ =	shalt  }
0x5b: {  	_ =	shalt  }
0x5c: {  	_ =	shalt  }
0x5d: {  	_ =	shalt  }
0x5e: {  	_ =	shalt  }
0x5f: {  	_ =	shalt  }
0x60: {  	_ =	shalt  }
0x61: {  	_ =	shalt  }
0x62: {  	_ =	shalt  }
0x63: {  	_ =	shalt  }
0x64: {  	_ =	shalt  }
0x65: {  	_ =	shalt  }
0x66: {  	_ =	shalt  }
0x67: {  	_ =	shalt  }
0x68: {  	_ =	shalt  }
0x69: {  	_ =	shalt  }
0x6a: {  	_ =	shalt  }
0x6b: {  	_ =	shalt  }
0x6c: {  	_ =	shalt  }
0x6d: {  	_ =	shalt  }
0x6e: {  	_ =	shalt  }
0x6f: {  	_ =	shalt  }
0x70: {  	_ =	shalt  }
0x71: {  	_ =	shalt  }
0x72: {  	_ =	shalt  }
0x73: {  	_ =	shalt  }
0x74: {  	_ =	shalt  }
0x75: {  	_ =	shalt  }
0x76: {  	_ =	shalt  }
0x77: {  	_ =	shalt  }
0x78: {  	_ =	shalt  }
0x79: {  	_ =	shalt  }
0x7a: {  	_ =	shalt  }
0x7b: {  	_ =	shalt  }
0x7c: {  	_ =	shalt  }
0x7d: {  	_ =	shalt  }
0x7e: {  	_ =	shalt  }
0x7f: {  	_ =	shalt  }
0x80: {  	_ =	shalt  }
0x81: {  	_ =	shalt  }
0x82: {  	_ =	shalt  }
0x83: {  	_ =	shalt  }
0x84: {  	_ =	shalt  }
0x85: {  	_ =	shalt  }
0x86: {  	_ =	shalt  }
0x87: {  	_ =	shalt  }
.Lfunc_end0:
.L_simem_size_0:
called_computation_lowered:
.L_overlay_start_0:
0x88: {  	s2 =	sld [smem:$0x3FD9]  }
0x89: {  	s3 =	sld [smem:$0x3FFE];
	_ =	sdelay $0x1  }
0x8a: {  	s1 =	srdreg.scid  }
0x8b: {  	s0 =	sand.u32 $0x1, s1  }
0x8c: {  	s15 =	sshll.u32 s0, $0xA;
	s2 =	sadd.s32 s3, s2  }
0x8d: {  	s2 =	sadd.s32 s2, s15  }
0x8e: {  	[smem:$0x3FC5] =	sst s2  }
0x8f: {  	_ = 	snop  }
0x90: {  	s2 =	sld [smem:$0x3FD0]  }
0x91: {  	s16 =	sld [smem:$0x3FC9]  }
0x92: {  	s4 =	sld [smem:$0x3FC8]  }
0x93: {  	s6 =	simm.s32 $0xA;
	s7 =	simm.s32 $0x10;
	s5 =	sld [smem:$0x3FC7]  }
0x94: {  	[smem:s7], [sflag:s6] =	dma.local [hbm:s2], $0x1  }
0x95: {  	_ =	swait.eq [sflag:s6], $0x1  }
0x96: {  	s17 =	sld [smem:$0x10];
	[sflag:s6] =	ssyncset.done $0x0  }
0x97: {  	s18 =	sld [smem:$0x11];
	[sflag:s6] =	ssyncadd.s32 $0xFFFFFFFF  }
0x98: {  	s19 =	sld [smem:$0x12];
	(tm) =	ssettm $0x1  }
0x99: {  	s8 =	sld [smem:$0x3FFB];
	_ =	sdelay $0x3  }
0x9a: {  	_ =	strace s8  }
0x9b: {  	s8 =	sld [smem:$0x3FFC];
	_ =	sdelay $0x3  }
0x9c: {  	_ =	strace s8  }
0x9d: {  	s8 =	sld [smem:$0x3FFD];
	_ =	sdelay $0x3  }
0x9e: {  	_ =	strace s8  }
0x9f: {  	_ =	strace $0x8FFFFFFF  }
0xa0: {  	s20 =	sld [smem:$0x3FDB];
	_ =	sdelay $0x1  }
0xa1: {  	s9 =	simm.s32 $_scs_section_size  }
0xa2: {  	s10 =	simm.s32 $_size__tile_overlayer_lowered;
	s11 =	simm.s32 $_tile_overlayer_lowered  }
0xa3: {  	s23 =	simm.s32 $0x1BFF;
	s22 =	sshll.u32 s11, $0x1;
	s8 =	sadd.s32 s9, s20  }
0xa4: {  	s12 =	simm.s32 $0x0;
	s21 =	sshll.u32 s10, $0x1;
	s10 =	sadd.s32 s22, s8  }
0xa5: {  	[timem:s12], [sflag:s23] =	dma.local [hbm:s10], s21  }
0xa6: {  	_ =	swait.ge [sflag:s23], s21  }
0xa7: {  	s9 =	ssub.s32 $0x0, s21;
	[sflag:s23] =	ssyncset.done $0x0  }
0xa8: {  	[sflag:s23] =	ssyncadd.s32 s9;
	_ =	sdelay $0x1  }
0xa9: {  	s24 =	simm.s32 $0x1B8B  }
0xaa: {  	_ =	swait.ge [sflag:s24], $0x1  }
0xab: {  	[sflag:s24] =	ssyncset.done $0x0  }
0xac: {  	s25 =	simm.s32 $0x1B8E;
	[sflag:s24] =	ssyncadd.s32 $0xFFFFFFFF  }
0xad: {  	s26 =	simm.s32 $execute0_lowered;
	[smem:$0x3FD2] =	sst s25  }
0xae: {  	s9 =	sshll.u32 s26, $0x1;
	_ =	strace $0x80000046;
	[dreg:$0x1] =	wrdreg $0xFFFFFFFF  }
0xaf: {  	s28 =	simm.s32 $_size_execute0_lowered;
	s8 =	sadd.s32 s8, s9;
	[dreg:$0x0] =	wrdreg $0x0  }
0xb0: {  	s9 =	sshll.u32 s28, $0x1;
	[dreg:$0x2] =	wrdreg s8  }
0xb1: {  	[dreg:$0x3] =	wrdreg s9  }
0xb2: {  	[dreg:$0x4] =	wrdreg $0xC0  }
0xb3: {  	_ =	task [dreg:s12], $0x5FFFF  }
0xb4: {  	[dreg:$0x1] =	wrdreg $0xFFFFFFFF  }
0xb5: {  	[dreg:$0x0] =	wrdreg $0x60  }
0xb6: {  	[dreg:$0x2] =	wrdreg s16  }
0xb7: {  	[dreg:$0x3] =	wrdreg s4  }
0xb8: {  	[dreg:$0x4] =	wrdreg s5  }
0xb9: {  	[dreg:$0x5] =	wrdreg s17  }
0xba: {  	[dreg:$0x6] =	wrdreg s18  }
0xbb: {  	[dreg:$0x7] =	wrdreg s19  }
0xbc: {  	[dreg:$0x8] =	wrdreg $0x9  }
0xbd: {  	_ =	task.clear_ibuf [dreg:s12], $0x9FFFF;
	_ =	strace $0x90000046  }
0xbe: {  	s29 =	simm.s32 $0x9;
	_ =	strace $0x80000048  }
0xbf: {  	_ =	swait.ge [sflag:s29], $0x1  }
0xc0: {  	[sflag:s29] =	ssyncadd.s32 $0xFFFFFFFF  }
0xc1: {  	_ =	strace $0x90000048  }
0xc2: {  	_ =	sfence  }
0xc3: {  	s30 =	sld [smem:$0x0];
	_ =	sdelay $0x2  }
0xc4: {  	s31 =	sshll.u32 s1, $0xD;
	s1 =	sshrl.u32 s1, $0x2  }
0xc5: {  	s3 =	sand.u32 $0x4000, s31;
	s1 =	sadd.s32 s1, s30  }
0xc6: {  	s0 =	sor.u32 s3, s0;
	s1 =	sshll.u32 s1, $0x11  }
0xc7: {  	s0 =	sor.u32 s1, s0  }
0xc8: {  	s0 =	sadd.s32 $0x8F2B, s0  }
0xc9: {  	[sflag:s0] =	ssyncadd.remote.s32 $0x1  }
0xca: {  	_ =	sfence.sel $0xFFFF  }
0xcb: {  	[dreg:$0x0] =	wrdreg $0xFFFFFFFF;
	(pc) =	sbr.abs _section_cstart, $3  }
0xcc: {  	[dreg:$0x1] =	wrdreg $0xFFFFFFFF  }
0xcd: {  	_ =	task.clear_ibuf [dreg:s12], $0x2FFFF;
	_ =	strace $0x9FFFFFFF  }
0xce: {  	(tm) =	ssettm $0x7FFFFFFF  }
0xcf: {  	_ =	shalt  }
tec
execute0_lowered:
.L_overlay_start_1:
0x0: {  	(tag) =	ssettag $0x1  }
0x1: {  	s3 =	srdreg.scid;
	s0 =	stileid.u32  }
0x2: {  	s6 =	sand.u32 $0x1, s3;
	s31 =	sshll.u32 s0, $0x1  }
0x3: {  	s7 =	rddreg [dreg:$0x0];
	s9 =	sor.u32 s6, s31  }
0x4: {  	s8 =	rddreg [dreg:$0x1];
	p0 =	sgt.u32 s9, $0x2  }
.Ltmp0:
0x5: {  	s1 =	rddreg [dreg:$0x2];
	(pc) =	sbr.rel @p0 .LBB2_35-.Ltmp0, $4  }
0x6: {  	s2 =	rddreg [dreg:$0x3]  }
0x7: {  	s4 =	rddreg [dreg:$0x4]  }
0x8: {  	s5 =	rddreg [dreg:$0x5]  }
0x9: {  	s3 =	rddreg [dreg:$0x6];
	_ =	strace $0x80000047  }
0xa: {  	s6 =	ssub.s32 $0x2, s6  }
0xb: {  	p2 =	seq.s32 s9, $0x1;
	p0 =	seq.s32 s9, $0x2;
	p3 =	seq.s32 s9, $0x0  }
0xc: {  	s10 =	sshrl.u32 s6, $0x1;
	p1 =	seq.s32 @!p0 s9, $0x1;
	s1 =	smov.u32 @p2 s8  }
0xd: {  	s8 =	simm.s32 $0x1;
	s6 =	ssub.s32 s6, s10;
	p2 =	por p1, p0  }
0xe: {  	s1 =	smov.u32 @p3 s7;
	s7 =	simm.s32 $0x0;
	p2 =	sne.s32 @!p2 s9, $0x0  }
0xf: {  	v0 =	vlaneseq.u32;
	v1 =	vimm.s32 $0x0;
	v3 =	vimm.s32 $0x1;
	s10 =	simm.s32 $0x0;
	s6 =	smax.u32 s6, $0x1;
	p2 =	por @!p0 p2, p1  }
0x10: {  	v5 =	vimm.f32 $1.000000000e+00;
	v2 =	vmul.u32 $0x101, v0;
	v4 =	vmul.u32 $0x4000, v0;
	s9 =	simm.s32 $0x4000;
	p1 =	por !p1, p0;
	p2 =	por p2, p0  }
.LBB2_2:
0x11: {  	[tilespmem:s7], [sflag:$0x1] =	stream.linear.gather [hbm4b:s1+s7], $0x2000, $0x38;
	[tilespmem:$0x7080] =	vst v63  }
0x12: {  	_ =	swait.ge [sflag:s8], $0x2000  }
0x13: {  	[sflag:s8] =	ssyncset.done $0x0  }
0x14: {  	s11 =	simm.s32 $0x0;
	s12 =	simm.s32 $0x200;
	[sflag:s8] =	ssyncadd.s32 $0xFFFFE000  }
.LBB2_3:
0x15: {  	p3 =	sne.s32 s12, $0x4000;
	[tilespmem:s11+$0x4070] =	vst v1  }
0x16: {  	[tilespmem:s11+$0x4000] =	vst v1  }
0x17: {  	[tilespmem:s11+$0x4010] =	vst v1  }
.Ltmp1:
0x18: {  	[tilespmem:s11+$0x4020] =	vst v1;
	(pc) =	sbr.rel @p3 .LBB2_3-.Ltmp1, $4  }
0x19: {  	[tilespmem:s11+$0x4030] =	vst v1  }
0x1a: {  	[tilespmem:s11+$0x4040] =	vst v1  }
0x1b: {  	[tilespmem:s11+$0x4050] =	vst v1  }
0x1c: {  	[tilespmem:s11+$0x4060] =	vst v1;
	s11 =	sshra.s32 s12, $0x2;
	s12 =	sadd.s32 $0x200, s12  }
0x1d: {  	[tilespmem:s11+$0x4070] =	vst v1  }
0x1e: {  	[tilespmem:s11+$0x4000] =	vst v1  }
0x1f: {  	[tilespmem:s11+$0x4010] =	vst v1  }
0x20: {  	[tilespmem:s11+$0x4020] =	vst v1  }
0x21: {  	[tilespmem:s11+$0x4030] =	vst v1  }
0x22: {  	[tilespmem:s11+$0x4040] =	vst v1  }
0x23: {  	[tilespmem:s11+$0x4050] =	vst v1  }
0x24: {  	[tilespmem:s11+$0x4060] =	vst v1;
	s30 =	simm.s32 $0x0  }
0x25: {  	v6 =	vld [tilespmem:s30+$0x60]  }
0x26: {  	v7 =	vld [tilespmem:s30+$0x70]  }
0x27: {  	v8 =	vld [tilespmem:s30+$0x50]  }
0x28: {  	v9 =	vld [tilespmem:s30+$0x40]  }
0x29: {  	v10 =	vld [tilespmem:s30+$0x30]  }
0x2a: {  	v11 =	vld [tilespmem:s30+$0x10]  }
0x2b: {  	v12 =	vld [tilespmem:s30+$0x20]  }
0x2c: {  	v16 =	vld [tilespmem:s30+$0x0]  }
0x2d: {  	vm0 =	veq.f32 v6, $0.0e+00  }
0x2e: {  	v13 =	vadd.f32 $1.598596810e+00, v6;
	vm15 =	veq.f32 v7, $0.0e+00;
	v17 =	vadd.f32 $1.598596810e+00, v9  }
0x2f: {  	vm4 =	veq.f32 v9, $0.0e+00;
	v18 =	vadd.f32 $1.598596810e+00, v8;
	v20 =	vadd.f32 $1.598596810e+00, v11  }
0x30: {  	vm1 =	veq.f32 v10, $0.0e+00;
	vm2 =	veq.f32 v12, $0.0e+00;
	vm5 =	veq.f32 v11, $0.0e+00  }
0x31: {  	vm6 =	veq.f32 v16, $0.0e+00;
	vm7 =	veq.f32 v8, $0.0e+00;
	v6 =	vsel vm0, $0x0, v6  }
0x32: {  	v15 =	vsel vm15, $0x0, v7;
	v9 =	vsel vm4, $0x0, v9;
	v21 =	vsel vm2, $0x0, v12  }
0x33: {  	v22 =	vsel vm1, $0x0, v10;
	v11 =	vsel vm5, $0x0, v11;
	v12 =	vadd.f32 $1.598596810e+00, v12  }
0x34: {  	v8 =	vsel vm7, $0x0, v8;
	v14 =	vshra.s32 v6, $0x1F;
	v13 =	vmul.f32 $1.442695020e+00, v13  }
0x35: {  	v19 =	vshra.s32 v15, $0x1F;
	v20 =	vmul.f32 $1.442695020e+00, v20;
	v23 =	vshra.s32 v22, $0x1F  }
0x36: {  	v18 =	vmul.f32 $1.442695020e+00, v18;
	v24 =	vshra.s32 v11, $0x1F;
	v19 =	vor.u32 $0x80000000, v19  }
0x37: {  	v17 =	vmul.f32 $1.442695020e+00, v17;
	v24 =	vor.u32 $0x80000000, v24;
	v15 =	vxor.u32 v15, v19  }
0x38: {  	v19 =	vsel vm6, $0x0, v16;
	v11 =	vxor.u32 v11, v24;
	v24 =	vshra.s32 v9, $0x1F  }
0x39: {  	(erf) = vpow2.f32 v13;
	v13 =	vshra.s32 v21, $0x1F;
	v25 =	vshra.s32 v19, $0x1F  }
0x3a: {  	v26 =	vshrl.u32 v11, $0x18;
	v13 =	vor.u32 $0x80000000, v13;
	(erf) = vpow2.f32 v18  }
0x3b: {  	v18 =	vshrl.u32 v15, $0x18;
	v24 =	vor.u32 $0x80000000, v24;
	v25 =	vor.u32 $0x80000000, v25  }
0x3c: {  	[tilespmem:s30+$0x2010] =	vst v11;
	v13 =	vxor.u32 v21, v13;
	(erf) = vpow2.f32 v20;
	v9 =	vxor.u32 v9, v24  }
0x3d: {  	v21 =	vshrl.u32 v13, $0x18;
	[tilespmem:s30+$0x2020] =	vst v13;
	v13 =	vxor.u32 v19, v25;
	v19 =	vor.u32 $0x80000000, v23  }
0x3e: {  	[tilespmem:s30+$0x2070] =	vst v15;
	v20 =	vshra.s32 v8, $0x1F;
	v19 =	vxor.u32 v22, v19;
	v22 =	vshrl.u32 v13, $0x18  }
0x3f: {  	v26 =	vadd.s32 v2, v26;
	[tilespmem:s30+$0x2040] =	vst v9;
	v11 =	vor.u32 $0x80000000, v20;
	v20 =	vadd.s32 v2, v22  }
0x40: {  	v21 =	vadd.s32 v2, v21;
	v8 =	vxor.u32 v8, v11;
	v11 =	vor.u32 $0x80000000, v14;
	[tilespmem:s30+$0x2000] =	vst v13  }
0x41: {  	[tilespmem:s30+$0x2030] =	vst v19;
	v15 =	vshrl.u32 v19, $0x18;
	v6 =	vxor.u32 v6, v11;
	v11 =	vmul.f32 $1.442695020e+00, v12  }
0x42: {  	(erf) = vpow2.f32 v17;
	v9 =	vshrl.u32 v9, $0x18;
	[tilespmem:s30+$0x2050] =	vst v8;
	v15 =	vadd.s32 v2, v15;
	v14 =	vpop (erf)  }
0x43: {  	v9 =	vadd.s32 v2, v9;
	v8 =	vshrl.u32 v8, $0x18;
	[tilespmem:s30+$0x2060] =	vst v6;
	v12 =	vpop (erf)  }
0x44: {  	v6 =	vshrl.u32 v6, $0x18;
	v8 =	vadd.s32 v2, v8;
	[tilespmem:v20+s9+$0x0] =	vst.idx.add.s32.msk $0xffff, v3;
	v12 =	vadd.f32 $1.000000000e+00, v12  }
0x45: {  	(erf) = vpow2.f32 v11;
	v6 =	vadd.s32 v2, v6;
	v11 =	vpop (erf);
	[tilespmem:v26+s9+$0x0] =	vst.idx.add.s32.msk $0xffff, v3  }
0x46: {  	v11 =	vadd.f32 $1.000000000e+00, v11;
	[tilespmem:v21+s9+$0x0] =	vst.idx.add.s32.msk $0xffff, v3;
	(erf) = vrcp.f32 v12;
	v12 =	vadd.s32 v2, v18  }
0x47: {  	v10 =	vadd.f32 $1.598596810e+00, v10;
	[tilespmem:v15+s9+$0x0] =	vst.idx.add.s32.msk $0xffff, v3  }
0x48: {  	(erf) = vrcp.f32 v11;
	[tilespmem:v9+s9+$0x0] =	vst.idx.add.s32.msk $0xffff, v3  }
0x49: {  	[tilespmem:v8+s9+$0x0] =	vst.idx.add.s32.msk $0xffff, v3  }
0x4a: {  	v9 =	vmul.f32 $1.442695020e+00, v10;
	[tilespmem:v6+s9+$0x0] =	vst.idx.add.s32.msk $0xffff, v3;
	v6 =	vadd.f32 $1.598596810e+00, v7  }
0x4b: {  	s31 =	simm.s32 $0x80;
	v10 =	vpop (erf);
	v8 =	vadd.f32 $1.598596810e+00, v16;
	[tilespmem:v12+s9+$0x0] =	vst.idx.add.s32.msk $0xffff, v3  }
0x4c: {  	(erf) = vpow2.f32 v9;
	v7 =	vadd.f32 $1.000000000e+00, v10;
	v9 =	vld [tilespmem:s31+$0x60]  }
0x4d: {  	v8 =	vmul.f32 $1.442695020e+00, v8;
	v13 =	vld [tilespmem:s31+$0x40]  }
0x4e: {  	v10 =	vmul.f32 $1.442695020e+00, v6;
	v15 =	vld [tilespmem:s31+$0x10];
	v6 =	vpop (erf);
	(erf) = vrcp.f32 v7  }
0x4f: {  	v16 =	vld [tilespmem:s31+$0x20];
	v11 =	vadd.f32 $1.000000000e+00, v6;
	(erf) = vpow2.f32 v8;
	v12 =	vpop (erf)  }
0x50: {  	v7 =	vld [tilespmem:s31+$0x70];
	(erf) = vpow2.f32 v10;
	v10 =	vadd.f32 $1.000000000e+00, v14;
	v12 =	vmax.f32 v12, $9.999999970e-07  }
0x51: {  	v6 =	vimm.f32 $0.0e+00;
	(erf) = vrcp.f32 v11;
	v14 =	vpop (erf);
	v12 =	vmin.f32 v12, $9.999989860e-01  }
0x52: {  	vm8 =	veq.f32 v9, $0.0e+00;
	v14 =	vmax.f32 v14, $9.999999970e-07;
	(erf) = vrcp.f32 v10  }
0x53: {  	v10 =	vadd.f32 $1.598596810e+00, v9;
	vm10 =	veq.f32 v13, $0.0e+00;
	v22 =	vadd.f32 $1.598596810e+00, v13  }
0x54: {  	v8 =	vld [tilespmem:s31+$0x50];
	v25 =	vadd.f32 $1.598596810e+00, v15;
	vm12 =	veq.f32 v16, $0.0e+00;
	vm14 =	veq.f32 v15, $0.0e+00  }
0x55: {  	v12 =	vsub.f32 $1.000000000e+00, v12;
	v18 =	vsel vm8, $0x0, v9;
	vm9 =	veq.f32 v7, $0.0e+00  }
0x56: {  	v9 =	vmin.f32 v14, $9.999989860e-01;
	v13 =	vsel vm10, $0x0, v13;
	v26 =	vsel vm12, $0x0, v16  }
0x57: {  	v11 =	vld [tilespmem:s31+$0x30];
	v20 =	vpop (erf);
	v15 =	vsel vm14, $0x0, v15;
	v16 =	vadd.f32 $1.598596810e+00, v16;
	v19 =	vshra.s32 v18, $0x1F  }
0x58: {  	v17 =	vsel vm9, $0x0, v7;
	v20 =	vadd.f32 $1.000000000e+00, v20;
	v21 =	vmul.f32 $1.442695020e+00, v10  }
0x59: {  	v23 =	vadd.f32 $1.598596810e+00, v8;
	v25 =	vmul.f32 $1.442695020e+00, v25;
	v60 =	vshra.s32 v26, $0x1F  }
0x5a: {  	v14 =	vld [tilespmem:s31+$0x0];
	vm15 =	veq.f32 v8, $0.0e+00;
	v22 =	vmul.f32 $1.442695020e+00, v22;
	v24 =	vshra.s32 v17, $0x1F  }
0x5b: {  	v61 =	vsel vm15, $0x0, v8;
	v8 =	vadd.f32 v12, v6;
	v16 =	vmul.f32 $1.442695020e+00, v16  }
0x5c: {  	v19 =	vor.u32 $0x80000000, v19;
	vm11 =	veq.f32 v11, $0.0e+00;
	v24 =	vor.u32 $0x80000000, v24  }
0x5d: {  	v23 =	vmul.f32 $1.442695020e+00, v23;
	v18 =	vxor.u32 v18, v19;
	v27 =	vsel vm11, $0x0, v11  }
0x5e: {  	v10 =	vpop (erf);
	v24 =	vxor.u32 v17, v24;
	v17 =	vshra.s32 v15, $0x1F;
	v19 =	vshrl.u32 v18, $0x18  }
0x5f: {  	v10 =	vmax.f32 v10, $9.999999970e-07;
	vm13 =	veq.f32 v14, $0.0e+00;
	v28 =	vpop (erf);
	v29 =	vshra.s32 v27, $0x1F  }
0x60: {  	v17 =	vor.u32 $0x80000000, v17;
	v34 =	vshrl.u32 v24, $0x18;
	v30 =	vpop (erf);
	(erf) = vrcp.f32 v20  }
0x61: {  	v19 =	vadd.s32 v2, v19;
	v31 =	vsel vm13, $0x0, v14;
	v14 =	vadd.f32 $1.598596810e+00, v14  }
0x62: {  	v15 =	vxor.u32 v15, v17;
	v17 =	vshra.s32 v13, $0x1F;
	v20 =	vadd.f32 $1.000000000e+00, v28  }
0x63: {  	v30 =	vadd.f32 $1.000000000e+00, v30;
	v59 =	vshra.s32 v31, $0x1F;
	v32 =	vshrl.u32 v15, $0x18  }
0x64: {  	(erf) = vpow2.f32 v21;
	v33 =	vpop (erf);
	v17 =	vor.u32 $0x80000000, v17;
	v21 =	vadd.s32 v2, v32  }
0x65: {  	v32 =	vor.u32 $0x80000000, v60;
	(erf) = vpow2.f32 v23;
	v23 =	vmax.f32 v33, $9.999999970e-07  }
0x66: {  	v28 =	vor.u32 $0x80000000, v59;
	v13 =	vxor.u32 v13, v17;
	v17 =	vmul.f32 $1.442695020e+00, v14  }
0x67: {  	[tilespmem:s31+$0x2060] =	vst v18;
	v26 =	vxor.u32 v26, v32;
	v23 =	vmin.f32 v23, $9.999989860e-01;
	(erf) = vrcp.f32 v30  }
0x68: {  	v62 =	vpop (erf);
	v14 =	vxor.u32 v31, v28;
	[tilespmem:s31+$0x2040] =	vst v13;
	v13 =	vshrl.u32 v13, $0x18;
	(erf) = vrcp.f32 v20  }
0x69: {  	v32 =	vshrl.u32 v26, $0x18;
	[tilespmem:s31+$0x2020] =	vst v26;
	v26 =	vshrl.u32 v14, $0x18;
	v12 =	vpop (erf);
	(erf) = vpow2.f32 v25  }
0x6a: {  	[tilespmem:s31+$0x2070] =	vst v24;
	v20 =	vor.u32 $0x80000000, v29;
	v26 =	vadd.s32 v2, v26;
	v25 =	vshra.s32 v61, $0x1F  }
0x6b: {  	[tilespmem:s31+$0x2010] =	vst v15;
	v13 =	vadd.s32 v2, v13;
	v20 =	vxor.u32 v27, v20;
	v25 =	vor.u32 $0x80000000, v25  }
0x6c: {  	v32 =	vadd.s32 v2, v32;
	[tilespmem:s31+$0x2030] =	vst v20;
	v20 =	vshrl.u32 v20, $0x18;
	v12 =	vmax.f32 v12, $9.999999970e-07  }
0x6d: {  	[tilespmem:s31+$0x2000] =	vst v14;
	v24 =	vadd.s32 v2, v20;
	v27 =	vpop (erf);
	v12 =	vmin.f32 v12, $9.999989860e-01;
	v15 =	vxor.u32 v61, v25  }
0x6e: {  	(erf) = vpow2.f32 v22;
	v12 =	vsub.f32 $1.000000000e+00, v12;
	[tilespmem:s31+$0x2050] =	vst v15;
	v15 =	vshrl.u32 v15, $0x18;
	v25 =	vpop (erf)  }
0x6f: {  	(erf) = vpow2.f32 v16;
	[tilespmem:v26+s9+$0x0] =	vst.idx.add.s32.msk $0xffff, v3;
	v20 =	vadd.f32 $1.000000000e+00, v25;
	v25 =	vadd.f32 $1.598596810e+00, v11  }
0x70: {  	v63 =	vadd.s32 v2, v15;
	v22 =	vpop (erf);
	[tilespmem:v21+s9+$0x0] =	vst.idx.add.s32.msk $0xffff, v3;
	v21 =	vadd.f32 $1.000000000e+00, v27;
	v11 =	vadd.f32 v12, v6  }
0x71: {  	v12 =	vimm.f32 $0.0e+00;
	v16 =	vpop (erf);
	v18 =	vmax.f32 v22, $9.999999970e-07;
	(erf) = vrcp.f32 v20  }
0x72: {  	[tilespmem:v32+s9+$0x0] =	vst.idx.add.s32.msk $0xffff, v3;
	v15 =	vmax.f32 v16, $9.999999970e-07;
	v16 =	vmax.f32 v62, $9.999999970e-07;
	v25 =	vmul.f32 $1.442695020e+00, v25;
	v14 =	vpop (erf)  }
0x73: {  	[tilespmem:v24+s9+$0x0] =	vst.idx.add.s32.msk $0xffff, v3;
	v24 =	vsub.f32 $1.000000000e+00, v23;
	v20 =	vmin.f32 v15, $9.999989860e-01;
	v14 =	vadd.f32 $1.000000000e+00, v14  }
0x74: {  	v15 =	vmin.f32 v18, $9.999989860e-01;
	v18 =	vadd.s32 v2, v34;
	v23 =	vmin.f32 v16, $9.999989860e-01  }
0x75: {  	[tilespmem:v13+s9+$0x0] =	vst.idx.add.s32.msk $0xffff, v3;
	v16 =	vimm.f32 $0.0e+00;
	v13 =	vimm.f32 $0.0e+00;
	(erf) = vrcp.f32 v14  }
0x76: {  	s11 =	simm.s32 $0x400;
	v22 =	vsub.f32 $1.000000000e+00, v15;
	v15 =	vimm.f32 $0.0e+00;
	[tilespmem:v63+s9+$0x0] =	vst.idx.add.s32.msk $0xffff, v3;
	v14 =	vimm.f32 $0.0e+00  }
.LBB2_5:
0x77: {  	s12 =	sshra.s32 s11, $0x2;
	p3 =	sne.s32 s11, $0x7E00;
	s11 =	sadd.s32 $0x200, s11;
	v27 =	vadd.f32 $1.598596810e+00, v7;
	v26 =	vpop (erf);
	v9 =	vsub.f32 $1.000000000e+00, v9;
	v10 =	vmin.f32 v10, $9.999989860e-01  }
0x78: {  	v26 =	vadd.f32 $1.000000000e+00, v26;
	[tilespmem:v19+s9+$0x0] =	vst.idx.add.s32.msk $0xffff, v3;
	(erf) = vpow2.f32 v25;
	v6 =	vadd.f32 v24, v6  }
0x79: {  	v10 =	vsub.f32 $1.000000000e+00, v10;
	v19 =	vmul.f32 $1.442695020e+00, v27;
	[tilespmem:v18+s9+$0x0] =	vst.idx.add.s32.msk $0xffff, v3;
	v7 =	vpop (erf);
	v18 =	vsub.f32 $1.000000000e+00, v23  }
0x7a: {  	v20 =	vsub.f32 $1.000000000e+00, v20;
	v23 =	vld [tilespmem:s12+$0x60];
	v24 =	vadd.f32 $1.000000000e+00, v7;
	(erf) = vrcp.f32 v26;
	v25 =	vpop (erf)  }
0x7b: {  	v15 =	vadd.f32 v22, v15;
	v7 =	vld [tilespmem:s12+$0x70];
	(erf) = vpow2.f32 v17;
	v14 =	vadd.f32 v18, v14  }
0x7c: {  	v16 =	vadd.f32 v9, v16;
	v18 =	vmax.f32 v25, $9.999999970e-07;
	v17 =	vld [tilespmem:s12+$0x50];
	(erf) = vpow2.f32 v19  }
0x7d: {  	v13 =	vadd.f32 v10, v13;
	v25 =	vmin.f32 v18, $9.999989860e-01;
	v19 =	vld [tilespmem:s12+$0x40];
	(erf) = vrcp.f32 v24  }
0x7e: {  	v12 =	vadd.f32 v20, v12;
	v22 =	vsub.f32 $1.000000000e+00, v25;
	v18 =	vld [tilespmem:s12+$0x30];
	v9 =	vpop (erf)  }
0x7f: {  	v20 =	vld [tilespmem:s12+$0x10];
	vm0 =	veq.f32 v23, $0.0e+00;
	v9 =	vmax.f32 v9, $9.999999970e-07;
	(erf) = vrcp.f32 v21  }
0x80: {  	v32 =	vadd.f32 $1.598596810e+00, v23;
	v21 =	vld [tilespmem:s12+$0x20];
	v23 =	vsel vm0, $0x0, v23;
	vm0 =	veq.f32 v7, $0.0e+00  }
0x81: {  	v9 =	vmin.f32 v9, $9.999989860e-01;
	v24 =	vshra.s32 v23, $0x1F;
	v25 =	vsel vm0, $0x0, v7;
	v26 =	vpop (erf)  }
0x82: {  	v28 =	vmul.f32 $1.442695020e+00, v32;
	v27 =	vld [tilespmem:s12+$0x0];
	vm0 =	veq.f32 v19, $0.0e+00;
	v26 =	vadd.f32 $1.000000000e+00, v26  }
0x83: {  	v30 =	vadd.f32 $1.598596810e+00, v17;
	v29 =	vadd.f32 $1.598596810e+00, v19;
	v31 =	vshra.s32 v25, $0x1F;
	v10 =	vpop (erf)  }
0x84: {  	vm1 =	veq.f32 v18, $0.0e+00;
	v32 =	vadd.f32 $1.598596810e+00, v20;
	v10 =	vmax.f32 v10, $9.999999970e-07;
	v33 =	vpop (erf)  }
0x85: {  	v19 =	vsel vm0, $0x0, v19;
	v31 =	vor.u32 $0x80000000, v31;
	vm2 =	veq.f32 v21, $0.0e+00;
	v34 =	vpop (erf)  }
0x86: {  	v36 =	vsel vm1, $0x0, v18;
	v32 =	vmul.f32 $1.442695020e+00, v32;
	v35 =	vsel vm2, $0x0, v21;
	v37 =	vpop (erf)  }
0x87: {  	vm1 =	veq.f32 v20, $0.0e+00;
	v38 =	vshra.s32 v36, $0x1F;
	vm0 =	veq.f32 v27, $0.0e+00  }
0x88: {  	v30 =	vmul.f32 $1.442695020e+00, v30;
	v25 =	vxor.u32 v25, v31;
	v20 =	vsel vm1, $0x0, v20;
	v31 =	vpop (erf)  }
0x89: {  	v40 =	vshra.s32 v20, $0x1F;
	v34 =	vadd.f32 $1.000000000e+00, v34;
	v39 =	vsel vm0, $0x0, v27  }
0x8a: {  	v40 =	vor.u32 $0x80000000, v40;
	v27 =	vadd.f32 $1.598596810e+00, v27;
	(erf) = vrcp.f32 v26  }
0x8b: {  	v33 =	vadd.f32 $1.000000000e+00, v33;
	v20 =	vxor.u32 v20, v40;
	v26 =	vshra.s32 v19, $0x1F  }
0x8c: {  	v40 =	vshra.s32 v39, $0x1F;
	v41 =	vshrl.u32 v20, $0x18;
	(erf) = vpow2.f32 v28  }
0x8d: {  	v42 =	vshrl.u32 v25, $0x18;
	v28 =	vadd.s32 v2, v41;
	v41 =	vshra.s32 v35, $0x1F  }
0x8e: {  	v41 =	vor.u32 $0x80000000, v41;
	(erf) = vpow2.f32 v30;
	v30 =	vmax.f32 v37, $9.999999970e-07  }
0x8f: {  	v37 =	vor.u32 $0x80000000, v40;
	v35 =	vxor.u32 v35, v41;
	v30 =	vmin.f32 v30, $9.999989860e-01  }
0x90: {  	vm0 =	veq.f32 v17, $0.0e+00;
	v26 =	vor.u32 $0x80000000, v26;
	v40 =	vshrl.u32 v35, $0x18  }
0x91: {  	v21 =	vadd.f32 $1.598596810e+00, v21;
	v40 =	vadd.s32 v2, v40;
	(erf) = vrcp.f32 v34  }
0x92: {  	v19 =	vxor.u32 v19, v26;
	v26 =	vsel vm0, $0x0, v17;
	(erf) = vrcp.f32 v33  }
0x93: {  	v8 =	vadd.f32 v22, v8;
	v17 =	vmul.f32 $1.442695020e+00, v27;
	v27 =	vxor.u32 v39, v37;
	[tilespmem:s12+$0x2020] =	vst v35;
	v22 =	vpop (erf)  }
0x94: {  	v33 =	vor.u32 $0x80000000, v38;
	(erf) = vpow2.f32 v32;
	v22 =	vmax.f32 v22, $9.999999970e-07  }
0x95: {  	v32 =	vxor.u32 v36, v33;
	v33 =	vshra.s32 v26, $0x1F;
	[tilespmem:s12+$0x2040] =	vst v19;
	v34 =	vpop (erf);
	v22 =	vmin.f32 v22, $9.999989860e-01  }
0x96: {  	v21 =	vmul.f32 $1.442695020e+00, v21;
	v36 =	vshrl.u32 v27, $0x18;
	v33 =	vor.u32 $0x80000000, v33;
	[tilespmem:s12+$0x2010] =	vst v20  }
0x97: {  	v29 =	vmul.f32 $1.442695020e+00, v29;
	v19 =	vshrl.u32 v19, $0x18;
	v20 =	vadd.s32 v2, v36;
	[tilespmem:s12+$0x2030] =	vst v32;
	v35 =	vpop (erf)  }
0x98: {  	v24 =	vor.u32 $0x80000000, v24;
	v26 =	vxor.u32 v26, v33;
	[tilespmem:s12+$0x2070] =	vst v25;
	v25 =	vsub.f32 $1.000000000e+00, v22  }
0x99: {  	v22 =	vshrl.u32 v32, $0x18;
	v32 =	vxor.u32 v23, v24;
	[tilespmem:s12+$0x2050] =	vst v26;
	(erf) = vpow2.f32 v29  }
0x9a: {  	v24 =	vadd.f32 $1.000000000e+00, v35;
	v22 =	vadd.s32 v2, v22;
	v29 =	vshrl.u32 v32, $0x18;
	[tilespmem:s12+$0x2060] =	vst v32;
	v23 =	vpop (erf)  }
0x9b: {  	v32 =	vadd.s32 v2, v19;
	v19 =	vshrl.u32 v26, $0x18;
	[tilespmem:s12+$0x2000] =	vst v27;
	(erf) = vpow2.f32 v21;
	v21 =	vpop (erf)  }
0x9c: {  	v26 =	vadd.s32 v2, v19;
	v19 =	vadd.s32 v2, v29;
	[tilespmem:v20+s9+$0x0] =	vst.idx.add.s32.msk $0xffff, v3;
	(erf) = vrcp.f32 v24  }
.Ltmp2:
0x9d: {  	v27 =	vmax.f32 v31, $9.999999970e-07;
	v23 =	vmax.f32 v23, $9.999999970e-07;
	v21 =	vmax.f32 v21, $9.999999970e-07;
	[tilespmem:v28+s9+$0x0] =	vst.idx.add.s32.msk $0xffff, v3;
	v20 =	vpop (erf);
	(pc) =	sbr.rel @p3 .LBB2_5-.Ltmp2, $4  }
0x9e: {  	v24 =	vadd.f32 $1.000000000e+00, v20;
	[tilespmem:v40+s9+$0x0] =	vst.idx.add.s32.msk $0xffff, v3;
	v20 =	vmin.f32 v21, $9.999989860e-01;
	v21 =	vmin.f32 v23, $9.999989860e-01  }
0x9f: {  	v23 =	vadd.f32 $1.598596810e+00, v18;
	v18 =	vadd.s32 v2, v42;
	[tilespmem:v22+s9+$0x0] =	vst.idx.add.s32.msk $0xffff, v3;
	v22 =	vsub.f32 $1.000000000e+00, v21  }
0xa0: {  	v11 =	vadd.f32 v25, v11;
	v21 =	vadd.f32 $1.000000000e+00, v34;
	[tilespmem:v32+s9+$0x0] =	vst.idx.add.s32.msk $0xffff, v3;
	(erf) = vrcp.f32 v24  }
0xa1: {  	v25 =	vmul.f32 $1.442695020e+00, v23;
	v24 =	vsub.f32 $1.000000000e+00, v30;
	v23 =	vmin.f32 v27, $9.999989860e-01;
	[tilespmem:v26+s9+$0x0] =	vst.idx.add.s32.msk $0xffff, v3  }
0xa2: {  	v26 =	vpop (erf)  }
0xa3: {  	v7 =	vadd.f32 $1.598596810e+00, v7;
	v26 =	vadd.f32 $1.000000000e+00, v26;
	(erf) = vpow2.f32 v25;
	_ =	sdelay $0x1  }
0xa4: {  	v7 =	vmul.f32 $1.442695020e+00, v7;
	(erf) = vrcp.f32 v26  }
0xa5: {  	(erf) = vpow2.f32 v17  }
0xa6: {  	(erf) = vpow2.f32 v7;
	_ =	sdelay $0x1  }
0xa7: {  	v7 =	vpop (erf)  }
0xa8: {  	v17 =	vpop (erf)  }
0xa9: {  	v7 =	vadd.f32 $1.000000000e+00, v7;
	v55 =	vpop (erf)  }
0xaa: {  	v56 =	vpop (erf)  }
0xab: {  	(erf) = vrcp.f32 v7;
	v7 =	vadd.f32 $1.000000000e+00, v56  }
0xac: {  	(erf) = vrcp.f32 v21;
	v27 =	vpop (erf)  }
0xad: {  	v28 =	vpop (erf);
	(erf) = vrcp.f32 v7  }
0xae: {  	v57 =	vpop (erf)  }
0xaf: {  	v58 =	vadd.f32 $1.000000000e+00, v57  }
0xb0: {  	v7 =	vadd.f32 $1.000000000e+00, v28  }
0xb1: {  	v20 =	vsub.f32 $1.000000000e+00, v20;
	(erf) = vrcp.f32 v58  }
0xb2: {  	(erf) = vrcp.f32 v7;
	v7 =	vsub.f32 $1.000000000e+00, v9  }
0xb3: {  	v12 =	vadd.f32 v20, v12;
	v9 =	vmin.f32 v10, $9.999989860e-01;
	v10 =	vsub.f32 $1.000000000e+00, v23  }
0xb4: {  	v9 =	vsub.f32 $1.000000000e+00, v9;
	v7 =	vadd.f32 v7, v16;
	v16 =	vpop (erf)  }
0xb5: {  	v10 =	vadd.f32 v10, v14;
	v14 =	vadd.f32 v22, v15;
	v15 =	vmax.f32 v17, $9.999999970e-07;
	v17 =	vpop (erf)  }
0xb6: {  	v15 =	vmin.f32 v15, $9.999989860e-01;
	v9 =	vadd.f32 v9, v13;
	v13 =	vmax.f32 v55, $9.999999970e-07;
	v59 =	vpop (erf)  }
0xb7: {  	v15 =	vsub.f32 $1.000000000e+00, v15;
	v13 =	vmin.f32 v13, $9.999989860e-01;
	v20 =	vmax.f32 v59, $9.999999970e-07  }
0xb8: {  	v60 =	vmax.f32 v27, $9.999999970e-07;
	v13 =	vsub.f32 $1.000000000e+00, v13;
	v20 =	vmin.f32 v20, $9.999989860e-01  }
0xb9: {  	v16 =	vmax.f32 v16, $9.999999970e-07;
	v8 =	vadd.f32 v15, v8;
	v15 =	vsub.f32 $1.000000000e+00, v20  }
0xba: {  	v6 =	vadd.f32 v24, v6;
	v63 =	vmin.f32 v60, $9.999989860e-01;
	v16 =	vmin.f32 v16, $9.999989860e-01;
	v61 =	vpop (erf)  }
0xbb: {  	v17 =	vmax.f32 v17, $9.999999970e-07;
	v7 =	vadd.f32 v13, v7;
	v62 =	vpop (erf);
	v11 =	vadd.f32 v15, v11  }
0xbc: {  	v15 =	vsub.f32 $1.000000000e+00, v16;
	v16 =	vmin.f32 v17, $9.999989860e-01;
	v20 =	vmax.f32 v62, $9.999999970e-07  }
0xbd: {  	v22 =	vmax.f32 v61, $9.999999970e-07;
	v16 =	vsub.f32 $1.000000000e+00, v16;
	v17 =	vmin.f32 v20, $9.999989860e-01  }
0xbe: {  	v22 =	vmin.f32 v22, $9.999989860e-01;
	v6 =	vadd.f32 v15, v6;
	v15 =	vsub.f32 $1.000000000e+00, v17  }
0xbf: {  	v22 =	vsub.f32 $1.000000000e+00, v22;
	v17 =	vsub.f32 $1.000000000e+00, v63  }
0xc0: {  	v10 =	vadd.f32 v16, v10;
	v12 =	vadd.f32 v15, v12  }
0xc1: {  	v13 =	vadd.f32 v22, v14;
	v9 =	vadd.f32 v17, v9  }
0xc2: {  	v6 =	vadd.f32 v11, v6;
	v7 =	vadd.f32 v7, v12  }
0xc3: {  	v8 =	vadd.f32 v8, v9;
	v9 =	vadd.f32 v13, v10;
	_ =	sdelay $0x1  }
0xc4: {  	[tilespmem:v19+s9+$0x0] =	vst.idx.add.s32.msk $0xffff, v3;
	v6 =	vadd.f32 v6, v7;
	v7 =	vadd.f32 v9, v8  }
0xc5: {  	s11 =	simm.s32 $0x4808;
	[tilespmem:v18+s9+$0x0] =	vst.idx.add.s32.msk $0xffff, v3  }
0xc6: {  	v11 =	vld [tilespmem:s11+$0xFFFFFBFC];
	v6 =	vadd.f32 v7, v6  }
0xc7: {  	v8 =	vld [tilespmem:s11+$0xFFFFF8F9]  }
0xc8: {  	v7 =	vld [tilespmem:s11+$0xFFFFF7F8];
	(xrf2) =	vadd.scan.msk.f32 $0xffff, v6  }
0xc9: {  	v9 =	vld [tilespmem:s11+$0xFFFFF9FA]  }
0xca: {  	v10 =	vld [tilespmem:s11+$0xFFFFFAFB]  }
0xcb: {  	[tilespmem:s11+$0xFFFFFBFC] =	vst v1;
	v12 =	vld [tilespmem:s11+$0xFFFFFCFD]  }
0xcc: {  	[tilespmem:s11+$0xFFFFFAFB] =	vst v1;
	v6 =	vld [tilespmem:s11+$0x404]  }
0xcd: {  	[tilespmem:s11+$0xFFFFFCFD] =	vst v1;
	v7 =	vadd.s32 v7, v8;
	v8 =	vld [tilespmem:s11+$0xFFFFFDFE]  }
0xce: {  	[tilespmem:s11+$0xFFFFF8F9] =	vst v1;
	v7 =	vadd.s32 v9, v7;
	v9 =	vld [tilespmem:s11+$0xFFFFFEFF]  }
0xcf: {  	[tilespmem:s11+$0xFFFFF9FA] =	vst v1;
	v7 =	vadd.s32 v10, v7;
	v10 =	vld [tilespmem:s11+$0x0]  }
0xd0: {  	[tilespmem:s11+$0xFFFFF7F8] =	vst v1;
	v7 =	vadd.s32 v11, v7;
	v11 =	vld [tilespmem:s11+$0x101]  }
0xd1: {  	[tilespmem:s11+$0x404] =	vst v1;
	v7 =	vadd.s32 v12, v7;
	v12 =	vld [tilespmem:s11+$0x202]  }
0xd2: {  	[tilespmem:s11+$0xFFFFFDFE] =	vst v1;
	v7 =	vadd.s32 v8, v7;
	v8 =	vld [tilespmem:s11+$0x303];
	v13, _, _ =	vpop (xrf2)  }
0xd3: {  	s14 =	simm.s32 $0x4818;
	[tilespmem:s11+$0x303] =	vst v1;
	v7 =	vadd.s32 v9, v7;
	v9 =	vld [tilespmem:s11+$0x505];
	(v2sf) =	vpush v13, $0xF  }
0xd4: {  	[tilespmem:s11+$0xFFFFFEFF] =	vst v1;
	v14 =	vld [tilespmem:s14+$0x303]  }
0xd5: {  	[tilespmem:s11+$0x0] =	vst v1;
	v7 =	vadd.s32 v10, v7;
	v10 =	vld [tilespmem:s11+$0x606]  }
0xd6: {  	[tilespmem:s11+$0x101] =	vst v1;
	v13 =	vld [tilespmem:s14+$0x404]  }
0xd7: {  	[tilespmem:s11+$0x202] =	vst v1;
	v7 =	vadd.s32 v11, v7;
	v11 =	vld [tilespmem:s11+$0x707]  }
0xd8: {  	[tilespmem:s11+$0x505] =	vst v1;
	v7 =	vadd.s32 v12, v7;
	v12 =	vld [tilespmem:s14+$0xFFFFF7F8]  }
0xd9: {  	[tilespmem:s14+$0x303] =	vst v1;
	v7 =	vadd.s32 v8, v7;
	v8 =	vld [tilespmem:s14+$0xFFFFF8F9]  }
0xda: {  	[tilespmem:s11+$0x606] =	vst v1;
	v6 =	vadd.s32 v6, v7;
	v7 =	vld [tilespmem:s14+$0xFFFFF9FA]  }
0xdb: {  	[tilespmem:s14+$0x404] =	vst v1;
	v6 =	vadd.s32 v9, v6;
	v9 =	vld [tilespmem:s14+$0xFFFFFAFB]  }
0xdc: {  	[tilespmem:s11+$0x707] =	vst v1;
	v6 =	vadd.s32 v10, v6;
	v10 =	vld [tilespmem:s14+$0xFFFFFBFC]  }
0xdd: {  	[tilespmem:s14+$0xFFFFF7F8] =	vst v1;
	v11 =	vadd.s32 v11, v6;
	v6 =	vld [tilespmem:s14+$0xFFFFFCFD]  }
0xde: {  	[tilespmem:s14+$0xFFFFF8F9] =	vst v1;
	v8 =	vadd.s32 v12, v8;
	v12 =	vld [tilespmem:s14+$0xFFFFFDFE]  }
0xdf: {  	[tilespmem:s14+$0xFFFFF9FA] =	vst v1;
	(xrf0) =	vadd.scan.msk.s32 $0xffff, v11;
	v7 =	vadd.s32 v7, v8;
	v8 =	vld [tilespmem:s14+$0xFFFFFEFF]  }
0xe0: {  	[tilespmem:s14+$0xFFFFFAFB] =	vst v1;
	v7 =	vadd.s32 v9, v7;
	v9 =	vld [tilespmem:s14+$0x0]  }
0xe1: {  	[tilespmem:s14+$0xFFFFFBFC] =	vst v1;
	v7 =	vadd.s32 v10, v7;
	v10 =	vld [tilespmem:s14+$0x101]  }
0xe2: {  	[tilespmem:s14+$0xFFFFFCFD] =	vst v1;
	v6 =	vadd.s32 v6, v7;
	v7 =	vld [tilespmem:s14+$0x202];
	s12 =	spop (v2sf)  }
0xe3: {  	[tilespmem:s14+$0xFFFFFDFE] =	vst v1;
	v12 =	vadd.s32 v12, v6;
	s13 =	ssub.f32 $8.192000000e+03, s12  }
0xe4: {  	[tilespmem:s14+$0xFFFFFEFF] =	vst v1;
	v8 =	vadd.s32 v8, v12  }
0xe5: {  	[tilespmem:s14+$0x0] =	vst v1;
	v15, _, _ =	vpop (xrf0);
	v8 =	vadd.s32 v9, v8;
	v9 =	vld [tilespmem:s14+$0x505];
	s15 =	scvt.f32.s32 s13  }
0xe6: {  	[tilespmem:s14+$0x101] =	vst v1;
	(v2sf) =	vpush v15, $0xF;
	v8 =	vadd.s32 v10, v8;
	v10 =	vld [tilespmem:s14+$0x606]  }
0xe7: {  	[tilespmem:s14+$0x202] =	vst v1;
	s12 =	simm.s32 $0x4828;
	v7 =	vadd.s32 v7, v8;
	v8 =	vld [tilespmem:s14+$0x707];
	s31 =	scvt.s32.f32 s15  }
0xe8: {  	[tilespmem:s14+$0x505] =	vst v1;
	v12 =	vld [tilespmem:s12+$0xFFFFF7F8]  }
0xe9: {  	[tilespmem:s14+$0x606] =	vst v1;
	v7 =	vadd.s32 v14, v7;
	v14 =	vld [tilespmem:s12+$0xFFFFF8F9];
	s11 =	ssub.f32 s13, s31  }
0xea: {  	[tilespmem:s14+$0x707] =	vst v1;
	v7 =	vadd.s32 v13, v7;
	v13 =	vld [tilespmem:s12+$0xFFFFF9FA]  }
0xeb: {  	v6 =	vld [tilespmem:s12+$0x404];
	[tilespmem:s12+$0x404] =	vst v1;
	p3 =	seq.f32 s11, $5.000000000e-01  }
0xec: {  	[tilespmem:s12+$0xFFFFF7F8] =	vst v1;
	v7 =	vadd.s32 v9, v7;
	s13 =	simm.s32 $0x1  }
0xed: {  	[tilespmem:s12+$0xFFFFF8F9] =	vst v1;
	v16 =	vld [tilespmem:s12+$0xFFFFFAFB];
	v7 =	vadd.s32 v10, v7;
	p4 =	sgt.f32 s11, $5.000000000e-01;
	s13 =	simm.s32 @!p3 $0x0  }
0xee: {  	[tilespmem:s12+$0xFFFFFAFB] =	vst v1;
	v17 =	vld [tilespmem:s12+$0xFFFFFBFC];
	v9 =	vadd.s32 v8, v7;
	v12 =	vadd.s32 v12, v14;
	s11 =	sand.u32 s15, s13;
	s13 =	simm.s32 $0x0  }
0xef: {  	[tilespmem:s12+$0xFFFFFBFC] =	vst v1;
	v18 =	vld [tilespmem:s12+$0xFFFFFCFD];
	(xrf0) =	vadd.scan.msk.s32 $0xffff, v9;
	v13 =	vadd.s32 v13, v12;
	s11 =	simm.s32 @p4 $0x1;
	v8 =	vmov s13  }
0xf0: {  	[tilespmem:s12+$0xFFFFFCFD] =	vst v1;
	v14 =	vld [tilespmem:s12+$0xFFFFFDFE];
	v10 =	vadd.s32 s13, v15;
	v15 =	vimm.s32 $0x7FFFFFFF;
	s11 =	sadd.s32 s15, s11;
	v8 =	vshll.u32 v8, $0xE  }
0xf1: {  	[tilespmem:s12+$0xFFFFF9FA] =	vst v1;
	v12 =	vld [tilespmem:s12+$0xFFFFFEFF];
	v11 =	vsub.s32 v10, v11;
	v7 =	vmov s11;
	v8 =	vor.u32 v4, v8  }
0xf2: {  	[tilespmem:s12+$0xFFFFFDFE] =	vst v1;
	vm0 =	vlt.s32 v10, v7;
	v8 =	vor.u32 v8, v11;
	v11 =	vadd.s32 v16, v13;
	v10 =	vld [tilespmem:s12+$0x0]  }
0xf3: {  	[tilespmem:s12+$0xFFFFFEFF] =	vst v1;
	v8 =	vsel vm0, $0x7FFFFFFF, v8;
	v13 =	vadd.s32 v17, v11;
	v11 =	vld [tilespmem:s12+$0x101]  }
0xf4: {  	s16 =	simm.s32 $0x30;
	s17 =	simm.s32 $0x4838;
	[tilespmem:s12+$0x101] =	vst v1;
	vm0 =	vlt.s32 v15, v8;
	v16 =	vadd.s32 v18, v13;
	v13 =	vld [tilespmem:s12+$0x202]  }
0xf5: {  	s14 =	simm.s32 $0x20;
	s15 =	simm.s32 $0x10;
	s18 =	spop (v2sf);
	[tilespmem:s12+$0x202] =	vst v1;
	v8 =	vsel vm0, v15, v8;
	v16 =	vadd.s32 v14, v16;
	v14 =	vld [tilespmem:s12+$0x303];
	v15, _, _ =	vpop (xrf0)  }
.LBB2_7:
0xf6: {  	p3 =	sne.s32 s16, $0xF0;
	s13 =	sadd.s32 s13, s18  }
0xf7: {  	v17 =	vld [tilespmem:s17+$0x404];
	v12 =	vadd.s32 v12, v16;
	[tilespmem:s12+$0x0] =	vst v1;
	v16 =	vmov s15;
	(v2sf) =	vpush v15, $0xF;
	s15 =	smov.u32 s14;
	s14 =	smov.u32 s16;
	s16 =	sadd.s32 $0x10, s16  }
0xf8: {  	[tilespmem:s17+$0x404] =	vst v1;
	v10 =	vadd.s32 v10, v12;
	v12 =	vld [tilespmem:s12+$0x505];
	v15 =	vadd.s32 s13, v15;
	v16 =	vshll.u32 v16, $0xE  }
0xf9: {  	v10 =	vadd.s32 v11, v10;
	[tilespmem:s12+$0x505] =	vst v1;
	v11 =	vld [tilespmem:s12+$0x606];
	v16 =	vor.u32 v4, v16;
	v9 =	vsub.s32 v15, v9  }
0xfa: {  	vm0 =	vlt.s32 v15, v7;
	v10 =	vadd.s32 v13, v10;
	[tilespmem:s12+$0x606] =	vst v1;
	v13 =	vld [tilespmem:s12+$0x707];
	v9 =	vor.u32 v16, v9  }
0xfb: {  	v15 =	vld [tilespmem:s17+$0xFFFFF7F8];
	v10 =	vadd.s32 v14, v10;
	[tilespmem:s12+$0x707] =	vst v1;
	v9 =	vsel vm0, $0x7FFFFFFF, v9  }
0xfc: {  	[tilespmem:s17+$0xFFFFF7F8] =	vst v1;
	v14 =	vld [tilespmem:s17+$0xFFFFF8F9];
	v10 =	vadd.s32 v6, v10;
	vm0 =	vlt.s32 v8, v9;
	v6 =	vmov v17  }
0xfd: {  	[tilespmem:s17+$0xFFFFF8F9] =	vst v1;
	v16 =	vld [tilespmem:s17+$0xFFFFF9FA];
	v10 =	vadd.s32 v12, v10;
	v8 =	vsel vm0, v8, v9  }
0xfe: {  	[tilespmem:s17+$0xFFFFF9FA] =	vst v1;
	v17 =	vld [tilespmem:s17+$0xFFFFFAFB];
	v9 =	vadd.s32 v11, v10  }
0xff: {  	[tilespmem:s17+$0xFFFFFAFB] =	vst v1;
	v11 =	vld [tilespmem:s17+$0xFFFFFBFC];
	v9 =	vadd.s32 v13, v9  }
0x100: {  	[tilespmem:s17+$0xFFFFFBFC] =	vst v1;
	v13 =	vld [tilespmem:s17+$0xFFFFFCFD];
	(xrf0) =	vadd.scan.msk.s32 $0xffff, v9  }
0x101: {  	v10 =	vadd.s32 v15, v14;
	[tilespmem:s17+$0xFFFFFCFD] =	vst v1;
	v14 =	vld [tilespmem:s17+$0xFFFFFDFE]  }
.Ltmp3:
0x102: {  	v10 =	vadd.s32 v16, v10;
	[tilespmem:s17+$0xFFFFFDFE] =	vst v1;
	v12 =	vld [tilespmem:s17+$0xFFFFFEFF];
	(pc) =	sbr.rel @p3 .LBB2_7-.Ltmp3, $4  }
0x103: {  	v15 =	vadd.s32 v17, v10;
	[tilespmem:s17+$0xFFFFFEFF] =	vst v1;
	v10 =	vld [tilespmem:s17+$0x0]  }
0x104: {  	v18 =	vadd.s32 v11, v15;
	v11 =	vld [tilespmem:s17+$0x101];
	[tilespmem:s12+$0x303] =	vst v1;
	s12 =	smov.u32 s17  }
0x105: {  	v17 =	vadd.s32 v13, v18;
	[tilespmem:s17+$0x101] =	vst v1;
	v13 =	vld [tilespmem:s17+$0x202]  }
0x106: {  	s17 =	sadd.s32 $0x10, s17;
	v16 =	vadd.s32 v14, v17;
	[tilespmem:s12+$0x202] =	vst v1;
	v14 =	vld [tilespmem:s12+$0x303];
	v15, _, _ =	vpop (xrf0);
	s18 =	spop (v2sf)  }
0x107: {  	(v2sf) =	vpush v15, $0xF  }
0x108: {  	v12 =	vadd.s32 v12, v16  }
0x109: {  	v52 =	vld [tilespmem:s12+$0x505];
	v10 =	vadd.s32 v10, v12  }
0x10a: {  	v10 =	vadd.s32 v11, v10;
	v11 =	vld [tilespmem:s12+$0x606]  }
0x10b: {  	v53 =	vld [tilespmem:s12+$0x707];
	v10 =	vadd.s32 v13, v10  }
0x10c: {  	v10 =	vadd.s32 v14, v10  }
0x10d: {  	v6 =	vadd.s32 v6, v10  }
0x10e: {  	v6 =	vadd.s32 v52, v6  }
0x10f: {  	v6 =	vadd.s32 v11, v6  }
0x110: {  	v6 =	vadd.s32 v53, v6  }
0x111: {  	(xrf0) =	vadd.scan.msk.s32 $0xffff, v6;
	_ =	sdelay $0x1  }
0x112: {  	s13 =	sadd.s32 s13, s18  }
0x113: {  	v11 =	vadd.s32 s13, v15  }
0x114: {  	v10 =	vmov s15  }
0x115: {  	v54 =	vmov s14;
	v10 =	vshll.u32 v10, $0xE;
	s28 =	spop (v2sf)  }
0x116: {  	v10 =	vor.u32 v4, v10;
	v9 =	vsub.s32 v11, v9;
	vm0 =	vlt.s32 v11, v7;
	v11, _, _ =	vpop (xrf0);
	s13 =	sadd.s32 s13, s28  }
0x117: {  	v12 =	vshll.u32 v54, $0xE;
	v9 =	vor.u32 v10, v9;
	v10 =	vadd.s32 s13, v11  }
0x118: {  	v12 =	vor.u32 v4, v12;
	v9 =	vsel vm0, $0x7FFFFFFF, v9;
	v6 =	vsub.s32 v10, v6  }
0x119: {  	vm0 =	vlt.s32 v8, v9;
	vm1 =	vlt.s32 v10, v7;
	v6 =	vor.u32 v12, v6  }
0x11a: {  	v7 =	vsel vm0, v8, v9;
	v6 =	vsel vm1, $0x7FFFFFFF, v6  }
0x11b: {  	vm0 =	vlt.s32 v7, v6  }
0x11c: {  	v6 =	vsel vm0, v7, v6  }
0x11d: {  	v6 =	vxor.u32 $0x80000000, v6  }
0x11e: {  	(xrf0) =	vmin.scan.msk.u32 $0xffff, v6;
	_ =	sdelay $0x5  }
0x11f: {  	(v2sf) =	vpush v11, $0xF;
	v6, _, _ =	vpop (xrf0)  }
0x120: {  	(v2sf) =	vpush v6, $0xF;
	_ =	sdelay $0x3  }
0x121: {  	[tilespmem:s12+$0x0] =	vst v1  }
0x122: {  	[tilespmem:s12+$0x505] =	vst v1  }
0x123: {  	[tilespmem:s12+$0x707] =	vst v1  }
0x124: {  	[tilespmem:s12+$0x303] =	vst v1  }
0x125: {  	s29 =	simm.s32 $0x0;
	[tilespmem:s12+$0x606] =	vst v1  }
0x126: {  	v56 =	vld [tilespmem:s29+$0x2050]  }
0x127: {  	v58 =	vld [tilespmem:s29+$0x2060]  }
0x128: {  	v7 =	vld [tilespmem:s29+$0x2000]  }
0x129: {  	v9 =	vld [tilespmem:s29+$0x2020];
	_ =	sdelay $0x1  }
0x12a: {  	v8 =	vld [tilespmem:s29+$0x2010];
	s30 =	spop (v2sf)  }
0x12b: {  	s12 =	spop (v2sf)  }
0x12c: {  	v61 =	vshrl.u32 v56, $0x18;
	v13 =	vshrl.u32 v56, $0x10;
	v11 =	vshrl.u32 v7, $0x10;
	s31 =	sshra.s32 s12, $0xE  }
0x12d: {  	v62 =	vshrl.u32 v58, $0x18;
	v10 =	vld [tilespmem:s29+$0x2030];
	v57 =	vshrl.u32 v9, $0x18;
	v11 =	vand.u32 $0xFF, v11;
	s13 =	sxor.u32 $0xFFFE0000, s31  }
0x12e: {  	v55 =	vld [tilespmem:s29+$0x2040];
	v7 =	vshrl.u32 v7, $0x18;
	v11 =	vadd.s32 v2, v11;
	v6 =	vmov s13  }
0x12f: {  	vm2 =	veq.s32 v7, v6;
	v7 =	vshrl.u32 v8, $0x10;
	v8 =	vshrl.u32 v8, $0x18  }
0x130: {  	v7 =	vand.u32 $0xFF, v7;
	vm3 =	veq.s32 v8, v6;
	v8 =	vshrl.u32 v9, $0x10  }
0x131: {  	vm4 =	veq.s32 v57, v6;
	v9 =	vadd.s32 v2, v7;
	v7 =	vand.u32 $0xFF, v8  }
0x132: {  	v8 =	vshrl.u32 v10, $0x18;
	v59 =	vadd.s32 v2, v7;
	v7 =	vshrl.u32 v10, $0x10;
	v10 =	vld [tilespmem:s29+$0x2070]  }
0x133: {  	vm5 =	veq.s32 v8, v6;
	v8 =	vshrl.u32 v55, $0x10;
	v7 =	vand.u32 $0xFF, v7  }
0x134: {  	v8 =	vand.u32 $0xFF, v8;
	v60 =	vadd.s32 v2, v7;
	v7 =	vshrl.u32 v55, $0x18  }
0x135: {  	vm1 =	veq.s32 v61, v6;
	vm0 =	veq.s32 v7, v6;
	v7 =	vadd.s32 v2, v8  }
0x136: {  	v8 =	vand.u32 $0xFF, v13;
	[tilespmem:v11+s9+$0x0] =	vst.idx.add.s32.msk vm2, v3;
	v11 =	vshrl.u32 v58, $0x10;
	vm2 =	veq.s32 v62, v6  }
0x137: {  	v8 =	vadd.s32 v2, v8;
	[tilespmem:v9+s9+$0x0] =	vst.idx.add.s32.msk vm3, v3;
	v9 =	vand.u32 $0xFF, v11;
	v11 =	vshrl.u32 v10, $0x10  }
0x138: {  	[tilespmem:v59+s9+$0x0] =	vst.idx.add.s32.msk vm4, v3;
	v9 =	vadd.s32 v2, v9;
	v63 =	vshrl.u32 v10, $0x18;
	v11 =	vand.u32 $0xFF, v11  }
0x139: {  	s14 =	simm.s32 $0x200;
	vm3 =	veq.s32 v63, v6;
	[tilespmem:v60+s9+$0x0] =	vst.idx.add.s32.msk vm5, v3;
	v10 =	vadd.s32 v2, v11  }
.LBB2_9:
0x13a: {  	p3 =	sne.s32 s14, $0x7E00;
	s15 =	smov.u32 s14;
	s14 =	sadd.s32 $0x200, s14  }
0x13b: {  	[tilespmem:v7+s9+$0x0] =	vst.idx.add.s32.msk vm0, v3  }
0x13c: {  	[tilespmem:v8+s9+$0x0] =	vst.idx.add.s32.msk vm1, v3  }
0x13d: {  	[tilespmem:v9+s9+$0x0] =	vst.idx.add.s32.msk vm2, v3;
	_ =	sdelay $0x1  }
0x13e: {  	s15 =	sshra.s32 s15, $0x2;
	[tilespmem:v10+s9+$0x0] =	vst.idx.add.s32.msk vm3, v3  }
0x13f: {  	v7 =	vld [tilespmem:s15+$0x2000]  }
0x140: {  	v8 =	vld [tilespmem:s15+$0x2010]  }
0x141: {  	v9 =	vld [tilespmem:s15+$0x2020];
	_ =	sdelay $0x1  }
0x142: {  	v10 =	vld [tilespmem:s15+$0x2030]  }
0x143: {  	v11 =	vshrl.u32 v7, $0x10;
	v7 =	vshrl.u32 v7, $0x18  }
0x144: {  	v12 =	vld [tilespmem:s15+$0x2040];
	v11 =	vand.u32 $0xFF, v11;
	vm1 =	veq.s32 v7, v6;
	v7 =	vshrl.u32 v8, $0x10  }
0x145: {  	v8 =	vshrl.u32 v8, $0x18;
	v13 =	vld [tilespmem:s15+$0x2050];
	v11 =	vadd.s32 v2, v11;
	v14 =	vshrl.u32 v9, $0x18  }
0x146: {  	v7 =	vand.u32 $0xFF, v7;
	vm2 =	veq.s32 v8, v6;
	v8 =	vshrl.u32 v9, $0x10  }
0x147: {  	v15 =	vadd.s32 v2, v7;
	v7 =	vand.u32 $0xFF, v8;
	vm3 =	veq.s32 v14, v6;
	v9 =	vld [tilespmem:s15+$0x2060]  }
0x148: {  	v14 =	vadd.s32 v2, v7;
	v7 =	vshrl.u32 v10, $0x10;
	v8 =	vshrl.u32 v10, $0x18  }
0x149: {  	v7 =	vand.u32 $0xFF, v7;
	vm4 =	veq.s32 v8, v6;
	v10 =	vld [tilespmem:s15+$0x2070];
	v8 =	vshrl.u32 v12, $0x10  }
0x14a: {  	v16 =	vadd.s32 v2, v7;
	v7 =	vshrl.u32 v12, $0x18;
	v12 =	vshrl.u32 v13, $0x18  }
0x14b: {  	v8 =	vand.u32 $0xFF, v8;
	vm0 =	veq.s32 v7, v6;
	v13 =	vshrl.u32 v13, $0x10;
	[tilespmem:v11+s9+$0x0] =	vst.idx.add.s32.msk vm1, v3  }
.Ltmp4:
0x14c: {  	v7 =	vadd.s32 v2, v8;
	v8 =	vand.u32 $0xFF, v13;
	vm1 =	veq.s32 v12, v6;
	[tilespmem:v15+s9+$0x0] =	vst.idx.add.s32.msk vm2, v3;
	(pc) =	sbr.rel @p3 .LBB2_9-.Ltmp4, $4  }
0x14d: {  	v8 =	vadd.s32 v2, v8;
	v11 =	vshrl.u32 v9, $0x10;
	v9 =	vshrl.u32 v9, $0x18;
	[tilespmem:v14+s9+$0x0] =	vst.idx.add.s32.msk vm3, v3  }
0x14e: {  	v11 =	vand.u32 $0xFF, v11;
	vm2 =	veq.s32 v9, v6;
	v12 =	vshrl.u32 v10, $0x10  }
0x14f: {  	v9 =	vadd.s32 v2, v11;
	v11 =	vand.u32 $0xFF, v12;
	v12 =	vshrl.u32 v10, $0x18;
	[tilespmem:v16+s9+$0x0] =	vst.idx.add.s32.msk vm4, v3  }
0x150: {  	v10 =	vadd.s32 v2, v11;
	vm3 =	veq.s32 v12, v6  }
0x151: {  	_ =	sdelay $0x4  }
0x152: {  	[tilespmem:v7+s9+$0x0] =	vst.idx.add.s32.msk vm0, v3  }
0x153: {  	[tilespmem:v8+s9+$0x0] =	vst.idx.add.s32.msk vm1, v3  }
0x154: {  	[tilespmem:v9+s9+$0x0] =	vst.idx.add.s32.msk vm2, v3  }
0x155: {  	s14 =	simm.s32 $0x4808;
	[tilespmem:v10+s9+$0x0] =	vst.idx.add.s32.msk vm3, v3  }
0x156: {  	v6 =	vld [tilespmem:s14+$0x404]  }
0x157: {  	v7 =	vld [tilespmem:s14+$0xFFFFF7F8]  }
0x158: {  	v8 =	vld [tilespmem:s14+$0xFFFFF8F9]  }
0x159: {  	v9 =	vld [tilespmem:s14+$0xFFFFF9FA]  }
0x15a: {  	[tilespmem:s14+$0x404] =	vst v1;
	v10 =	vld [tilespmem:s14+$0xFFFFFAFB]  }
0x15b: {  	[tilespmem:s14+$0xFFFFF7F8] =	vst v1;
	v11 =	vld [tilespmem:s14+$0xFFFFFBFC]  }
0x15c: {  	s16 =	simm.s32 $0x4818;
	[tilespmem:s14+$0xFFFFF8F9] =	vst v1;
	v12 =	vld [tilespmem:s14+$0xFFFFFCFD]  }
0x15d: {  	[tilespmem:s14+$0xFFFFF9FA] =	vst v1;
	v13 =	vld [tilespmem:s16+$0x404]  }
0x15e: {  	[tilespmem:s14+$0xFFFFFAFB] =	vst v1;
	v7 =	vadd.s32 v7, v8;
	v8 =	vld [tilespmem:s14+$0xFFFFFDFE]  }
0x15f: {  	[tilespmem:s14+$0xFFFFFBFC] =	vst v1;
	v7 =	vadd.s32 v9, v7;
	v9 =	vld [tilespmem:s14+$0xFFFFFEFF]  }
0x160: {  	[tilespmem:s14+$0xFFFFFCFD] =	vst v1;
	v7 =	vadd.s32 v10, v7;
	v10 =	vld [tilespmem:s14+$0x0]  }
0x161: {  	[tilespmem:s16+$0x404] =	vst v1;
	v7 =	vadd.s32 v11, v7;
	v11 =	vld [tilespmem:s14+$0x101]  }
0x162: {  	[tilespmem:s14+$0xFFFFFDFE] =	vst v1;
	v7 =	vadd.s32 v12, v7;
	v12 =	vld [tilespmem:s14+$0x202]  }
0x163: {  	[tilespmem:s14+$0xFFFFFEFF] =	vst v1;
	v7 =	vadd.s32 v8, v7;
	v8 =	vld [tilespmem:s14+$0x303]  }
0x164: {  	[tilespmem:s14+$0x303] =	vst v1;
	v7 =	vadd.s32 v9, v7;
	v9 =	vld [tilespmem:s14+$0x505]  }
0x165: {  	[tilespmem:s14+$0x0] =	vst v1;
	v14 =	vld [tilespmem:s16+$0x303]  }
0x166: {  	[tilespmem:s14+$0x101] =	vst v1;
	v7 =	vadd.s32 v10, v7;
	v10 =	vld [tilespmem:s14+$0x606]  }
0x167: {  	[tilespmem:s14+$0x202] =	vst v1;
	v7 =	vadd.s32 v11, v7;
	v11 =	vld [tilespmem:s14+$0x707]  }
0x168: {  	[tilespmem:s14+$0x505] =	vst v1;
	v7 =	vadd.s32 v12, v7;
	v12 =	vld [tilespmem:s16+$0xFFFFF7F8]  }
0x169: {  	[tilespmem:s16+$0x303] =	vst v1;
	v7 =	vadd.s32 v8, v7;
	v8 =	vld [tilespmem:s16+$0xFFFFF8F9]  }
0x16a: {  	[tilespmem:s14+$0x606] =	vst v1;
	v6 =	vadd.s32 v6, v7;
	v7 =	vld [tilespmem:s16+$0xFFFFF9FA]  }
0x16b: {  	[tilespmem:s14+$0x707] =	vst v1;
	v6 =	vadd.s32 v9, v6;
	v9 =	vld [tilespmem:s16+$0xFFFFFAFB]  }
0x16c: {  	s14 =	simm.s32 $0x4828;
	[tilespmem:s16+$0xFFFFFAFB] =	vst v1;
	v6 =	vadd.s32 v10, v6;
	v10 =	vld [tilespmem:s16+$0xFFFFFBFC]  }
0x16d: {  	[tilespmem:s16+$0xFFFFF7F8] =	vst v1;
	v16 =	vld [tilespmem:s14+$0xFFFFFAFB]  }
0x16e: {  	[tilespmem:s16+$0xFFFFFBFC] =	vst v1;
	v11 =	vadd.s32 v11, v6;
	v6 =	vld [tilespmem:s16+$0xFFFFFCFD]  }
0x16f: {  	[tilespmem:s16+$0xFFFFF8F9] =	vst v1;
	v17 =	vld [tilespmem:s14+$0xFFFFFBFC];
	(xrf0) =	vadd.scan.msk.s32 $0xffff, v11  }
0x170: {  	[tilespmem:s16+$0xFFFFF9FA] =	vst v1;
	v8 =	vadd.s32 v12, v8;
	v12 =	vld [tilespmem:s16+$0xFFFFFDFE]  }
0x171: {  	[tilespmem:s14+$0xFFFFFAFB] =	vst v1;
	v7 =	vadd.s32 v7, v8;
	v8 =	vld [tilespmem:s16+$0xFFFFFEFF]  }
0x172: {  	[tilespmem:s16+$0xFFFFFCFD] =	vst v1;
	v7 =	vadd.s32 v9, v7;
	v9 =	vld [tilespmem:s16+$0x0]  }
0x173: {  	[tilespmem:s14+$0xFFFFFBFC] =	vst v1;
	v7 =	vadd.s32 v10, v7;
	v10 =	vld [tilespmem:s16+$0x101]  }
0x174: {  	[tilespmem:s16+$0xFFFFFDFE] =	vst v1;
	v6 =	vadd.s32 v6, v7;
	v7 =	vld [tilespmem:s16+$0x202]  }
0x175: {  	v18 =	vld [tilespmem:s14+$0xFFFFFCFD];
	[tilespmem:s14+$0xFFFFFCFD] =	vst v1;
	v12 =	vadd.s32 v12, v6;
	v15, _, _ =	vpop (xrf0)  }
0x176: {  	[tilespmem:s16+$0xFFFFFEFF] =	vst v1;
	v6 =	vld [tilespmem:s14+$0x404];
	v8 =	vadd.s32 v8, v12;
	(v2sf) =	vpush v15, $0xF  }
0x177: {  	[tilespmem:s16+$0x0] =	vst v1;
	v8 =	vadd.s32 v9, v8;
	v9 =	vld [tilespmem:s16+$0x505]  }
0x178: {  	[tilespmem:s16+$0x101] =	vst v1;
	v8 =	vadd.s32 v10, v8;
	v10 =	vld [tilespmem:s16+$0x606]  }
0x179: {  	[tilespmem:s16+$0x202] =	vst v1;
	v7 =	vadd.s32 v7, v8;
	v8 =	vld [tilespmem:s16+$0x707]  }
0x17a: {  	[tilespmem:s14+$0x404] =	vst v1;
	v12 =	vld [tilespmem:s14+$0xFFFFF7F8];
	v7 =	vadd.s32 v14, v7  }
0x17b: {  	[tilespmem:s14+$0xFFFFF7F8] =	vst v1;
	v14 =	vld [tilespmem:s14+$0xFFFFF8F9];
	v7 =	vadd.s32 v13, v7  }
0x17c: {  	[tilespmem:s16+$0x505] =	vst v1;
	v13 =	vld [tilespmem:s14+$0xFFFFF9FA];
	v7 =	vadd.s32 v9, v7  }
0x17d: {  	s12 =	sand.u32 $0x3FFF, s12;
	[tilespmem:s16+$0x606] =	vst v1;
	v7 =	vadd.s32 v10, v7  }
0x17e: {  	s15 =	simm.s32 $0x0;
	s17 =	ssub.s32 s11, s12;
	[tilespmem:s16+$0x707] =	vst v1;
	v9 =	vadd.s32 v8, v7  }
0x17f: {  	v10 =	vadd.s32 s15, v15;
	v7 =	vmov s17;
	v8 =	vmov s15;
	(xrf0) =	vadd.scan.msk.s32 $0xffff, v9  }
0x180: {  	[tilespmem:s14+$0xFFFFF8F9] =	vst v1;
	v11 =	vsub.s32 v10, v11;
	v8 =	vshll.u32 v8, $0xE;
	v12 =	vadd.s32 v12, v14;
	v14 =	vld [tilespmem:s14+$0xFFFFFDFE]  }
0x181: {  	[tilespmem:s14+$0xFFFFF9FA] =	vst v1;
	vm15 =	vlt.s32 v10, v7;
	v10 =	vld [tilespmem:s14+$0x0];
	v8 =	vor.u32 v4, v8;
	v13 =	vadd.s32 v13, v12  }
0x182: {  	v15 =	vimm.s32 $0x7FFFFFFF;
	[tilespmem:s14+$0xFFFFFDFE] =	vst v1;
	v12 =	vld [tilespmem:s14+$0xFFFFFEFF];
	v8 =	vor.u32 v8, v11;
	v11 =	vadd.s32 v16, v13  }
0x183: {  	[tilespmem:s14+$0xFFFFFEFF] =	vst v1;
	v8 =	vsel vm15, $0x7FFFFFFF, v8;
	v13 =	vadd.s32 v17, v11;
	v11 =	vld [tilespmem:s14+$0x101]  }
0x184: {  	s18 =	simm.s32 $0x30;
	s19 =	simm.s32 $0x4838;
	[tilespmem:s14+$0x101] =	vst v1;
	vm0 =	vlt.s32 v15, v8;
	v16 =	vadd.s32 v18, v13;
	v13 =	vld [tilespmem:s14+$0x202]  }
0x185: {  	s16 =	simm.s32 $0x20;
	s17 =	simm.s32 $0x10;
	[tilespmem:s14+$0x202] =	vst v1;
	v8 =	vsel vm0, v15, v8;
	v16 =	vadd.s32 v14, v16;
	v14 =	vld [tilespmem:s14+$0x303];
	v15, _, _ =	vpop (xrf0);
	s20 =	spop (v2sf)  }
.LBB2_11:
0x186: {  	p3 =	sne.s32 s18, $0xF0;
	s15 =	sadd.s32 s15, s20  }
0x187: {  	v17 =	vld [tilespmem:s19+$0x404];
	v12 =	vadd.s32 v12, v16;
	[tilespmem:s14+$0x0] =	vst v1;
	v16 =	vmov s17;
	(v2sf) =	vpush v15, $0xF;
	s17 =	smov.u32 s16;
	s16 =	smov.u32 s18;
	s18 =	sadd.s32 $0x10, s18  }
0x188: {  	[tilespmem:s19+$0x404] =	vst v1;
	v10 =	vadd.s32 v10, v12;
	v12 =	vld [tilespmem:s14+$0x505];
	v15 =	vadd.s32 s15, v15;
	v16 =	vshll.u32 v16, $0xE  }
0x189: {  	v10 =	vadd.s32 v11, v10;
	[tilespmem:s14+$0x505] =	vst v1;
	v11 =	vld [tilespmem:s14+$0x606];
	v16 =	vor.u32 v4, v16;
	v9 =	vsub.s32 v15, v9  }
0x18a: {  	vm0 =	vlt.s32 v15, v7;
	v10 =	vadd.s32 v13, v10;
	[tilespmem:s14+$0x606] =	vst v1;
	v13 =	vld [tilespmem:s14+$0x707];
	v9 =	vor.u32 v16, v9  }
0x18b: {  	v15 =	vld [tilespmem:s19+$0xFFFFF7F8];
	v10 =	vadd.s32 v14, v10;
	[tilespmem:s14+$0x707] =	vst v1;
	v9 =	vsel vm0, $0x7FFFFFFF, v9  }
0x18c: {  	[tilespmem:s19+$0xFFFFF7F8] =	vst v1;
	v14 =	vld [tilespmem:s19+$0xFFFFF8F9];
	v10 =	vadd.s32 v6, v10;
	vm0 =	vlt.s32 v8, v9;
	v6 =	vmov v17  }
0x18d: {  	[tilespmem:s19+$0xFFFFF8F9] =	vst v1;
	v16 =	vld [tilespmem:s19+$0xFFFFF9FA];
	v10 =	vadd.s32 v12, v10;
	v8 =	vsel vm0, v8, v9  }
0x18e: {  	[tilespmem:s19+$0xFFFFF9FA] =	vst v1;
	v17 =	vld [tilespmem:s19+$0xFFFFFAFB];
	v9 =	vadd.s32 v11, v10  }
0x18f: {  	[tilespmem:s19+$0xFFFFFAFB] =	vst v1;
	v11 =	vld [tilespmem:s19+$0xFFFFFBFC];
	v9 =	vadd.s32 v13, v9  }
0x190: {  	[tilespmem:s19+$0xFFFFFBFC] =	vst v1;
	v13 =	vld [tilespmem:s19+$0xFFFFFCFD];
	(xrf0) =	vadd.scan.msk.s32 $0xffff, v9  }
0x191: {  	v10 =	vadd.s32 v15, v14;
	[tilespmem:s19+$0xFFFFFCFD] =	vst v1;
	v14 =	vld [tilespmem:s19+$0xFFFFFDFE]  }
.Ltmp5:
0x192: {  	v10 =	vadd.s32 v16, v10;
	[tilespmem:s19+$0xFFFFFDFE] =	vst v1;
	v12 =	vld [tilespmem:s19+$0xFFFFFEFF];
	(pc) =	sbr.rel @p3 .LBB2_11-.Ltmp5, $4  }
0x193: {  	v15 =	vadd.s32 v17, v10;
	[tilespmem:s19+$0xFFFFFEFF] =	vst v1;
	v10 =	vld [tilespmem:s19+$0x0]  }
0x194: {  	v18 =	vadd.s32 v11, v15;
	v11 =	vld [tilespmem:s19+$0x101];
	[tilespmem:s14+$0x303] =	vst v1;
	s14 =	smov.u32 s19  }
0x195: {  	v17 =	vadd.s32 v13, v18;
	[tilespmem:s19+$0x101] =	vst v1;
	v13 =	vld [tilespmem:s19+$0x202]  }
0x196: {  	s19 =	sadd.s32 $0x10, s19;
	v16 =	vadd.s32 v14, v17;
	[tilespmem:s14+$0x202] =	vst v1;
	v14 =	vld [tilespmem:s14+$0x303];
	v15, _, _ =	vpop (xrf0);
	s20 =	spop (v2sf)  }
0x197: {  	(v2sf) =	vpush v15, $0xF  }
0x198: {  	v12 =	vadd.s32 v12, v16  }
0x199: {  	v52 =	vld [tilespmem:s14+$0x505];
	v10 =	vadd.s32 v10, v12  }
0x19a: {  	v10 =	vadd.s32 v11, v10;
	v11 =	vld [tilespmem:s14+$0x606]  }
0x19b: {  	v53 =	vld [tilespmem:s14+$0x707];
	v10 =	vadd.s32 v13, v10  }
0x19c: {  	v10 =	vadd.s32 v14, v10  }
0x19d: {  	v6 =	vadd.s32 v6, v10  }
0x19e: {  	v6 =	vadd.s32 v52, v6  }
0x19f: {  	v6 =	vadd.s32 v11, v6  }
0x1a0: {  	v6 =	vadd.s32 v53, v6  }
0x1a1: {  	(xrf0) =	vadd.scan.msk.s32 $0xffff, v6;
	_ =	sdelay $0x1  }
0x1a2: {  	s15 =	sadd.s32 s15, s20  }
0x1a3: {  	v11 =	vadd.s32 s15, v15  }
0x1a4: {  	v10 =	vmov s17  }
0x1a5: {  	v54 =	vmov s16;
	v10 =	vshll.u32 v10, $0xE;
	s28 =	spop (v2sf)  }
0x1a6: {  	v10 =	vor.u32 v4, v10;
	v9 =	vsub.s32 v11, v9;
	vm0 =	vlt.s32 v11, v7;
	v11, _, _ =	vpop (xrf0);
	s15 =	sadd.s32 s15, s28  }
0x1a7: {  	v12 =	vshll.u32 v54, $0xE;
	v9 =	vor.u32 v10, v9;
	v10 =	vadd.s32 s15, v11  }
0x1a8: {  	v12 =	vor.u32 v4, v12;
	v9 =	vsel vm0, $0x7FFFFFFF, v9;
	v6 =	vsub.s32 v10, v6  }
0x1a9: {  	vm0 =	vlt.s32 v8, v9;
	vm1 =	vlt.s32 v10, v7;
	v6 =	vor.u32 v12, v6  }
0x1aa: {  	v7 =	vsel vm0, v8, v9;
	v6 =	vsel vm1, $0x7FFFFFFF, v6  }
0x1ab: {  	vm0 =	vlt.s32 v7, v6  }
0x1ac: {  	v6 =	vsel vm0, v7, v6  }
0x1ad: {  	v6 =	vxor.u32 $0x80000000, v6  }
0x1ae: {  	(xrf0) =	vmin.scan.msk.u32 $0xffff, v6;
	_ =	sdelay $0x5  }
0x1af: {  	(v2sf) =	vpush v11, $0xF;
	v6, _, _ =	vpop (xrf0)  }
0x1b0: {  	(v2sf) =	vpush v6, $0xF;
	_ =	sdelay $0x4  }
0x1b1: {  	[tilespmem:s14+$0x0] =	vst v1  }
0x1b2: {  	[tilespmem:s14+$0x505] =	vst v1  }
0x1b3: {  	[tilespmem:s14+$0x707] =	vst v1  }
0x1b4: {  	[tilespmem:s14+$0x303] =	vst v1  }
0x1b5: {  	s29 =	simm.s32 $0x0;
	[tilespmem:s14+$0x606] =	vst v1  }
0x1b6: {  	v56 =	vld [tilespmem:s29+$0x2050]  }
0x1b7: {  	v58 =	vld [tilespmem:s29+$0x2060]  }
0x1b8: {  	v7 =	vld [tilespmem:s29+$0x2000]  }
0x1b9: {  	v9 =	vld [tilespmem:s29+$0x2020]  }
0x1ba: {  	s30 =	spop (v2sf)  }
0x1bb: {  	v8 =	vld [tilespmem:s29+$0x2010];
	s14 =	spop (v2sf)  }
0x1bc: {  	s31 =	sshra.s32 s14, $0xE  }
0x1bd: {  	s13 =	sshll.u32 s13, $0x8;
	v61 =	vshrl.u32 v56, $0x10;
	v13 =	vshrl.u32 v56, $0x8;
	v11 =	vshrl.u32 v7, $0x8;
	s16 =	sxor.u32 $0xFFFE0000, s31  }
0x1be: {  	v62 =	vshrl.u32 v58, $0x10;
	v10 =	vld [tilespmem:s29+$0x2030];
	v57 =	vshrl.u32 v9, $0x10;
	v11 =	vand.u32 $0xFF, v11;
	s13 =	sor.u32 s13, s16  }
0x1bf: {  	v55 =	vld [tilespmem:s29+$0x2040];
	v7 =	vshrl.u32 v7, $0x10;
	v11 =	vadd.s32 v2, v11;
	v6 =	vmov s13  }
0x1c0: {  	vm2 =	veq.s32 v7, v6;
	v7 =	vshrl.u32 v8, $0x8;
	v8 =	vshrl.u32 v8, $0x10  }
0x1c1: {  	v7 =	vand.u32 $0xFF, v7;
	vm3 =	veq.s32 v8, v6;
	v8 =	vshrl.u32 v9, $0x8  }
0x1c2: {  	vm4 =	veq.s32 v57, v6;
	v9 =	vadd.s32 v2, v7;
	v7 =	vand.u32 $0xFF, v8  }
0x1c3: {  	v8 =	vshrl.u32 v10, $0x10;
	v59 =	vadd.s32 v2, v7;
	v7 =	vshrl.u32 v10, $0x8;
	v10 =	vld [tilespmem:s29+$0x2070]  }
0x1c4: {  	vm5 =	veq.s32 v8, v6;
	v8 =	vshrl.u32 v55, $0x8;
	v7 =	vand.u32 $0xFF, v7  }
0x1c5: {  	v8 =	vand.u32 $0xFF, v8;
	v60 =	vadd.s32 v2, v7;
	v7 =	vshrl.u32 v55, $0x10  }
0x1c6: {  	vm1 =	veq.s32 v61, v6;
	vm0 =	veq.s32 v7, v6;
	v7 =	vadd.s32 v2, v8  }
0x1c7: {  	v8 =	vand.u32 $0xFF, v13;
	[tilespmem:v11+s9+$0x0] =	vst.idx.add.s32.msk vm2, v3;
	v11 =	vshrl.u32 v58, $0x8;
	vm2 =	veq.s32 v62, v6  }
0x1c8: {  	v8 =	vadd.s32 v2, v8;
	[tilespmem:v9+s9+$0x0] =	vst.idx.add.s32.msk vm3, v3;
	v9 =	vand.u32 $0xFF, v11;
	v11 =	vshrl.u32 v10, $0x8  }
0x1c9: {  	[tilespmem:v59+s9+$0x0] =	vst.idx.add.s32.msk vm4, v3;
	v9 =	vadd.s32 v2, v9;
	v63 =	vshrl.u32 v10, $0x10;
	v11 =	vand.u32 $0xFF, v11  }
0x1ca: {  	s15 =	simm.s32 $0x200;
	vm3 =	veq.s32 v63, v6;
	[tilespmem:v60+s9+$0x0] =	vst.idx.add.s32.msk vm5, v3;
	v10 =	vadd.s32 v2, v11  }
.LBB2_13:
0x1cb: {  	p3 =	sne.s32 s15, $0x7E00;
	s16 =	smov.u32 s15;
	s15 =	sadd.s32 $0x200, s15  }
0x1cc: {  	[tilespmem:v7+s9+$0x0] =	vst.idx.add.s32.msk vm0, v3  }
0x1cd: {  	[tilespmem:v8+s9+$0x0] =	vst.idx.add.s32.msk vm1, v3  }
0x1ce: {  	[tilespmem:v9+s9+$0x0] =	vst.idx.add.s32.msk vm2, v3;
	_ =	sdelay $0x1  }
0x1cf: {  	s16 =	sshra.s32 s16, $0x2;
	[tilespmem:v10+s9+$0x0] =	vst.idx.add.s32.msk vm3, v3  }
0x1d0: {  	v7 =	vld [tilespmem:s16+$0x2000]  }
0x1d1: {  	v8 =	vld [tilespmem:s16+$0x2010]  }
0x1d2: {  	v9 =	vld [tilespmem:s16+$0x2020];
	_ =	sdelay $0x1  }
0x1d3: {  	v10 =	vld [tilespmem:s16+$0x2030]  }
0x1d4: {  	v11 =	vshrl.u32 v7, $0x8;
	v7 =	vshrl.u32 v7, $0x10  }
0x1d5: {  	v12 =	vld [tilespmem:s16+$0x2040];
	v11 =	vand.u32 $0xFF, v11;
	vm1 =	veq.s32 v7, v6;
	v7 =	vshrl.u32 v8, $0x8  }
0x1d6: {  	v8 =	vshrl.u32 v8, $0x10;
	v13 =	vld [tilespmem:s16+$0x2050];
	v11 =	vadd.s32 v2, v11;
	v14 =	vshrl.u32 v9, $0x10  }
0x1d7: {  	v7 =	vand.u32 $0xFF, v7;
	vm2 =	veq.s32 v8, v6;
	v8 =	vshrl.u32 v9, $0x8  }
0x1d8: {  	v15 =	vadd.s32 v2, v7;
	v7 =	vand.u32 $0xFF, v8;
	vm3 =	veq.s32 v14, v6;
	v9 =	vld [tilespmem:s16+$0x2060]  }
0x1d9: {  	v14 =	vadd.s32 v2, v7;
	v7 =	vshrl.u32 v10, $0x8;
	v8 =	vshrl.u32 v10, $0x10  }
0x1da: {  	v7 =	vand.u32 $0xFF, v7;
	vm4 =	veq.s32 v8, v6;
	v10 =	vld [tilespmem:s16+$0x2070];
	v8 =	vshrl.u32 v12, $0x8  }
0x1db: {  	v16 =	vadd.s32 v2, v7;
	v7 =	vshrl.u32 v12, $0x10;
	v12 =	vshrl.u32 v13, $0x10  }
0x1dc: {  	v8 =	vand.u32 $0xFF, v8;
	vm0 =	veq.s32 v7, v6;
	v13 =	vshrl.u32 v13, $0x8;
	[tilespmem:v11+s9+$0x0] =	vst.idx.add.s32.msk vm1, v3  }
.Ltmp6:
0x1dd: {  	v7 =	vadd.s32 v2, v8;
	v8 =	vand.u32 $0xFF, v13;
	vm1 =	veq.s32 v12, v6;
	[tilespmem:v15+s9+$0x0] =	vst.idx.add.s32.msk vm2, v3;
	(pc) =	sbr.rel @p3 .LBB2_13-.Ltmp6, $4  }
0x1de: {  	v8 =	vadd.s32 v2, v8;
	v11 =	vshrl.u32 v9, $0x8;
	v9 =	vshrl.u32 v9, $0x10;
	[tilespmem:v14+s9+$0x0] =	vst.idx.add.s32.msk vm3, v3  }
0x1df: {  	v11 =	vand.u32 $0xFF, v11;
	vm2 =	veq.s32 v9, v6;
	v12 =	vshrl.u32 v10, $0x8  }
0x1e0: {  	v9 =	vadd.s32 v2, v11;
	v11 =	vand.u32 $0xFF, v12;
	v12 =	vshrl.u32 v10, $0x10;
	[tilespmem:v16+s9+$0x0] =	vst.idx.add.s32.msk vm4, v3  }
0x1e1: {  	v10 =	vadd.s32 v2, v11;
	vm3 =	veq.s32 v12, v6  }
0x1e2: {  	_ =	sdelay $0x4  }
0x1e3: {  	[tilespmem:v7+s9+$0x0] =	vst.idx.add.s32.msk vm0, v3  }
0x1e4: {  	[tilespmem:v8+s9+$0x0] =	vst.idx.add.s32.msk vm1, v3  }
0x1e5: {  	[tilespmem:v9+s9+$0x0] =	vst.idx.add.s32.msk vm2, v3  }
0x1e6: {  	s15 =	simm.s32 $0x4808;
	[tilespmem:v10+s9+$0x0] =	vst.idx.add.s32.msk vm3, v3  }
0x1e7: {  	v6 =	vld [tilespmem:s15+$0x404]  }
0x1e8: {  	v7 =	vld [tilespmem:s15+$0xFFFFF7F8]  }
0x1e9: {  	v8 =	vld [tilespmem:s15+$0xFFFFF8F9]  }
0x1ea: {  	v9 =	vld [tilespmem:s15+$0xFFFFF9FA]  }
0x1eb: {  	[tilespmem:s15+$0x404] =	vst v1;
	v10 =	vld [tilespmem:s15+$0xFFFFFAFB]  }
0x1ec: {  	[tilespmem:s15+$0xFFFFF7F8] =	vst v1;
	v11 =	vld [tilespmem:s15+$0xFFFFFBFC]  }
0x1ed: {  	s16 =	simm.s32 $0x4818;
	[tilespmem:s15+$0xFFFFF8F9] =	vst v1;
	v12 =	vld [tilespmem:s15+$0xFFFFFCFD]  }
0x1ee: {  	[tilespmem:s15+$0xFFFFF9FA] =	vst v1;
	v13 =	vld [tilespmem:s16+$0x404]  }
0x1ef: {  	[tilespmem:s15+$0xFFFFFAFB] =	vst v1;
	v7 =	vadd.s32 v7, v8;
	v8 =	vld [tilespmem:s15+$0xFFFFFDFE]  }
0x1f0: {  	[tilespmem:s15+$0xFFFFFBFC] =	vst v1;
	v7 =	vadd.s32 v9, v7;
	v9 =	vld [tilespmem:s15+$0xFFFFFEFF]  }
0x1f1: {  	[tilespmem:s15+$0xFFFFFCFD] =	vst v1;
	v7 =	vadd.s32 v10, v7;
	v10 =	vld [tilespmem:s15+$0x0]  }
0x1f2: {  	[tilespmem:s16+$0x404] =	vst v1;
	v7 =	vadd.s32 v11, v7;
	v11 =	vld [tilespmem:s15+$0x101]  }
0x1f3: {  	[tilespmem:s15+$0xFFFFFDFE] =	vst v1;
	v7 =	vadd.s32 v12, v7;
	v12 =	vld [tilespmem:s15+$0x202]  }
0x1f4: {  	[tilespmem:s15+$0xFFFFFEFF] =	vst v1;
	v7 =	vadd.s32 v8, v7;
	v8 =	vld [tilespmem:s15+$0x303]  }
0x1f5: {  	[tilespmem:s15+$0x303] =	vst v1;
	v7 =	vadd.s32 v9, v7;
	v9 =	vld [tilespmem:s15+$0x505]  }
0x1f6: {  	[tilespmem:s15+$0x0] =	vst v1;
	v14 =	vld [tilespmem:s16+$0x303]  }
0x1f7: {  	[tilespmem:s15+$0x101] =	vst v1;
	v7 =	vadd.s32 v10, v7;
	v10 =	vld [tilespmem:s15+$0x606]  }
0x1f8: {  	[tilespmem:s15+$0x202] =	vst v1;
	v7 =	vadd.s32 v11, v7;
	v11 =	vld [tilespmem:s15+$0x707]  }
0x1f9: {  	[tilespmem:s15+$0x505] =	vst v1;
	v7 =	vadd.s32 v12, v7;
	v12 =	vld [tilespmem:s16+$0xFFFFF7F8]  }
0x1fa: {  	[tilespmem:s16+$0x303] =	vst v1;
	v7 =	vadd.s32 v8, v7;
	v8 =	vld [tilespmem:s16+$0xFFFFF8F9]  }
0x1fb: {  	[tilespmem:s15+$0x606] =	vst v1;
	v6 =	vadd.s32 v6, v7;
	v7 =	vld [tilespmem:s16+$0xFFFFF9FA]  }
0x1fc: {  	[tilespmem:s15+$0x707] =	vst v1;
	v6 =	vadd.s32 v9, v6;
	v9 =	vld [tilespmem:s16+$0xFFFFFAFB]  }
0x1fd: {  	s15 =	simm.s32 $0x4828;
	[tilespmem:s16+$0xFFFFFAFB] =	vst v1;
	v6 =	vadd.s32 v10, v6;
	v10 =	vld [tilespmem:s16+$0xFFFFFBFC]  }
0x1fe: {  	[tilespmem:s16+$0xFFFFF7F8] =	vst v1;
	v16 =	vld [tilespmem:s15+$0xFFFFFAFB]  }
0x1ff: {  	[tilespmem:s16+$0xFFFFFBFC] =	vst v1;
	v11 =	vadd.s32 v11, v6;
	v6 =	vld [tilespmem:s16+$0xFFFFFCFD]  }
0x200: {  	[tilespmem:s16+$0xFFFFF8F9] =	vst v1;
	v17 =	vld [tilespmem:s15+$0xFFFFFBFC];
	(xrf0) =	vadd.scan.msk.s32 $0xffff, v11  }
0x201: {  	[tilespmem:s16+$0xFFFFF9FA] =	vst v1;
	v8 =	vadd.s32 v12, v8;
	v12 =	vld [tilespmem:s16+$0xFFFFFDFE]  }
0x202: {  	[tilespmem:s15+$0xFFFFFAFB] =	vst v1;
	v7 =	vadd.s32 v7, v8;
	v8 =	vld [tilespmem:s16+$0xFFFFFEFF]  }
0x203: {  	[tilespmem:s16+$0xFFFFFCFD] =	vst v1;
	v7 =	vadd.s32 v9, v7;
	v9 =	vld [tilespmem:s16+$0x0]  }
0x204: {  	[tilespmem:s15+$0xFFFFFBFC] =	vst v1;
	v7 =	vadd.s32 v10, v7;
	v10 =	vld [tilespmem:s16+$0x101]  }
0x205: {  	[tilespmem:s16+$0xFFFFFDFE] =	vst v1;
	v6 =	vadd.s32 v6, v7;
	v7 =	vld [tilespmem:s16+$0x202]  }
0x206: {  	v18 =	vld [tilespmem:s15+$0xFFFFFCFD];
	[tilespmem:s15+$0xFFFFFCFD] =	vst v1;
	v12 =	vadd.s32 v12, v6;
	v15, _, _ =	vpop (xrf0)  }
0x207: {  	[tilespmem:s16+$0xFFFFFEFF] =	vst v1;
	v6 =	vld [tilespmem:s15+$0x404];
	v8 =	vadd.s32 v8, v12;
	(v2sf) =	vpush v15, $0xF  }
0x208: {  	[tilespmem:s16+$0x0] =	vst v1;
	v8 =	vadd.s32 v9, v8;
	v9 =	vld [tilespmem:s16+$0x505]  }
0x209: {  	[tilespmem:s16+$0x101] =	vst v1;
	v8 =	vadd.s32 v10, v8;
	v10 =	vld [tilespmem:s16+$0x606]  }
0x20a: {  	[tilespmem:s16+$0x202] =	vst v1;
	v7 =	vadd.s32 v7, v8;
	v8 =	vld [tilespmem:s16+$0x707]  }
0x20b: {  	[tilespmem:s15+$0x404] =	vst v1;
	v12 =	vld [tilespmem:s15+$0xFFFFF7F8];
	v7 =	vadd.s32 v14, v7  }
0x20c: {  	[tilespmem:s15+$0xFFFFF7F8] =	vst v1;
	v14 =	vld [tilespmem:s15+$0xFFFFF8F9];
	v7 =	vadd.s32 v13, v7  }
0x20d: {  	s14 =	sand.u32 $0x3FFF, s14;
	[tilespmem:s16+$0x505] =	vst v1;
	v13 =	vld [tilespmem:s15+$0xFFFFF9FA];
	v7 =	vadd.s32 v9, v7  }
0x20e: {  	s12 =	sadd.s32 s12, s14;
	[tilespmem:s16+$0x606] =	vst v1;
	v7 =	vadd.s32 v10, v7  }
0x20f: {  	s14 =	simm.s32 $0x0;
	s17 =	ssub.s32 s11, s12;
	[tilespmem:s16+$0x707] =	vst v1;
	v9 =	vadd.s32 v8, v7  }
0x210: {  	v10 =	vadd.s32 s14, v15;
	v7 =	vmov s17;
	v8 =	vmov s14;
	(xrf0) =	vadd.scan.msk.s32 $0xffff, v9  }
0x211: {  	[tilespmem:s15+$0xFFFFF8F9] =	vst v1;
	v11 =	vsub.s32 v10, v11;
	v8 =	vshll.u32 v8, $0xE;
	v12 =	vadd.s32 v12, v14;
	v14 =	vld [tilespmem:s15+$0xFFFFFDFE]  }
0x212: {  	[tilespmem:s15+$0xFFFFF9FA] =	vst v1;
	vm15 =	vlt.s32 v10, v7;
	v10 =	vld [tilespmem:s15+$0x0];
	v8 =	vor.u32 v4, v8;
	v13 =	vadd.s32 v13, v12  }
0x213: {  	v15 =	vimm.s32 $0x7FFFFFFF;
	[tilespmem:s15+$0xFFFFFDFE] =	vst v1;
	v12 =	vld [tilespmem:s15+$0xFFFFFEFF];
	v8 =	vor.u32 v8, v11;
	v11 =	vadd.s32 v16, v13  }
0x214: {  	[tilespmem:s15+$0xFFFFFEFF] =	vst v1;
	v8 =	vsel vm15, $0x7FFFFFFF, v8;
	v13 =	vadd.s32 v17, v11;
	v11 =	vld [tilespmem:s15+$0x101]  }
0x215: {  	s18 =	simm.s32 $0x30;
	s19 =	simm.s32 $0x4838;
	[tilespmem:s15+$0x101] =	vst v1;
	vm0 =	vlt.s32 v15, v8;
	v16 =	vadd.s32 v18, v13;
	v13 =	vld [tilespmem:s15+$0x202]  }
0x216: {  	s16 =	simm.s32 $0x20;
	s17 =	simm.s32 $0x10;
	[tilespmem:s15+$0x202] =	vst v1;
	v8 =	vsel vm0, v15, v8;
	v16 =	vadd.s32 v14, v16;
	v14 =	vld [tilespmem:s15+$0x303];
	v15, _, _ =	vpop (xrf0);
	s20 =	spop (v2sf)  }
.LBB2_15:
0x217: {  	p3 =	sne.s32 s18, $0xF0;
	s14 =	sadd.s32 s14, s20  }
0x218: {  	v17 =	vld [tilespmem:s19+$0x404];
	v12 =	vadd.s32 v12, v16;
	[tilespmem:s15+$0x0] =	vst v1;
	v16 =	vmov s17;
	(v2sf) =	vpush v15, $0xF;
	s17 =	smov.u32 s16;
	s16 =	smov.u32 s18;
	s18 =	sadd.s32 $0x10, s18  }
0x219: {  	[tilespmem:s19+$0x404] =	vst v1;
	v10 =	vadd.s32 v10, v12;
	v12 =	vld [tilespmem:s15+$0x505];
	v15 =	vadd.s32 s14, v15;
	v16 =	vshll.u32 v16, $0xE  }
0x21a: {  	v10 =	vadd.s32 v11, v10;
	[tilespmem:s15+$0x505] =	vst v1;
	v11 =	vld [tilespmem:s15+$0x606];
	v16 =	vor.u32 v4, v16;
	v9 =	vsub.s32 v15, v9  }
0x21b: {  	vm0 =	vlt.s32 v15, v7;
	v10 =	vadd.s32 v13, v10;
	[tilespmem:s15+$0x606] =	vst v1;
	v13 =	vld [tilespmem:s15+$0x707];
	v9 =	vor.u32 v16, v9  }
0x21c: {  	v15 =	vld [tilespmem:s19+$0xFFFFF7F8];
	v10 =	vadd.s32 v14, v10;
	[tilespmem:s15+$0x707] =	vst v1;
	v9 =	vsel vm0, $0x7FFFFFFF, v9  }
0x21d: {  	[tilespmem:s19+$0xFFFFF7F8] =	vst v1;
	v14 =	vld [tilespmem:s19+$0xFFFFF8F9];
	v10 =	vadd.s32 v6, v10;
	vm0 =	vlt.s32 v8, v9;
	v6 =	vmov v17  }
0x21e: {  	[tilespmem:s19+$0xFFFFF8F9] =	vst v1;
	v16 =	vld [tilespmem:s19+$0xFFFFF9FA];
	v10 =	vadd.s32 v12, v10;
	v8 =	vsel vm0, v8, v9  }
0x21f: {  	[tilespmem:s19+$0xFFFFF9FA] =	vst v1;
	v17 =	vld [tilespmem:s19+$0xFFFFFAFB];
	v9 =	vadd.s32 v11, v10  }
0x220: {  	[tilespmem:s19+$0xFFFFFAFB] =	vst v1;
	v11 =	vld [tilespmem:s19+$0xFFFFFBFC];
	v9 =	vadd.s32 v13, v9  }
0x221: {  	[tilespmem:s19+$0xFFFFFBFC] =	vst v1;
	v13 =	vld [tilespmem:s19+$0xFFFFFCFD];
	(xrf0) =	vadd.scan.msk.s32 $0xffff, v9  }
0x222: {  	v10 =	vadd.s32 v15, v14;
	[tilespmem:s19+$0xFFFFFCFD] =	vst v1;
	v14 =	vld [tilespmem:s19+$0xFFFFFDFE]  }
.Ltmp7:
0x223: {  	v10 =	vadd.s32 v16, v10;
	[tilespmem:s19+$0xFFFFFDFE] =	vst v1;
	v12 =	vld [tilespmem:s19+$0xFFFFFEFF];
	(pc) =	sbr.rel @p3 .LBB2_15-.Ltmp7, $4  }
0x224: {  	v15 =	vadd.s32 v17, v10;
	[tilespmem:s19+$0xFFFFFEFF] =	vst v1;
	v10 =	vld [tilespmem:s19+$0x0]  }
0x225: {  	v18 =	vadd.s32 v11, v15;
	v11 =	vld [tilespmem:s19+$0x101];
	[tilespmem:s15+$0x303] =	vst v1;
	s15 =	smov.u32 s19  }
0x226: {  	v17 =	vadd.s32 v13, v18;
	[tilespmem:s19+$0x101] =	vst v1;
	v13 =	vld [tilespmem:s19+$0x202]  }
0x227: {  	s19 =	sadd.s32 $0x10, s19;
	v16 =	vadd.s32 v14, v17;
	[tilespmem:s15+$0x202] =	vst v1;
	v14 =	vld [tilespmem:s15+$0x303];
	v15, _, _ =	vpop (xrf0);
	s20 =	spop (v2sf)  }
0x228: {  	(v2sf) =	vpush v15, $0xF  }
0x229: {  	v12 =	vadd.s32 v12, v16  }
0x22a: {  	v50 =	vld [tilespmem:s15+$0x505];
	v10 =	vadd.s32 v10, v12  }
0x22b: {  	v10 =	vadd.s32 v11, v10;
	v11 =	vld [tilespmem:s15+$0x606]  }
0x22c: {  	v51 =	vld [tilespmem:s15+$0x707];
	v10 =	vadd.s32 v13, v10  }
0x22d: {  	v10 =	vadd.s32 v14, v10  }
0x22e: {  	v6 =	vadd.s32 v6, v10  }
0x22f: {  	v6 =	vadd.s32 v50, v6  }
0x230: {  	v6 =	vadd.s32 v11, v6  }
0x231: {  	v6 =	vadd.s32 v51, v6  }
0x232: {  	(xrf0) =	vadd.scan.msk.s32 $0xffff, v6;
	_ =	sdelay $0x1  }
0x233: {  	s14 =	sadd.s32 s14, s20  }
0x234: {  	v11 =	vadd.s32 s14, v15  }
0x235: {  	v10 =	vmov s17  }
0x236: {  	v52 =	vmov s16;
	v10 =	vshll.u32 v10, $0xE;
	s28 =	spop (v2sf)  }
0x237: {  	v10 =	vor.u32 v4, v10;
	v9 =	vsub.s32 v11, v9;
	vm0 =	vlt.s32 v11, v7;
	v11, _, _ =	vpop (xrf0);
	s14 =	sadd.s32 s14, s28  }
0x238: {  	v12 =	vshll.u32 v52, $0xE;
	v9 =	vor.u32 v10, v9;
	v10 =	vadd.s32 s14, v11  }
0x239: {  	v12 =	vor.u32 v4, v12;
	v9 =	vsel vm0, $0x7FFFFFFF, v9;
	v6 =	vsub.s32 v10, v6  }
0x23a: {  	vm0 =	vlt.s32 v8, v9;
	vm1 =	vlt.s32 v10, v7;
	v6 =	vor.u32 v12, v6  }
0x23b: {  	v7 =	vsel vm0, v8, v9;
	v6 =	vsel vm1, $0x7FFFFFFF, v6  }
0x23c: {  	vm0 =	vlt.s32 v7, v6  }
0x23d: {  	v6 =	vsel vm0, v7, v6  }
0x23e: {  	v6 =	vxor.u32 $0x80000000, v6  }
0x23f: {  	(xrf0) =	vmin.scan.msk.u32 $0xffff, v6;
	_ =	sdelay $0x5  }
0x240: {  	(v2sf) =	vpush v11, $0xF;
	v6, _, _ =	vpop (xrf0)  }
0x241: {  	(v2sf) =	vpush v6, $0xF;
	_ =	sdelay $0x6  }
0x242: {  	[tilespmem:s15+$0x0] =	vst v1  }
0x243: {  	[tilespmem:s15+$0x505] =	vst v1  }
0x244: {  	[tilespmem:s15+$0x707] =	vst v1  }
0x245: {  	[tilespmem:s15+$0x303] =	vst v1  }
0x246: {  	s29 =	simm.s32 $0x0;
	[tilespmem:s15+$0x606] =	vst v1  }
0x247: {  	v8 =	vld [tilespmem:s29+$0x2010]  }
0x248: {  	v9 =	vld [tilespmem:s29+$0x2020]  }
0x249: {  	v7 =	vld [tilespmem:s29+$0x2000];
	s30 =	spop (v2sf)  }
0x24a: {  	v10 =	vld [tilespmem:s29+$0x2030];
	s15 =	spop (v2sf)  }
0x24b: {  	s31 =	sshra.s32 s15, $0xE  }
0x24c: {  	s13 =	sshll.u32 s13, $0x8;
	s16 =	sxor.u32 $0xFFFE0000, s31  }
0x24d: {  	v11 =	vld [tilespmem:s29+$0x2040];
	v54 =	vand.u32 $0xFF, v8;
	v8 =	vshrl.u32 v8, $0x8;
	s13 =	sor.u32 s13, s16  }
0x24e: {  	v56 =	vld [tilespmem:s29+$0x2050];
	v55 =	vshrl.u32 v9, $0x8;
	v53 =	vshrl.u32 v7, $0x8;
	v6 =	vmov s13  }
0x24f: {  	v57 =	vld [tilespmem:s29+$0x2060];
	v58 =	vand.u32 $0xFF, v10;
	v7 =	vand.u32 $0xFF, v7;
	vm0 =	veq.s32 v53, v6  }
0x250: {  	v59 =	vld [tilespmem:s29+$0x2070];
	v9 =	vand.u32 $0xFF, v9;
	v7 =	vadd.s32 v2, v7;
	vm1 =	veq.s32 v8, v6  }
0x251: {  	v10 =	vshrl.u32 v10, $0x8;
	v8 =	vadd.s32 v2, v54;
	vm2 =	veq.s32 v55, v6  }
0x252: {  	v60 =	vshrl.u32 v11, $0x8;
	v9 =	vadd.s32 v2, v9;
	vm3 =	veq.s32 v10, v6  }
0x253: {  	v11 =	vand.u32 $0xFF, v11;
	v10 =	vadd.s32 v2, v58;
	vm4 =	veq.s32 v60, v6  }
0x254: {  	v61 =	vshrl.u32 v56, $0x8;
	v62 =	vand.u32 $0xFF, v56;
	v11 =	vadd.s32 v2, v11  }
0x255: {  	v63 =	vshrl.u32 v59, $0x8;
	v12 =	vshrl.u32 v57, $0x8;
	[tilespmem:v7+s9+$0x0] =	vst.idx.add.s32.msk vm0, v3;
	vm0 =	veq.s32 v61, v6  }
0x256: {  	v7 =	vand.u32 $0xFF, v57;
	[tilespmem:v8+s9+$0x0] =	vst.idx.add.s32.msk vm1, v3;
	v8 =	vadd.s32 v2, v62;
	vm1 =	veq.s32 v12, v6  }
0x257: {  	v7 =	vadd.s32 v2, v7;
	[tilespmem:v9+s9+$0x0] =	vst.idx.add.s32.msk vm2, v3;
	v9 =	vand.u32 $0xFF, v59;
	vm2 =	veq.s32 v63, v6  }
0x258: {  	[tilespmem:v10+s9+$0x0] =	vst.idx.add.s32.msk vm3, v3;
	v9 =	vadd.s32 v2, v9  }
0x259: {  	s14 =	simm.s32 $0x200;
	[tilespmem:v11+s9+$0x0] =	vst.idx.add.s32.msk vm4, v3  }
.LBB2_17:
0x25a: {  	_ = 	snop  }
0x25b: {  	p3 =	sne.s32 s14, $0x7E00;
	[tilespmem:v8+s9+$0x0] =	vst.idx.add.s32.msk vm0, v3;
	s16 =	smov.u32 s14;
	s14 =	sadd.s32 $0x200, s14  }
0x25c: {  	[tilespmem:v7+s9+$0x0] =	vst.idx.add.s32.msk vm1, v3  }
0x25d: {  	s16 =	sshra.s32 s16, $0x2;
	[tilespmem:v9+s9+$0x0] =	vst.idx.add.s32.msk vm2, v3  }
0x25e: {  	v7 =	vld [tilespmem:s16+$0x2000]  }
0x25f: {  	v8 =	vld [tilespmem:s16+$0x2010]  }
0x260: {  	v9 =	vld [tilespmem:s16+$0x2020]  }
0x261: {  	v10 =	vld [tilespmem:s16+$0x2030]  }
0x262: {  	v11 =	vld [tilespmem:s16+$0x2040]  }
0x263: {  	v12 =	vand.u32 $0xFF, v7;
	v7 =	vshrl.u32 v7, $0x8  }
0x264: {  	v13 =	vld [tilespmem:s16+$0x2050];
	vm1 =	veq.s32 v7, v6;
	v7 =	vand.u32 $0xFF, v8;
	v8 =	vshrl.u32 v8, $0x8  }
0x265: {  	v12 =	vadd.s32 v2, v12;
	v14 =	vld [tilespmem:s16+$0x2060];
	vm2 =	veq.s32 v8, v6;
	v8 =	vshrl.u32 v9, $0x8  }
0x266: {  	v7 =	vadd.s32 v2, v7;
	v15 =	vld [tilespmem:s16+$0x2070];
	vm3 =	veq.s32 v8, v6;
	v8 =	vand.u32 $0xFF, v10  }
0x267: {  	v9 =	vand.u32 $0xFF, v9;
	v10 =	vshrl.u32 v10, $0x8;
	v16 =	vshrl.u32 v11, $0x8  }
0x268: {  	v9 =	vadd.s32 v2, v9;
	v17 =	vadd.s32 v2, v8;
	vm4 =	veq.s32 v10, v6  }
0x269: {  	v8 =	vand.u32 $0xFF, v11;
	vm5 =	veq.s32 v16, v6;
	v10 =	vshrl.u32 v13, $0x8  }
0x26a: {  	v11 =	vadd.s32 v2, v8;
	vm0 =	veq.s32 v10, v6;
	v10 =	vand.u32 $0xFF, v14;
	[tilespmem:v12+s9+$0x0] =	vst.idx.add.s32.msk vm1, v3  }
.Ltmp8:
0x26b: {  	v8 =	vand.u32 $0xFF, v13;
	v12 =	vshrl.u32 v14, $0x8;
	v13 =	vshrl.u32 v15, $0x8;
	[tilespmem:v7+s9+$0x0] =	vst.idx.add.s32.msk vm2, v3;
	(pc) =	sbr.rel @p3 .LBB2_17-.Ltmp8, $4  }
0x26c: {  	v8 =	vadd.s32 v2, v8;
	v7 =	vadd.s32 v2, v10;
	vm1 =	veq.s32 v12, v6  }
0x26d: {  	v10 =	vand.u32 $0xFF, v15;
	vm2 =	veq.s32 v13, v6;
	[tilespmem:v9+s9+$0x0] =	vst.idx.add.s32.msk vm3, v3  }
0x26e: {  	v9 =	vadd.s32 v2, v10;
	[tilespmem:v17+s9+$0x0] =	vst.idx.add.s32.msk vm4, v3  }
0x26f: {  	[tilespmem:v11+s9+$0x0] =	vst.idx.add.s32.msk vm5, v3  }
0x270: {  	_ =	sdelay $0x4  }
0x271: {  	[tilespmem:v8+s9+$0x0] =	vst.idx.add.s32.msk vm0, v3  }
0x272: {  	[tilespmem:v7+s9+$0x0] =	vst.idx.add.s32.msk vm1, v3  }
0x273: {  	s14 =	simm.s32 $0x4808;
	[tilespmem:v9+s9+$0x0] =	vst.idx.add.s32.msk vm2, v3  }
0x274: {  	v6 =	vld [tilespmem:s14+$0x404]  }
0x275: {  	v7 =	vld [tilespmem:s14+$0xFFFFF7F8]  }
0x276: {  	v8 =	vld [tilespmem:s14+$0xFFFFF8F9]  }
0x277: {  	v9 =	vld [tilespmem:s14+$0xFFFFF9FA]  }
0x278: {  	v10 =	vld [tilespmem:s14+$0xFFFFFAFB]  }
0x279: {  	[tilespmem:s14+$0x404] =	vst v1;
	v11 =	vld [tilespmem:s14+$0xFFFFFBFC]  }
0x27a: {  	s17 =	simm.s32 $0x4818;
	[tilespmem:s14+$0xFFFFF7F8] =	vst v1;
	v12 =	vld [tilespmem:s14+$0xFFFFFCFD]  }
0x27b: {  	[tilespmem:s14+$0xFFFFF8F9] =	vst v1;
	v13 =	vld [tilespmem:s17+$0x404]  }
0x27c: {  	[tilespmem:s14+$0xFFFFF9FA] =	vst v1;
	v7 =	vadd.s32 v7, v8;
	v8 =	vld [tilespmem:s14+$0xFFFFFDFE]  }
0x27d: {  	[tilespmem:s14+$0xFFFFFAFB] =	vst v1;
	v7 =	vadd.s32 v9, v7;
	v9 =	vld [tilespmem:s14+$0xFFFFFEFF]  }
0x27e: {  	[tilespmem:s14+$0xFFFFFBFC] =	vst v1;
	v7 =	vadd.s32 v10, v7;
	v10 =	vld [tilespmem:s14+$0x0]  }
0x27f: {  	[tilespmem:s14+$0xFFFFFCFD] =	vst v1;
	v7 =	vadd.s32 v11, v7;
	v11 =	vld [tilespmem:s14+$0x101]  }
0x280: {  	[tilespmem:s17+$0x404] =	vst v1;
	v7 =	vadd.s32 v12, v7;
	v12 =	vld [tilespmem:s14+$0x202]  }
0x281: {  	[tilespmem:s14+$0x202] =	vst v1;
	v7 =	vadd.s32 v8, v7;
	v8 =	vld [tilespmem:s14+$0x303]  }
0x282: {  	[tilespmem:s14+$0xFFFFFDFE] =	vst v1;
	v14 =	vld [tilespmem:s17+$0x202]  }
0x283: {  	[tilespmem:s14+$0xFFFFFEFF] =	vst v1;
	v7 =	vadd.s32 v9, v7;
	v9 =	vld [tilespmem:s14+$0x505]  }
0x284: {  	[tilespmem:s14+$0x0] =	vst v1;
	v7 =	vadd.s32 v10, v7;
	v10 =	vld [tilespmem:s14+$0x606]  }
0x285: {  	[tilespmem:s14+$0x101] =	vst v1;
	v7 =	vadd.s32 v11, v7;
	v11 =	vld [tilespmem:s14+$0x707]  }
0x286: {  	[tilespmem:s14+$0x303] =	vst v1;
	v7 =	vadd.s32 v12, v7;
	v12 =	vld [tilespmem:s17+$0xFFFFF7F8]  }
0x287: {  	[tilespmem:s14+$0x505] =	vst v1;
	v7 =	vadd.s32 v8, v7;
	v8 =	vld [tilespmem:s17+$0xFFFFF8F9]  }
0x288: {  	[tilespmem:s14+$0x606] =	vst v1;
	v6 =	vadd.s32 v6, v7;
	v7 =	vld [tilespmem:s17+$0xFFFFF9FA]  }
0x289: {  	[tilespmem:s14+$0x707] =	vst v1;
	v6 =	vadd.s32 v9, v6;
	v9 =	vld [tilespmem:s17+$0xFFFFFAFB]  }
0x28a: {  	s14 =	simm.s32 $0x4828;
	[tilespmem:s17+$0xFFFFFAFB] =	vst v1;
	v6 =	vadd.s32 v10, v6;
	v10 =	vld [tilespmem:s17+$0xFFFFFBFC]  }
0x28b: {  	[tilespmem:s17+$0x202] =	vst v1;
	v16 =	vld [tilespmem:s14+$0xFFFFFAFB]  }
0x28c: {  	[tilespmem:s17+$0xFFFFFBFC] =	vst v1;
	v11 =	vadd.s32 v11, v6;
	v6 =	vld [tilespmem:s17+$0xFFFFFCFD]  }
0x28d: {  	[tilespmem:s17+$0xFFFFF7F8] =	vst v1;
	v18 =	vld [tilespmem:s14+$0xFFFFFBFC];
	(xrf0) =	vadd.scan.msk.s32 $0xffff, v11  }
0x28e: {  	[tilespmem:s17+$0xFFFFF8F9] =	vst v1;
	v8 =	vadd.s32 v12, v8;
	v12 =	vld [tilespmem:s17+$0xFFFFFDFE]  }
0x28f: {  	[tilespmem:s17+$0xFFFFF9FA] =	vst v1;
	v7 =	vadd.s32 v7, v8;
	v8 =	vld [tilespmem:s17+$0xFFFFFEFF]  }
0x290: {  	[tilespmem:s14+$0xFFFFFAFB] =	vst v1;
	v7 =	vadd.s32 v9, v7;
	v9 =	vld [tilespmem:s17+$0x0]  }
0x291: {  	[tilespmem:s17+$0xFFFFFDFE] =	vst v1;
	v7 =	vadd.s32 v10, v7;
	v10 =	vld [tilespmem:s17+$0x101]  }
0x292: {  	[tilespmem:s17+$0xFFFFFCFD] =	vst v1;
	v19 =	vld [tilespmem:s14+$0xFFFFFDFE];
	v6 =	vadd.s32 v6, v7  }
0x293: {  	[tilespmem:s14+$0xFFFFFBFC] =	vst v1;
	v6 =	vadd.s32 v12, v6;
	v12 =	vld [tilespmem:s17+$0x303];
	v15, _, _ =	vpop (xrf0)  }
0x294: {  	[tilespmem:s17+$0xFFFFFEFF] =	vst v1;
	v7 =	vld [tilespmem:s14+$0x404];
	v6 =	vadd.s32 v8, v6;
	(v2sf) =	vpush v15, $0xF  }
0x295: {  	[tilespmem:s14+$0xFFFFFDFE] =	vst v1;
	v8 =	vld [tilespmem:s17+$0x505];
	v6 =	vadd.s32 v9, v6  }
0x296: {  	[tilespmem:s17+$0x0] =	vst v1;
	v9 =	vld [tilespmem:s17+$0x606];
	v6 =	vadd.s32 v10, v6  }
0x297: {  	[tilespmem:s17+$0x101] =	vst v1;
	v10 =	vld [tilespmem:s17+$0x707];
	v6 =	vadd.s32 v14, v6  }
0x298: {  	s15 =	sand.u32 $0x3FFF, s15;
	[tilespmem:s14+$0x404] =	vst v1;
	v14 =	vld [tilespmem:s14+$0xFFFFF7F8];
	v6 =	vadd.s32 v12, v6  }
0x299: {  	s15 =	sadd.s32 s12, s15;
	[tilespmem:s17+$0x303] =	vst v1;
	v12 =	vld [tilespmem:s14+$0xFFFFF8F9];
	v6 =	vadd.s32 v13, v6  }
0x29a: {  	s12 =	ssub.s32 s11, s15;
	[tilespmem:s17+$0x505] =	vst v1;
	v13 =	vld [tilespmem:s14+$0xFFFFF9FA];
	v8 =	vadd.s32 v8, v6  }
0x29b: {  	[tilespmem:s17+$0x606] =	vst v1;
	v6 =	vmov s12;
	s12 =	simm.s32 $0x0;
	v8 =	vadd.s32 v9, v8  }
0x29c: {  	v17 =	vimm.s32 $0x7FFFFFFF;
	[tilespmem:s17+$0x707] =	vst v1;
	v9 =	vmov s12;
	v10 =	vadd.s32 v10, v8  }
0x29d: {  	[tilespmem:s14+$0xFFFFF7F8] =	vst v1;
	v8 =	vshll.u32 v9, $0xE;
	v9 =	vadd.s32 s12, v15;
	v15 =	vld [tilespmem:s14+$0xFFFFFCFD];
	(xrf0) =	vadd.scan.msk.s32 $0xffff, v10  }
0x29e: {  	[tilespmem:s14+$0xFFFFF8F9] =	vst v1;
	v8 =	vor.u32 v4, v8;
	v11 =	vsub.s32 v9, v11;
	v12 =	vadd.s32 v14, v12  }
0x29f: {  	[tilespmem:s14+$0xFFFFF9FA] =	vst v1;
	vm13 =	vlt.s32 v9, v6;
	v11 =	vor.u32 v8, v11;
	v13 =	vadd.s32 v13, v12;
	v12 =	vld [tilespmem:s14+$0xFFFFFEFF]  }
0x2a0: {  	[tilespmem:s14+$0xFFFFFCFD] =	vst v1;
	v8 =	vor.u32 v8, v9;
	v9 =	vsel vm13, $0x7FFFFFFF, v11;
	v13 =	vadd.s32 v16, v13;
	v11 =	vld [tilespmem:s14+$0x0]  }
0x2a1: {  	[tilespmem:s14+$0xFFFFFEFF] =	vst v1;
	v8 =	vsel vm13, $0x7FFFFFFF, v8;
	vm14 =	vlt.s32 v17, v9;
	v14 =	vadd.s32 v18, v13;
	v13 =	vld [tilespmem:s14+$0x101]  }
0x2a2: {  	s19 =	simm.s32 $0x10;
	s16 =	simm.s32 $0x20;
	[tilespmem:s14+$0x0] =	vst v1;
	vm15 =	vlt.s32 v17, v8;
	v9 =	vsel vm14, v17, v9;
	v15 =	vadd.s32 v15, v14;
	v14 =	vld [tilespmem:s14+$0x202]  }
0x2a3: {  	s18 =	simm.s32 $0x4838;
	s17 =	simm.s32 $0x30;
	v8 =	vsel vm15, v17, v8;
	[tilespmem:s14+$0x202] =	vst v1;
	v17 =	vmov s19;
	v18 =	vadd.s32 v19, v15;
	v15 =	vld [tilespmem:s14+$0x303];
	v16, _, _ =	vpop (xrf0);
	s20 =	spop (v2sf)  }
.LBB2_19:
0x2a4: {  	p3 =	sne.s32 s17, $0xF0  }
0x2a5: {  	v19 =	vld [tilespmem:s18+$0x404];
	v12 =	vadd.s32 v12, v18;
	[tilespmem:s14+$0x101] =	vst v1;
	v17 =	vshll.u32 v17, $0xE;
	(v2sf) =	vpush v16, $0xF;
	s12 =	sadd.s32 s12, s20;
	s19 =	smov.u32 s17;
	s17 =	sadd.s32 $0x10, s17  }
0x2a6: {  	[tilespmem:s18+$0x404] =	vst v1;
	v11 =	vadd.s32 v11, v12;
	v12 =	vld [tilespmem:s14+$0x505];
	v16 =	vadd.s32 s12, v16;
	v17 =	vor.u32 v4, v17  }
0x2a7: {  	v11 =	vadd.s32 v13, v11;
	[tilespmem:s14+$0x505] =	vst v1;
	v13 =	vld [tilespmem:s14+$0x606];
	v10 =	vsub.s32 v16, v10;
	v18 =	vor.u32 v17, v16  }
0x2a8: {  	vm0 =	vlt.s32 v16, v6;
	v11 =	vadd.s32 v14, v11;
	[tilespmem:s14+$0x606] =	vst v1;
	v14 =	vld [tilespmem:s14+$0x707];
	v10 =	vor.u32 v17, v10  }
0x2a9: {  	v16 =	vld [tilespmem:s18+$0xFFFFF7F8];
	v11 =	vadd.s32 v15, v11;
	[tilespmem:s14+$0x707] =	vst v1;
	v10 =	vsel vm0, $0x7FFFFFFF, v10;
	v15 =	vsel vm0, $0x7FFFFFFF, v18  }
0x2aa: {  	[tilespmem:s18+$0xFFFFF7F8] =	vst v1;
	v17 =	vld [tilespmem:s18+$0xFFFFF8F9];
	v18 =	vadd.s32 v7, v11;
	vm0 =	vlt.s32 v9, v10;
	vm1 =	vlt.s32 v8, v15  }
0x2ab: {  	[tilespmem:s18+$0xFFFFF8F9] =	vst v1;
	v11 =	vld [tilespmem:s18+$0xFFFFF9FA];
	v12 =	vadd.s32 v12, v18;
	v9 =	vsel vm0, v9, v10;
	v8 =	vsel vm1, v8, v15  }
0x2ac: {  	v7 =	vmov v19;
	[tilespmem:s18+$0xFFFFF9FA] =	vst v1;
	v15 =	vld [tilespmem:s18+$0xFFFFFAFB];
	v10 =	vadd.s32 v13, v12  }
0x2ad: {  	[tilespmem:s18+$0xFFFFFAFB] =	vst v1;
	v13 =	vld [tilespmem:s18+$0xFFFFFBFC];
	v10 =	vadd.s32 v14, v10  }
0x2ae: {  	[tilespmem:s18+$0xFFFFFBFC] =	vst v1;
	v14 =	vld [tilespmem:s18+$0xFFFFFCFD];
	(xrf0) =	vadd.scan.msk.s32 $0xffff, v10  }
0x2af: {  	v12 =	vadd.s32 v16, v17;
	[tilespmem:s18+$0xFFFFFCFD] =	vst v1;
	v16 =	vld [tilespmem:s18+$0xFFFFFDFE]  }
.Ltmp9:
0x2b0: {  	v11 =	vadd.s32 v11, v12;
	[tilespmem:s18+$0xFFFFFDFE] =	vst v1;
	v12 =	vld [tilespmem:s18+$0xFFFFFEFF];
	(pc) =	sbr.rel @p3 .LBB2_19-.Ltmp9, $4  }
0x2b1: {  	v15 =	vadd.s32 v15, v11;
	[tilespmem:s18+$0xFFFFFEFF] =	vst v1;
	v11 =	vld [tilespmem:s18+$0x0]  }
0x2b2: {  	v15 =	vadd.s32 v13, v15;
	[tilespmem:s18+$0x0] =	vst v1;
	v13 =	vld [tilespmem:s18+$0x101]  }
0x2b3: {  	v15 =	vadd.s32 v14, v15;
	v14 =	vld [tilespmem:s18+$0x202];
	[tilespmem:s14+$0x303] =	vst v1;
	s14 =	smov.u32 s18  }
0x2b4: {  	v17 =	vmov s16;
	s16 =	smov.u32 s19;
	s18 =	sadd.s32 $0x10, s18;
	v18 =	vadd.s32 v16, v15;
	[tilespmem:s14+$0x202] =	vst v1;
	v15 =	vld [tilespmem:s14+$0x303];
	v16, _, _ =	vpop (xrf0);
	s20 =	spop (v2sf)  }
0x2b5: {  	(v2sf) =	vpush v16, $0xF  }
0x2b6: {  	v12 =	vadd.s32 v12, v18  }
0x2b7: {  	v56 =	vld [tilespmem:s14+$0x505];
	v11 =	vadd.s32 v11, v12  }
0x2b8: {  	v57 =	vld [tilespmem:s14+$0x606];
	v11 =	vadd.s32 v13, v11  }
0x2b9: {  	v58 =	vld [tilespmem:s14+$0x707];
	v11 =	vadd.s32 v14, v11  }
0x2ba: {  	v11 =	vadd.s32 v15, v11  }
0x2bb: {  	v7 =	vadd.s32 v7, v11  }
0x2bc: {  	v7 =	vadd.s32 v56, v7  }
0x2bd: {  	v7 =	vadd.s32 v57, v7  }
0x2be: {  	v7 =	vadd.s32 v58, v7  }
0x2bf: {  	(xrf0) =	vadd.scan.msk.s32 $0xffff, v7;
	_ =	sdelay $0x2  }
0x2c0: {  	s12 =	sadd.s32 s12, s20  }
0x2c1: {  	v59 =	vshll.u32 v17, $0xE;
	v61 =	vmov s16;
	v60 =	vadd.s32 s12, v16  }
0x2c2: {  	v12 =	vshll.u32 v61, $0xE;
	v10 =	vsub.s32 v60, v10;
	v11 =	vor.u32 v4, v59;
	s17 =	spop (v2sf)  }
0x2c3: {  	vm0 =	vlt.s32 v60, v6;
	v12 =	vor.u32 v4, v12;
	v10 =	vor.u32 v11, v10;
	v62, _, _ =	vpop (xrf0);
	s12 =	sadd.s32 s12, s17  }
0x2c4: {  	v11 =	vor.u32 v11, v60;
	v10 =	vsel vm0, $0x7FFFFFFF, v10;
	v63 =	vadd.s32 s12, v62  }
0x2c5: {  	v11 =	vsel vm0, $0x7FFFFFFF, v11;
	vm13 =	vlt.s32 v9, v10;
	v7 =	vsub.s32 v63, v7  }
0x2c6: {  	vm1 =	vlt.s32 v8, v11;
	vm14 =	vlt.s32 v63, v6;
	v6 =	vor.u32 v12, v7  }
0x2c7: {  	v9 =	vsel vm13, v9, v10;
	v7 =	vor.u32 v12, v63;
	v6 =	vsel vm14, $0x7FFFFFFF, v6  }
0x2c8: {  	v8 =	vsel vm1, v8, v11;
	v7 =	vsel vm14, $0x7FFFFFFF, v7;
	vm15 =	vlt.s32 v9, v6  }
0x2c9: {  	vm1 =	vlt.s32 v8, v7;
	v6 =	vsel vm15, v9, v6  }
0x2ca: {  	v7 =	vsel vm1, v8, v7;
	v6 =	vxor.u32 $0x80000000, v6  }
0x2cb: {  	(xrf0) =	vmin.scan.msk.u32 $0xffff, v6;
	v6 =	vxor.u32 $0x80000000, v7  }
0x2cc: {  	(xrf0) =	vmin.scan.msk.u32 $0xffff, v6;
	_ =	sdelay $0x4  }
0x2cd: {  	(v2sf) =	vpush v62, $0xF;
	v6, _, _ =	vpop (xrf0)  }
0x2ce: {  	(v2sf) =	vpush v6, $0xF;
	v6, _, _ =	vpop (xrf0)  }
0x2cf: {  	(v2sf) =	vpush v6, $0xF;
	_ =	sdelay $0xc  }
0x2d0: {  	s28 =	spop (v2sf)  }
0x2d1: {  	s29 =	spop (v2sf)  }
0x2d2: {  	s12 =	spop (v2sf);
	s30 =	sand.u32 $0x3FFF, s29  }
0x2d3: {  	s12 =	sand.u32 $0x3FFF, s12;
	s15 =	sadd.s32 s30, s15  }
0x2d4: {  	s31 =	sshll.u32 s13, $0x8;
	s12 =	ssub.s32 s12, s30;
	s13 =	ssub.s32 s11, s15  }
0x2d5: {  	p3 =	sle.s32 s12, s13  }
.Ltmp10:
0x2d6: {  	[tilespmem:s14+$0x101] =	vst v1;
	(pc) =	sbr.rel @p3 .LBB2_24-.Ltmp10, $4  }
0x2d7: {  	[tilespmem:s14+$0x505] =	vst v1;
	s16 =	sshra.s32 s29, $0xE  }
0x2d8: {  	[tilespmem:s14+$0x606] =	vst v1;
	s16 =	sxor.u32 $0xFFFE0000, s16  }
0x2d9: {  	[tilespmem:s14+$0x707] =	vst v1;
	s11 =	sor.u32 s31, s16  }
0x2da: {  	[tilespmem:s14+$0x303] =	vst v1;
	v6 =	vmov s11  }
0x2db: {  	s14 =	simm.s32 $0x2040  }
0x2dc: {  	s16 =	simm.s32 $0x0;
	v8 =	vld [tilespmem:s14+$0xFFFFFFC0]  }
0x2dd: {  	v7 =	vmov s16;
	v10 =	vld [tilespmem:s14+$0xFFFFFFD0]  }
0x2de: {  	s28 =	simm.s32 $0x20;
	s29 =	simm.s32 $0x30;
	v11 =	vld [tilespmem:s14+$0xFFFFFFF0];
	v7 =	vshra.s32 v7, $0x5  }
0x2df: {  	s30 =	simm.s32 $0x50;
	v9 =	vmov s28;
	v12 =	vmov s29;
	v14 =	vld [tilespmem:s14+$0xFFFFFFE0];
	v7 =	vbroadcast v7, $0x0  }
0x2e0: {  	s17 =	simm.s32 $0x40;
	v15 =	vld [tilespmem:s14+$0x0];
	v18 =	vmov s30;
	v9 =	vshra.s32 v9, $0x5;
	v12 =	vshra.s32 v12, $0x5  }
0x2e1: {  	v17 =	vld [tilespmem:s14+$0x10];
	v9 =	vbroadcast v9, $0x0;
	v13 =	vadd.s32 v2, v7;
	v7 =	vmov s17  }
0x2e2: {  	v20 =	vld [tilespmem:s14+$0x30];
	v12 =	vbroadcast v12, $0x0;
	v7 =	vshra.s32 v7, $0x5;
	vm4 =	veq.s32 v8, v6  }
0x2e3: {  	s15 =	simm.s32 $0x70;
	v8 =	vadd.s32 v2, v9;
	vm6 =	veq.s32 v10, v6;
	v10 =	vshra.s32 v18, $0x5  }
0x2e4: {  	s31 =	simm.s32 $0x60;
	v19 =	vld [tilespmem:s14+$0x20];
	vm0 =	veq.s32 v14, v6;
	vm1 =	veq.s32 v11, v6;
	v11 =	vmov s15  }
0x2e5: {  	v16 =	vbroadcast v7, $0x0;
	v7 =	vadd.s32 v2, v12;
	v12 =	vmov s31  }
0x2e6: {  	vm2 =	veq.s32 v15, v6;
	v10 =	vbroadcast v10, $0x0;
	v12 =	vshra.s32 v12, $0x5  }
0x2e7: {  	vm3 =	veq.s32 v17, v6;
	vm5 =	veq.s32 v20, v6;
	v14 =	vbroadcast v12, $0x0  }
0x2e8: {  	v11 =	vshra.s32 v11, $0x5;
	v9 =	vadd.s32 v2, v16;
	v10 =	vadd.s32 v2, v10;
	[tilespmem:v13+s9+$0x0] =	vst.idx.add.s32.msk vm4, v3  }
0x2e9: {  	s15 =	simm.s32 $0xF0;
	v12 =	vbroadcast v11, $0x0;
	v11 =	vadd.s32 v2, v14;
	vm4 =	veq.s32 v19, v6;
	[tilespmem:v13+s9+$0x0] =	vst.idx.add.s32.msk vm6, v3  }
.LBB2_22:
0x2ea: {  	p4 =	seq.s32 s15, $0x1FF0  }
0x2eb: {  	v12 =	vadd.s32 v2, v12;
	[tilespmem:v8+s9+$0x0] =	vst.idx.add.s32.msk vm0, v3;
	s14 =	sadd.s32 $0x80, s14;
	s16 =	smov.u32 s15;
	s15 =	sadd.s32 $0x80, s15  }
0x2ec: {  	[tilespmem:v7+s9+$0x0] =	vst.idx.add.s32.msk vm1, v3  }
0x2ed: {  	[tilespmem:v9+s9+$0x0] =	vst.idx.add.s32.msk vm2, v3  }
0x2ee: {  	s17 =	sadd.s32 $0xFFFFFF90, s16;
	[tilespmem:v10+s9+$0x0] =	vst.idx.add.s32.msk vm3, v3  }
0x2ef: {  	v7 =	vmov s17;
	[tilespmem:v11+s9+$0x0] =	vst.idx.add.s32.msk vm4, v3  }
0x2f0: {  	s17 =	sadd.s32 $0xFFFFFFB0, s16;
	v7 =	vshra.s32 v7, $0x5;
	[tilespmem:v12+s9+$0x0] =	vst.idx.add.s32.msk vm5, v3  }
0x2f1: {  	s18 =	sadd.s32 $0xFFFFFFC0, s16;
	v9 =	vmov s17;
	v7 =	vbroadcast v7, $0x0;
	v8 =	vld [tilespmem:s14+$0xFFFFFFC0]  }
0x2f2: {  	s17 =	sadd.s32 $0xFFFFFFD0, s16;
	v9 =	vshra.s32 v9, $0x5;
	v11 =	vmov s18;
	v10 =	vld [tilespmem:s14+$0xFFFFFFF0]  }
0x2f3: {  	v13 =	vadd.s32 v2, v7;
	v7 =	vmov s17;
	v12 =	vld [tilespmem:s14+$0xFFFFFFD0]  }
0x2f4: {  	v11 =	vshra.s32 v11, $0x5;
	s17 =	sadd.s32 $0xFFFFFFE0, s16;
	v7 =	vshra.s32 v7, $0x5;
	v14 =	vld [tilespmem:s14+$0xFFFFFFE0]  }
0x2f5: {  	v9 =	vbroadcast v9, $0x0;
	v11 =	vbroadcast v11, $0x0;
	v15 =	vld [tilespmem:s14+$0x30]  }
0x2f6: {  	v18 =	vmov s17;
	v17 =	vbroadcast v7, $0x0;
	v16 =	vld [tilespmem:s14+$0x0];
	vm4 =	veq.s32 v8, v6  }
0x2f7: {  	v7 =	vadd.s32 v2, v11;
	v8 =	vadd.s32 v2, v9;
	v19 =	vld [tilespmem:s14+$0x10]  }
0x2f8: {  	v9 =	vadd.s32 v2, v17;
	v11 =	vld [tilespmem:s14+$0x20];
	vm6 =	veq.s32 v12, v6;
	v12 =	vshra.s32 v18, $0x5  }
0x2f9: {  	s17 =	sadd.s32 $0xFFFFFFF0, s16;
	vm0 =	veq.s32 v14, v6;
	v12 =	vbroadcast v12, $0x0  }
.Ltmp11:
0x2fa: {  	v17 =	vmov s16;
	vm1 =	veq.s32 v10, v6;
	v14 =	vmov s17;
	(pc) =	sbr.rel @!p4 .LBB2_22-.Ltmp11, $4  }
0x2fb: {  	vm2 =	veq.s32 v16, v6;
	v10 =	vadd.s32 v2, v12;
	v12 =	vshra.s32 v14, $0x5  }
0x2fc: {  	vm3 =	veq.s32 v19, v6;
	v14 =	vbroadcast v12, $0x0;
	v12 =	vshra.s32 v17, $0x5;
	[tilespmem:v13+s9+$0x0] =	vst.idx.add.s32.msk vm4, v3  }
0x2fd: {  	vm4 =	veq.s32 v11, v6;
	v12 =	vbroadcast v12, $0x0  }
0x2fe: {  	vm5 =	veq.s32 v15, v6;
	v11 =	vadd.s32 v2, v14;
	[tilespmem:v13+s9+$0x0] =	vst.idx.add.s32.msk vm6, v3  }
0x2ff: {  	_ =	sdelay $0x4  }
0x300: {  	v12 =	vadd.s32 v2, v12;
	[tilespmem:v8+s9+$0x0] =	vst.idx.add.s32.msk vm0, v3  }
0x301: {  	[tilespmem:v7+s9+$0x0] =	vst.idx.add.s32.msk vm1, v3  }
0x302: {  	[tilespmem:v9+s9+$0x0] =	vst.idx.add.s32.msk vm2, v3  }
0x303: {  	[tilespmem:v10+s9+$0x0] =	vst.idx.add.s32.msk vm3, v3  }
0x304: {  	[tilespmem:v11+s9+$0x0] =	vst.idx.add.s32.msk vm4, v3  }
0x305: {  	[tilespmem:v12+s9+$0x0] =	vst.idx.add.s32.msk vm5, v3  }
.LBB2_24:
0x306: {  	s16 =	simm.s32 $0x4808  }
0x307: {  	v8 =	vld [tilespmem:s16+$0x404]  }
0x308: {  	v10 =	vld [tilespmem:s16+$0xFFFFF7F8]  }
0x309: {  	v11 =	vld [tilespmem:s16+$0xFFFFF8F9]  }
0x30a: {  	v12 =	vld [tilespmem:s16+$0xFFFFF9FA]  }
0x30b: {  	[tilespmem:s16+$0x404] =	vst v1;
	v13 =	vld [tilespmem:s16+$0xFFFFFAFB]  }
0x30c: {  	[tilespmem:s16+$0xFFFFF7F8] =	vst v1;
	v14 =	vld [tilespmem:s16+$0xFFFFFBFC]  }
0x30d: {  	s15 =	simm.s32 $0x4818;
	[tilespmem:s16+$0xFFFFF8F9] =	vst v1;
	v15 =	vld [tilespmem:s16+$0xFFFFFCFD]  }
0x30e: {  	[tilespmem:s16+$0xFFFFF9FA] =	vst v1;
	v16 =	vld [tilespmem:s15+$0x404]  }
0x30f: {  	[tilespmem:s16+$0xFFFFFAFB] =	vst v1;
	v10 =	vadd.s32 v10, v11;
	v11 =	vld [tilespmem:s16+$0xFFFFFDFE]  }
0x310: {  	[tilespmem:s16+$0xFFFFFBFC] =	vst v1;
	v10 =	vadd.s32 v12, v10;
	v12 =	vld [tilespmem:s16+$0xFFFFFEFF]  }
0x311: {  	[tilespmem:s16+$0xFFFFFCFD] =	vst v1;
	v10 =	vadd.s32 v13, v10;
	v13 =	vld [tilespmem:s16+$0x0]  }
0x312: {  	[tilespmem:s15+$0x404] =	vst v1;
	v10 =	vadd.s32 v14, v10;
	v14 =	vld [tilespmem:s16+$0x101]  }
0x313: {  	[tilespmem:s16+$0xFFFFFDFE] =	vst v1;
	v10 =	vadd.s32 v15, v10;
	v15 =	vld [tilespmem:s16+$0x202]  }
0x314: {  	[tilespmem:s16+$0xFFFFFEFF] =	vst v1;
	v10 =	vadd.s32 v11, v10;
	v11 =	vld [tilespmem:s16+$0x303]  }
0x315: {  	[tilespmem:s16+$0x303] =	vst v1;
	v10 =	vadd.s32 v12, v10;
	v12 =	vld [tilespmem:s16+$0x505]  }
0x316: {  	[tilespmem:s16+$0x0] =	vst v1;
	v17 =	vld [tilespmem:s15+$0x303]  }
0x317: {  	[tilespmem:s16+$0x101] =	vst v1;
	v10 =	vadd.s32 v13, v10;
	v13 =	vld [tilespmem:s16+$0x606]  }
0x318: {  	[tilespmem:s16+$0x202] =	vst v1;
	v10 =	vadd.s32 v14, v10;
	v14 =	vld [tilespmem:s16+$0x707]  }
0x319: {  	[tilespmem:s16+$0x505] =	vst v1;
	v10 =	vadd.s32 v15, v10;
	v15 =	vld [tilespmem:s15+$0xFFFFF7F8]  }
0x31a: {  	[tilespmem:s15+$0x303] =	vst v1;
	v10 =	vadd.s32 v11, v10;
	v11 =	vld [tilespmem:s15+$0xFFFFF8F9]  }
0x31b: {  	[tilespmem:s16+$0x606] =	vst v1;
	v8 =	vadd.s32 v8, v10;
	v10 =	vld [tilespmem:s15+$0xFFFFF9FA]  }
0x31c: {  	[tilespmem:s16+$0x707] =	vst v1;
	v8 =	vadd.s32 v12, v8;
	v12 =	vld [tilespmem:s15+$0xFFFFFAFB]  }
0x31d: {  	[tilespmem:s15+$0xFFFFF7F8] =	vst v1;
	v8 =	vadd.s32 v13, v8;
	v13 =	vld [tilespmem:s15+$0xFFFFFBFC]  }
0x31e: {  	s16 =	simm.s32 $0x4828;
	[tilespmem:s15+$0xFFFFFBFC] =	vst v1;
	v14 =	vadd.s32 v14, v8;
	v8 =	vld [tilespmem:s15+$0xFFFFFCFD]  }
0x31f: {  	[tilespmem:s15+$0xFFFFF8F9] =	vst v1;
	v19 =	vld [tilespmem:s16+$0xFFFFFBFC];
	(xrf0) =	vadd.scan.msk.s32 $0xffff, v14  }
0x320: {  	[tilespmem:s15+$0xFFFFF9FA] =	vst v1;
	v11 =	vadd.s32 v15, v11;
	v15 =	vld [tilespmem:s15+$0xFFFFFDFE]  }
0x321: {  	[tilespmem:s15+$0xFFFFFAFB] =	vst v1;
	v10 =	vadd.s32 v10, v11;
	v11 =	vld [tilespmem:s15+$0xFFFFFEFF]  }
0x322: {  	[tilespmem:s15+$0xFFFFFCFD] =	vst v1;
	v10 =	vadd.s32 v12, v10;
	v12 =	vld [tilespmem:s15+$0x0]  }
0x323: {  	[tilespmem:s16+$0xFFFFFBFC] =	vst v1;
	v10 =	vadd.s32 v13, v10;
	v13 =	vld [tilespmem:s15+$0x101]  }
0x324: {  	[tilespmem:s15+$0xFFFFFDFE] =	vst v1;
	v8 =	vadd.s32 v8, v10;
	v10 =	vld [tilespmem:s15+$0x202]  }
0x325: {  	v20 =	vld [tilespmem:s16+$0xFFFFFCFD];
	[tilespmem:s16+$0xFFFFFCFD] =	vst v1;
	v15 =	vadd.s32 v15, v8;
	v18, _, _ =	vpop (xrf0)  }
0x326: {  	[tilespmem:s15+$0xFFFFFEFF] =	vst v1;
	v8 =	vld [tilespmem:s16+$0x404];
	v11 =	vadd.s32 v11, v15;
	(v2sf) =	vpush v18, $0xF  }
0x327: {  	[tilespmem:s15+$0x0] =	vst v1;
	v11 =	vadd.s32 v12, v11;
	v12 =	vld [tilespmem:s15+$0x505]  }
0x328: {  	[tilespmem:s15+$0x101] =	vst v1;
	v11 =	vadd.s32 v13, v11;
	v13 =	vld [tilespmem:s15+$0x606]  }
0x329: {  	[tilespmem:s15+$0x202] =	vst v1;
	v10 =	vadd.s32 v10, v11;
	v11 =	vld [tilespmem:s15+$0x707]  }
0x32a: {  	[tilespmem:s16+$0x404] =	vst v1;
	v15 =	vld [tilespmem:s16+$0xFFFFF7F8];
	v10 =	vadd.s32 v17, v10  }
0x32b: {  	[tilespmem:s16+$0xFFFFF7F8] =	vst v1;
	v17 =	vld [tilespmem:s16+$0xFFFFF8F9];
	v10 =	vadd.s32 v16, v10  }
0x32c: {  	[tilespmem:s15+$0x505] =	vst v1;
	v16 =	vld [tilespmem:s16+$0xFFFFF9FA];
	v10 =	vadd.s32 v12, v10  }
0x32d: {  	s14 =	simm.s32 $0x0;
	[tilespmem:s15+$0x606] =	vst v1;
	v12 =	vld [tilespmem:s16+$0xFFFFFAFB];
	v10 =	vadd.s32 v13, v10  }
0x32e: {  	v7 =	vmov s13;
	[tilespmem:s15+$0x707] =	vst v1;
	v10 =	vadd.s32 v11, v10;
	v11 =	vmov s14  }
0x32f: {  	v18 =	vadd.s32 s14, v18;
	[tilespmem:s16+$0xFFFFF8F9] =	vst v1;
	(xrf0) =	vadd.scan.msk.s32 $0xffff, v10;
	v11 =	vshll.u32 v11, $0xE  }
0x330: {  	v14 =	vsub.s32 v18, v14;
	[tilespmem:s16+$0xFFFFF9FA] =	vst v1;
	v13 =	vadd.s32 v15, v17;
	v15 =	vld [tilespmem:s16+$0xFFFFFDFE];
	v11 =	vor.u32 v4, v11  }
0x331: {  	vm0 =	vlt.s32 v18, v7;
	[tilespmem:s16+$0xFFFFFAFB] =	vst v1;
	v16 =	vadd.s32 v16, v13;
	v13 =	vld [tilespmem:s16+$0xFFFFFEFF];
	v11 =	vor.u32 v11, v14  }
0x332: {  	[tilespmem:s16+$0xFFFFFDFE] =	vst v1;
	v14 =	vadd.s32 v12, v16;
	v12 =	vld [tilespmem:s16+$0x0];
	v16 =	vsel vm0, $0x7FFFFFFF, v11  }
0x333: {  	v9 =	vimm.s32 $0x7FFFFFFF;
	[tilespmem:s16+$0xFFFFFEFF] =	vst v1;
	v14 =	vadd.s32 v19, v14;
	v11 =	vld [tilespmem:s16+$0x101]  }
0x334: {  	s17 =	simm.s32 $0x10;
	s18 =	simm.s32 $0x30;
	[tilespmem:s16+$0x101] =	vst v1;
	vm0 =	vlt.s32 v9, v16;
	v17 =	vadd.s32 v20, v14;
	v14 =	vld [tilespmem:s16+$0x202]  }
0x335: {  	s19 =	simm.s32 $0x4838;
	s15 =	simm.s32 $0x20;
	[tilespmem:s16+$0x202] =	vst v1;
	v9 =	vsel vm0, v9, v16;
	v17 =	vadd.s32 v15, v17;
	v15 =	vld [tilespmem:s16+$0x303];
	v16, _, _ =	vpop (xrf0);
	s20 =	spop (v2sf)  }
.LBB2_25:
0x336: {  	p4 =	sne.s32 s18, $0xF0;
	s14 =	sadd.s32 s14, s20  }
0x337: {  	v18 =	vld [tilespmem:s19+$0x404];
	v13 =	vadd.s32 v13, v17;
	[tilespmem:s16+$0x0] =	vst v1;
	v17 =	vmov s17;
	(v2sf) =	vpush v16, $0xF;
	s17 =	smov.u32 s15;
	s15 =	smov.u32 s18;
	s18 =	sadd.s32 $0x10, s18  }
0x338: {  	[tilespmem:s19+$0x404] =	vst v1;
	v12 =	vadd.s32 v12, v13;
	v13 =	vld [tilespmem:s16+$0x505];
	v16 =	vadd.s32 s14, v16;
	v17 =	vshll.u32 v17, $0xE  }
0x339: {  	v11 =	vadd.s32 v11, v12;
	[tilespmem:s16+$0x505] =	vst v1;
	v12 =	vld [tilespmem:s16+$0x606];
	v17 =	vor.u32 v4, v17;
	v10 =	vsub.s32 v16, v10  }
0x33a: {  	vm0 =	vlt.s32 v16, v7;
	v11 =	vadd.s32 v14, v11;
	[tilespmem:s16+$0x606] =	vst v1;
	v14 =	vld [tilespmem:s16+$0x707];
	v10 =	vor.u32 v17, v10  }
0x33b: {  	v16 =	vld [tilespmem:s19+$0xFFFFF7F8];
	v11 =	vadd.s32 v15, v11;
	[tilespmem:s16+$0x707] =	vst v1;
	v10 =	vsel vm0, $0x7FFFFFFF, v10  }
0x33c: {  	[tilespmem:s19+$0xFFFFF7F8] =	vst v1;
	v15 =	vld [tilespmem:s19+$0xFFFFF8F9];
	v11 =	vadd.s32 v8, v11;
	vm0 =	vlt.s32 v9, v10;
	v8 =	vmov v18  }
0x33d: {  	[tilespmem:s19+$0xFFFFF8F9] =	vst v1;
	v17 =	vld [tilespmem:s19+$0xFFFFF9FA];
	v11 =	vadd.s32 v13, v11;
	v9 =	vsel vm0, v9, v10  }
0x33e: {  	[tilespmem:s19+$0xFFFFF9FA] =	vst v1;
	v18 =	vld [tilespmem:s19+$0xFFFFFAFB];
	v10 =	vadd.s32 v12, v11  }
0x33f: {  	[tilespmem:s19+$0xFFFFFAFB] =	vst v1;
	v11 =	vld [tilespmem:s19+$0xFFFFFBFC];
	v10 =	vadd.s32 v14, v10  }
0x340: {  	[tilespmem:s19+$0xFFFFFBFC] =	vst v1;
	v14 =	vld [tilespmem:s19+$0xFFFFFCFD];
	(xrf0) =	vadd.scan.msk.s32 $0xffff, v10  }
0x341: {  	v12 =	vadd.s32 v16, v15;
	[tilespmem:s19+$0xFFFFFCFD] =	vst v1;
	v15 =	vld [tilespmem:s19+$0xFFFFFDFE]  }
.Ltmp12:
0x342: {  	v12 =	vadd.s32 v17, v12;
	[tilespmem:s19+$0xFFFFFDFE] =	vst v1;
	v13 =	vld [tilespmem:s19+$0xFFFFFEFF];
	(pc) =	sbr.rel @p4 .LBB2_25-.Ltmp12, $4  }
0x343: {  	v16 =	vadd.s32 v18, v12;
	[tilespmem:s19+$0xFFFFFEFF] =	vst v1;
	v12 =	vld [tilespmem:s19+$0x0]  }
0x344: {  	v19 =	vadd.s32 v11, v16;
	v11 =	vld [tilespmem:s19+$0x101];
	[tilespmem:s16+$0x303] =	vst v1;
	s16 =	smov.u32 s19  }
0x345: {  	v18 =	vadd.s32 v14, v19;
	[tilespmem:s19+$0x101] =	vst v1;
	v14 =	vld [tilespmem:s19+$0x202]  }
0x346: {  	s19 =	sadd.s32 $0x10, s19;
	v17 =	vadd.s32 v15, v18;
	[tilespmem:s16+$0x202] =	vst v1;
	v15 =	vld [tilespmem:s16+$0x303];
	v16, _, _ =	vpop (xrf0);
	s20 =	spop (v2sf)  }
0x347: {  	(v2sf) =	vpush v16, $0xF  }
0x348: {  	v13 =	vadd.s32 v13, v17  }
0x349: {  	v56 =	vld [tilespmem:s16+$0x505];
	v12 =	vadd.s32 v12, v13  }
0x34a: {  	v57 =	vld [tilespmem:s16+$0x606];
	v11 =	vadd.s32 v11, v12  }
0x34b: {  	v58 =	vld [tilespmem:s16+$0x707];
	v11 =	vadd.s32 v14, v11  }
0x34c: {  	v11 =	vadd.s32 v15, v11  }
0x34d: {  	v8 =	vadd.s32 v8, v11  }
0x34e: {  	v8 =	vadd.s32 v56, v8  }
0x34f: {  	v8 =	vadd.s32 v57, v8  }
0x350: {  	v8 =	vadd.s32 v58, v8  }
0x351: {  	(xrf0) =	vadd.scan.msk.s32 $0xffff, v8;
	_ =	sdelay $0x3  }
0x352: {  	v59 =	vmov s17;
	s14 =	sadd.s32 s14, s20  }
0x353: {  	v62 =	vmov s15;
	v60 =	vadd.s32 s14, v16;
	v11 =	vshll.u32 v59, $0xE;
	s30 =	spop (v2sf)  }
0x354: {  	v13 =	vshll.u32 v62, $0xE;
	v10 =	vsub.s32 v60, v10;
	v11 =	vor.u32 v4, v11;
	v61, _, _ =	vpop (xrf0);
	s14 =	sadd.s32 s14, s30  }
0x355: {  	vm0 =	vlt.s32 v60, v7;
	v10 =	vor.u32 v11, v10;
	v63 =	vadd.s32 s14, v61  }
0x356: {  	v13 =	vor.u32 v4, v13;
	v10 =	vsel vm0, $0x7FFFFFFF, v10;
	v8 =	vsub.s32 v63, v8  }
0x357: {  	vm0 =	vlt.s32 v9, v10;
	vm1 =	vlt.s32 v63, v7;
	v7 =	vor.u32 v13, v8  }
0x358: {  	v8 =	vsel vm0, v9, v10;
	v7 =	vsel vm1, $0x7FFFFFFF, v7  }
0x359: {  	vm0 =	vlt.s32 v8, v7  }
0x35a: {  	v7 =	vsel vm0, v8, v7  }
0x35b: {  	v7 =	vxor.u32 $0x80000000, v7  }
0x35c: {  	(xrf0) =	vmin.scan.msk.u32 $0xffff, v7;
	_ =	sdelay $0x5  }
0x35d: {  	(v2sf) =	vpush v61, $0xF;
	v7, _, _ =	vpop (xrf0)  }
0x35e: {  	(v2sf) =	vpush v7, $0xF;
	_ =	sdelay $0xc  }
.Ltmp13:
0x35f: {  	[tilespmem:s16+$0x0] =	vst v1;
	(pc) =	sbr.rel @p3 .LBB2_30-.Ltmp13, $4  }
0x360: {  	[tilespmem:s16+$0x505] =	vst v1;
	s31 =	spop (v2sf)  }
0x361: {  	[tilespmem:s16+$0x606] =	vst v1;
	s15 =	spop (v2sf)  }
0x362: {  	[tilespmem:s16+$0x707] =	vst v1;
	s14 =	sshra.s32 s15, $0xE  }
0x363: {  	[tilespmem:s16+$0x303] =	vst v1;
	s14 =	sxor.u32 $0xFFFE0000, s14  }
0x364: {  	s16 =	simm.s32 $0x70;
	s17 =	simm.s32 $0x0  }
0x365: {  	v7 =	vmov s14;
	s18 =	simm.s32 $0x20;
	s19 =	simm.s32 $0x30;
	s29 =	simm.s32 $0x40;
	v8 =	vmov s16;
	v9 =	vmov s17  }
0x366: {  	s30 =	simm.s32 $0x50;
	s31 =	simm.s32 $0x2040;
	v10 =	vmov s18;
	v11 =	vmov s19;
	v13 =	vmov s29  }
0x367: {  	v14 =	vmov s30;
	v16 =	vld [tilespmem:s31+$0xFFFFFFD0];
	v9 =	vshra.s32 v9, $0x5;
	v10 =	vshra.s32 v10, $0x5  }
0x368: {  	s28 =	simm.s32 $0x60;
	v60 =	vld [tilespmem:s31+$0x10];
	v11 =	vshra.s32 v11, $0x5;
	v8 =	vshra.s32 v8, $0x5;
	vm0 =	veq.s32 v9, v7  }
0x369: {  	vm1 =	veq.s32 v10, v7;
	v9 =	vmov s28;
	v10 =	vsel vm0, $0x1, v1  }
0x36a: {  	v12 =	vsel vm1, $0x1, v1;
	v9 =	vshra.s32 v9, $0x5;
	vm0 =	veq.s32 v8, v7  }
0x36b: {  	v10 =	vbroadcast v10, $0x0;
	v12 =	vbroadcast v12, $0x0;
	v58 =	vsel vm0, $0x1, v1  }
0x36c: {  	vm0 =	veq.s32 v11, v7;
	v11 =	vshra.s32 v14, $0x5;
	vm6 =	veq.s32 v16, v6  }
0x36d: {  	vm10 =	veq.s32 v60, v6;
	v8 =	vand.u32 $0x1, v10;
	v10 =	vand.u32 $0x1, v12  }
0x36e: {  	v59 =	vld [tilespmem:s31+$0xFFFFFFC0];
	vm4 =	veq.s32 v8, $0x1;
	vm2 =	veq.s32 v10, $0x1;
	v10 =	vshra.s32 v13, $0x5  }
0x36f: {  	v8 =	vbroadcast v58, $0x0;
	vm1 =	veq.s32 v10, v7;
	v10 =	vsel vm0, $0x1, v1  }
0x370: {  	v61 =	vld [tilespmem:s31+$0xFFFFFFF0];
	vm0 =	veq.s32 v9, v7;
	v9 =	vsel vm1, $0x1, v1;
	vm1 =	veq.s32 v11, v7  }
0x371: {  	v11 =	vsel vm0, $0x1, v1;
	v8 =	vand.u32 $0x1, v8;
	v10 =	vbroadcast v10, $0x0  }
0x372: {  	v15 =	vld [tilespmem:s31+$0x30];
	v9 =	vbroadcast v9, $0x0;
	v11 =	vbroadcast v11, $0x0;
	v17 =	vsel vm1, $0x1, v1  }
0x373: {  	v18 =	vld [tilespmem:s31+$0xFFFFFFE0];
	vm0 =	veq.s32 v8, $0x1;
	v8 =	vmul.u32 $0x102, v0;
	vm1 =	veq.s32 v59, v6  }
0x374: {  	v63 =	vld [tilespmem:s31+$0x0];
	v10 =	vand.u32 $0x1, v10;
	v62 =	vbroadcast v17, $0x0;
	vm3 =	vmand vm4, vm1  }
0x375: {  	v20 =	vld [tilespmem:s31+$0x20];
	vm1 =	veq.s32 v61, v6;
	v19 =	vand.u32 $0x1, v9;
	v11 =	vand.u32 $0x1, v11  }
0x376: {  	v9 =	vadd.s32 $0x10, v8;
	vm5 =	veq.s32 v10, $0x1;
	v12 =	vand.u32 $0x1, v62  }
0x377: {  	vm7 =	veq.s32 v11, $0x1;
	vm1 =	vmand vm5, vm1;
	vm9 =	veq.s32 v19, $0x1  }
0x378: {  	vm5 =	vmand vm4, vm6;
	vm4 =	veq.s32 v18, v6;
	vm8 =	veq.s32 v12, $0x1  }
0x379: {  	vm6 =	vmand vm2, vm4;
	vm4 =	veq.s32 v63, v6;
	vm2 =	vmand vm8, vm10  }
0x37a: {  	s16 =	simm.s32 $0xF0;
	s17 =	simm.s32 $0x20C0;
	vm4 =	vmand vm9, vm4;
	vm9 =	veq.s32 v20, v6;
	vm8 =	veq.s32 v15, v6  }
.LBB2_28:
0x37b: {  	s18 =	sadd.s32 $0xFFFFFF90, s16;
	s19 =	sadd.s32 $0xFFFFFFB0, s16;
	s20 =	sadd.s32 $0xFFFFFFC0, s16;
	v10 =	vmov s16;
	vm7 =	vmand vm7, vm9;
	vm0 =	vmand vm0, vm8  }
0x37c: {  	p3 =	sne.s32 s16, $0x1FF0;
	v11 =	vmov s18;
	v12 =	vmov s19;
	v13 =	vmov s20;
	s18 =	smov.u32 s16;
	s16 =	sadd.s32 $0x80, s16  }
0x37d: {  	s19 =	sadd.s32 $0xFFFFFFF0, s18;
	v11 =	vshra.s32 v11, $0x5;
	v12 =	vshra.s32 v12, $0x5;
	v13 =	vshra.s32 v13, $0x5;
	[tilespmem:v8+s9+$0x0] =	vst.idx.add.s32.msk vm3, v3  }
0x37e: {  	vm3 =	veq.s32 v11, v7;
	vm8 =	veq.s32 v12, v7;
	v11 =	vmov s19;
	[tilespmem:v9+s9+$0x0] =	vst.idx.add.s32.msk vm5, v3  }
0x37f: {  	s19 =	sadd.s32 $0xFFFFFFD0, s18;
	v12 =	vsel vm3, $0x1, v1;
	v14 =	vsel vm8, $0x1, v1;
	v11 =	vshra.s32 v11, $0x5;
	[tilespmem:v8+s9+$0x0] =	vst.idx.add.s32.msk vm6, v3  }
0x380: {  	v10 =	vshra.s32 v10, $0x5;
	s18 =	sadd.s32 $0xFFFFFFE0, s18;
	v12 =	vbroadcast v12, $0x0;
	v14 =	vbroadcast v14, $0x0;
	[tilespmem:v9+s9+$0x0] =	vst.idx.add.s32.msk vm1, v3  }
0x381: {  	v15 =	vmov s19;
	v16 =	vmov s18;
	vm1 =	veq.s32 v10, v7;
	[tilespmem:v8+s9+$0x0] =	vst.idx.add.s32.msk vm4, v3  }
0x382: {  	v10 =	vand.u32 $0x1, v12;
	v12 =	vand.u32 $0x1, v14;
	v14 =	vsel vm1, $0x1, v1;
	[tilespmem:v9+s9+$0x0] =	vst.idx.add.s32.msk vm2, v3  }
0x383: {  	vm4 =	veq.s32 v10, $0x1;
	vm2 =	veq.s32 v12, $0x1;
	v10 =	vbroadcast v14, $0x0;
	[tilespmem:v8+s9+$0x0] =	vst.idx.add.s32.msk vm7, v3  }
0x384: {  	vm1 =	veq.s32 v13, v7;
	v13 =	vshra.s32 v16, $0x5;
	v12 =	vshra.s32 v15, $0x5;
	[tilespmem:v9+s9+$0x0] =	vst.idx.add.s32.msk vm0, v3  }
0x385: {  	v15 =	vsel vm1, $0x1, v1;
	vm1 =	veq.s32 v11, v7;
	vm0 =	veq.s32 v12, v7;
	v14 =	vld [tilespmem:s17+$0xFFFFFFC0]  }
0x386: {  	v12 =	vsel vm0, $0x1, v1;
	vm0 =	veq.s32 v13, v7;
	v13 =	vsel vm1, $0x1, v1;
	v11 =	vld [tilespmem:s17+$0x10]  }
0x387: {  	v10 =	vand.u32 $0x1, v10;
	v12 =	vbroadcast v12, $0x0;
	v13 =	vbroadcast v13, $0x0;
	v16 =	vld [tilespmem:s17+$0xFFFFFFF0]  }
0x388: {  	v15 =	vbroadcast v15, $0x0;
	v17 =	vld [tilespmem:s17+$0x30]  }
0x389: {  	v19 =	vsel vm0, $0x1, v1;
	vm0 =	veq.s32 v10, $0x1;
	v18 =	vld [tilespmem:s17+$0xFFFFFFD0]  }
0x38a: {  	v10 =	vld [tilespmem:s17+$0xFFFFFFE0];
	vm1 =	veq.s32 v14, v6;
	v14 =	vand.u32 $0x1, v15;
	v15 =	vbroadcast v19, $0x0  }
0x38b: {  	v12 =	vand.u32 $0x1, v12;
	v13 =	vand.u32 $0x1, v13;
	v19 =	vld [tilespmem:s17+$0x0]  }
0x38c: {  	vm7 =	veq.s32 v13, $0x1;
	vm3 =	vmand vm4, vm1;
	v20 =	vld [tilespmem:s17+$0x20];
	v15 =	vand.u32 $0x1, v15  }
.Ltmp14:
0x38d: {  	vm5 =	veq.s32 v14, $0x1;
	vm1 =	veq.s32 v16, v6;
	vm8 =	veq.s32 v15, $0x1;
	(pc) =	sbr.rel @p3 .LBB2_28-.Ltmp14, $4  }
0x38e: {  	vm9 =	veq.s32 v12, $0x1;
	vm1 =	vmand vm5, vm1;
	vm6 =	veq.s32 v18, v6  }
0x38f: {  	vm10 =	veq.s32 v11, v6;
	vm5 =	vmand vm4, vm6;
	vm4 =	veq.s32 v10, v6  }
0x390: {  	vm6 =	vmand vm2, vm4;
	vm4 =	veq.s32 v19, v6;
	vm2 =	vmand vm8, vm10  }
0x391: {  	s17 =	sadd.s32 $0x80, s17;
	vm8 =	veq.s32 v17, v6;
	vm4 =	vmand vm9, vm4;
	vm9 =	veq.s32 v20, v6  }
0x392: {  	_ =	sdelay $0x4  }
0x393: {  	vm7 =	vmand vm7, vm9;
	[tilespmem:v8+s9+$0x0] =	vst.idx.add.s32.msk vm3, v3  }
0x394: {  	vm0 =	vmand vm0, vm8;
	[tilespmem:v9+s9+$0x0] =	vst.idx.add.s32.msk vm5, v3  }
0x395: {  	[tilespmem:v8+s9+$0x0] =	vst.idx.add.s32.msk vm6, v3  }
0x396: {  	[tilespmem:v9+s9+$0x0] =	vst.idx.add.s32.msk vm1, v3  }
0x397: {  	[tilespmem:v8+s9+$0x0] =	vst.idx.add.s32.msk vm4, v3  }
0x398: {  	[tilespmem:v9+s9+$0x0] =	vst.idx.add.s32.msk vm2, v3  }
0x399: {  	[tilespmem:v8+s9+$0x0] =	vst.idx.add.s32.msk vm7, v3  }
0x39a: {  	[tilespmem:v9+s9+$0x0] =	vst.idx.add.s32.msk vm0, v3  }
.LBB2_30:
0x39b: {  	s16 =	simm.s32 $0x4808  }
0x39c: {  	v7 =	vld [tilespmem:s16+$0x404]  }
0x39d: {  	v8 =	vld [tilespmem:s16+$0xFFFFF7F8]  }
0x39e: {  	v9 =	vld [tilespmem:s16+$0xFFFFF8F9]  }
0x39f: {  	v10 =	vld [tilespmem:s16+$0xFFFFF9FA]  }
0x3a0: {  	[tilespmem:s16+$0x404] =	vst v1;
	v11 =	vld [tilespmem:s16+$0xFFFFFAFB]  }
0x3a1: {  	[tilespmem:s16+$0xFFFFF7F8] =	vst v1;
	v12 =	vld [tilespmem:s16+$0xFFFFFBFC]  }
0x3a2: {  	s17 =	simm.s32 $0x4818;
	[tilespmem:s16+$0xFFFFF8F9] =	vst v1;
	v13 =	vld [tilespmem:s16+$0xFFFFFCFD]  }
0x3a3: {  	[tilespmem:s16+$0xFFFFF9FA] =	vst v1;
	v14 =	vld [tilespmem:s17+$0x404]  }
0x3a4: {  	[tilespmem:s16+$0xFFFFFAFB] =	vst v1;
	v8 =	vadd.s32 v8, v9;
	v9 =	vld [tilespmem:s16+$0xFFFFFDFE]  }
0x3a5: {  	[tilespmem:s16+$0xFFFFFBFC] =	vst v1;
	v8 =	vadd.s32 v10, v8;
	v10 =	vld [tilespmem:s16+$0xFFFFFEFF]  }
0x3a6: {  	[tilespmem:s16+$0xFFFFFCFD] =	vst v1;
	v8 =	vadd.s32 v11, v8;
	v11 =	vld [tilespmem:s16+$0x0]  }
0x3a7: {  	[tilespmem:s17+$0x404] =	vst v1;
	v8 =	vadd.s32 v12, v8;
	v12 =	vld [tilespmem:s16+$0x101]  }
0x3a8: {  	[tilespmem:s16+$0xFFFFFDFE] =	vst v1;
	v8 =	vadd.s32 v13, v8;
	v13 =	vld [tilespmem:s16+$0x202]  }
0x3a9: {  	[tilespmem:s16+$0xFFFFFEFF] =	vst v1;
	v8 =	vadd.s32 v9, v8;
	v9 =	vld [tilespmem:s16+$0x303]  }
0x3aa: {  	[tilespmem:s16+$0x303] =	vst v1;
	v8 =	vadd.s32 v10, v8;
	v10 =	vld [tilespmem:s16+$0x505]  }
0x3ab: {  	[tilespmem:s16+$0x0] =	vst v1;
	v15 =	vld [tilespmem:s17+$0x303]  }
0x3ac: {  	[tilespmem:s16+$0x101] =	vst v1;
	v8 =	vadd.s32 v11, v8;
	v11 =	vld [tilespmem:s16+$0x606]  }
0x3ad: {  	[tilespmem:s16+$0x202] =	vst v1;
	v8 =	vadd.s32 v12, v8;
	v12 =	vld [tilespmem:s16+$0x707]  }
0x3ae: {  	[tilespmem:s16+$0x505] =	vst v1;
	v8 =	vadd.s32 v13, v8;
	v13 =	vld [tilespmem:s17+$0xFFFFF7F8]  }
0x3af: {  	[tilespmem:s17+$0x303] =	vst v1;
	v8 =	vadd.s32 v9, v8;
	v9 =	vld [tilespmem:s17+$0xFFFFF8F9]  }
0x3b0: {  	[tilespmem:s16+$0x606] =	vst v1;
	v7 =	vadd.s32 v7, v8;
	v8 =	vld [tilespmem:s17+$0xFFFFF9FA]  }
0x3b1: {  	[tilespmem:s16+$0x707] =	vst v1;
	v7 =	vadd.s32 v10, v7;
	v10 =	vld [tilespmem:s17+$0xFFFFFAFB]  }
0x3b2: {  	s16 =	simm.s32 $0x4828;
	[tilespmem:s17+$0xFFFFFAFB] =	vst v1;
	v7 =	vadd.s32 v11, v7;
	v11 =	vld [tilespmem:s17+$0xFFFFFBFC]  }
0x3b3: {  	[tilespmem:s17+$0xFFFFF7F8] =	vst v1;
	v17 =	vld [tilespmem:s16+$0xFFFFFAFB]  }
0x3b4: {  	[tilespmem:s17+$0xFFFFFBFC] =	vst v1;
	v12 =	vadd.s32 v12, v7;
	v7 =	vld [tilespmem:s17+$0xFFFFFCFD]  }
0x3b5: {  	[tilespmem:s17+$0xFFFFF8F9] =	vst v1;
	v18 =	vld [tilespmem:s16+$0xFFFFFBFC];
	(xrf0) =	vadd.scan.msk.s32 $0xffff, v12  }
0x3b6: {  	[tilespmem:s17+$0xFFFFF9FA] =	vst v1;
	v9 =	vadd.s32 v13, v9;
	v13 =	vld [tilespmem:s17+$0xFFFFFDFE]  }
0x3b7: {  	[tilespmem:s16+$0xFFFFFAFB] =	vst v1;
	v8 =	vadd.s32 v8, v9;
	v9 =	vld [tilespmem:s17+$0xFFFFFEFF]  }
0x3b8: {  	[tilespmem:s17+$0xFFFFFCFD] =	vst v1;
	v8 =	vadd.s32 v10, v8;
	v10 =	vld [tilespmem:s17+$0x0]  }
0x3b9: {  	[tilespmem:s16+$0xFFFFFBFC] =	vst v1;
	v8 =	vadd.s32 v11, v8;
	v11 =	vld [tilespmem:s17+$0x101]  }
0x3ba: {  	[tilespmem:s17+$0xFFFFFDFE] =	vst v1;
	v7 =	vadd.s32 v7, v8;
	v8 =	vld [tilespmem:s17+$0x202]  }
0x3bb: {  	v19 =	vld [tilespmem:s16+$0xFFFFFCFD];
	[tilespmem:s16+$0xFFFFFCFD] =	vst v1;
	v13 =	vadd.s32 v13, v7;
	v16, _, _ =	vpop (xrf0)  }
0x3bc: {  	[tilespmem:s17+$0xFFFFFEFF] =	vst v1;
	v7 =	vld [tilespmem:s16+$0x404];
	v9 =	vadd.s32 v9, v13;
	(v2sf) =	vpush v16, $0xF  }
0x3bd: {  	[tilespmem:s17+$0x0] =	vst v1;
	v9 =	vadd.s32 v10, v9;
	v10 =	vld [tilespmem:s17+$0x505]  }
0x3be: {  	[tilespmem:s17+$0x101] =	vst v1;
	v9 =	vadd.s32 v11, v9;
	v11 =	vld [tilespmem:s17+$0x606]  }
0x3bf: {  	[tilespmem:s17+$0x202] =	vst v1;
	v8 =	vadd.s32 v8, v9;
	v9 =	vld [tilespmem:s17+$0x707]  }
0x3c0: {  	[tilespmem:s16+$0x404] =	vst v1;
	v13 =	vld [tilespmem:s16+$0xFFFFF7F8];
	v8 =	vadd.s32 v15, v8  }
0x3c1: {  	[tilespmem:s16+$0xFFFFF7F8] =	vst v1;
	v15 =	vld [tilespmem:s16+$0xFFFFF8F9];
	v8 =	vadd.s32 v14, v8  }
0x3c2: {  	[tilespmem:s17+$0x505] =	vst v1;
	v14 =	vld [tilespmem:s16+$0xFFFFF9FA];
	v8 =	vadd.s32 v10, v8  }
0x3c3: {  	s15 =	sand.u32 $0x3FFF, s15;
	[tilespmem:s17+$0x606] =	vst v1;
	v8 =	vadd.s32 v11, v8  }
0x3c4: {  	s18 =	ssub.s32 s13, s15;
	s15 =	simm.s32 $0x0;
	[tilespmem:s17+$0x707] =	vst v1;
	v10 =	vadd.s32 v9, v8  }
0x3c5: {  	v11 =	vadd.s32 s15, v16;
	v8 =	vmov s18;
	v9 =	vmov s15;
	(xrf0) =	vadd.scan.msk.s32 $0xffff, v10  }
0x3c6: {  	[tilespmem:s16+$0xFFFFF8F9] =	vst v1;
	v12 =	vsub.s32 v11, v12;
	v9 =	vshll.u32 v9, $0xE;
	v13 =	vadd.s32 v13, v15;
	v15 =	vld [tilespmem:s16+$0xFFFFFDFE]  }
0x3c7: {  	[tilespmem:s16+$0xFFFFF9FA] =	vst v1;
	vm0 =	vlt.s32 v11, v8;
	v11 =	vld [tilespmem:s16+$0x0];
	v9 =	vor.u32 v4, v9;
	v14 =	vadd.s32 v14, v13  }
0x3c8: {  	v16 =	vimm.s32 $0x7FFFFFFF;
	[tilespmem:s16+$0xFFFFFDFE] =	vst v1;
	v13 =	vld [tilespmem:s16+$0xFFFFFEFF];
	v9 =	vor.u32 v9, v12;
	v12 =	vadd.s32 v17, v14  }
0x3c9: {  	[tilespmem:s16+$0xFFFFFEFF] =	vst v1;
	v9 =	vsel vm0, $0x7FFFFFFF, v9;
	v14 =	vadd.s32 v18, v12;
	v12 =	vld [tilespmem:s16+$0x101]  }
0x3ca: {  	s19 =	simm.s32 $0x30;
	s20 =	simm.s32 $0x4838;
	[tilespmem:s16+$0x101] =	vst v1;
	vm0 =	vlt.s32 v16, v9;
	v17 =	vadd.s32 v19, v14;
	v14 =	vld [tilespmem:s16+$0x202]  }
0x3cb: {  	s17 =	simm.s32 $0x20;
	s18 =	simm.s32 $0x10;
	[tilespmem:s16+$0x202] =	vst v1;
	v9 =	vsel vm0, v16, v9;
	v17 =	vadd.s32 v15, v17;
	v15 =	vld [tilespmem:s16+$0x303];
	v16, _, _ =	vpop (xrf0);
	s21 =	spop (v2sf)  }
.LBB2_31:
0x3cc: {  	p3 =	sne.s32 s19, $0xF0;
	s15 =	sadd.s32 s15, s21  }
0x3cd: {  	v18 =	vld [tilespmem:s20+$0x404];
	v13 =	vadd.s32 v13, v17;
	[tilespmem:s16+$0x0] =	vst v1;
	v17 =	vmov s18;
	(v2sf) =	vpush v16, $0xF;
	s18 =	smov.u32 s17;
	s17 =	smov.u32 s19;
	s19 =	sadd.s32 $0x10, s19  }
0x3ce: {  	[tilespmem:s20+$0x404] =	vst v1;
	v11 =	vadd.s32 v11, v13;
	v13 =	vld [tilespmem:s16+$0x505];
	v16 =	vadd.s32 s15, v16;
	v17 =	vshll.u32 v17, $0xE  }
0x3cf: {  	v11 =	vadd.s32 v12, v11;
	[tilespmem:s16+$0x505] =	vst v1;
	v12 =	vld [tilespmem:s16+$0x606];
	v17 =	vor.u32 v4, v17;
	v10 =	vsub.s32 v16, v10  }
0x3d0: {  	vm0 =	vlt.s32 v16, v8;
	v11 =	vadd.s32 v14, v11;
	[tilespmem:s16+$0x606] =	vst v1;
	v14 =	vld [tilespmem:s16+$0x707];
	v10 =	vor.u32 v17, v10  }
0x3d1: {  	v16 =	vld [tilespmem:s20+$0xFFFFF7F8];
	v11 =	vadd.s32 v15, v11;
	[tilespmem:s16+$0x707] =	vst v1;
	v10 =	vsel vm0, $0x7FFFFFFF, v10  }
0x3d2: {  	[tilespmem:s20+$0xFFFFF7F8] =	vst v1;
	v15 =	vld [tilespmem:s20+$0xFFFFF8F9];
	v11 =	vadd.s32 v7, v11;
	vm0 =	vlt.s32 v9, v10;
	v7 =	vmov v18  }
0x3d3: {  	[tilespmem:s20+$0xFFFFF8F9] =	vst v1;
	v17 =	vld [tilespmem:s20+$0xFFFFF9FA];
	v11 =	vadd.s32 v13, v11;
	v9 =	vsel vm0, v9, v10  }
0x3d4: {  	[tilespmem:s20+$0xFFFFF9FA] =	vst v1;
	v18 =	vld [tilespmem:s20+$0xFFFFFAFB];
	v10 =	vadd.s32 v12, v11  }
0x3d5: {  	[tilespmem:s20+$0xFFFFFAFB] =	vst v1;
	v12 =	vld [tilespmem:s20+$0xFFFFFBFC];
	v10 =	vadd.s32 v14, v10  }
0x3d6: {  	[tilespmem:s20+$0xFFFFFBFC] =	vst v1;
	v14 =	vld [tilespmem:s20+$0xFFFFFCFD];
	(xrf0) =	vadd.scan.msk.s32 $0xffff, v10  }
0x3d7: {  	v11 =	vadd.s32 v16, v15;
	[tilespmem:s20+$0xFFFFFCFD] =	vst v1;
	v15 =	vld [tilespmem:s20+$0xFFFFFDFE]  }
.Ltmp15:
0x3d8: {  	v11 =	vadd.s32 v17, v11;
	[tilespmem:s20+$0xFFFFFDFE] =	vst v1;
	v13 =	vld [tilespmem:s20+$0xFFFFFEFF];
	(pc) =	sbr.rel @p3 .LBB2_31-.Ltmp15, $4  }
0x3d9: {  	v16 =	vadd.s32 v18, v11;
	[tilespmem:s20+$0xFFFFFEFF] =	vst v1;
	v11 =	vld [tilespmem:s20+$0x0]  }
0x3da: {  	v19 =	vadd.s32 v12, v16;
	v12 =	vld [tilespmem:s20+$0x101];
	[tilespmem:s16+$0x303] =	vst v1;
	s16 =	smov.u32 s20  }
0x3db: {  	v18 =	vadd.s32 v14, v19;
	[tilespmem:s20+$0x101] =	vst v1;
	v14 =	vld [tilespmem:s20+$0x202]  }
0x3dc: {  	s20 =	sadd.s32 $0x10, s20;
	v17 =	vadd.s32 v15, v18;
	[tilespmem:s16+$0x202] =	vst v1;
	v15 =	vld [tilespmem:s16+$0x303];
	v16, _, _ =	vpop (xrf0);
	s21 =	spop (v2sf)  }
0x3dd: {  	(v2sf) =	vpush v16, $0xF  }
0x3de: {  	v13 =	vadd.s32 v13, v17  }
0x3df: {  	v11 =	vadd.s32 v11, v13;
	v13 =	vld [tilespmem:s16+$0x505]  }
0x3e0: {  	v11 =	vadd.s32 v12, v11;
	v12 =	vld [tilespmem:s16+$0x606]  }
0x3e1: {  	v11 =	vadd.s32 v14, v11;
	v14 =	vld [tilespmem:s16+$0x707]  }
0x3e2: {  	v11 =	vadd.s32 v15, v11  }
0x3e3: {  	v7 =	vadd.s32 v7, v11  }
0x3e4: {  	v7 =	vadd.s32 v13, v7  }
0x3e5: {  	v7 =	vadd.s32 v12, v7  }
0x3e6: {  	v7 =	vadd.s32 v14, v7  }
0x3e7: {  	(xrf0) =	vadd.scan.msk.s32 $0xffff, v7;
	_ =	sdelay $0x1  }
0x3e8: {  	s15 =	sadd.s32 s15, s21  }
0x3e9: {  	v12 =	vadd.s32 s15, v16  }
0x3ea: {  	v11 =	vmov s18  }
0x3eb: {  	v11 =	vshll.u32 v11, $0xE;
	v13 =	vmov s17;
	s25 =	spop (v2sf)  }
0x3ec: {  	v11 =	vor.u32 v4, v11;
	v10 =	vsub.s32 v12, v10;
	vm0 =	vlt.s32 v12, v8;
	v12, _, _ =	vpop (xrf0);
	s15 =	sadd.s32 s15, s25  }
0x3ed: {  	v13 =	vshll.u32 v13, $0xE;
	v10 =	vor.u32 v11, v10;
	v11 =	vadd.s32 s15, v12  }
0x3ee: {  	v13 =	vor.u32 v4, v13;
	v10 =	vsel vm0, $0x7FFFFFFF, v10;
	v7 =	vsub.s32 v11, v7  }
0x3ef: {  	vm0 =	vlt.s32 v9, v10;
	vm1 =	vlt.s32 v11, v8;
	v7 =	vor.u32 v13, v7  }
0x3f0: {  	v8 =	vsel vm0, v9, v10;
	v7 =	vsel vm1, $0x7FFFFFFF, v7  }
0x3f1: {  	vm0 =	vlt.s32 v8, v7  }
0x3f2: {  	v7 =	vsel vm0, v8, v7  }
0x3f3: {  	v7 =	vxor.u32 $0x80000000, v7  }
0x3f4: {  	(xrf0) =	vmin.scan.msk.u32 $0xffff, v7;
	_ =	sdelay $0x5  }
0x3f5: {  	(v2sf) =	vpush v12, $0xF;
	v7, _, _ =	vpop (xrf0)  }
0x3f6: {  	(v2sf) =	vpush v7, $0xF;
	_ =	sdelay $0xc  }
0x3f7: {  	[tilespmem:s16+$0x0] =	vst v1  }
0x3f8: {  	[tilespmem:s16+$0x303] =	vst v1;
	s26 =	spop (v2sf)  }
0x3f9: {  	[tilespmem:s16+$0x505] =	vst v1;
	s15 =	spop (v2sf)  }
0x3fa: {  	s14 =	sshll.u32 s14, $0x5;
	[tilespmem:s16+$0x606] =	vst v1;
	s15 =	sshra.s32 s15, $0xE  }
0x3fb: {  	p3 =	sgt.s32 s12, s13;
	s12 =	simm.s32 $0x2020;
	[tilespmem:s16+$0x707] =	vst v1;
	s15 =	sxor.u32 $0xFFFE0000, s15  }
0x3fc: {  	s31 =	simm.s32 $0x10;
	v11 =	vld [tilespmem:s12+$0x0];
	s13 =	sadd.s32 s14, s15  }
0x3fd: {  	s28 =	simm.s32 $0x0;
	s29 =	simm.s32 $0x30;
	v14 =	vor.u32 s31, v0;
	v12 =	vld [tilespmem:s12+$0xFFFFFFF0];
	s13 =	simm.s32 @!p3 $0x2000  }
0x3fe: {  	s11 =	sxor.u32 $0x80000000, s11;
	s30 =	simm.s32 $0x20;
	v9 =	vor.u32 s28, v0;
	v10 =	vor.u32 s29, v0;
	v8 =	vmov s13  }
0x3ff: {  	v13 =	vor.u32 s30, v0;
	v7 =	vmov s11;
	vm0 =	vle.s32 v9, v8;
	v9 =	vld [tilespmem:s12+$0x10]  }
0x400: {  	s11 =	simm.s32 $0x50A0;
	s14 =	simm.s32 $0x40;
	s13 =	simm.s32 $0x50A0;
	vm1 =	vle.s32 v10, v8;
	vm3 =	vle.s32 v14, v8;
	vm2 =	vle.s32 v13, v8;
	v10 =	vld [tilespmem:s12+$0xFFFFFFE0]  }
.LBB2_33:
0x401: {  	p3 =	sne.s32 s14, $0x1FC0;
	v13 =	vxor.u32 $0x80000000, v11;
	vm4 =	veq.s32 v11, v6;
	s13 =	sadd.s32 $0x40, s13;
	s12 =	sadd.s32 $0x40, s12  }
0x402: {  	s15 =	smov.u32 s14;
	s14 =	sadd.s32 $0x40, s14;
	v11 =	vxor.u32 $0x80000000, v12;
	vm5 =	veq.s32 v12, v6;
	vm6 =	vlt.s32 v13, v7  }
0x403: {  	vm2 =	vmand vm2, vm4;
	vm7 =	vlt.s32 v11, v7;
	vm3 =	vmand vm3, vm5  }
0x404: {  	vm2 =	vmor vm6, vm2;
	vm4 =	veq.s32 v9, v6;
	vm3 =	vmor vm7, vm3  }
0x405: {  	v13 =	vsel vm2, $0x0, v5;
	v11 =	vxor.u32 $0x80000000, v10;
	v12 =	vsel vm3, $0x0, v5  }
0x406: {  	v9 =	vxor.u32 $0x80000000, v9;
	vm2 =	veq.s32 v10, v6;
	vm3 =	vlt.s32 v11, v7;
	[tilespmem:s11+$0xFFFFFFF0] =	vst v12  }
0x407: {  	s16 =	sadd.s32 $0x30, s15;
	vm1 =	vmand vm1, vm4;
	v10 =	vor.u32 s15, v0;
	vm2 =	vmand vm0, vm2;
	[tilespmem:s11+$0x0] =	vst v13  }
0x408: {  	s17 =	sadd.s32 $0x20, s15;
	vm0 =	vle.s32 v10, v8;
	vm2 =	vmor vm3, vm2;
	vm3 =	vlt.s32 v9, v7  }
0x409: {  	v9 =	vor.u32 s16, v0;
	v10 =	vsel vm2, $0x0, v5;
	vm2 =	vmor vm3, vm1  }
0x40a: {  	vm1 =	vle.s32 v9, v8;
	v9 =	vsel vm2, $0x0, v5;
	[tilespmem:s11+$0xFFFFFFE0] =	vst v10  }
0x40b: {  	v10 =	vor.u32 s17, v0;
	[tilespmem:s11+$0x10] =	vst v9;
	s11 =	smov.u32 s13  }
.Ltmp16:
0x40c: {  	s15 =	sadd.s32 $0x10, s15;
	v11 =	vld [tilespmem:s12+$0x0];
	(pc) =	sbr.rel @p3 .LBB2_33-.Ltmp16, $3  }
0x40d: {  	v13 =	vor.u32 s15, v0;
	v12 =	vld [tilespmem:s12+$0xFFFFFFF0]  }
0x40e: {  	vm3 =	vle.s32 v13, v8;
	vm2 =	vle.s32 v10, v8;
	v9 =	vld [tilespmem:s12+$0x10];
	_ =	sdelay $0x1  }
0x40f: {  	v10 =	vld [tilespmem:s12+$0xFFFFFFE0]  }
0x410: {  	_ = 	snop  }
0x411: {  	v8 =	vxor.u32 $0x80000000, v11;
	vm5 =	veq.s32 v11, v6;
	vm4 =	veq.s32 v12, v6  }
0x412: {  	v60 =	vxor.u32 $0x80000000, v12;
	vm10 =	vlt.s32 v8, v7;
	vm2 =	vmand vm2, vm5  }
0x413: {  	vm6 =	vlt.s32 v60, v7;
	vm3 =	vmand vm3, vm4;
	vm2 =	vmor vm10, vm2  }
0x414: {  	vm11 =	veq.s32 v9, v6;
	vm3 =	vmor vm6, vm3;
	v63 =	vsel vm2, $0x0, v5  }
0x415: {  	vm1 =	vmand vm1, vm11;
	v61 =	vxor.u32 $0x80000000, v10;
	vm12 =	veq.s32 v10, v6  }
0x416: {  	v6 =	vxor.u32 $0x80000000, v9;
	vm13 =	vlt.s32 v61, v7;
	vm0 =	vmand vm0, vm12  }
0x417: {  	v62 =	vsel vm3, $0x0, v5;
	[tilespmem:s11+$0x0] =	vst v63;
	vm14 =	vlt.s32 v6, v7;
	vm0 =	vmor vm13, vm0  }
0x418: {  	[tilespmem:s11+$0xFFFFFFF0] =	vst v62;
	vm15 =	vmor vm14, vm1;
	v6 =	vsel vm0, $0x0, v5  }
0x419: {  	v7 =	vsel vm15, $0x0, v5;
	[tilespmem:s11+$0xFFFFFFE0] =	vst v6  }
0x41a: {  	s12 =	simm.s32 @p0 $0x5080;
	[tilespmem:s11+$0x10] =	vst v7;
	s11 =	simm.s32 @p0 $0x0  }
0x41b: {  	[hbm4b:s5+s11] =	stream.linear.scatter @p0 [tilespmem:s12], [sflag:$0x1], $0x2000, $0x38;
	[tilespmem:$0x7080] =	vst v63  }
0x41c: {  	s11 =	simm.s32 @p0 $0x1  }
0x41d: {  	_ =	swait.ge @p0 [sflag:s11], $0x2000  }
0x41e: {  	[sflag:s11] =	ssyncset.done @p0 $0x0  }
0x41f: {  	s12 =	simm.s32 @!p1 $0x5080;
	[sflag:s11] =	ssyncadd.s32 @p0 $0xFFFFE000;
	s11 =	simm.s32 @!p1 $0x0  }
0x420: {  	[hbm4b:s4+s11] =	stream.linear.scatter @!p1 [tilespmem:s12], [sflag:$0x1], $0x2000, $0x38;
	[tilespmem:$0x7080] =	vst v63  }
0x421: {  	s11 =	simm.s32 @!p1 $0x1  }
0x422: {  	s10 =	sadd.s32 $0x1, s10;
	_ =	swait.ge @!p1 [sflag:s11], $0x2000  }
0x423: {  	p3 =	sne.s32 s10, s6;
	[sflag:s11] =	ssyncset.done @!p1 $0x0  }
0x424: {  	s12 =	simm.s32 @!p2 $0x5080;
	[sflag:s11] =	ssyncadd.s32 @!p1 $0xFFFFE000;
	s11 =	simm.s32 @!p2 $0x0  }
0x425: {  	[hbm4b:s2+s11] =	stream.linear.scatter @!p2 [tilespmem:s12], [sflag:$0x1], $0x2000, $0x38;
	[tilespmem:$0x7080] =	vst v63  }
.Ltmp17:
0x426: {  	_ = 	snop;
	(pc) =	sbr.rel @p3 .LBB2_2-.Ltmp17, $4  }
0x427: {  	s11 =	simm.s32 @!p2 $0x1  }
0x428: {  	_ =	swait.ge @!p2 [sflag:s11], $0x2000  }
0x429: {  	[sflag:s11] =	ssyncset.done @!p2 $0x0  }
0x42a: {  	[sflag:s11] =	ssyncadd.s32 @!p2 $0xFFFFE000  }
.LBB2_35:
0x42b: {  	_ =	sfence.sel $0x180000  }
0x42c: {  	[bflag:$0x0] =	sbarrier.arrive $0xFFFF  }
0x42d: {  	p0 =	sne.s32 s0, $0x0;
	_ =	strace $0x90000047  }
0x42e: {  	s0 =	sadd.s32 @!p0 $0x100000, s3;
	[bflag:$0x2] =	sbarrier.arrive $0xFFFF  }
0x42f: {  	[sflag:s0] =	ssyncadd.tile.s32 @!p0 $0x1;
	_ =	shalt  }
.Lfunc_end2:
_tile_overlayer_lowered:
.L_overlay_start_2:
0x430: {  	(tag) =	ssettag $0x2  }
0x431: {  	s0 =	rddreg [dreg:$0x0];
	s2 =	stileid.u32  }
0x432: {  	s1 =	rddreg [dreg:$0x1];
	p0 =	sne.s32 s2, $0x0  }
0x433: {  	s3 =	rddreg [dreg:$0x2];
	[bflag:$0x3] =	sbarrier.arrive $0xFFFF;
	s2 =	simm.s32 @!p0 $0x1C01  }
0x434: {  	[timem:s3], [sflag:s2] =	dma.local @!p0 [hbm:s0], s1  }
0x435: {  	s0 =	simm.s32 @!p0 $0x1  }
0x436: {  	_ =	swait.ge @!p0 [sflag:s0], s1  }
0x437: {  	s1 =	ssub.s32 @!p0 $0x0, s1;
	[sflag:s0] =	ssyncset.done @!p0 $0x0  }
0x438: {  	[sflag:s0] =	ssyncadd.s32 @!p0 s1  }
0x439: {  	[bflag:$0x3] =	sbarrier.arrive $0xFFFF  }
0x43a: {  	_ =	shalt  }

</sc_bundles>
